<compile_context>
chip_gen: v7x
topology: tpu7x:2x2x1
jax: 0.10.2.dev20260603
libtpu: 0.0.44.dev20260713+nightly
codegen_flags: <defaults>
</compile_context>

<pallas_src>
import functools

import jax
import jax.numpy as jnp
from jax import lax
from jax.experimental import pallas as pl
from jax.experimental.pallas import tpu as pltpu
from jax.experimental.pallas import tpu_sc as plsc

_N_NODES = 100000
_D = 128
_G = 64
_K = 8
_GK = _G * _K

_NC = 2
_NS = 16
_NW = _NC * _NS
_L = 16
_NB = _D // _L

_N_SC = 54000
_TCBLK = 2000
_TC_OFF = _N_SC // _TCBLK
_TC_STEPS = (_N_NODES - _N_SC) // _TCBLK

_CHUNK = 80
_NCHUNKS = _N_SC // _CHUNK
_CPW = _NCHUNKS // _NW
_EXTRA = _NCHUNKS - _CPW * _NW
_MAXC = _CPW + 1
_GR = 4
_TRIPS = _CHUNK // _GR
_ROWS_SLICE = _GK // _NS
_OUTER = (_MAXC + 2) // 3


def _segment_sum_sc(seg_ids, h, zacc):
  mesh = plsc.VectorSubcoreMesh(core_axis_name="c", subcore_axis_name="s")

  @functools.partial(
      pl.kernel,
      out_type=jax.ShapeDtypeStruct((_NC * _GK, _D), jnp.float32),
      mesh=mesh,
      scratch_types=[
          pltpu.VMEM((_MAXC * _CHUNK,), jnp.int32),
          pltpu.VMEM((_CHUNK,), jnp.int32),
          pltpu.VMEM((_L,), jnp.int32),
          pltpu.VMEM((_CHUNK, _D), jnp.float32),
          pltpu.VMEM((_CHUNK, _D), jnp.float32),
          pltpu.VMEM((_CHUNK, _D), jnp.float32),
          pltpu.VMEM((_L, _D), jnp.float32),
          pltpu.VMEM_SHARED((_GK, _D), jnp.float32),
          pltpu.SemaphoreType.DMA,
          pltpu.SemaphoreType.DMA,
          pltpu.SemaphoreType.DMA,
          pltpu.SemaphoreType.DMA,
      ],
  )
  def k(seg_hbm, h_hbm, z_hbm, out_hbm,
        ids_v, sidx, s16, hb0, hb1, hb2, rowb, acc_sh,
        dsem, hs0, hs1, hs2):
    hbuf = (hb0, hb1, hb2)
    hsem = (hs0, hs1, hs2)

    cid = lax.axis_index("c")
    sid = lax.axis_index("s")
    wid = sid * _NC + cid
    nmine = jnp.where(wid < _EXTRA, _CPW + 1, _CPW)
    start = wid * _CPW + jnp.minimum(wid, _EXTRA)
    row_base = start * _CHUNK

    spread = lax.rem(lax.iota(jnp.int32, _L), jnp.full((_L,), _K, jnp.int32))
    zvec = jnp.zeros((_L,), jnp.float32)

    def h_desc(j, b):
      return pltpu.make_async_copy(
          h_hbm.at[pl.ds(row_base + j * _CHUNK, _CHUNK)], hbuf[b], hsem[b])

    pltpu.async_copy(seg_hbm.at[pl.ds(row_base, _CPW * _CHUNK)],
                     ids_v.at[pl.ds(0, _CPW * _CHUNK)], dsem)

    pltpu.sync_copy(z_hbm.at[pl.ds(sid * _ROWS_SLICE, _ROWS_SLICE)],
                    acc_sh.at[pl.ds(sid * _ROWS_SLICE, _ROWS_SLICE)])
    pltpu.sync_copy(z_hbm.at[pl.ds(0, _L)], rowb)

    @pl.when(wid < _EXTRA)
    def _():
      pltpu.sync_copy(seg_hbm.at[pl.ds(row_base + _CPW * _CHUNK, _CHUNK)],
                      ids_v.at[pl.ds(_CPW * _CHUNK, _CHUNK)])

    pltpu.make_async_copy(seg_hbm.at[pl.ds(row_base, _CPW * _CHUNK)],
                          ids_v.at[pl.ds(0, _CPW * _CHUNK)], dsem).wait()

    plsc.subcore_barrier()

    def flush(prev_seg):
      s16[pl.ds(0, _L)] = jnp.full((_L,), prev_seg * _K, jnp.int32) + spread
      pltpu.sync_copy(rowb, acc_sh.at[s16], add=True)
      for g in range(_GR):
        for i in range(_NB):
          rowb[g, pl.ds(i * _L, _L)] = zvec

    def accumulate(b):
      def body(t, carry):
        out = []
        for g in range(_GR):
          r = t * _GR + g
          for i in range(_NB):
            out.append(carry[g * _NB + i] + hbuf[b][r, pl.ds(i * _L, _L)])
        return tuple(out)

      init = tuple(zvec for _ in range(_GR * _NB))
      accs = lax.fori_loop(0, _TRIPS, body, init)
      for g in range(_GR):
        for i in range(_NB):
          plsc.addupdate(rowb.at[g, pl.ds(i * _L, _L)], accs[g * _NB + i])

    def boundary_chunk(jb, b):
      for i in range(_CHUNK // _L):
        v = ids_v[pl.ds(jb * _CHUNK + i * _L, _L)]
        sidx[pl.ds(i * _L, _L)] = v * _K + spread
      pltpu.sync_copy(hbuf[b], acc_sh.at[sidx], add=True)

    for j in (0, 1):
      h_desc(j, j % 3).start()

    def outer(t, prev_seg):
      for b in range(3):
        jb = t * 3 + b
        active = jb < nmine
        safe = jnp.minimum(jb, _MAXC - 1)
        vfirst = ids_v[pl.ds(safe * _CHUNK, _L)]
        vlast = ids_v[pl.ds(safe * _CHUNK + _CHUNK - _L, _L)]
        cf = vfirst[0]
        cl = vlast[_L - 1]
        uniform = cf == cl

        @pl.when(jb + 2 < nmine)
        def _(jb=jb, b=b):
          h_desc(jb + 2, (b + 2) % 3).start()

        @pl.when(active)
        def _(jb=jb, b=b, cf=cf, uniform=uniform, prev_seg=prev_seg):
          h_desc(jb, b).wait()

          @pl.when(uniform)
          def _():
            @pl.when((prev_seg >= 0) & (prev_seg != cf))
            def _():
              flush(prev_seg)

            accumulate(b)

          @pl.when(jnp.logical_not(uniform))
          def _():
            boundary_chunk(jb, b)

        prev_seg = jnp.where(active & uniform, cf, prev_seg)
      return prev_seg

    prev_seg = lax.fori_loop(0, _OUTER, outer, jnp.int32(-1))

    @pl.when(prev_seg >= 0)
    def _():
      flush(prev_seg)

    plsc.subcore_barrier()

    pltpu.sync_copy(
        acc_sh.at[pl.ds(sid * _ROWS_SLICE, _ROWS_SLICE)],
        out_hbm.at[pl.ds(cid * _GK + sid * _ROWS_SLICE, _ROWS_SLICE)])

  return k(seg_ids, h, zacc)


def _segment_sum_tc(seg3d, h):

  def body(ids_ref, h_ref, o_ref):
    i = pl.program_id(0)
    ids = ids_ref[0, 0, :]
    oh = (lax.broadcasted_iota(jnp.int32, (_G, _TCBLK), 0)
          == ids[None, :]).astype(jnp.float32)
    part = lax.dot_general(oh, h_ref[...], (((1,), (0,)), ((), ())),
                           preferred_element_type=jnp.float32)

    @pl.when(i == 0)
    def _():
      o_ref[...] = part

    @pl.when(i > 0)
    def _():
      o_ref[...] += part

  return pl.pallas_call(
      body,
      grid=(_TC_STEPS,),
      in_specs=[
          pl.BlockSpec((1, 1, _TCBLK), lambda i: (i + _TC_OFF, 0, 0)),
          pl.BlockSpec((_TCBLK, _D), lambda i: (i + _TC_OFF, 0)),
      ],
      out_specs=pl.BlockSpec((_G, _D), lambda i: (0, 0)),
      out_shape=jax.ShapeDtypeStruct((_G, _D), jnp.float32),
  )(seg3d, h)


def _readout_tc(partials_sc, partial_tc, W0, b0):

  def mm(p_ref, t_ref, w_ref, b_ref, o_ref):
    pooled = jnp.sum(p_ref[...], axis=(0, 2)) + t_ref[...]
    o_ref[...] = lax.dot_general(
        pooled, w_ref[...], (((1,), (1,)), ((), ())),
        preferred_element_type=jnp.float32) + b_ref[...]

  return pl.pallas_call(
      mm,
      out_shape=jax.ShapeDtypeStruct((_G, _D), jnp.float32),
  )(partials_sc, partial_tc, W0, b0.reshape(1, _D))


def kernel(segment_ids, h, W0, b0):
  zacc = jnp.zeros((_GK, _D), jnp.float32)
  partials_sc = _segment_sum_sc(segment_ids, h, zacc)
  seg3d = segment_ids.reshape(_N_NODES // _TCBLK, 1, _TCBLK)
  partial_tc = _segment_sum_tc(seg3d, h)
  return _readout_tc(partials_sc.reshape(_NC, _G, _K, _D), partial_tc, W0, b0)

# --- scband reference (transcript-rebuilt; emitter-appended) ---
"""Pipeline reference for scband-sgn-17377437680540 (READ-ONLY COPY).

The authoritative reference and input builder live on the scoring server;
editing this copy changes nothing except your own understanding.
"""

import jax, jax.numpy as jnp
import numpy as np

N_NODES = 100000
D_FEAT = 128
OUT_DIM = 128
NUM_GRAPHS = 64


def setup_inputs(seed: int = 0) -> dict:
    key = jax.random.key(seed)
    k1, k2, k3, k4 = jax.random.split(key, 4)
    h = jax.random.normal(k1, (N_NODES, D_FEAT), dtype=jnp.float32)
    segment_ids = jnp.sort(jax.random.randint(k2, (N_NODES,), 0, NUM_GRAPHS, dtype=jnp.int32))
    # linear_prediction[0]: Linear(input_dim=128, output_dim=128)
    W0 = jax.random.normal(k3, (OUT_DIM, D_FEAT), dtype=jnp.float32) * 0.05
    b0 = jnp.zeros((OUT_DIM,), dtype=jnp.float32)
    return {"segment_ids": segment_ids, "h": h, "W0": W0, "b0": b0}


def reference(segment_ids, h, W0, b0):
    # SGN with empty ginlayers ModuleList: hidden_rep = [h] only.
    # score = dropout(linear0(sum_pool(g, h))); dropout is identity in eval.
    pooled = jax.ops.segment_sum(h, segment_ids, num_segments=NUM_GRAPHS)
    score_over_layer = pooled @ W0.T + b0
    return score_over_layer

if __name__ == "__main__":
    import jax
    _d = setup_inputs()
    print(jax.jit(kernel)(*tuple(_d.values())))

</pallas_src>

<mosaic_0001>
#map = affine_map<(d0, d1) -> (0)>
#map1 = affine_map<(d0, d1) -> (0, 0)>
module attributes {stable_mosaic.version = 14 : i64} {
  func.func @k(%arg0: i32, %arg1: i32, %arg2: memref<100000xi32, #tpu.memory_space<hbm>>, %arg3: memref<100000x128xf32, #tpu.memory_space<hbm>>, %arg4: memref<512x128xf32, #tpu.memory_space<hbm>>, %arg5: memref<1024x128xf32, #tpu.memory_space<hbm>>, %arg6: memref<1760xi32, #tpu.memory_space<vmem>>, %arg7: memref<80xi32, #tpu.memory_space<vmem>>, %arg8: memref<16xi32, #tpu.memory_space<vmem>>, %arg9: memref<80x128xf32, #tpu.memory_space<vmem>>, %arg10: memref<80x128xf32, #tpu.memory_space<vmem>>, %arg11: memref<80x128xf32, #tpu.memory_space<vmem>>, %arg12: memref<16x128xf32, #tpu.memory_space<vmem>>, %arg13: memref<512x128xf32, #tpu.memory_space<vmem_shared>>, %arg14: memref<!tpu.dma_semaphore, #tpu.memory_space<semaphore_mem>>, %arg15: memref<!tpu.dma_semaphore, #tpu.memory_space<semaphore_mem>>, %arg16: memref<!tpu.dma_semaphore, #tpu.memory_space<semaphore_mem>>, %arg17: memref<!tpu.dma_semaphore, #tpu.memory_space<semaphore_mem>>) attributes {dimension_semantics = [#tpu.dimension_semantics<core_parallel>, #tpu.dimension_semantics<subcore_parallel>], iteration_bounds = array<i64: 2, 16>, scalar_prefetch = 0 : i64, scratch_operands = 12 : i64, tpu.core_type = #tpu.core_type<sc_vector_subcore>, window_params = [{transform_indices = #map}, {transform_indices = #map1}, {transform_indices = #map1}, {transform_indices = #map1}]} {
    %mul3A = arith.constant 2 : i32
    %mul3A_0 = arith.muli %arg1, %mul3A : i32
    %add3A = arith.addi %mul3A_0, %arg0 : i32
    %lt3A = arith.constant 3 : i32
    %lt3A_1 = arith.cmpi slt, %add3A, %lt3A : i32
    %jit3A = arith.constant 22 : i32
    %jit3A_2 = arith.constant 21 : i32
    %select_n3A = arith.select %lt3A_1, %jit3A, %jit3A_2 : i32
    %mul3A_3 = arith.constant 21 : i32
    %mul3A_4 = arith.muli %add3A, %mul3A_3 : i32
    %min3A = arith.constant 3 : i32
    %min3A_5 = arith.minsi %add3A, %min3A : i32
    %add3A_6 = arith.addi %mul3A_4, %min3A_5 : i32
    %mul3A_7 = arith.constant 80 : i32
    %mul3A_8 = arith.muli %add3A_6, %mul3A_7 : i32
    %iota3A = tpu.iota {dimensions = array<i32: 0>} : vector<16xi32>
    %broadcast_in_dim3A = arith.constant 8 : i32
    %broadcast_in_dim3A_9 = vector.broadcast %broadcast_in_dim3A : i32 to vector<16xi32>
    %rem3A = arith.remsi %iota3A, %broadcast_in_dim3A_9 : vector<16xi32>
    %broadcast_in_dim3A_10 = arith.constant 0.000000e+00 : f32
    %broadcast_in_dim3A_11 = vector.broadcast %broadcast_in_dim3A_10 : f32 to vector<16xf32>
    %dma_start3A = arith.constant 0 : i32
    %dma_start3A_12 = tpu.memref_slice %arg6[%dma_start3A] : memref<1760xi32, #tpu.memory_space<vmem>> -> memref<1680xi32, #tpu.memory_space<vmem>>
    %dma_start3A_13 = tpu.memref_slice %arg2[%mul3A_8] : memref<100000xi32, #tpu.memory_space<hbm>> -> memref<1680xi32, #tpu.memory_space<hbm>>
    %dma_start3A_14 = arith.constant 0 : i32
    %dma_start3A_15 = tpu.memref_slice %arg6[%dma_start3A_14] : memref<1760xi32, #tpu.memory_space<vmem>> -> memref<1680xi32, #tpu.memory_space<vmem>>
    %dma_start3A_16 = tpu.memref_slice %arg2[%mul3A_8] : memref<100000xi32, #tpu.memory_space<hbm>> -> memref<1680xi32, #tpu.memory_space<hbm>>
    tpu.enqueue_dma source(%dma_start3A_16 : memref<1680xi32, #tpu.memory_space<hbm>>) target(%dma_start3A_15 : memref<1680xi32, #tpu.memory_space<vmem>>) target_semaphore(%arg14 : memref<!tpu.dma_semaphore, #tpu.memory_space<semaphore_mem>>)
    %mul3A_17 = arith.constant 32 : i32
    %mul3A_18 = arith.muli %arg1, %mul3A_17 : i32
    %mul3A_19 = arith.constant 32 : i32
    %mul3A_20 = arith.muli %arg1, %mul3A_19 : i32
    "tpu.region"() ({
      %run_scoped3A = tpu.sem_alloc : memref<!tpu.dma_semaphore, #tpu.memory_space<semaphore_mem>>
      %dma_start3A_59 = arith.constant 0 : i32
      %dma_start3A_60 = tpu.memref_slice %arg13[%mul3A_20, %dma_start3A_59] : memref<512x128xf32, #tpu.memory_space<vmem_shared>> -> memref<32x128xf32, #tpu.memory_space<vmem_shared>>
      %dma_start3A_61 = arith.constant 0 : i32
      %dma_start3A_62 = tpu.memref_slice %arg4[%mul3A_18, %dma_start3A_61] : memref<512x128xf32, #tpu.memory_space<hbm>> -> memref<32x128xf32, #tpu.memory_space<hbm>>
      tpu.enqueue_dma source(%dma_start3A_62 : memref<32x128xf32, #tpu.memory_space<hbm>>) target(%dma_start3A_60 : memref<32x128xf32, #tpu.memory_space<vmem_shared>>) target_semaphore(%run_scoped3A : memref<!tpu.dma_semaphore, #tpu.memory_space<semaphore_mem>>)
      %dma_wait3A_63 = arith.constant 0 : i32
      %dma_wait3A_64 = tpu.memref_slice %arg13[%mul3A_20, %dma_wait3A_63] : memref<512x128xf32, #tpu.memory_space<vmem_shared>> -> memref<32x128xf32, #tpu.memory_space<vmem_shared>>
      %dma_wait3A_65 = arith.constant 0 : i32
      %dma_wait3A_66 = tpu.memref_slice %arg4[%mul3A_18, %dma_wait3A_65] : memref<512x128xf32, #tpu.memory_space<hbm>> -> memref<32x128xf32, #tpu.memory_space<hbm>>
      tpu.wait_dma2 semaphore(%run_scoped3A : memref<!tpu.dma_semaphore, #tpu.memory_space<semaphore_mem>>) src(%dma_wait3A_66 : memref<32x128xf32, #tpu.memory_space<hbm>>) dst(%dma_wait3A_64 : memref<32x128xf32, #tpu.memory_space<vmem_shared>>)
      tpu.yield
    }) : () -> ()
    "tpu.region"() ({
      %run_scoped3A = tpu.sem_alloc : memref<!tpu.dma_semaphore, #tpu.memory_space<semaphore_mem>>
      %dma_start3A_59 = arith.constant 0 : i32
      %dma_start3A_60 = arith.constant 0 : i32
      %dma_start3A_61 = tpu.memref_slice %arg4[%dma_start3A_59, %dma_start3A_60] : memref<512x128xf32, #tpu.memory_space<hbm>> -> memref<16x128xf32, #tpu.memory_space<hbm>>
      %dma_start3A_62 = arith.constant 0 : i32
      %dma_start3A_63 = arith.constant 0 : i32
      %dma_start3A_64 = tpu.memref_slice %arg4[%dma_start3A_62, %dma_start3A_63] : memref<512x128xf32, #tpu.memory_space<hbm>> -> memref<16x128xf32, #tpu.memory_space<hbm>>
      tpu.enqueue_dma source(%dma_start3A_64 : memref<16x128xf32, #tpu.memory_space<hbm>>) target(%arg12 : memref<16x128xf32, #tpu.memory_space<vmem>>) target_semaphore(%run_scoped3A : memref<!tpu.dma_semaphore, #tpu.memory_space<semaphore_mem>>)
      %dma_wait3A_65 = arith.constant 0 : i32
      %dma_wait3A_66 = arith.constant 0 : i32
      %dma_wait3A_67 = tpu.memref_slice %arg4[%dma_wait3A_65, %dma_wait3A_66] : memref<512x128xf32, #tpu.memory_space<hbm>> -> memref<16x128xf32, #tpu.memory_space<hbm>>
      %dma_wait3A_68 = arith.constant 0 : i32
      %dma_wait3A_69 = arith.constant 0 : i32
      %dma_wait3A_70 = tpu.memref_slice %arg4[%dma_wait3A_68, %dma_wait3A_69] : memref<512x128xf32, #tpu.memory_space<hbm>> -> memref<16x128xf32, #tpu.memory_space<hbm>>
      tpu.wait_dma2 semaphore(%run_scoped3A : memref<!tpu.dma_semaphore, #tpu.memory_space<semaphore_mem>>) src(%dma_wait3A_70 : memref<16x128xf32, #tpu.memory_space<hbm>>) dst(%arg12 : memref<16x128xf32, #tpu.memory_space<vmem>>)
      tpu.yield
    }) : () -> ()
    %lt3A_21 = arith.constant 3 : i32
    %lt3A_22 = arith.cmpi slt, %add3A, %lt3A_21 : i32
    %convert_element_type3A = arith.extui %lt3A_22 : i1 to i32
    %cond3A = arith.constant 0 : i32
    %cond3A_23 = arith.cmpi ne, %convert_element_type3A, %cond3A : i32
    scf.if %cond3A_23 {
      %add3A_59 = arith.constant 1680 : i32
      %add3A_60 = arith.addi %mul3A_8, %add3A_59 : i32
      "tpu.region"() ({
        %run_scoped3A = tpu.sem_alloc : memref<!tpu.dma_semaphore, #tpu.memory_space<semaphore_mem>>
        %dma_start3A_61 = arith.constant 1680 : i32
        %dma_start3A_62 = tpu.memref_slice %arg6[%dma_start3A_61] : memref<1760xi32, #tpu.memory_space<vmem>> -> memref<80xi32, #tpu.memory_space<vmem>>
        %dma_start3A_63 = tpu.memref_slice %arg2[%add3A_60] : memref<100000xi32, #tpu.memory_space<hbm>> -> memref<80xi32, #tpu.memory_space<hbm>>
        %dma_start3A_64 = arith.constant 1680 : i32
        %dma_start3A_65 = tpu.memref_slice %arg6[%dma_start3A_64] : memref<1760xi32, #tpu.memory_space<vmem>> -> memref<80xi32, #tpu.memory_space<vmem>>
        %dma_start3A_66 = tpu.memref_slice %arg2[%add3A_60] : memref<100000xi32, #tpu.memory_space<hbm>> -> memref<80xi32, #tpu.memory_space<hbm>>
        tpu.enqueue_dma source(%dma_start3A_66 : memref<80xi32, #tpu.memory_space<hbm>>) target(%dma_start3A_65 : memref<80xi32, #tpu.memory_space<vmem>>) target_semaphore(%run_scoped3A : memref<!tpu.dma_semaphore, #tpu.memory_space<semaphore_mem>>)
        %dma_wait3A_67 = arith.constant 1680 : i32
        %dma_wait3A_68 = tpu.memref_slice %arg6[%dma_wait3A_67] : memref<1760xi32, #tpu.memory_space<vmem>> -> memref<80xi32, #tpu.memory_space<vmem>>
        %dma_wait3A_69 = tpu.memref_slice %arg2[%add3A_60] : memref<100000xi32, #tpu.memory_space<hbm>> -> memref<80xi32, #tpu.memory_space<hbm>>
        %dma_wait3A_70 = arith.constant 1680 : i32
        %dma_wait3A_71 = tpu.memref_slice %arg6[%dma_wait3A_70] : memref<1760xi32, #tpu.memory_space<vmem>> -> memref<80xi32, #tpu.memory_space<vmem>>
        %dma_wait3A_72 = tpu.memref_slice %arg2[%add3A_60] : memref<100000xi32, #tpu.memory_space<hbm>> -> memref<80xi32, #tpu.memory_space<hbm>>
        tpu.wait_dma2 semaphore(%run_scoped3A : memref<!tpu.dma_semaphore, #tpu.memory_space<semaphore_mem>>) src(%dma_wait3A_72 : memref<80xi32, #tpu.memory_space<hbm>>) dst(%dma_wait3A_71 : memref<80xi32, #tpu.memory_space<vmem>>)
        tpu.yield
      }) : () -> ()
    } else {
    }
    %dma_wait3A = arith.constant 0 : i32
    %dma_wait3A_24 = tpu.memref_slice %arg6[%dma_wait3A] : memref<1760xi32, #tpu.memory_space<vmem>> -> memref<1680xi32, #tpu.memory_space<vmem>>
    %dma_wait3A_25 = tpu.memref_slice %arg2[%mul3A_8] : memref<100000xi32, #tpu.memory_space<hbm>> -> memref<1680xi32, #tpu.memory_space<hbm>>
    %dma_wait3A_26 = arith.constant 0 : i32
    %dma_wait3A_27 = tpu.memref_slice %arg6[%dma_wait3A_26] : memref<1760xi32, #tpu.memory_space<vmem>> -> memref<1680xi32, #tpu.memory_space<vmem>>
    %dma_wait3A_28 = tpu.memref_slice %arg2[%mul3A_8] : memref<100000xi32, #tpu.memory_space<hbm>> -> memref<1680xi32, #tpu.memory_space<hbm>>
    tpu.wait_dma2 semaphore(%arg14 : memref<!tpu.dma_semaphore, #tpu.memory_space<semaphore_mem>>) src(%dma_wait3A_28 : memref<1680xi32, #tpu.memory_space<hbm>>) dst(%dma_wait3A_27 : memref<1680xi32, #tpu.memory_space<vmem>>)
    %barrier3A = arith.constant 0 : index
    tpu.barrier barrier_id(%barrier3A)
    %add3A_29 = arith.constant 0 : i32
    %add3A_30 = arith.addi %mul3A_8, %add3A_29 : i32
    %dma_start3A_31 = arith.constant 0 : i32
    %dma_start3A_32 = tpu.memref_slice %arg3[%add3A_30, %dma_start3A_31] : memref<100000x128xf32, #tpu.memory_space<hbm>> -> memref<80x128xf32, #tpu.memory_space<hbm>>
    %dma_start3A_33 = arith.constant 0 : i32
    %dma_start3A_34 = tpu.memref_slice %arg3[%add3A_30, %dma_start3A_33] : memref<100000x128xf32, #tpu.memory_space<hbm>> -> memref<80x128xf32, #tpu.memory_space<hbm>>
    tpu.enqueue_dma source(%dma_start3A_34 : memref<80x128xf32, #tpu.memory_space<hbm>>) target(%arg9 : memref<80x128xf32, #tpu.memory_space<vmem>>) target_semaphore(%arg15 : memref<!tpu.dma_semaphore, #tpu.memory_space<semaphore_mem>>)
    %add3A_35 = arith.constant 80 : i32
    %add3A_36 = arith.addi %mul3A_8, %add3A_35 : i32
    %dma_start3A_37 = arith.constant 0 : i32
    %dma_start3A_38 = tpu.memref_slice %arg3[%add3A_36, %dma_start3A_37] : memref<100000x128xf32, #tpu.memory_space<hbm>> -> memref<80x128xf32, #tpu.memory_space<hbm>>
    %dma_start3A_39 = arith.constant 0 : i32
    %dma_start3A_40 = tpu.memref_slice %arg3[%add3A_36, %dma_start3A_39] : memref<100000x128xf32, #tpu.memory_space<hbm>> -> memref<80x128xf32, #tpu.memory_space<hbm>>
    tpu.enqueue_dma source(%dma_start3A_40 : memref<80x128xf32, #tpu.memory_space<hbm>>) target(%arg10 : memref<80x128xf32, #tpu.memory_space<vmem>>) target_semaphore(%arg16 : memref<!tpu.dma_semaphore, #tpu.memory_space<semaphore_mem>>)
    %scan3A = arith.constant -1 : i32
    %scan3A_41 = arith.constant 0 : i32
    %scan3A_42 = arith.constant 8 : i32
    %scan3A_43 = arith.addi %scan3A_41, %scan3A_42 : i32
    %scan3A_44 = arith.constant 1 : i32
    %scan3A_45 = scf.for %scan3A_59 = %scan3A_41 to %scan3A_43 step %scan3A_44 iter_args(%scan3A_60 = %scan3A) -> (i32)  : i32 {
      %mul3A_61 = arith.constant 3 : i32
      %mul3A_62 = arith.muli %scan3A_59, %mul3A_61 : i32
      %add3A_63 = arith.constant 0 : i32
      %add3A_64 = arith.addi %mul3A_62, %add3A_63 : i32
      %lt3A_65 = arith.cmpi slt, %add3A_64, %select_n3A : i32
      %min3A_66 = arith.constant 21 : i32
      %min3A_67 = arith.minsi %add3A_64, %min3A_66 : i32
      %mul3A_68 = arith.constant 80 : i32
      %mul3A_69 = arith.muli %min3A_67, %mul3A_68 : i32
      %get3A = arith.index_cast %mul3A_69 : i32 to index
      %get3A_70 = tpu.vector_load %arg6[%get3A] {strides = array<i32>} : memref<1760xi32, #tpu.memory_space<vmem>>, vector<16xi32>,
      %get3A_71 = vector.shape_cast %get3A_70 : vector<16xi32> to vector<16xi32>
      %mul3A_72 = arith.constant 80 : i32
      %mul3A_73 = arith.muli %min3A_67, %mul3A_72 : i32
      %add3A_74 = arith.constant 80 : i32
      %add3A_75 = arith.addi %mul3A_73, %add3A_74 : i32
      %sub3A = arith.constant 16 : i32
      %sub3A_76 = arith.subi %add3A_75, %sub3A : i32
      %get3A_77 = arith.index_cast %sub3A_76 : i32 to index
      %get3A_78 = tpu.vector_load %arg6[%get3A_77] {strides = array<i32>} : memref<1760xi32, #tpu.memory_space<vmem>>, vector<16xi32>,
      %get3A_79 = vector.shape_cast %get3A_78 : vector<16xi32> to vector<16xi32>
      %slice3A = vector.extract_strided_slice %get3A_71 {offsets = [0], sizes = [1], strides = [1]} : vector<16xi32> to vector<1xi32>
      %squeeze3A = vector.extract %slice3A[0] : i32 from vector<1xi32>
      %slice3A_80 = vector.extract_strided_slice %get3A_79 {offsets = [15], sizes = [1], strides = [1]} : vector<16xi32> to vector<1xi32>
      %squeeze3A_81 = vector.extract %slice3A_80[0] : i32 from vector<1xi32>
      %eq3A = arith.cmpi eq, %squeeze3A, %squeeze3A_81 : i32
      %add3A_82 = arith.constant 2 : i32
      %add3A_83 = arith.addi %add3A_64, %add3A_82 : i32
      %lt3A_84 = arith.cmpi slt, %add3A_83, %select_n3A : i32
      %convert_element_type3A_85 = arith.extui %lt3A_84 : i1 to i32
      %cond3A_86 = arith.constant 0 : i32
      %cond3A_87 = arith.cmpi ne, %convert_element_type3A_85, %cond3A_86 : i32
      scf.if %cond3A_87 {
        %add3A_166 = arith.constant 2 : i32
        %add3A_167 = arith.addi %add3A_64, %add3A_166 : i32
        %mul3A_168 = arith.constant 80 : i32
        %mul3A_169 = arith.muli %add3A_167, %mul3A_168 : i32
        %add3A_170 = arith.addi %mul3A_8, %mul3A_169 : i32
        %dma_start3A_171 = arith.constant 0 : i32
        %dma_start3A_172 = tpu.memref_slice %arg3[%add3A_170, %dma_start3A_171] : memref<100000x128xf32, #tpu.memory_space<hbm>> -> memref<80x128xf32, #tpu.memory_space<hbm>>
        %dma_start3A_173 = arith.constant 0 : i32
        %dma_start3A_174 = tpu.memref_slice %arg3[%add3A_170, %dma_start3A_173] : memref<100000x128xf32, #tpu.memory_space<hbm>> -> memref<80x128xf32, #tpu.memory_space<hbm>>
        tpu.enqueue_dma source(%dma_start3A_174 : memref<80x128xf32, #tpu.memory_space<hbm>>) target(%arg11 : memref<80x128xf32, #tpu.memory_space<vmem>>) target_semaphore(%arg17 : memref<!tpu.dma_semaphore, #tpu.memory_space<semaphore_mem>>)
      } else {
      }
      %convert_element_type3A_88 = arith.extui %lt3A_65 : i1 to i32
      %cond3A_89 = arith.constant 0 : i32
      %cond3A_90 = arith.cmpi ne, %convert_element_type3A_88, %cond3A_89 : i32
      scf.if %cond3A_90 {
        %mul3A_166 = arith.constant 80 : i32
        %mul3A_167 = arith.muli %add3A_64, %mul3A_166 : i32
        %add3A_168 = arith.addi %mul3A_8, %mul3A_167 : i32
        %dma_wait3A_169 = arith.constant 0 : i32
        %dma_wait3A_170 = tpu.memref_slice %arg3[%add3A_168, %dma_wait3A_169] : memref<100000x128xf32, #tpu.memory_space<hbm>> -> memref<80x128xf32, #tpu.memory_space<hbm>>
        %dma_wait3A_171 = arith.constant 0 : i32
        %dma_wait3A_172 = tpu.memref_slice %arg3[%add3A_168, %dma_wait3A_171] : memref<100000x128xf32, #tpu.memory_space<hbm>> -> memref<80x128xf32, #tpu.memory_space<hbm>>
        tpu.wait_dma2 semaphore(%arg15 : memref<!tpu.dma_semaphore, #tpu.memory_space<semaphore_mem>>) src(%dma_wait3A_172 : memref<80x128xf32, #tpu.memory_space<hbm>>) dst(%arg9 : memref<80x128xf32, #tpu.memory_space<vmem>>)
        %convert_element_type3A_173 = arith.extui %eq3A : i1 to i32
        %cond3A_174 = arith.constant 0 : i32
        %cond3A_175 = arith.cmpi ne, %convert_element_type3A_173, %cond3A_174 : i32
        scf.if %cond3A_175 {
          %ge3A_180 = arith.constant 0 : i32
          %ge3A_181 = arith.cmpi sge, %scan3A_60, %ge3A_180 : i32
          %ne3A = arith.cmpi ne, %scan3A_60, %squeeze3A : i32
          %and3A_182 = arith.andi %ge3A_181, %ne3A : i1
          %convert_element_type3A_183 = arith.extui %and3A_182 : i1 to i32
          %cond3A_184 = arith.constant 0 : i32
          %cond3A_185 = arith.cmpi ne, %convert_element_type3A_183, %cond3A_184 : i32
          scf.if %cond3A_185 {
            %mul3A_383 = arith.constant 8 : i32
            %mul3A_384 = arith.muli %scan3A_60, %mul3A_383 : i32
            %broadcast_in_dim3A_385 = vector.broadcast %mul3A_384 : i32 to vector<16xi32>
            %add3A_386 = arith.addi %broadcast_in_dim3A_385, %rem3A : vector<16xi32>
            %swap3A_387 = arith.constant 0 : index
            %swap3A_388 = tpu.vector_load %arg8[%swap3A_387] {strides = array<i32>} : memref<16xi32, #tpu.memory_space<vmem>>, vector<16xi32>,
            %swap3A_389 = vector.shape_cast %swap3A_388 : vector<16xi32> to vector<16xi32>
            %swap3A_390 = vector.shape_cast %add3A_386 : vector<16xi32> to vector<16xi32>
            tpu.vector_store %arg8[%swap3A_387], %swap3A_390 {strides = array<i32>} : memref<16xi32, #tpu.memory_space<vmem>>, vector<16xi32>,
            "tpu.region"() ({
              %run_scoped3A = tpu.sem_alloc : memref<!tpu.dma_semaphore, #tpu.memory_space<semaphore_mem>>
              %dma_start3A_583 = arith.constant 0 : i32
              %dma_start3A_584 = arith.constant 0 : i32
              %dma_start3A_585 = tpu.memref_slice %arg13[%dma_start3A_583, %dma_start3A_584] : memref<512x128xf32, #tpu.memory_space<vmem_shared>> -> memref<512x128xf32, #tpu.memory_space<vmem_shared>>
              tpu.enqueue_indirect_dma source(%arg12 : memref<16x128xf32, #tpu.memory_space<vmem>>) target(%dma_start3A_585 : memref<512x128xf32, #tpu.memory_space<vmem_shared>>) offsets(%arg8 : memref<16xi32, #tpu.memory_space<vmem>>) semaphore(%run_scoped3A : memref<!tpu.dma_semaphore, #tpu.memory_space<semaphore_mem>>) {add = true}
              %dma_wait3A_586 = arith.constant 0 : i32
              %dma_wait3A_587 = arith.constant 0 : i32
              %dma_wait3A_588 = tpu.memref_slice %arg13[%dma_wait3A_586, %dma_wait3A_587] : memref<512x128xf32, #tpu.memory_space<vmem_shared>> -> memref<512x128xf32, #tpu.memory_space<vmem_shared>>
              tpu.wait_indirect_dma semaphore(%run_scoped3A : memref<!tpu.dma_semaphore, #tpu.memory_space<semaphore_mem>>) src(%arg12 : memref<16x128xf32, #tpu.memory_space<vmem>>) dst(%dma_wait3A_588 : memref<512x128xf32, #tpu.memory_space<vmem_shared>>)
              tpu.yield
            }) : () -> ()
            %swap3A_391 = arith.constant 0 : i32
            %swap3A_392 = arith.index_cast %swap3A_391 : i32 to index
            %swap3A_393 = arith.constant 0 : index
            %swap3A_394 = tpu.vector_load %arg12[%swap3A_392, %swap3A_393] {strides = array<i32>} : memref<16x128xf32, #tpu.memory_space<vmem>>, vector<1x16xf32>,
            %swap3A_395 = vector.shape_cast %swap3A_394 : vector<1x16xf32> to vector<16xf32>
            %swap3A_396 = vector.shape_cast %broadcast_in_dim3A_11 : vector<16xf32> to vector<1x16xf32>
            tpu.vector_store %arg12[%swap3A_392, %swap3A_393], %swap3A_396 {strides = array<i32>} : memref<16x128xf32, #tpu.memory_space<vmem>>, vector<1x16xf32>,
            %swap3A_397 = arith.constant 0 : i32
            %swap3A_398 = arith.index_cast %swap3A_397 : i32 to index
            %swap3A_399 = arith.constant 16 : index
            %swap3A_400 = tpu.vector_load %arg12[%swap3A_398, %swap3A_399] {strides = array<i32>} : memref<16x128xf32, #tpu.memory_space<vmem>>, vector<1x16xf32>,
            %swap3A_401 = vector.shape_cast %swap3A_400 : vector<1x16xf32> to vector<16xf32>
            %swap3A_402 = vector.shape_cast %broadcast_in_dim3A_11 : vector<16xf32> to vector<1x16xf32>
            tpu.vector_store %arg12[%swap3A_398, %swap3A_399], %swap3A_402 {strides = array<i32>} : memref<16x128xf32, #tpu.memory_space<vmem>>, vector<1x16xf32>,
            %swap3A_403 = arith.constant 0 : i32
            %swap3A_404 = arith.index_cast %swap3A_403 : i32 to index
            %swap3A_405 = arith.constant 32 : index
            %swap3A_406 = tpu.vector_load %arg12[%swap3A_404, %swap3A_405] {strides = array<i32>} : memref<16x128xf32, #tpu.memory_space<vmem>>, vector<1x16xf32>,
            %swap3A_407 = vector.shape_cast %swap3A_406 : vector<1x16xf32> to vector<16xf32>
            %swap3A_408 = vector.shape_cast %broadcast_in_dim3A_11 : vector<16xf32> to vector<1x16xf32>
            tpu.vector_store %arg12[%swap3A_404, %swap3A_405], %swap3A_408 {strides = array<i32>} : memref<16x128xf32, #tpu.memory_space<vmem>>, vector<1x16xf32>,
            %swap3A_409 = arith.constant 0 : i32
            %swap3A_410 = arith.index_cast %swap3A_409 : i32 to index
            %swap3A_411 = arith.constant 48 : index
            %swap3A_412 = tpu.vector_load %arg12[%swap3A_410, %swap3A_411] {strides = array<i32>} : memref<16x128xf32, #tpu.memory_space<vmem>>, vector<1x16xf32>,
            %swap3A_413 = vector.shape_cast %swap3A_412 : vector<1x16xf32> to vector<16xf32>
            %swap3A_414 = vector.shape_cast %broadcast_in_dim3A_11 : vector<16xf32> to vector<1x16xf32>
            tpu.vector_store %arg12[%swap3A_410, %swap3A_411], %swap3A_414 {strides = array<i32>} : memref<16x128xf32, #tpu.memory_space<vmem>>, vector<1x16xf32>,
            %swap3A_415 = arith.constant 0 : i32
            %swap3A_416 = arith.index_cast %swap3A_415 : i32 to index
            %swap3A_417 = arith.constant 64 : index
            %swap3A_418 = tpu.vector_load %arg12[%swap3A_416, %swap3A_417] {strides = array<i32>} : memref<16x128xf32, #tpu.memory_space<vmem>>, vector<1x16xf32>,
            %swap3A_419 = vector.shape_cast %swap3A_418 : vector<1x16xf32> to vector<16xf32>
            %swap3A_420 = vector.shape_cast %broadcast_in_dim3A_11 : vector<16xf32> to vector<1x16xf32>
            tpu.vector_store %arg12[%swap3A_416, %swap3A_417], %swap3A_420 {strides = array<i32>} : memref<16x128xf32, #tpu.memory_space<vmem>>, vector<1x16xf32>,
            %swap3A_421 = arith.constant 0 : i32
            %swap3A_422 = arith.index_cast %swap3A_421 : i32 to index
            %swap3A_423 = arith.constant 80 : index
            %swap3A_424 = tpu.vector_load %arg12[%swap3A_422, %swap3A_423] {strides = array<i32>} : memref<16x128xf32, #tpu.memory_space<vmem>>, vector<1x16xf32>,
            %swap3A_425 = vector.shape_cast %swap3A_424 : vector<1x16xf32> to vector<16xf32>
            %swap3A_426 = vector.shape_cast %broadcast_in_dim3A_11 : vector<16xf32> to vector<1x16xf32>
            tpu.vector_store %arg12[%swap3A_422, %swap3A_423], %swap3A_426 {strides = array<i32>} : memref<16x128xf32, #tpu.memory_space<vmem>>, vector<1x16xf32>,
            %swap3A_427 = arith.constant 0 : i32
            %swap3A_428 = arith.index_cast %swap3A_427 : i32 to index
            %swap3A_429 = arith.constant 96 : index
            %swap3A_430 = tpu.vector_load %arg12[%swap3A_428, %swap3A_429] {strides = array<i32>} : memref<16x128xf32, #tpu.memory_space<vmem>>, vector<1x16xf32>,
            %swap3A_431 = vector.shape_cast %swap3A_430 : vector<1x16xf32> to vector<16xf32>
            %swap3A_432 = vector.shape_cast %broadcast_in_dim3A_11 : vector<16xf32> to vector<1x16xf32>
            tpu.vector_store %arg12[%swap3A_428, %swap3A_429], %swap3A_432 {strides = array<i32>} : memref<16x128xf32, #tpu.memory_space<vmem>>, vector<1x16xf32>,
            %swap3A_433 = arith.constant 0 : i32
            %swap3A_434 = arith.index_cast %swap3A_433 : i32 to index
            %swap3A_435 = arith.constant 112 : index
            %swap3A_436 = tpu.vector_load %arg12[%swap3A_434, %swap3A_435] {strides = array<i32>} : memref<16x128xf32, #tpu.memory_space<vmem>>, vector<1x16xf32>,
            %swap3A_437 = vector.shape_cast %swap3A_436 : vector<1x16xf32> to vector<16xf32>
            %swap3A_438 = vector.shape_cast %broadcast_in_dim3A_11 : vector<16xf32> to vector<1x16xf32>
            tpu.vector_store %arg12[%swap3A_434, %swap3A_435], %swap3A_438 {strides = array<i32>} : memref<16x128xf32, #tpu.memory_space<vmem>>, vector<1x16xf32>,
            %swap3A_439 = arith.constant 1 : i32
            %swap3A_440 = arith.index_cast %swap3A_439 : i32 to index
            %swap3A_441 = arith.constant 0 : index
            %swap3A_442 = tpu.vector_load %arg12[%swap3A_440, %swap3A_441] {strides = array<i32>} : memref<16x128xf32, #tpu.memory_space<vmem>>, vector<1x16xf32>,
            %swap3A_443 = vector.shape_cast %swap3A_442 : vector<1x16xf32> to vector<16xf32>
            %swap3A_444 = vector.shape_cast %broadcast_in_dim3A_11 : vector<16xf32> to vector<1x16xf32>
            tpu.vector_store %arg12[%swap3A_440, %swap3A_441], %swap3A_444 {strides = array<i32>} : memref<16x128xf32, #tpu.memory_space<vmem>>, vector<1x16xf32>,
            %swap3A_445 = arith.constant 1 : i32
            %swap3A_446 = arith.index_cast %swap3A_445 : i32 to index
            %swap3A_447 = arith.constant 16 : index
            %swap3A_448 = tpu.vector_load %arg12[%swap3A_446, %swap3A_447] {strides = array<i32>} : memref<16x128xf32, #tpu.memory_space<vmem>>, vector<1x16xf32>,
            %swap3A_449 = vector.shape_cast %swap3A_448 : vector<1x16xf32> to vector<16xf32>
            %swap3A_450 = vector.shape_cast %broadcast_in_dim3A_11 : vector<16xf32> to vector<1x16xf32>
            tpu.vector_store %arg12[%swap3A_446, %swap3A_447], %swap3A_450 {strides = array<i32>} : memref<16x128xf32, #tpu.memory_space<vmem>>, vector<1x16xf32>,
            %swap3A_451 = arith.constant 1 : i32
            %swap3A_452 = arith.index_cast %swap3A_451 : i32 to index
            %swap3A_453 = arith.constant 32 : index
            %swap3A_454 = tpu.vector_load %arg12[%swap3A_452, %swap3A_453] {strides = array<i32>} : memref<16x128xf32, #tpu.memory_space<vmem>>, vector<1x16xf32>,
            %swap3A_455 = vector.shape_cast %swap3A_454 : vector<1x16xf32> to vector<16xf32>
            %swap3A_456 = vector.shape_cast %broadcast_in_dim3A_11 : vector<16xf32> to vector<1x16xf32>
            tpu.vector_store %arg12[%swap3A_452, %swap3A_453], %swap3A_456 {strides = array<i32>} : memref<16x128xf32, #tpu.memory_space<vmem>>, vector<1x16xf32>,
            %swap3A_457 = arith.constant 1 : i32
            %swap3A_458 = arith.index_cast %swap3A_457 : i32 to index
            %swap3A_459 = arith.constant 48 : index
            %swap3A_460 = tpu.vector_load %arg12[%swap3A_458, %swap3A_459] {strides = array<i32>} : memref<16x128xf32, #tpu.memory_space<vmem>>, vector<1x16xf32>,
            %swap3A_461 = vector.shape_cast %swap3A_460 : vector<1x16xf32> to vector<16xf32>
            %swap3A_462 = vector.shape_cast %broadcast_in_dim3A_11 : vector<16xf32> to vector<1x16xf32>
            tpu.vector_store %arg12[%swap3A_458, %swap3A_459], %swap3A_462 {strides = array<i32>} : memref<16x128xf32, #tpu.memory_space<vmem>>, vector<1x16xf32>,
            %swap3A_463 = arith.constant 1 : i32
            %swap3A_464 = arith.index_cast %swap3A_463 : i32 to index
            %swap3A_465 = arith.constant 64 : index
            %swap3A_466 = tpu.vector_load %arg12[%swap3A_464, %swap3A_465] {strides = array<i32>} : memref<16x128xf32, #tpu.memory_space<vmem>>, vector<1x16xf32>,
            %swap3A_467 = vector.shape_cast %swap3A_466 : vector<1x16xf32> to vector<16xf32>
            %swap3A_468 = vector.shape_cast %broadcast_in_dim3A_11 : vector<16xf32> to vector<1x16xf32>
            tpu.vector_store %arg12[%swap3A_464, %swap3A_465], %swap3A_468 {strides = array<i32>} : memref<16x128xf32, #tpu.memory_space<vmem>>, vector<1x16xf32>,
            %swap3A_469 = arith.constant 1 : i32
            %swap3A_470 = arith.index_cast %swap3A_469 : i32 to index
            %swap3A_471 = arith.constant 80 : index
            %swap3A_472 = tpu.vector_load %arg12[%swap3A_470, %swap3A_471] {strides = array<i32>} : memref<16x128xf32, #tpu.memory_space<vmem>>, vector<1x16xf32>,
            %swap3A_473 = vector.shape_cast %swap3A_472 : vector<1x16xf32> to vector<16xf32>
            %swap3A_474 = vector.shape_cast %broadcast_in_dim3A_11 : vector<16xf32> to vector<1x16xf32>
            tpu.vector_store %arg12[%swap3A_470, %swap3A_471], %swap3A_474 {strides = array<i32>} : memref<16x128xf32, #tpu.memory_space<vmem>>, vector<1x16xf32>,
            %swap3A_475 = arith.constant 1 : i32
            %swap3A_476 = arith.index_cast %swap3A_475 : i32 to index
            %swap3A_477 = arith.constant 96 : index
            %swap3A_478 = tpu.vector_load %arg12[%swap3A_476, %swap3A_477] {strides = array<i32>} : memref<16x128xf32, #tpu.memory_space<vmem>>, vector<1x16xf32>,
            %swap3A_479 = vector.shape_cast %swap3A_478 : vector<1x16xf32> to vector<16xf32>
            %swap3A_480 = vector.shape_cast %broadcast_in_dim3A_11 : vector<16xf32> to vector<1x16xf32>
            tpu.vector_store %arg12[%swap3A_476, %swap3A_477], %swap3A_480 {strides = array<i32>} : memref<16x128xf32, #tpu.memory_space<vmem>>, vector<1x16xf32>,
            %swap3A_481 = arith.constant 1 : i32
            %swap3A_482 = arith.index_cast %swap3A_481 : i32 to index
            %swap3A_483 = arith.constant 112 : index
            %swap3A_484 = tpu.vector_load %arg12[%swap3A_482, %swap3A_483] {strides = array<i32>} : memref<16x128xf32, #tpu.memory_space<vmem>>, vector<1x16xf32>,
            %swap3A_485 = vector.shape_cast %swap3A_484 : vector<1x16xf32> to vector<16xf32>
            %swap3A_486 = vector.shape_cast %broadcast_in_dim3A_11 : vector<16xf32> to vector<1x16xf32>
            tpu.vector_store %arg12[%swap3A_482, %swap3A_483], %swap3A_486 {strides = array<i32>} : memref<16x128xf32, #tpu.memory_space<vmem>>, vector<1x16xf32>,
            %swap3A_487 = arith.constant 2 : i32
            %swap3A_488 = arith.index_cast %swap3A_487 : i32 to index
            %swap3A_489 = arith.constant 0 : index
            %swap3A_490 = tpu.vector_load %arg12[%swap3A_488, %swap3A_489] {strides = array<i32>} : memref<16x128xf32, #tpu.memory_space<vmem>>, vector<1x16xf32>,
            %swap3A_491 = vector.shape_cast %swap3A_490 : vector<1x16xf32> to vector<16xf32>
            %swap3A_492 = vector.shape_cast %broadcast_in_dim3A_11 : vector<16xf32> to vector<1x16xf32>
            tpu.vector_store %arg12[%swap3A_488, %swap3A_489], %swap3A_492 {strides = array<i32>} : memref<16x128xf32, #tpu.memory_space<vmem>>, vector<1x16xf32>,
            %swap3A_493 = arith.constant 2 : i32
            %swap3A_494 = arith.index_cast %swap3A_493 : i32 to index
            %swap3A_495 = arith.constant 16 : index
            %swap3A_496 = tpu.vector_load %arg12[%swap3A_494, %swap3A_495] {strides = array<i32>} : memref<16x128xf32, #tpu.memory_space<vmem>>, vector<1x16xf32>,
            %swap3A_497 = vector.shape_cast %swap3A_496 : vector<1x16xf32> to vector<16xf32>
            %swap3A_498 = vector.shape_cast %broadcast_in_dim3A_11 : vector<16xf32> to vector<1x16xf32>
            tpu.vector_store %arg12[%swap3A_494, %swap3A_495], %swap3A_498 {strides = array<i32>} : memref<16x128xf32, #tpu.memory_space<vmem>>, vector<1x16xf32>,
            %swap3A_499 = arith.constant 2 : i32
            %swap3A_500 = arith.index_cast %swap3A_499 : i32 to index
            %swap3A_501 = arith.constant 32 : index
            %swap3A_502 = tpu.vector_load %arg12[%swap3A_500, %swap3A_501] {strides = array<i32>} : memref<16x128xf32, #tpu.memory_space<vmem>>, vector<1x16xf32>,
            %swap3A_503 = vector.shape_cast %swap3A_502 : vector<1x16xf32> to vector<16xf32>
            %swap3A_504 = vector.shape_cast %broadcast_in_dim3A_11 : vector<16xf32> to vector<1x16xf32>
            tpu.vector_store %arg12[%swap3A_500, %swap3A_501], %swap3A_504 {strides = array<i32>} : memref<16x128xf32, #tpu.memory_space<vmem>>, vector<1x16xf32>,
            %swap3A_505 = arith.constant 2 : i32
            %swap3A_506 = arith.index_cast %swap3A_505 : i32 to index
            %swap3A_507 = arith.constant 48 : index
            %swap3A_508 = tpu.vector_load %arg12[%swap3A_506, %swap3A_507] {strides = array<i32>} : memref<16x128xf32, #tpu.memory_space<vmem>>, vector<1x16xf32>,
            %swap3A_509 = vector.shape_cast %swap3A_508 : vector<1x16xf32> to vector<16xf32>
            %swap3A_510 = vector.shape_cast %broadcast_in_dim3A_11 : vector<16xf32> to vector<1x16xf32>
            tpu.vector_store %arg12[%swap3A_506, %swap3A_507], %swap3A_510 {strides = array<i32>} : memref<16x128xf32, #tpu.memory_space<vmem>>, vector<1x16xf32>,
            %swap3A_511 = arith.constant 2 : i32
            %swap3A_512 = arith.index_cast %swap3A_511 : i32 to index
            %swap3A_513 = arith.constant 64 : index
            %swap3A_514 = tpu.vector_load %arg12[%swap3A_512, %swap3A_513] {strides = array<i32>} : memref<16x128xf32, #tpu.memory_space<vmem>>, vector<1x16xf32>,
            %swap3A_515 = vector.shape_cast %swap3A_514 : vector<1x16xf32> to vector<16xf32>
            %swap3A_516 = vector.shape_cast %broadcast_in_dim3A_11 : vector<16xf32> to vector<1x16xf32>
            tpu.vector_store %arg12[%swap3A_512, %swap3A_513], %swap3A_516 {strides = array<i32>} : memref<16x128xf32, #tpu.memory_space<vmem>>, vector<1x16xf32>,
            %swap3A_517 = arith.constant 2 : i32
            %swap3A_518 = arith.index_cast %swap3A_517 : i32 to index
            %swap3A_519 = arith.constant 80 : index
            %swap3A_520 = tpu.vector_load %arg12[%swap3A_518, %swap3A_519] {strides = array<i32>} : memref<16x128xf32, #tpu.memory_space<vmem>>, vector<1x16xf32>,
            %swap3A_521 = vector.shape_cast %swap3A_520 : vector<1x16xf32> to vector<16xf32>
            %swap3A_522 = vector.shape_cast %broadcast_in_dim3A_11 : vector<16xf32> to vector<1x16xf32>
            tpu.vector_store %arg12[%swap3A_518, %swap3A_519], %swap3A_522 {strides = array<i32>} : memref<16x128xf32, #tpu.memory_space<vmem>>, vector<1x16xf32>,
            %swap3A_523 = arith.constant 2 : i32
            %swap3A_524 = arith.index_cast %swap3A_523 : i32 to index
            %swap3A_525 = arith.constant 96 : index
            %swap3A_526 = tpu.vector_load %arg12[%swap3A_524, %swap3A_525] {strides = array<i32>} : memref<16x128xf32, #tpu.memory_space<vmem>>, vector<1x16xf32>,
            %swap3A_527 = vector.shape_cast %swap3A_526 : vector<1x16xf32> to vector<16xf32>
            %swap3A_528 = vector.shape_cast %broadcast_in_dim3A_11 : vector<16xf32> to vector<1x16xf32>
            tpu.vector_store %arg12[%swap3A_524, %swap3A_525], %swap3A_528 {strides = array<i32>} : memref<16x128xf32, #tpu.memory_space<vmem>>, vector<1x16xf32>,
            %swap3A_529 = arith.constant 2 : i32
            %swap3A_530 = arith.index_cast %swap3A_529 : i32 to index
            %swap3A_531 = arith.constant 112 : index
            %swap3A_532 = tpu.vector_load %arg12[%swap3A_530, %swap3A_531] {strides = array<i32>} : memref<16x128xf32, #tpu.memory_space<vmem>>, vector<1x16xf32>,
            %swap3A_533 = vector.shape_cast %swap3A_532 : vector<1x16xf32> to vector<16xf32>
            %swap3A_534 = vector.shape_cast %broadcast_in_dim3A_11 : vector<16xf32> to vector<1x16xf32>
            tpu.vector_store %arg12[%swap3A_530, %swap3A_531], %swap3A_534 {strides = array<i32>} : memref<16x128xf32, #tpu.memory_space<vmem>>, vector<1x16xf32>,
            %swap3A_535 = arith.constant 3 : i32
            %swap3A_536 = arith.index_cast %swap3A_535 : i32 to index
            %swap3A_537 = arith.constant 0 : index
            %swap3A_538 = tpu.vector_load %arg12[%swap3A_536, %swap3A_537] {strides = array<i32>} : memref<16x128xf32, #tpu.memory_space<vmem>>, vector<1x16xf32>,
            %swap3A_539 = vector.shape_cast %swap3A_538 : vector<1x16xf32> to vector<16xf32>
            %swap3A_540 = vector.shape_cast %broadcast_in_dim3A_11 : vector<16xf32> to vector<1x16xf32>
            tpu.vector_store %arg12[%swap3A_536, %swap3A_537], %swap3A_540 {strides = array<i32>} : memref<16x128xf32, #tpu.memory_space<vmem>>, vector<1x16xf32>,
            %swap3A_541 = arith.constant 3 : i32
            %swap3A_542 = arith.index_cast %swap3A_541 : i32 to index
            %swap3A_543 = arith.constant 16 : index
            %swap3A_544 = tpu.vector_load %arg12[%swap3A_542, %swap3A_543] {strides = array<i32>} : memref<16x128xf32, #tpu.memory_space<vmem>>, vector<1x16xf32>,
            %swap3A_545 = vector.shape_cast %swap3A_544 : vector<1x16xf32> to vector<16xf32>
            %swap3A_546 = vector.shape_cast %broadcast_in_dim3A_11 : vector<16xf32> to vector<1x16xf32>
            tpu.vector_store %arg12[%swap3A_542, %swap3A_543], %swap3A_546 {strides = array<i32>} : memref<16x128xf32, #tpu.memory_space<vmem>>, vector<1x16xf32>,
            %swap3A_547 = arith.constant 3 : i32
            %swap3A_548 = arith.index_cast %swap3A_547 : i32 to index
            %swap3A_549 = arith.constant 32 : index
            %swap3A_550 = tpu.vector_load %arg12[%swap3A_548, %swap3A_549] {strides = array<i32>} : memref<16x128xf32, #tpu.memory_space<vmem>>, vector<1x16xf32>,
            %swap3A_551 = vector.shape_cast %swap3A_550 : vector<1x16xf32> to vector<16xf32>
            %swap3A_552 = vector.shape_cast %broadcast_in_dim3A_11 : vector<16xf32> to vector<1x16xf32>
            tpu.vector_store %arg12[%swap3A_548, %swap3A_549], %swap3A_552 {strides = array<i32>} : memref<16x128xf32, #tpu.memory_space<vmem>>, vector<1x16xf32>,
            %swap3A_553 = arith.constant 3 : i32
            %swap3A_554 = arith.index_cast %swap3A_553 : i32 to index
            %swap3A_555 = arith.constant 48 : index
            %swap3A_556 = tpu.vector_load %arg12[%swap3A_554, %swap3A_555] {strides = array<i32>} : memref<16x128xf32, #tpu.memory_space<vmem>>, vector<1x16xf32>,
            %swap3A_557 = vector.shape_cast %swap3A_556 : vector<1x16xf32> to vector<16xf32>
            %swap3A_558 = vector.shape_cast %broadcast_in_dim3A_11 : vector<16xf32> to vector<1x16xf32>
            tpu.vector_store %arg12[%swap3A_554, %swap3A_555], %swap3A_558 {strides = array<i32>} : memref<16x128xf32, #tpu.memory_space<vmem>>, vector<1x16xf32>,
            %swap3A_559 = arith.constant 3 : i32
            %swap3A_560 = arith.index_cast %swap3A_559 : i32 to index
            %swap3A_561 = arith.constant 64 : index
            %swap3A_562 = tpu.vector_load %arg12[%swap3A_560, %swap3A_561] {strides = array<i32>} : memref<16x128xf32, #tpu.memory_space<vmem>>, vector<1x16xf32>,
            %swap3A_563 = vector.shape_cast %swap3A_562 : vector<1x16xf32> to vector<16xf32>
            %swap3A_564 = vector.shape_cast %broadcast_in_dim3A_11 : vector<16xf32> to vector<1x16xf32>
            tpu.vector_store %arg12[%swap3A_560, %swap3A_561], %swap3A_564 {strides = array<i32>} : memref<16x128xf32, #tpu.memory_space<vmem>>, vector<1x16xf32>,
            %swap3A_565 = arith.constant 3 : i32
            %swap3A_566 = arith.index_cast %swap3A_565 : i32 to index
            %swap3A_567 = arith.constant 80 : index
            %swap3A_568 = tpu.vector_load %arg12[%swap3A_566, %swap3A_567] {strides = array<i32>} : memref<16x128xf32, #tpu.memory_space<vmem>>, vector<1x16xf32>,
            %swap3A_569 = vector.shape_cast %swap3A_568 : vector<1x16xf32> to vector<16xf32>
            %swap3A_570 = vector.shape_cast %broadcast_in_dim3A_11 : vector<16xf32> to vector<1x16xf32>
            tpu.vector_store %arg12[%swap3A_566, %swap3A_567], %swap3A_570 {strides = array<i32>} : memref<16x128xf32, #tpu.memory_space<vmem>>, vector<1x16xf32>,
            %swap3A_571 = arith.constant 3 : i32
            %swap3A_572 = arith.index_cast %swap3A_571 : i32 to index
            %swap3A_573 = arith.constant 96 : index
            %swap3A_574 = tpu.vector_load %arg12[%swap3A_572, %swap3A_573] {strides = array<i32>} : memref<16x128xf32, #tpu.memory_space<vmem>>, vector<1x16xf32>,
            %swap3A_575 = vector.shape_cast %swap3A_574 : vector<1x16xf32> to vector<16xf32>
            %swap3A_576 = vector.shape_cast %broadcast_in_dim3A_11 : vector<16xf32> to vector<1x16xf32>
            tpu.vector_store %arg12[%swap3A_572, %swap3A_573], %swap3A_576 {strides = array<i32>} : memref<16x128xf32, #tpu.memory_space<vmem>>, vector<1x16xf32>,
            %swap3A_577 = arith.constant 3 : i32
            %swap3A_578 = arith.index_cast %swap3A_577 : i32 to index
            %swap3A_579 = arith.constant 112 : index
            %swap3A_580 = tpu.vector_load %arg12[%swap3A_578, %swap3A_579] {strides = array<i32>} : memref<16x128xf32, #tpu.memory_space<vmem>>, vector<1x16xf32>,
            %swap3A_581 = vector.shape_cast %swap3A_580 : vector<1x16xf32> to vector<16xf32>
            %swap3A_582 = vector.shape_cast %broadcast_in_dim3A_11 : vector<16xf32> to vector<1x16xf32>
            tpu.vector_store %arg12[%swap3A_578, %swap3A_579], %swap3A_582 {strides = array<i32>} : memref<16x128xf32, #tpu.memory_space<vmem>>, vector<1x16xf32>,
          } else {
          }
          %scan3A_186 = arith.constant 0 : i32
          %scan3A_187 = arith.constant 20 : i32
          %scan3A_188 = arith.addi %scan3A_186, %scan3A_187 : i32
          %scan3A_189 = arith.constant 1 : i32
          %scan3A_190:32 = scf.for %scan3A_383 = %scan3A_186 to %scan3A_188 step %scan3A_189 iter_args(%scan3A_384 = %broadcast_in_dim3A_11, %scan3A_385 = %broadcast_in_dim3A_11, %scan3A_386 = %broadcast_in_dim3A_11, %scan3A_387 = %broadcast_in_dim3A_11, %scan3A_388 = %broadcast_in_dim3A_11, %scan3A_389 = %broadcast_in_dim3A_11, %scan3A_390 = %broadcast_in_dim3A_11, %scan3A_391 = %broadcast_in_dim3A_11, %scan3A_392 = %broadcast_in_dim3A_11, %scan3A_393 = %broadcast_in_dim3A_11, %scan3A_394 = %broadcast_in_dim3A_11, %scan3A_395 = %broadcast_in_dim3A_11, %scan3A_396 = %broadcast_in_dim3A_11, %scan3A_397 = %broadcast_in_dim3A_11, %scan3A_398 = %broadcast_in_dim3A_11, %scan3A_399 = %broadcast_in_dim3A_11, %scan3A_400 = %broadcast_in_dim3A_11, %scan3A_401 = %broadcast_in_dim3A_11, %scan3A_402 = %broadcast_in_dim3A_11, %scan3A_403 = %broadcast_in_dim3A_11, %scan3A_404 = %broadcast_in_dim3A_11, %scan3A_405 = %broadcast_in_dim3A_11, %scan3A_406 = %broadcast_in_dim3A_11, %scan3A_407 = %broadcast_in_dim3A_11, %scan3A_408 = %broadcast_in_dim3A_11, %scan3A_409 = %broadcast_in_dim3A_11, %scan3A_410 = %broadcast_in_dim3A_11, %scan3A_411 = %broadcast_in_dim3A_11, %scan3A_412 = %broadcast_in_dim3A_11, %scan3A_413 = %broadcast_in_dim3A_11, %scan3A_414 = %broadcast_in_dim3A_11, %scan3A_415 = %broadcast_in_dim3A_11) -> (vector<16xf32>, vector<16xf32>, vector<16xf32>, vector<16xf32>, vector<16xf32>, vector<16xf32>, vector<16xf32>, vector<16xf32>, vector<16xf32>, vector<16xf32>, vector<16xf32>, vector<16xf32>, vector<16xf32>, vector<16xf32>, vector<16xf32>, vector<16xf32>, vector<16xf32>, vector<16xf32>, vector<16xf32>, vector<16xf32>, vector<16xf32>, vector<16xf32>, vector<16xf32>, vector<16xf32>, vector<16xf32>, vector<16xf32>, vector<16xf32>, vector<16xf32>, vector<16xf32>, vector<16xf32>, vector<16xf32>, vector<16xf32>)  : i32 {
            %mul3A_416 = arith.constant 4 : i32
            %mul3A_417 = arith.muli %scan3A_383, %mul3A_416 : i32
            %add3A_418 = arith.constant 0 : i32
            %add3A_419 = arith.addi %mul3A_417, %add3A_418 : i32
            %get3A_420 = arith.index_cast %add3A_419 : i32 to index
            %get3A_421 = arith.constant 0 : index
            %get3A_422 = tpu.vector_load %arg9[%get3A_420, %get3A_421] {strides = array<i32>} : memref<80x128xf32, #tpu.memory_space<vmem>>, vector<1x16xf32>,
            %get3A_423 = vector.shape_cast %get3A_422 : vector<1x16xf32> to vector<16xf32>
            %add3A_424 = arith.addf %scan3A_384, %get3A_423 : vector<16xf32>
            %get3A_425 = arith.index_cast %add3A_419 : i32 to index
            %get3A_426 = arith.constant 16 : index
            %get3A_427 = tpu.vector_load %arg9[%get3A_425, %get3A_426] {strides = array<i32>} : memref<80x128xf32, #tpu.memory_space<vmem>>, vector<1x16xf32>,
            %get3A_428 = vector.shape_cast %get3A_427 : vector<1x16xf32> to vector<16xf32>
            %add3A_429 = arith.addf %scan3A_385, %get3A_428 : vector<16xf32>
            %get3A_430 = arith.index_cast %add3A_419 : i32 to index
            %get3A_431 = arith.constant 32 : index
            %get3A_432 = tpu.vector_load %arg9[%get3A_430, %get3A_431] {strides = array<i32>} : memref<80x128xf32, #tpu.memory_space<vmem>>, vector<1x16xf32>,
            %get3A_433 = vector.shape_cast %get3A_432 : vector<1x16xf32> to vector<16xf32>
            %add3A_434 = arith.addf %scan3A_386, %get3A_433 : vector<16xf32>
            %get3A_435 = arith.index_cast %add3A_419 : i32 to index
            %get3A_436 = arith.constant 48 : index
            %get3A_437 = tpu.vector_load %arg9[%get3A_435, %get3A_436] {strides = array<i32>} : memref<80x128xf32, #tpu.memory_space<vmem>>, vector<1x16xf32>,
            %get3A_438 = vector.shape_cast %get3A_437 : vector<1x16xf32> to vector<16xf32>
            %add3A_439 = arith.addf %scan3A_387, %get3A_438 : vector<16xf32>
            %get3A_440 = arith.index_cast %add3A_419 : i32 to index
            %get3A_441 = arith.constant 64 : index
            %get3A_442 = tpu.vector_load %arg9[%get3A_440, %get3A_441] {strides = array<i32>} : memref<80x128xf32, #tpu.memory_space<vmem>>, vector<1x16xf32>,
            %get3A_443 = vector.shape_cast %get3A_442 : vector<1x16xf32> to vector<16xf32>
            %add3A_444 = arith.addf %scan3A_388, %get3A_443 : vector<16xf32>
            %get3A_445 = arith.index_cast %add3A_419 : i32 to index
            %get3A_446 = arith.constant 80 : index
            %get3A_447 = tpu.vector_load %arg9[%get3A_445, %get3A_446] {strides = array<i32>} : memref<80x128xf32, #tpu.memory_space<vmem>>, vector<1x16xf32>,
            %get3A_448 = vector.shape_cast %get3A_447 : vector<1x16xf32> to vector<16xf32>
            %add3A_449 = arith.addf %scan3A_389, %get3A_448 : vector<16xf32>
            %get3A_450 = arith.index_cast %add3A_419 : i32 to index
            %get3A_451 = arith.constant 96 : index
            %get3A_452 = tpu.vector_load %arg9[%get3A_450, %get3A_451] {strides = array<i32>} : memref<80x128xf32, #tpu.memory_space<vmem>>, vector<1x16xf32>,
            %get3A_453 = vector.shape_cast %get3A_452 : vector<1x16xf32> to vector<16xf32>
            %add3A_454 = arith.addf %scan3A_390, %get3A_453 : vector<16xf32>
            %get3A_455 = arith.index_cast %add3A_419 : i32 to index
            %get3A_456 = arith.constant 112 : index
            %get3A_457 = tpu.vector_load %arg9[%get3A_455, %get3A_456] {strides = array<i32>} : memref<80x128xf32, #tpu.memory_space<vmem>>, vector<1x16xf32>,
            %get3A_458 = vector.shape_cast %get3A_457 : vector<1x16xf32> to vector<16xf32>
            %add3A_459 = arith.addf %scan3A_391, %get3A_458 : vector<16xf32>
            %mul3A_460 = arith.constant 4 : i32
            %mul3A_461 = arith.muli %scan3A_383, %mul3A_460 : i32
            %add3A_462 = arith.constant 1 : i32
            %add3A_463 = arith.addi %mul3A_461, %add3A_462 : i32
            %get3A_464 = arith.index_cast %add3A_463 : i32 to index
            %get3A_465 = arith.constant 0 : index
            %get3A_466 = tpu.vector_load %arg9[%get3A_464, %get3A_465] {strides = array<i32>} : memref<80x128xf32, #tpu.memory_space<vmem>>, vector<1x16xf32>,
            %get3A_467 = vector.shape_cast %get3A_466 : vector<1x16xf32> to vector<16xf32>
            %add3A_468 = arith.addf %scan3A_392, %get3A_467 : vector<16xf32>
            %get3A_469 = arith.index_cast %add3A_463 : i32 to index
            %get3A_470 = arith.constant 16 : index
            %get3A_471 = tpu.vector_load %arg9[%get3A_469, %get3A_470] {strides = array<i32>} : memref<80x128xf32, #tpu.memory_space<vmem>>, vector<1x16xf32>,
            %get3A_472 = vector.shape_cast %get3A_471 : vector<1x16xf32> to vector<16xf32>
            %add3A_473 = arith.addf %scan3A_393, %get3A_472 : vector<16xf32>
            %get3A_474 = arith.index_cast %add3A_463 : i32 to index
            %get3A_475 = arith.constant 32 : index
            %get3A_476 = tpu.vector_load %arg9[%get3A_474, %get3A_475] {strides = array<i32>} : memref<80x128xf32, #tpu.memory_space<vmem>>, vector<1x16xf32>,
            %get3A_477 = vector.shape_cast %get3A_476 : vector<1x16xf32> to vector<16xf32>
            %add3A_478 = arith.addf %scan3A_394, %get3A_477 : vector<16xf32>
            %get3A_479 = arith.index_cast %add3A_463 : i32 to index
            %get3A_480 = arith.constant 48 : index
            %get3A_481 = tpu.vector_load %arg9[%get3A_479, %get3A_480] {strides = array<i32>} : memref<80x128xf32, #tpu.memory_space<vmem>>, vector<1x16xf32>,
            %get3A_482 = vector.shape_cast %get3A_481 : vector<1x16xf32> to vector<16xf32>
            %add3A_483 = arith.addf %scan3A_395, %get3A_482 : vector<16xf32>
            %get3A_484 = arith.index_cast %add3A_463 : i32 to index
            %get3A_485 = arith.constant 64 : index
            %get3A_486 = tpu.vector_load %arg9[%get3A_484, %get3A_485] {strides = array<i32>} : memref<80x128xf32, #tpu.memory_space<vmem>>, vector<1x16xf32>,
            %get3A_487 = vector.shape_cast %get3A_486 : vector<1x16xf32> to vector<16xf32>
            %add3A_488 = arith.addf %scan3A_396, %get3A_487 : vector<16xf32>
            %get3A_489 = arith.index_cast %add3A_463 : i32 to index
            %get3A_490 = arith.constant 80 : index
            %get3A_491 = tpu.vector_load %arg9[%get3A_489, %get3A_490] {strides = array<i32>} : memref<80x128xf32, #tpu.memory_space<vmem>>, vector<1x16xf32>,
            %get3A_492 = vector.shape_cast %get3A_491 : vector<1x16xf32> to vector<16xf32>
            %add3A_493 = arith.addf %scan3A_397, %get3A_492 : vector<16xf32>
            %get3A_494 = arith.index_cast %add3A_463 : i32 to index
            %get3A_495 = arith.constant 96 : index
            %get3A_496 = tpu.vector_load %arg9[%get3A_494, %get3A_495] {strides = array<i32>} : memref<80x128xf32, #tpu.memory_space<vmem>>, vector<1x16xf32>,
            %get3A_497 = vector.shape_cast %get3A_496 : vector<1x16xf32> to vector<16xf32>
            %add3A_498 = arith.addf %scan3A_398, %get3A_497 : vector<16xf32>
            %get3A_499 = arith.index_cast %add3A_463 : i32 to index
            %get3A_500 = arith.constant 112 : index
            %get3A_501 = tpu.vector_load %arg9[%get3A_499, %get3A_500] {strides = array<i32>} : memref<80x128xf32, #tpu.memory_space<vmem>>, vector<1x16xf32>,
            %get3A_502 = vector.shape_cast %get3A_501 : vector<1x16xf32> to vector<16xf32>
            %add3A_503 = arith.addf %scan3A_399, %get3A_502 : vector<16xf32>
            %mul3A_504 = arith.constant 4 : i32
            %mul3A_505 = arith.muli %scan3A_383, %mul3A_504 : i32
            %add3A_506 = arith.constant 2 : i32
            %add3A_507 = arith.addi %mul3A_505, %add3A_506 : i32
            %get3A_508 = arith.index_cast %add3A_507 : i32 to index
            %get3A_509 = arith.constant 0 : index
            %get3A_510 = tpu.vector_load %arg9[%get3A_508, %get3A_509] {strides = array<i32>} : memref<80x128xf32, #tpu.memory_space<vmem>>, vector<1x16xf32>,
            %get3A_511 = vector.shape_cast %get3A_510 : vector<1x16xf32> to vector<16xf32>
            %add3A_512 = arith.addf %scan3A_400, %get3A_511 : vector<16xf32>
            %get3A_513 = arith.index_cast %add3A_507 : i32 to index
            %get3A_514 = arith.constant 16 : index
            %get3A_515 = tpu.vector_load %arg9[%get3A_513, %get3A_514] {strides = array<i32>} : memref<80x128xf32, #tpu.memory_space<vmem>>, vector<1x16xf32>,
            %get3A_516 = vector.shape_cast %get3A_515 : vector<1x16xf32> to vector<16xf32>
            %add3A_517 = arith.addf %scan3A_401, %get3A_516 : vector<16xf32>
            %get3A_518 = arith.index_cast %add3A_507 : i32 to index
            %get3A_519 = arith.constant 32 : index
            %get3A_520 = tpu.vector_load %arg9[%get3A_518, %get3A_519] {strides = array<i32>} : memref<80x128xf32, #tpu.memory_space<vmem>>, vector<1x16xf32>,
            %get3A_521 = vector.shape_cast %get3A_520 : vector<1x16xf32> to vector<16xf32>
            %add3A_522 = arith.addf %scan3A_402, %get3A_521 : vector<16xf32>
            %get3A_523 = arith.index_cast %add3A_507 : i32 to index
            %get3A_524 = arith.constant 48 : index
            %get3A_525 = tpu.vector_load %arg9[%get3A_523, %get3A_524] {strides = array<i32>} : memref<80x128xf32, #tpu.memory_space<vmem>>, vector<1x16xf32>,
            %get3A_526 = vector.shape_cast %get3A_525 : vector<1x16xf32> to vector<16xf32>
            %add3A_527 = arith.addf %scan3A_403, %get3A_526 : vector<16xf32>
            %get3A_528 = arith.index_cast %add3A_507 : i32 to index
            %get3A_529 = arith.constant 64 : index
            %get3A_530 = tpu.vector_load %arg9[%get3A_528, %get3A_529] {strides = array<i32>} : memref<80x128xf32, #tpu.memory_space<vmem>>, vector<1x16xf32>,
            %get3A_531 = vector.shape_cast %get3A_530 : vector<1x16xf32> to vector<16xf32>
            %add3A_532 = arith.addf %scan3A_404, %get3A_531 : vector<16xf32>
            %get3A_533 = arith.index_cast %add3A_507 : i32 to index
            %get3A_534 = arith.constant 80 : index
            %get3A_535 = tpu.vector_load %arg9[%get3A_533, %get3A_534] {strides = array<i32>} : memref<80x128xf32, #tpu.memory_space<vmem>>, vector<1x16xf32>,
            %get3A_536 = vector.shape_cast %get3A_535 : vector<1x16xf32> to vector<16xf32>
            %add3A_537 = arith.addf %scan3A_405, %get3A_536 : vector<16xf32>
            %get3A_538 = arith.index_cast %add3A_507 : i32 to index
            %get3A_539 = arith.constant 96 : index
            %get3A_540 = tpu.vector_load %arg9[%get3A_538, %get3A_539] {strides = array<i32>} : memref<80x128xf32, #tpu.memory_space<vmem>>, vector<1x16xf32>,
            %get3A_541 = vector.shape_cast %get3A_540 : vector<1x16xf32> to vector<16xf32>
            %add3A_542 = arith.addf %scan3A_406, %get3A_541 : vector<16xf32>
            %get3A_543 = arith.index_cast %add3A_507 : i32 to index
            %get3A_544 = arith.constant 112 : index
            %get3A_545 = tpu.vector_load %arg9[%get3A_543, %get3A_544] {strides = array<i32>} : memref<80x128xf32, #tpu.memory_space<vmem>>, vector<1x16xf32>,
            %get3A_546 = vector.shape_cast %get3A_545 : vector<1x16xf32> to vector<16xf32>
            %add3A_547 = arith.addf %scan3A_407, %get3A_546 : vector<16xf32>
            %mul3A_548 = arith.constant 4 : i32
            %mul3A_549 = arith.muli %scan3A_383, %mul3A_548 : i32
            %add3A_550 = arith.constant 3 : i32
            %add3A_551 = arith.addi %mul3A_549, %add3A_550 : i32
            %get3A_552 = arith.index_cast %add3A_551 : i32 to index
            %get3A_553 = arith.constant 0 : index
            %get3A_554 = tpu.vector_load %arg9[%get3A_552, %get3A_553] {strides = array<i32>} : memref<80x128xf32, #tpu.memory_space<vmem>>, vector<1x16xf32>,
            %get3A_555 = vector.shape_cast %get3A_554 : vector<1x16xf32> to vector<16xf32>
            %add3A_556 = arith.addf %scan3A_408, %get3A_555 : vector<16xf32>
            %get3A_557 = arith.index_cast %add3A_551 : i32 to index
            %get3A_558 = arith.constant 16 : index
            %get3A_559 = tpu.vector_load %arg9[%get3A_557, %get3A_558] {strides = array<i32>} : memref<80x128xf32, #tpu.memory_space<vmem>>, vector<1x16xf32>,
            %get3A_560 = vector.shape_cast %get3A_559 : vector<1x16xf32> to vector<16xf32>
            %add3A_561 = arith.addf %scan3A_409, %get3A_560 : vector<16xf32>
            %get3A_562 = arith.index_cast %add3A_551 : i32 to index
            %get3A_563 = arith.constant 32 : index
            %get3A_564 = tpu.vector_load %arg9[%get3A_562, %get3A_563] {strides = array<i32>} : memref<80x128xf32, #tpu.memory_space<vmem>>, vector<1x16xf32>,
            %get3A_565 = vector.shape_cast %get3A_564 : vector<1x16xf32> to vector<16xf32>
            %add3A_566 = arith.addf %scan3A_410, %get3A_565 : vector<16xf32>
            %get3A_567 = arith.index_cast %add3A_551 : i32 to index
            %get3A_568 = arith.constant 48 : index
            %get3A_569 = tpu.vector_load %arg9[%get3A_567, %get3A_568] {strides = array<i32>} : memref<80x128xf32, #tpu.memory_space<vmem>>, vector<1x16xf32>,
            %get3A_570 = vector.shape_cast %get3A_569 : vector<1x16xf32> to vector<16xf32>
            %add3A_571 = arith.addf %scan3A_411, %get3A_570 : vector<16xf32>
            %get3A_572 = arith.index_cast %add3A_551 : i32 to index
            %get3A_573 = arith.constant 64 : index
            %get3A_574 = tpu.vector_load %arg9[%get3A_572, %get3A_573] {strides = array<i32>} : memref<80x128xf32, #tpu.memory_space<vmem>>, vector<1x16xf32>,
            %get3A_575 = vector.shape_cast %get3A_574 : vector<1x16xf32> to vector<16xf32>
            %add3A_576 = arith.addf %scan3A_412, %get3A_575 : vector<16xf32>
            %get3A_577 = arith.index_cast %add3A_551 : i32 to index
            %get3A_578 = arith.constant 80 : index
            %get3A_579 = tpu.vector_load %arg9[%get3A_577, %get3A_578] {strides = array<i32>} : memref<80x128xf32, #tpu.memory_space<vmem>>, vector<1x16xf32>,
            %get3A_580 = vector.shape_cast %get3A_579 : vector<1x16xf32> to vector<16xf32>
            %add3A_581 = arith.addf %scan3A_413, %get3A_580 : vector<16xf32>
            %get3A_582 = arith.index_cast %add3A_551 : i32 to index
            %get3A_583 = arith.constant 96 : index
            %get3A_584 = tpu.vector_load %arg9[%get3A_582, %get3A_583] {strides = array<i32>} : memref<80x128xf32, #tpu.memory_space<vmem>>, vector<1x16xf32>,
            %get3A_585 = vector.shape_cast %get3A_584 : vector<1x16xf32> to vector<16xf32>
            %add3A_586 = arith.addf %scan3A_414, %get3A_585 : vector<16xf32>
            %get3A_587 = arith.index_cast %add3A_551 : i32 to index
            %get3A_588 = arith.constant 112 : index
            %get3A_589 = tpu.vector_load %arg9[%get3A_587, %get3A_588] {strides = array<i32>} : memref<80x128xf32, #tpu.memory_space<vmem>>, vector<1x16xf32>,
            %get3A_590 = vector.shape_cast %get3A_589 : vector<1x16xf32> to vector<16xf32>
            %add3A_591 = arith.addf %scan3A_415, %get3A_590 : vector<16xf32>
            scf.yield %add3A_424, %add3A_429, %add3A_434, %add3A_439, %add3A_444, %add3A_449, %add3A_454, %add3A_459, %add3A_468, %add3A_473, %add3A_478, %add3A_483, %add3A_488, %add3A_493, %add3A_498, %add3A_503, %add3A_512, %add3A_517, %add3A_522, %add3A_527, %add3A_532, %add3A_537, %add3A_542, %add3A_547, %add3A_556, %add3A_561, %add3A_566, %add3A_571, %add3A_576, %add3A_581, %add3A_586, %add3A_591 : vector<16xf32>, vector<16xf32>, vector<16xf32>, vector<16xf32>, vector<16xf32>, vector<16xf32>, vector<16xf32>, vector<16xf32>, vector<16xf32>, vector<16xf32>, vector<16xf32>, vector<16xf32>, vector<16xf32>, vector<16xf32>, vector<16xf32>, vector<16xf32>, vector<16xf32>, vector<16xf32>, vector<16xf32>, vector<16xf32>, vector<16xf32>, vector<16xf32>, vector<16xf32>, vector<16xf32>, vector<16xf32>, vector<16xf32>, vector<16xf32>, vector<16xf32>, vector<16xf32>, vector<16xf32>, vector<16xf32>, vector<16xf32>
          }
          %scan3A_191 = arith.constant 20 : i32
          %swap3A = arith.constant 0 : i32
          %swap3A_192 = arith.index_cast %swap3A : i32 to index
          %swap3A_193 = arith.constant 0 : index
          %swap3A_194 = tpu.vector_load %arg12[%swap3A_192, %swap3A_193] {strides = array<i32>} : memref<16x128xf32, #tpu.memory_space<vmem>>, vector<1x16xf32>,
          %swap3A_195 = vector.shape_cast %swap3A_194 : vector<1x16xf32> to vector<16xf32>
          %swap3A_196 = vector.shape_cast %scan3A_190#0 : vector<16xf32> to vector<1x16xf32>
          tpu.vector_store %arg12[%swap3A_192, %swap3A_193], %swap3A_196 {add = true, strides = array<i32>} : memref<16x128xf32, #tpu.memory_space<vmem>>, vector<1x16xf32>,
          %swap3A_197 = arith.constant 0 : i32
          %swap3A_198 = arith.index_cast %swap3A_197 : i32 to index
          %swap3A_199 = arith.constant 16 : index
          %swap3A_200 = tpu.vector_load %arg12[%swap3A_198, %swap3A_199] {strides = array<i32>} : memref<16x128xf32, #tpu.memory_space<vmem>>, vector<1x16xf32>,
          %swap3A_201 = vector.shape_cast %swap3A_200 : vector<1x16xf32> to vector<16xf32>
          %swap3A_202 = vector.shape_cast %scan3A_190#1 : vector<16xf32> to vector<1x16xf32>
          tpu.vector_store %arg12[%swap3A_198, %swap3A_199], %swap3A_202 {add = true, strides = array<i32>} : memref<16x128xf32, #tpu.memory_space<vmem>>, vector<1x16xf32>,
          %swap3A_203 = arith.constant 0 : i32
          %swap3A_204 = arith.index_cast %swap3A_203 : i32 to index
          %swap3A_205 = arith.constant 32 : index
          %swap3A_206 = tpu.vector_load %arg12[%swap3A_204, %swap3A_205] {strides = array<i32>} : memref<16x128xf32, #tpu.memory_space<vmem>>, vector<1x16xf32>,
          %swap3A_207 = vector.shape_cast %swap3A_206 : vector<1x16xf32> to vector<16xf32>
          %swap3A_208 = vector.shape_cast %scan3A_190#2 : vector<16xf32> to vector<1x16xf32>
          tpu.vector_store %arg12[%swap3A_204, %swap3A_205], %swap3A_208 {add = true, strides = array<i32>} : memref<16x128xf32, #tpu.memory_space<vmem>>, vector<1x16xf32>,
          %swap3A_209 = arith.constant 0 : i32
          %swap3A_210 = arith.index_cast %swap3A_209 : i32 to index
          %swap3A_211 = arith.constant 48 : index
          %swap3A_212 = tpu.vector_load %arg12[%swap3A_210, %swap3A_211] {strides = array<i32>} : memref<16x128xf32, #tpu.memory_space<vmem>>, vector<1x16xf32>,
          %swap3A_213 = vector.shape_cast %swap3A_212 : vector<1x16xf32> to vector<16xf32>
          %swap3A_214 = vector.shape_cast %scan3A_190#3 : vector<16xf32> to vector<1x16xf32>
          tpu.vector_store %arg12[%swap3A_210, %swap3A_211], %swap3A_214 {add = true, strides = array<i32>} : memref<16x128xf32, #tpu.memory_space<vmem>>, vector<1x16xf32>,
          %swap3A_215 = arith.constant 0 : i32
          %swap3A_216 = arith.index_cast %swap3A_215 : i32 to index
          %swap3A_217 = arith.constant 64 : index
          %swap3A_218 = tpu.vector_load %arg12[%swap3A_216, %swap3A_217] {strides = array<i32>} : memref<16x128xf32, #tpu.memory_space<vmem>>, vector<1x16xf32>,
          %swap3A_219 = vector.shape_cast %swap3A_218 : vector<1x16xf32> to vector<16xf32>
          %swap3A_220 = vector.shape_cast %scan3A_190#4 : vector<16xf32> to vector<1x16xf32>
          tpu.vector_store %arg12[%swap3A_216, %swap3A_217], %swap3A_220 {add = true, strides = array<i32>} : memref<16x128xf32, #tpu.memory_space<vmem>>, vector<1x16xf32>,
          %swap3A_221 = arith.constant 0 : i32
          %swap3A_222 = arith.index_cast %swap3A_221 : i32 to index
          %swap3A_223 = arith.constant 80 : index
          %swap3A_224 = tpu.vector_load %arg12[%swap3A_222, %swap3A_223] {strides = array<i32>} : memref<16x128xf32, #tpu.memory_space<vmem>>, vector<1x16xf32>,
          %swap3A_225 = vector.shape_cast %swap3A_224 : vector<1x16xf32> to vector<16xf32>
          %swap3A_226 = vector.shape_cast %scan3A_190#5 : vector<16xf32> to vector<1x16xf32>
          tpu.vector_store %arg12[%swap3A_222, %swap3A_223], %swap3A_226 {add = true, strides = array<i32>} : memref<16x128xf32, #tpu.memory_space<vmem>>, vector<1x16xf32>,
          %swap3A_227 = arith.constant 0 : i32
          %swap3A_228 = arith.index_cast %swap3A_227 : i32 to index
          %swap3A_229 = arith.constant 96 : index
          %swap3A_230 = tpu.vector_load %arg12[%swap3A_228, %swap3A_229] {strides = array<i32>} : memref<16x128xf32, #tpu.memory_space<vmem>>, vector<1x16xf32>,
          %swap3A_231 = vector.shape_cast %swap3A_230 : vector<1x16xf32> to vector<16xf32>
          %swap3A_232 = vector.shape_cast %scan3A_190#6 : vector<16xf32> to vector<1x16xf32>
          tpu.vector_store %arg12[%swap3A_228, %swap3A_229], %swap3A_232 {add = true, strides = array<i32>} : memref<16x128xf32, #tpu.memory_space<vmem>>, vector<1x16xf32>,
          %swap3A_233 = arith.constant 0 : i32
          %swap3A_234 = arith.index_cast %swap3A_233 : i32 to index
          %swap3A_235 = arith.constant 112 : index
          %swap3A_236 = tpu.vector_load %arg12[%swap3A_234, %swap3A_235] {strides = array<i32>} : memref<16x128xf32, #tpu.memory_space<vmem>>, vector<1x16xf32>,
          %swap3A_237 = vector.shape_cast %swap3A_236 : vector<1x16xf32> to vector<16xf32>
          %swap3A_238 = vector.shape_cast %scan3A_190#7 : vector<16xf32> to vector<1x16xf32>
          tpu.vector_store %arg12[%swap3A_234, %swap3A_235], %swap3A_238 {add = true, strides = array<i32>} : memref<16x128xf32, #tpu.memory_space<vmem>>, vector<1x16xf32>,
          %swap3A_239 = arith.constant 1 : i32
          %swap3A_240 = arith.index_cast %swap3A_239 : i32 to index
          %swap3A_241 = arith.constant 0 : index
          %swap3A_242 = tpu.vector_load %arg12[%swap3A_240, %swap3A_241] {strides = array<i32>} : memref<16x128xf32, #tpu.memory_space<vmem>>, vector<1x16xf32>,
          %swap3A_243 = vector.shape_cast %swap3A_242 : vector<1x16xf32> to vector<16xf32>
          %swap3A_244 = vector.shape_cast %scan3A_190#8 : vector<16xf32> to vector<1x16xf32>
          tpu.vector_store %arg12[%swap3A_240, %swap3A_241], %swap3A_244 {add = true, strides = array<i32>} : memref<16x128xf32, #tpu.memory_space<vmem>>, vector<1x16xf32>,
          %swap3A_245 = arith.constant 1 : i32
          %swap3A_246 = arith.index_cast %swap3A_245 : i32 to index
          %swap3A_247 = arith.constant 16 : index
          %swap3A_248 = tpu.vector_load %arg12[%swap3A_246, %swap3A_247] {strides = array<i32>} : memref<16x128xf32, #tpu.memory_space<vmem>>, vector<1x16xf32>,
          %swap3A_249 = vector.shape_cast %swap3A_248 : vector<1x16xf32> to vector<16xf32>
          %swap3A_250 = vector.shape_cast %scan3A_190#9 : vector<16xf32> to vector<1x16xf32>
          tpu.vector_store %arg12[%swap3A_246, %swap3A_247], %swap3A_250 {add = true, strides = array<i32>} : memref<16x128xf32, #tpu.memory_space<vmem>>, vector<1x16xf32>,
          %swap3A_251 = arith.constant 1 : i32
          %swap3A_252 = arith.index_cast %swap3A_251 : i32 to index
          %swap3A_253 = arith.constant 32 : index
          %swap3A_254 = tpu.vector_load %arg12[%swap3A_252, %swap3A_253] {strides = array<i32>} : memref<16x128xf32, #tpu.memory_space<vmem>>, vector<1x16xf32>,
          %swap3A_255 = vector.shape_cast %swap3A_254 : vector<1x16xf32> to vector<16xf32>
          %swap3A_256 = vector.shape_cast %scan3A_190#10 : vector<16xf32> to vector<1x16xf32>
          tpu.vector_store %arg12[%swap3A_252, %swap3A_253], %swap3A_256 {add = true, strides = array<i32>} : memref<16x128xf32, #tpu.memory_space<vmem>>, vector<1x16xf32>,
          %swap3A_257 = arith.constant 1 : i32
          %swap3A_258 = arith.index_cast %swap3A_257 : i32 to index
          %swap3A_259 = arith.constant 48 : index
          %swap3A_260 = tpu.vector_load %arg12[%swap3A_258, %swap3A_259] {strides = array<i32>} : memref<16x128xf32, #tpu.memory_space<vmem>>, vector<1x16xf32>,
          %swap3A_261 = vector.shape_cast %swap3A_260 : vector<1x16xf32> to vector<16xf32>
          %swap3A_262 = vector.shape_cast %scan3A_190#11 : vector<16xf32> to vector<1x16xf32>
          tpu.vector_store %arg12[%swap3A_258, %swap3A_259], %swap3A_262 {add = true, strides = array<i32>} : memref<16x128xf32, #tpu.memory_space<vmem>>, vector<1x16xf32>,
          %swap3A_263 = arith.constant 1 : i32
          %swap3A_264 = arith.index_cast %swap3A_263 : i32 to index
          %swap3A_265 = arith.constant 64 : index
          %swap3A_266 = tpu.vector_load %arg12[%swap3A_264, %swap3A_265] {strides = array<i32>} : memref<16x128xf32, #tpu.memory_space<vmem>>, vector<1x16xf32>,
          %swap3A_267 = vector.shape_cast %swap3A_266 : vector<1x16xf32> to vector<16xf32>
          %swap3A_268 = vector.shape_cast %scan3A_190#12 : vector<16xf32> to vector<1x16xf32>
          tpu.vector_store %arg12[%swap3A_264, %swap3A_265], %swap3A_268 {add = true, strides = array<i32>} : memref<16x128xf32, #tpu.memory_space<vmem>>, vector<1x16xf32>,
          %swap3A_269 = arith.constant 1 : i32
          %swap3A_270 = arith.index_cast %swap3A_269 : i32 to index
          %swap3A_271 = arith.constant 80 : index
          %swap3A_272 = tpu.vector_load %arg12[%swap3A_270, %swap3A_271] {strides = array<i32>} : memref<16x128xf32, #tpu.memory_space<vmem>>, vector<1x16xf32>,
          %swap3A_273 = vector.shape_cast %swap3A_272 : vector<1x16xf32> to vector<16xf32>
          %swap3A_274 = vector.shape_cast %scan3A_190#13 : vector<16xf32> to vector<1x16xf32>
          tpu.vector_store %arg12[%swap3A_270, %swap3A_271], %swap3A_274 {add = true, strides = array<i32>} : memref<16x128xf32, #tpu.memory_space<vmem>>, vector<1x16xf32>,
          %swap3A_275 = arith.constant 1 : i32
          %swap3A_276 = arith.index_cast %swap3A_275 : i32 to index
          %swap3A_277 = arith.constant 96 : index
          %swap3A_278 = tpu.vector_load %arg12[%swap3A_276, %swap3A_277] {strides = array<i32>} : memref<16x128xf32, #tpu.memory_space<vmem>>, vector<1x16xf32>,
          %swap3A_279 = vector.shape_cast %swap3A_278 : vector<1x16xf32> to vector<16xf32>
          %swap3A_280 = vector.shape_cast %scan3A_190#14 : vector<16xf32> to vector<1x16xf32>
          tpu.vector_store %arg12[%swap3A_276, %swap3A_277], %swap3A_280 {add = true, strides = array<i32>} : memref<16x128xf32, #tpu.memory_space<vmem>>, vector<1x16xf32>,
          %swap3A_281 = arith.constant 1 : i32
          %swap3A_282 = arith.index_cast %swap3A_281 : i32 to index
          %swap3A_283 = arith.constant 112 : index
          %swap3A_284 = tpu.vector_load %arg12[%swap3A_282, %swap3A_283] {strides = array<i32>} : memref<16x128xf32, #tpu.memory_space<vmem>>, vector<1x16xf32>,
          %swap3A_285 = vector.shape_cast %swap3A_284 : vector<1x16xf32> to vector<16xf32>
          %swap3A_286 = vector.shape_cast %scan3A_190#15 : vector<16xf32> to vector<1x16xf32>
          tpu.vector_store %arg12[%swap3A_282, %swap3A_283], %swap3A_286 {add = true, strides = array<i32>} : memref<16x128xf32, #tpu.memory_space<vmem>>, vector<1x16xf32>,
          %swap3A_287 = arith.constant 2 : i32
          %swap3A_288 = arith.index_cast %swap3A_287 : i32 to index
          %swap3A_289 = arith.constant 0 : index
          %swap3A_290 = tpu.vector_load %arg12[%swap3A_288, %swap3A_289] {strides = array<i32>} : memref<16x128xf32, #tpu.memory_space<vmem>>, vector<1x16xf32>,
          %swap3A_291 = vector.shape_cast %swap3A_290 : vector<1x16xf32> to vector<16xf32>
          %swap3A_292 = vector.shape_cast %scan3A_190#16 : vector<16xf32> to vector<1x16xf32>
          tpu.vector_store %arg12[%swap3A_288, %swap3A_289], %swap3A_292 {add = true, strides = array<i32>} : memref<16x128xf32, #tpu.memory_space<vmem>>, vector<1x16xf32>,
          %swap3A_293 = arith.constant 2 : i32
          %swap3A_294 = arith.index_cast %swap3A_293 : i32 to index
          %swap3A_295 = arith.constant 16 : index
          %swap3A_296 = tpu.vector_load %arg12[%swap3A_294, %swap3A_295] {strides = array<i32>} : memref<16x128xf32, #tpu.memory_space<vmem>>, vector<1x16xf32>,
          %swap3A_297 = vector.shape_cast %swap3A_296 : vector<1x16xf32> to vector<16xf32>
          %swap3A_298 = vector.shape_cast %scan3A_190#17 : vector<16xf32> to vector<1x16xf32>
          tpu.vector_store %arg12[%swap3A_294, %swap3A_295], %swap3A_298 {add = true, strides = array<i32>} : memref<16x128xf32, #tpu.memory_space<vmem>>, vector<1x16xf32>,
          %swap3A_299 = arith.constant 2 : i32
          %swap3A_300 = arith.index_cast %swap3A_299 : i32 to index
          %swap3A_301 = arith.constant 32 : index
          %swap3A_302 = tpu.vector_load %arg12[%swap3A_300, %swap3A_301] {strides = array<i32>} : memref<16x128xf32, #tpu.memory_space<vmem>>, vector<1x16xf32>,
          %swap3A_303 = vector.shape_cast %swap3A_302 : vector<1x16xf32> to vector<16xf32>
          %swap3A_304 = vector.shape_cast %scan3A_190#18 : vector<16xf32> to vector<1x16xf32>
          tpu.vector_store %arg12[%swap3A_300, %swap3A_301], %swap3A_304 {add = true, strides = array<i32>} : memref<16x128xf32, #tpu.memory_space<vmem>>, vector<1x16xf32>,
          %swap3A_305 = arith.constant 2 : i32
          %swap3A_306 = arith.index_cast %swap3A_305 : i32 to index
          %swap3A_307 = arith.constant 48 : index
          %swap3A_308 = tpu.vector_load %arg12[%swap3A_306, %swap3A_307] {strides = array<i32>} : memref<16x128xf32, #tpu.memory_space<vmem>>, vector<1x16xf32>,
          %swap3A_309 = vector.shape_cast %swap3A_308 : vector<1x16xf32> to vector<16xf32>
          %swap3A_310 = vector.shape_cast %scan3A_190#19 : vector<16xf32> to vector<1x16xf32>
          tpu.vector_store %arg12[%swap3A_306, %swap3A_307], %swap3A_310 {add = true, strides = array<i32>} : memref<16x128xf32, #tpu.memory_space<vmem>>, vector<1x16xf32>,
          %swap3A_311 = arith.constant 2 : i32
          %swap3A_312 = arith.index_cast %swap3A_311 : i32 to index
          %swap3A_313 = arith.constant 64 : index
          %swap3A_314 = tpu.vector_load %arg12[%swap3A_312, %swap3A_313] {strides = array<i32>} : memref<16x128xf32, #tpu.memory_space<vmem>>, vector<1x16xf32>,
          %swap3A_315 = vector.shape_cast %swap3A_314 : vector<1x16xf32> to vector<16xf32>
          %swap3A_316 = vector.shape_cast %scan3A_190#20 : vector<16xf32> to vector<1x16xf32>
          tpu.vector_store %arg12[%swap3A_312, %swap3A_313], %swap3A_316 {add = true, strides = array<i32>} : memref<16x128xf32, #tpu.memory_space<vmem>>, vector<1x16xf32>,
          %swap3A_317 = arith.constant 2 : i32
          %swap3A_318 = arith.index_cast %swap3A_317 : i32 to index
          %swap3A_319 = arith.constant 80 : index
          %swap3A_320 = tpu.vector_load %arg12[%swap3A_318, %swap3A_319] {strides = array<i32>} : memref<16x128xf32, #tpu.memory_space<vmem>>, vector<1x16xf32>,
          %swap3A_321 = vector.shape_cast %swap3A_320 : vector<1x16xf32> to vector<16xf32>
          %swap3A_322 = vector.shape_cast %scan3A_190#21 : vector<16xf32> to vector<1x16xf32>
          tpu.vector_store %arg12[%swap3A_318, %swap3A_319], %swap3A_322 {add = true, strides = array<i32>} : memref<16x128xf32, #tpu.memory_space<vmem>>, vector<1x16xf32>,
          %swap3A_323 = arith.constant 2 : i32
          %swap3A_324 = arith.index_cast %swap3A_323 : i32 to index
          %swap3A_325 = arith.constant 96 : index
          %swap3A_326 = tpu.vector_load %arg12[%swap3A_324, %swap3A_325] {strides = array<i32>} : memref<16x128xf32, #tpu.memory_space<vmem>>, vector<1x16xf32>,
          %swap3A_327 = vector.shape_cast %swap3A_326 : vector<1x16xf32> to vector<16xf32>
          %swap3A_328 = vector.shape_cast %scan3A_190#22 : vector<16xf32> to vector<1x16xf32>
          tpu.vector_store %arg12[%swap3A_324, %swap3A_325], %swap3A_328 {add = true, strides = array<i32>} : memref<16x128xf32, #tpu.memory_space<vmem>>, vector<1x16xf32>,
          %swap3A_329 = arith.constant 2 : i32
          %swap3A_330 = arith.index_cast %swap3A_329 : i32 to index
          %swap3A_331 = arith.constant 112 : index
          %swap3A_332 = tpu.vector_load %arg12[%swap3A_330, %swap3A_331] {strides = array<i32>} : memref<16x128xf32, #tpu.memory_space<vmem>>, vector<1x16xf32>,
          %swap3A_333 = vector.shape_cast %swap3A_332 : vector<1x16xf32> to vector<16xf32>
          %swap3A_334 = vector.shape_cast %scan3A_190#23 : vector<16xf32> to vector<1x16xf32>
          tpu.vector_store %arg12[%swap3A_330, %swap3A_331], %swap3A_334 {add = true, strides = array<i32>} : memref<16x128xf32, #tpu.memory_space<vmem>>, vector<1x16xf32>,
          %swap3A_335 = arith.constant 3 : i32
          %swap3A_336 = arith.index_cast %swap3A_335 : i32 to index
          %swap3A_337 = arith.constant 0 : index
          %swap3A_338 = tpu.vector_load %arg12[%swap3A_336, %swap3A_337] {strides = array<i32>} : memref<16x128xf32, #tpu.memory_space<vmem>>, vector<1x16xf32>,
          %swap3A_339 = vector.shape_cast %swap3A_338 : vector<1x16xf32> to vector<16xf32>
          %swap3A_340 = vector.shape_cast %scan3A_190#24 : vector<16xf32> to vector<1x16xf32>
          tpu.vector_store %arg12[%swap3A_336, %swap3A_337], %swap3A_340 {add = true, strides = array<i32>} : memref<16x128xf32, #tpu.memory_space<vmem>>, vector<1x16xf32>,
          %swap3A_341 = arith.constant 3 : i32
          %swap3A_342 = arith.index_cast %swap3A_341 : i32 to index
          %swap3A_343 = arith.constant 16 : index
          %swap3A_344 = tpu.vector_load %arg12[%swap3A_342, %swap3A_343] {strides = array<i32>} : memref<16x128xf32, #tpu.memory_space<vmem>>, vector<1x16xf32>,
          %swap3A_345 = vector.shape_cast %swap3A_344 : vector<1x16xf32> to vector<16xf32>
          %swap3A_346 = vector.shape_cast %scan3A_190#25 : vector<16xf32> to vector<1x16xf32>
          tpu.vector_store %arg12[%swap3A_342, %swap3A_343], %swap3A_346 {add = true, strides = array<i32>} : memref<16x128xf32, #tpu.memory_space<vmem>>, vector<1x16xf32>,
          %swap3A_347 = arith.constant 3 : i32
          %swap3A_348 = arith.index_cast %swap3A_347 : i32 to index
          %swap3A_349 = arith.constant 32 : index
          %swap3A_350 = tpu.vector_load %arg12[%swap3A_348, %swap3A_349] {strides = array<i32>} : memref<16x128xf32, #tpu.memory_space<vmem>>, vector<1x16xf32>,
          %swap3A_351 = vector.shape_cast %swap3A_350 : vector<1x16xf32> to vector<16xf32>
          %swap3A_352 = vector.shape_cast %scan3A_190#26 : vector<16xf32> to vector<1x16xf32>
          tpu.vector_store %arg12[%swap3A_348, %swap3A_349], %swap3A_352 {add = true, strides = array<i32>} : memref<16x128xf32, #tpu.memory_space<vmem>>, vector<1x16xf32>,
          %swap3A_353 = arith.constant 3 : i32
          %swap3A_354 = arith.index_cast %swap3A_353 : i32 to index
          %swap3A_355 = arith.constant 48 : index
          %swap3A_356 = tpu.vector_load %arg12[%swap3A_354, %swap3A_355] {strides = array<i32>} : memref<16x128xf32, #tpu.memory_space<vmem>>, vector<1x16xf32>,
          %swap3A_357 = vector.shape_cast %swap3A_356 : vector<1x16xf32> to vector<16xf32>
          %swap3A_358 = vector.shape_cast %scan3A_190#27 : vector<16xf32> to vector<1x16xf32>
          tpu.vector_store %arg12[%swap3A_354, %swap3A_355], %swap3A_358 {add = true, strides = array<i32>} : memref<16x128xf32, #tpu.memory_space<vmem>>, vector<1x16xf32>,
          %swap3A_359 = arith.constant 3 : i32
          %swap3A_360 = arith.index_cast %swap3A_359 : i32 to index
          %swap3A_361 = arith.constant 64 : index
          %swap3A_362 = tpu.vector_load %arg12[%swap3A_360, %swap3A_361] {strides = array<i32>} : memref<16x128xf32, #tpu.memory_space<vmem>>, vector<1x16xf32>,
          %swap3A_363 = vector.shape_cast %swap3A_362 : vector<1x16xf32> to vector<16xf32>
          %swap3A_364 = vector.shape_cast %scan3A_190#28 : vector<16xf32> to vector<1x16xf32>
          tpu.vector_store %arg12[%swap3A_360, %swap3A_361], %swap3A_364 {add = true, strides = array<i32>} : memref<16x128xf32, #tpu.memory_space<vmem>>, vector<1x16xf32>,
          %swap3A_365 = arith.constant 3 : i32
          %swap3A_366 = arith.index_cast %swap3A_365 : i32 to index
          %swap3A_367 = arith.constant 80 : index
          %swap3A_368 = tpu.vector_load %arg12[%swap3A_366, %swap3A_367] {strides = array<i32>} : memref<16x128xf32, #tpu.memory_space<vmem>>, vector<1x16xf32>,
          %swap3A_369 = vector.shape_cast %swap3A_368 : vector<1x16xf32> to vector<16xf32>
          %swap3A_370 = vector.shape_cast %scan3A_190#29 : vector<16xf32> to vector<1x16xf32>
          tpu.vector_store %arg12[%swap3A_366, %swap3A_367], %swap3A_370 {add = true, strides = array<i32>} : memref<16x128xf32, #tpu.memory_space<vmem>>, vector<1x16xf32>,
          %swap3A_371 = arith.constant 3 : i32
          %swap3A_372 = arith.index_cast %swap3A_371 : i32 to index
          %swap3A_373 = arith.constant 96 : index
          %swap3A_374 = tpu.vector_load %arg12[%swap3A_372, %swap3A_373] {strides = array<i32>} : memref<16x128xf32, #tpu.memory_space<vmem>>, vector<1x16xf32>,
          %swap3A_375 = vector.shape_cast %swap3A_374 : vector<1x16xf32> to vector<16xf32>
          %swap3A_376 = vector.shape_cast %scan3A_190#30 : vector<16xf32> to vector<1x16xf32>
          tpu.vector_store %arg12[%swap3A_372, %swap3A_373], %swap3A_376 {add = true, strides = array<i32>} : memref<16x128xf32, #tpu.memory_space<vmem>>, vector<1x16xf32>,
          %swap3A_377 = arith.constant 3 : i32
          %swap3A_378 = arith.index_cast %swap3A_377 : i32 to index
          %swap3A_379 = arith.constant 112 : index
          %swap3A_380 = tpu.vector_load %arg12[%swap3A_378, %swap3A_379] {strides = array<i32>} : memref<16x128xf32, #tpu.memory_space<vmem>>, vector<1x16xf32>,
          %swap3A_381 = vector.shape_cast %swap3A_380 : vector<1x16xf32> to vector<16xf32>
          %swap3A_382 = vector.shape_cast %scan3A_190#31 : vector<16xf32> to vector<1x16xf32>
          tpu.vector_store %arg12[%swap3A_378, %swap3A_379], %swap3A_382 {add = true, strides = array<i32>} : memref<16x128xf32, #tpu.memory_space<vmem>>, vector<1x16xf32>,
        } else {
        }
        %not3A = arith.constant true
        %not3A_176 = arith.xori %eq3A, %not3A : i1
        %convert_element_type3A_177 = arith.extui %not3A_176 : i1 to i32
        %cond3A_178 = arith.constant 0 : i32
        %cond3A_179 = arith.cmpi ne, %convert_element_type3A_177, %cond3A_178 : i32
        scf.if %cond3A_179 {
          %mul3A_180 = arith.constant 80 : i32
          %mul3A_181 = arith.muli %add3A_64, %mul3A_180 : i32
          %add3A_182 = arith.constant 0 : i32
          %add3A_183 = arith.addi %mul3A_181, %add3A_182 : i32
          %get3A_184 = arith.index_cast %add3A_183 : i32 to index
          %get3A_185 = tpu.vector_load %arg6[%get3A_184] {strides = array<i32>} : memref<1760xi32, #tpu.memory_space<vmem>>, vector<16xi32>,
          %get3A_186 = vector.shape_cast %get3A_185 : vector<16xi32> to vector<16xi32>
          %mul3A_187 = arith.constant 8 : i32
          %mul3A_188 = vector.broadcast %mul3A_187 : i32 to vector<16xi32>
          %mul3A_189 = arith.muli %get3A_186, %mul3A_188 : vector<16xi32>
          %add3A_190 = arith.addi %mul3A_189, %rem3A : vector<16xi32>
          %swap3A = arith.constant 0 : index
          %swap3A_191 = tpu.vector_load %arg7[%swap3A] {strides = array<i32>} : memref<80xi32, #tpu.memory_space<vmem>>, vector<16xi32>,
          %swap3A_192 = vector.shape_cast %swap3A_191 : vector<16xi32> to vector<16xi32>
          %swap3A_193 = vector.shape_cast %add3A_190 : vector<16xi32> to vector<16xi32>
          tpu.vector_store %arg7[%swap3A], %swap3A_193 {strides = array<i32>} : memref<80xi32, #tpu.memory_space<vmem>>, vector<16xi32>,
          %mul3A_194 = arith.constant 80 : i32
          %mul3A_195 = arith.muli %add3A_64, %mul3A_194 : i32
          %add3A_196 = arith.constant 16 : i32
          %add3A_197 = arith.addi %mul3A_195, %add3A_196 : i32
          %get3A_198 = arith.index_cast %add3A_197 : i32 to index
          %get3A_199 = tpu.vector_load %arg6[%get3A_198] {strides = array<i32>} : memref<1760xi32, #tpu.memory_space<vmem>>, vector<16xi32>,
          %get3A_200 = vector.shape_cast %get3A_199 : vector<16xi32> to vector<16xi32>
          %mul3A_201 = arith.constant 8 : i32
          %mul3A_202 = vector.broadcast %mul3A_201 : i32 to vector<16xi32>
          %mul3A_203 = arith.muli %get3A_200, %mul3A_202 : vector<16xi32>
          %add3A_204 = arith.addi %mul3A_203, %rem3A : vector<16xi32>
          %swap3A_205 = arith.constant 16 : index
          %swap3A_206 = tpu.vector_load %arg7[%swap3A_205] {strides = array<i32>} : memref<80xi32, #tpu.memory_space<vmem>>, vector<16xi32>,
          %swap3A_207 = vector.shape_cast %swap3A_206 : vector<16xi32> to vector<16xi32>
          %swap3A_208 = vector.shape_cast %add3A_204 : vector<16xi32> to vector<16xi32>
          tpu.vector_store %arg7[%swap3A_205], %swap3A_208 {strides = array<i32>} : memref<80xi32, #tpu.memory_space<vmem>>, vector<16xi32>,
          %mul3A_209 = arith.constant 80 : i32
          %mul3A_210 = arith.muli %add3A_64, %mul3A_209 : i32
          %add3A_211 = arith.constant 32 : i32
          %add3A_212 = arith.addi %mul3A_210, %add3A_211 : i32
          %get3A_213 = arith.index_cast %add3A_212 : i32 to index
          %get3A_214 = tpu.vector_load %arg6[%get3A_213] {strides = array<i32>} : memref<1760xi32, #tpu.memory_space<vmem>>, vector<16xi32>,
          %get3A_215 = vector.shape_cast %get3A_214 : vector<16xi32> to vector<16xi32>
          %mul3A_216 = arith.constant 8 : i32
          %mul3A_217 = vector.broadcast %mul3A_216 : i32 to vector<16xi32>
          %mul3A_218 = arith.muli %get3A_215, %mul3A_217 : vector<16xi32>
          %add3A_219 = arith.addi %mul3A_218, %rem3A : vector<16xi32>
          %swap3A_220 = arith.constant 32 : index
          %swap3A_221 = tpu.vector_load %arg7[%swap3A_220] {strides = array<i32>} : memref<80xi32, #tpu.memory_space<vmem>>, vector<16xi32>,
          %swap3A_222 = vector.shape_cast %swap3A_221 : vector<16xi32> to vector<16xi32>
          %swap3A_223 = vector.shape_cast %add3A_219 : vector<16xi32> to vector<16xi32>
          tpu.vector_store %arg7[%swap3A_220], %swap3A_223 {strides = array<i32>} : memref<80xi32, #tpu.memory_space<vmem>>, vector<16xi32>,
          %mul3A_224 = arith.constant 80 : i32
          %mul3A_225 = arith.muli %add3A_64, %mul3A_224 : i32
          %add3A_226 = arith.constant 48 : i32
          %add3A_227 = arith.addi %mul3A_225, %add3A_226 : i32
          %get3A_228 = arith.index_cast %add3A_227 : i32 to index
          %get3A_229 = tpu.vector_load %arg6[%get3A_228] {strides = array<i32>} : memref<1760xi32, #tpu.memory_space<vmem>>, vector<16xi32>,
          %get3A_230 = vector.shape_cast %get3A_229 : vector<16xi32> to vector<16xi32>
          %mul3A_231 = arith.constant 8 : i32
          %mul3A_232 = vector.broadcast %mul3A_231 : i32 to vector<16xi32>
          %mul3A_233 = arith.muli %get3A_230, %mul3A_232 : vector<16xi32>
          %add3A_234 = arith.addi %mul3A_233, %rem3A : vector<16xi32>
          %swap3A_235 = arith.constant 48 : index
          %swap3A_236 = tpu.vector_load %arg7[%swap3A_235] {strides = array<i32>} : memref<80xi32, #tpu.memory_space<vmem>>, vector<16xi32>,
          %swap3A_237 = vector.shape_cast %swap3A_236 : vector<16xi32> to vector<16xi32>
          %swap3A_238 = vector.shape_cast %add3A_234 : vector<16xi32> to vector<16xi32>
          tpu.vector_store %arg7[%swap3A_235], %swap3A_238 {strides = array<i32>} : memref<80xi32, #tpu.memory_space<vmem>>, vector<16xi32>,
          %mul3A_239 = arith.constant 80 : i32
          %mul3A_240 = arith.muli %add3A_64, %mul3A_239 : i32
          %add3A_241 = arith.constant 64 : i32
          %add3A_242 = arith.addi %mul3A_240, %add3A_241 : i32
          %get3A_243 = arith.index_cast %add3A_242 : i32 to index
          %get3A_244 = tpu.vector_load %arg6[%get3A_243] {strides = array<i32>} : memref<1760xi32, #tpu.memory_space<vmem>>, vector<16xi32>,
          %get3A_245 = vector.shape_cast %get3A_244 : vector<16xi32> to vector<16xi32>
          %mul3A_246 = arith.constant 8 : i32
          %mul3A_247 = vector.broadcast %mul3A_246 : i32 to vector<16xi32>
          %mul3A_248 = arith.muli %get3A_245, %mul3A_247 : vector<16xi32>
          %add3A_249 = arith.addi %mul3A_248, %rem3A : vector<16xi32>
          %swap3A_250 = arith.constant 64 : index
          %swap3A_251 = tpu.vector_load %arg7[%swap3A_250] {strides = array<i32>} : memref<80xi32, #tpu.memory_space<vmem>>, vector<16xi32>,
          %swap3A_252 = vector.shape_cast %swap3A_251 : vector<16xi32> to vector<16xi32>
          %swap3A_253 = vector.shape_cast %add3A_249 : vector<16xi32> to vector<16xi32>
          tpu.vector_store %arg7[%swap3A_250], %swap3A_253 {strides = array<i32>} : memref<80xi32, #tpu.memory_space<vmem>>, vector<16xi32>,
          "tpu.region"() ({
            %run_scoped3A = tpu.sem_alloc : memref<!tpu.dma_semaphore, #tpu.memory_space<semaphore_mem>>
            %dma_start3A_254 = arith.constant 0 : i32
            %dma_start3A_255 = arith.constant 0 : i32
            %dma_start3A_256 = tpu.memref_slice %arg13[%dma_start3A_254, %dma_start3A_255] : memref<512x128xf32, #tpu.memory_space<vmem_shared>> -> memref<512x128xf32, #tpu.memory_space<vmem_shared>>
            tpu.enqueue_indirect_dma source(%arg9 : memref<80x128xf32, #tpu.memory_space<vmem>>) target(%dma_start3A_256 : memref<512x128xf32, #tpu.memory_space<vmem_shared>>) offsets(%arg7 : memref<80xi32, #tpu.memory_space<vmem>>) semaphore(%run_scoped3A : memref<!tpu.dma_semaphore, #tpu.memory_space<semaphore_mem>>) {add = true}
            %dma_wait3A_257 = arith.constant 0 : i32
            %dma_wait3A_258 = arith.constant 0 : i32
            %dma_wait3A_259 = tpu.memref_slice %arg13[%dma_wait3A_257, %dma_wait3A_258] : memref<512x128xf32, #tpu.memory_space<vmem_shared>> -> memref<512x128xf32, #tpu.memory_space<vmem_shared>>
            tpu.wait_indirect_dma semaphore(%run_scoped3A : memref<!tpu.dma_semaphore, #tpu.memory_space<semaphore_mem>>) src(%arg9 : memref<80x128xf32, #tpu.memory_space<vmem>>) dst(%dma_wait3A_259 : memref<512x128xf32, #tpu.memory_space<vmem_shared>>)
            tpu.yield
          }) : () -> ()
        } else {
        }
      } else {
      }
      %and3A = arith.andi %lt3A_65, %eq3A : i1
      %select_n3A_91 = arith.select %and3A, %squeeze3A, %scan3A_60 : i32
      %mul3A_92 = arith.constant 3 : i32
      %mul3A_93 = arith.muli %scan3A_59, %mul3A_92 : i32
      %add3A_94 = arith.constant 1 : i32
      %add3A_95 = arith.addi %mul3A_93, %add3A_94 : i32
      %lt3A_96 = arith.cmpi slt, %add3A_95, %select_n3A : i32
      %min3A_97 = arith.constant 21 : i32
      %min3A_98 = arith.minsi %add3A_95, %min3A_97 : i32
      %mul3A_99 = arith.constant 80 : i32
      %mul3A_100 = arith.muli %min3A_98, %mul3A_99 : i32
      %get3A_101 = arith.index_cast %mul3A_100 : i32 to index
      %get3A_102 = tpu.vector_load %arg6[%get3A_101] {strides = array<i32>} : memref<1760xi32, #tpu.memory_space<vmem>>, vector<16xi32>,
      %get3A_103 = vector.shape_cast %get3A_102 : vector<16xi32> to vector<16xi32>
      %mul3A_104 = arith.constant 80 : i32
      %mul3A_105 = arith.muli %min3A_98, %mul3A_104 : i32
      %add3A_106 = arith.constant 80 : i32
      %add3A_107 = arith.addi %mul3A_105, %add3A_106 : i32
      %sub3A_108 = arith.constant 16 : i32
      %sub3A_109 = arith.subi %add3A_107, %sub3A_108 : i32
      %get3A_110 = arith.index_cast %sub3A_109 : i32 to index
      %get3A_111 = tpu.vector_load %arg6[%get3A_110] {strides = array<i32>} : memref<1760xi32, #tpu.memory_space<vmem>>, vector<16xi32>,
      %get3A_112 = vector.shape_cast %get3A_111 : vector<16xi32> to vector<16xi32>
      %slice3A_113 = vector.extract_strided_slice %get3A_103 {offsets = [0], sizes = [1], strides = [1]} : vector<16xi32> to vector<1xi32>
      %squeeze3A_114 = vector.extract %slice3A_113[0] : i32 from vector<1xi32>
      %slice3A_115 = vector.extract_strided_slice %get3A_112 {offsets = [15], sizes = [1], strides = [1]} : vector<16xi32> to vector<1xi32>
      %squeeze3A_116 = vector.extract %slice3A_115[0] : i32 from vector<1xi32>
      %eq3A_117 = arith.cmpi eq, %squeeze3A_114, %squeeze3A_116 : i32
      %add3A_118 = arith.constant 2 : i32
      %add3A_119 = arith.addi %add3A_95, %add3A_118 : i32
      %lt3A_120 = arith.cmpi slt, %add3A_119, %select_n3A : i32
      %convert_element_type3A_121 = arith.extui %lt3A_120 : i1 to i32
      %cond3A_122 = arith.constant 0 : i32
      %cond3A_123 = arith.cmpi ne, %convert_element_type3A_121, %cond3A_122 : i32
      scf.if %cond3A_123 {
        %add3A_166 = arith.constant 2 : i32
        %add3A_167 = arith.addi %add3A_95, %add3A_166 : i32
        %mul3A_168 = arith.constant 80 : i32
        %mul3A_169 = arith.muli %add3A_167, %mul3A_168 : i32
        %add3A_170 = arith.addi %mul3A_8, %mul3A_169 : i32
        %dma_start3A_171 = arith.constant 0 : i32
        %dma_start3A_172 = tpu.memref_slice %arg3[%add3A_170, %dma_start3A_171] : memref<100000x128xf32, #tpu.memory_space<hbm>> -> memref<80x128xf32, #tpu.memory_space<hbm>>
        %dma_start3A_173 = arith.constant 0 : i32
        %dma_start3A_174 = tpu.memref_slice %arg3[%add3A_170, %dma_start3A_173] : memref<100000x128xf32, #tpu.memory_space<hbm>> -> memref<80x128xf32, #tpu.memory_space<hbm>>
        tpu.enqueue_dma source(%dma_start3A_174 : memref<80x128xf32, #tpu.memory_space<hbm>>) target(%arg9 : memref<80x128xf32, #tpu.memory_space<vmem>>) target_semaphore(%arg15 : memref<!tpu.dma_semaphore, #tpu.memory_space<semaphore_mem>>)
      } else {
      }
      %convert_element_type3A_124 = arith.extui %lt3A_96 : i1 to i32
      %cond3A_125 = arith.constant 0 : i32
      %cond3A_126 = arith.cmpi ne, %convert_element_type3A_124, %cond3A_125 : i32
      scf.if %cond3A_126 {
        %mul3A_166 = arith.constant 80 : i32
        %mul3A_167 = arith.muli %add3A_95, %mul3A_166 : i32
        %add3A_168 = arith.addi %mul3A_8, %mul3A_167 : i32
        %dma_wait3A_169 = arith.constant 0 : i32
        %dma_wait3A_170 = tpu.memref_slice %arg3[%add3A_168, %dma_wait3A_169] : memref<100000x128xf32, #tpu.memory_space<hbm>> -> memref<80x128xf32, #tpu.memory_space<hbm>>
        %dma_wait3A_171 = arith.constant 0 : i32
        %dma_wait3A_172 = tpu.memref_slice %arg3[%add3A_168, %dma_wait3A_171] : memref<100000x128xf32, #tpu.memory_space<hbm>> -> memref<80x128xf32, #tpu.memory_space<hbm>>
        tpu.wait_dma2 semaphore(%arg16 : memref<!tpu.dma_semaphore, #tpu.memory_space<semaphore_mem>>) src(%dma_wait3A_172 : memref<80x128xf32, #tpu.memory_space<hbm>>) dst(%arg10 : memref<80x128xf32, #tpu.memory_space<vmem>>)
        %convert_element_type3A_173 = arith.extui %eq3A_117 : i1 to i32
        %cond3A_174 = arith.constant 0 : i32
        %cond3A_175 = arith.cmpi ne, %convert_element_type3A_173, %cond3A_174 : i32
        scf.if %cond3A_175 {
          %ge3A_180 = arith.constant 0 : i32
          %ge3A_181 = arith.cmpi sge, %select_n3A_91, %ge3A_180 : i32
          %ne3A = arith.cmpi ne, %select_n3A_91, %squeeze3A_114 : i32
          %and3A_182 = arith.andi %ge3A_181, %ne3A : i1
          %convert_element_type3A_183 = arith.extui %and3A_182 : i1 to i32
          %cond3A_184 = arith.constant 0 : i32
          %cond3A_185 = arith.cmpi ne, %convert_element_type3A_183, %cond3A_184 : i32
          scf.if %cond3A_185 {
            %mul3A_383 = arith.constant 8 : i32
            %mul3A_384 = arith.muli %select_n3A_91, %mul3A_383 : i32
            %broadcast_in_dim3A_385 = vector.broadcast %mul3A_384 : i32 to vector<16xi32>
            %add3A_386 = arith.addi %broadcast_in_dim3A_385, %rem3A : vector<16xi32>
            %swap3A_387 = arith.constant 0 : index
            %swap3A_388 = tpu.vector_load %arg8[%swap3A_387] {strides = array<i32>} : memref<16xi32, #tpu.memory_space<vmem>>, vector<16xi32>,
            %swap3A_389 = vector.shape_cast %swap3A_388 : vector<16xi32> to vector<16xi32>
            %swap3A_390 = vector.shape_cast %add3A_386 : vector<16xi32> to vector<16xi32>
            tpu.vector_store %arg8[%swap3A_387], %swap3A_390 {strides = array<i32>} : memref<16xi32, #tpu.memory_space<vmem>>, vector<16xi32>,
            "tpu.region"() ({
              %run_scoped3A = tpu.sem_alloc : memref<!tpu.dma_semaphore, #tpu.memory_space<semaphore_mem>>
              %dma_start3A_583 = arith.constant 0 : i32
              %dma_start3A_584 = arith.constant 0 : i32
              %dma_start3A_585 = tpu.memref_slice %arg13[%dma_start3A_583, %dma_start3A_584] : memref<512x128xf32, #tpu.memory_space<vmem_shared>> -> memref<512x128xf32, #tpu.memory_space<vmem_shared>>
              tpu.enqueue_indirect_dma source(%arg12 : memref<16x128xf32, #tpu.memory_space<vmem>>) target(%dma_start3A_585 : memref<512x128xf32, #tpu.memory_space<vmem_shared>>) offsets(%arg8 : memref<16xi32, #tpu.memory_space<vmem>>) semaphore(%run_scoped3A : memref<!tpu.dma_semaphore, #tpu.memory_space<semaphore_mem>>) {add = true}
              %dma_wait3A_586 = arith.constant 0 : i32
              %dma_wait3A_587 = arith.constant 0 : i32
              %dma_wait3A_588 = tpu.memref_slice %arg13[%dma_wait3A_586, %dma_wait3A_587] : memref<512x128xf32, #tpu.memory_space<vmem_shared>> -> memref<512x128xf32, #tpu.memory_space<vmem_shared>>
              tpu.wait_indirect_dma semaphore(%run_scoped3A : memref<!tpu.dma_semaphore, #tpu.memory_space<semaphore_mem>>) src(%arg12 : memref<16x128xf32, #tpu.memory_space<vmem>>) dst(%dma_wait3A_588 : memref<512x128xf32, #tpu.memory_space<vmem_shared>>)
              tpu.yield
            }) : () -> ()
            %swap3A_391 = arith.constant 0 : i32
            %swap3A_392 = arith.index_cast %swap3A_391 : i32 to index
            %swap3A_393 = arith.constant 0 : index
            %swap3A_394 = tpu.vector_load %arg12[%swap3A_392, %swap3A_393] {strides = array<i32>} : memref<16x128xf32, #tpu.memory_space<vmem>>, vector<1x16xf32>,
            %swap3A_395 = vector.shape_cast %swap3A_394 : vector<1x16xf32> to vector<16xf32>
            %swap3A_396 = vector.shape_cast %broadcast_in_dim3A_11 : vector<16xf32> to vector<1x16xf32>
            tpu.vector_store %arg12[%swap3A_392, %swap3A_393], %swap3A_396 {strides = array<i32>} : memref<16x128xf32, #tpu.memory_space<vmem>>, vector<1x16xf32>,
            %swap3A_397 = arith.constant 0 : i32
            %swap3A_398 = arith.index_cast %swap3A_397 : i32 to index
            %swap3A_399 = arith.constant 16 : index
            %swap3A_400 = tpu.vector_load %arg12[%swap3A_398, %swap3A_399] {strides = array<i32>} : memref<16x128xf32, #tpu.memory_space<vmem>>, vector<1x16xf32>,
            %swap3A_401 = vector.shape_cast %swap3A_400 : vector<1x16xf32> to vector<16xf32>
            %swap3A_402 = vector.shape_cast %broadcast_in_dim3A_11 : vector<16xf32> to vector<1x16xf32>
            tpu.vector_store %arg12[%swap3A_398, %swap3A_399], %swap3A_402 {strides = array<i32>} : memref<16x128xf32, #tpu.memory_space<vmem>>, vector<1x16xf32>,
            %swap3A_403 = arith.constant 0 : i32
            %swap3A_404 = arith.index_cast %swap3A_403 : i32 to index
            %swap3A_405 = arith.constant 32 : index
            %swap3A_406 = tpu.vector_load %arg12[%swap3A_404, %swap3A_405] {strides = array<i32>} : memref<16x128xf32, #tpu.memory_space<vmem>>, vector<1x16xf32>,
            %swap3A_407 = vector.shape_cast %swap3A_406 : vector<1x16xf32> to vector<16xf32>
            %swap3A_408 = vector.shape_cast %broadcast_in_dim3A_11 : vector<16xf32> to vector<1x16xf32>
            tpu.vector_store %arg12[%swap3A_404, %swap3A_405], %swap3A_408 {strides = array<i32>} : memref<16x128xf32, #tpu.memory_space<vmem>>, vector<1x16xf32>,
            %swap3A_409 = arith.constant 0 : i32
            %swap3A_410 = arith.index_cast %swap3A_409 : i32 to index
            %swap3A_411 = arith.constant 48 : index
            %swap3A_412 = tpu.vector_load %arg12[%swap3A_410, %swap3A_411] {strides = array<i32>} : memref<16x128xf32, #tpu.memory_space<vmem>>, vector<1x16xf32>,
            %swap3A_413 = vector.shape_cast %swap3A_412 : vector<1x16xf32> to vector<16xf32>
            %swap3A_414 = vector.shape_cast %broadcast_in_dim3A_11 : vector<16xf32> to vector<1x16xf32>
            tpu.vector_store %arg12[%swap3A_410, %swap3A_411], %swap3A_414 {strides = array<i32>} : memref<16x128xf32, #tpu.memory_space<vmem>>, vector<1x16xf32>,
            %swap3A_415 = arith.constant 0 : i32
            %swap3A_416 = arith.index_cast %swap3A_415 : i32 to index
            %swap3A_417 = arith.constant 64 : index
            %swap3A_418 = tpu.vector_load %arg12[%swap3A_416, %swap3A_417] {strides = array<i32>} : memref<16x128xf32, #tpu.memory_space<vmem>>, vector<1x16xf32>,
            %swap3A_419 = vector.shape_cast %swap3A_418 : vector<1x16xf32> to vector<16xf32>
            %swap3A_420 = vector.shape_cast %broadcast_in_dim3A_11 : vector<16xf32> to vector<1x16xf32>
            tpu.vector_store %arg12[%swap3A_416, %swap3A_417], %swap3A_420 {strides = array<i32>} : memref<16x128xf32, #tpu.memory_space<vmem>>, vector<1x16xf32>,
            %swap3A_421 = arith.constant 0 : i32
            %swap3A_422 = arith.index_cast %swap3A_421 : i32 to index
            %swap3A_423 = arith.constant 80 : index
            %swap3A_424 = tpu.vector_load %arg12[%swap3A_422, %swap3A_423] {strides = array<i32>} : memref<16x128xf32, #tpu.memory_space<vmem>>, vector<1x16xf32>,
            %swap3A_425 = vector.shape_cast %swap3A_424 : vector<1x16xf32> to vector<16xf32>
            %swap3A_426 = vector.shape_cast %broadcast_in_dim3A_11 : vector<16xf32> to vector<1x16xf32>
            tpu.vector_store %arg12[%swap3A_422, %swap3A_423], %swap3A_426 {strides = array<i32>} : memref<16x128xf32, #tpu.memory_space<vmem>>, vector<1x16xf32>,
            %swap3A_427 = arith.constant 0 : i32
            %swap3A_428 = arith.index_cast %swap3A_427 : i32 to index
            %swap3A_429 = arith.constant 96 : index
            %swap3A_430 = tpu.vector_load %arg12[%swap3A_428, %swap3A_429] {strides = array<i32>} : memref<16x128xf32, #tpu.memory_space<vmem>>, vector<1x16xf32>,
            %swap3A_431 = vector.shape_cast %swap3A_430 : vector<1x16xf32> to vector<16xf32>
            %swap3A_432 = vector.shape_cast %broadcast_in_dim3A_11 : vector<16xf32> to vector<1x16xf32>
            tpu.vector_store %arg12[%swap3A_428, %swap3A_429], %swap3A_432 {strides = array<i32>} : memref<16x128xf32, #tpu.memory_space<vmem>>, vector<1x16xf32>,
            %swap3A_433 = arith.constant 0 : i32
            %swap3A_434 = arith.index_cast %swap3A_433 : i32 to index
            %swap3A_435 = arith.constant 112 : index
            %swap3A_436 = tpu.vector_load %arg12[%swap3A_434, %swap3A_435] {strides = array<i32>} : memref<16x128xf32, #tpu.memory_space<vmem>>, vector<1x16xf32>,
            %swap3A_437 = vector.shape_cast %swap3A_436 : vector<1x16xf32> to vector<16xf32>
            %swap3A_438 = vector.shape_cast %broadcast_in_dim3A_11 : vector<16xf32> to vector<1x16xf32>
            tpu.vector_store %arg12[%swap3A_434, %swap3A_435], %swap3A_438 {strides = array<i32>} : memref<16x128xf32, #tpu.memory_space<vmem>>, vector<1x16xf32>,
            %swap3A_439 = arith.constant 1 : i32
            %swap3A_440 = arith.index_cast %swap3A_439 : i32 to index
            %swap3A_441 = arith.constant 0 : index
            %swap3A_442 = tpu.vector_load %arg12[%swap3A_440, %swap3A_441] {strides = array<i32>} : memref<16x128xf32, #tpu.memory_space<vmem>>, vector<1x16xf32>,
            %swap3A_443 = vector.shape_cast %swap3A_442 : vector<1x16xf32> to vector<16xf32>
            %swap3A_444 = vector.shape_cast %broadcast_in_dim3A_11 : vector<16xf32> to vector<1x16xf32>
            tpu.vector_store %arg12[%swap3A_440, %swap3A_441], %swap3A_444 {strides = array<i32>} : memref<16x128xf32, #tpu.memory_space<vmem>>, vector<1x16xf32>,
            %swap3A_445 = arith.constant 1 : i32
            %swap3A_446 = arith.index_cast %swap3A_445 : i32 to index
            %swap3A_447 = arith.constant 16 : index
            %swap3A_448 = tpu.vector_load %arg12[%swap3A_446, %swap3A_447] {strides = array<i32>} : memref<16x128xf32, #tpu.memory_space<vmem>>, vector<1x16xf32>,
            %swap3A_449 = vector.shape_cast %swap3A_448 : vector<1x16xf32> to vector<16xf32>
            %swap3A_450 = vector.shape_cast %broadcast_in_dim3A_11 : vector<16xf32> to vector<1x16xf32>
            tpu.vector_store %arg12[%swap3A_446, %swap3A_447], %swap3A_450 {strides = array<i32>} : memref<16x128xf32, #tpu.memory_space<vmem>>, vector<1x16xf32>,
            %swap3A_451 = arith.constant 1 : i32
            %swap3A_452 = arith.index_cast %swap3A_451 : i32 to index
            %swap3A_453 = arith.constant 32 : index
            %swap3A_454 = tpu.vector_load %arg12[%swap3A_452, %swap3A_453] {strides = array<i32>} : memref<16x128xf32, #tpu.memory_space<vmem>>, vector<1x16xf32>,
            %swap3A_455 = vector.shape_cast %swap3A_454 : vector<1x16xf32> to vector<16xf32>
            %swap3A_456 = vector.shape_cast %broadcast_in_dim3A_11 : vector<16xf32> to vector<1x16xf32>
            tpu.vector_store %arg12[%swap3A_452, %swap3A_453], %swap3A_456 {strides = array<i32>} : memref<16x128xf32, #tpu.memory_space<vmem>>, vector<1x16xf32>,
            %swap3A_457 = arith.constant 1 : i32
            %swap3A_458 = arith.index_cast %swap3A_457 : i32 to index
            %swap3A_459 = arith.constant 48 : index
            %swap3A_460 = tpu.vector_load %arg12[%swap3A_458, %swap3A_459] {strides = array<i32>} : memref<16x128xf32, #tpu.memory_space<vmem>>, vector<1x16xf32>,
            %swap3A_461 = vector.shape_cast %swap3A_460 : vector<1x16xf32> to vector<16xf32>
            %swap3A_462 = vector.shape_cast %broadcast_in_dim3A_11 : vector<16xf32> to vector<1x16xf32>
            tpu.vector_store %arg12[%swap3A_458, %swap3A_459], %swap3A_462 {strides = array<i32>} : memref<16x128xf32, #tpu.memory_space<vmem>>, vector<1x16xf32>,
            %swap3A_463 = arith.constant 1 : i32
            %swap3A_464 = arith.index_cast %swap3A_463 : i32 to index
            %swap3A_465 = arith.constant 64 : index
            %swap3A_466 = tpu.vector_load %arg12[%swap3A_464, %swap3A_465] {strides = array<i32>} : memref<16x128xf32, #tpu.memory_space<vmem>>, vector<1x16xf32>,
            %swap3A_467 = vector.shape_cast %swap3A_466 : vector<1x16xf32> to vector<16xf32>
            %swap3A_468 = vector.shape_cast %broadcast_in_dim3A_11 : vector<16xf32> to vector<1x16xf32>
            tpu.vector_store %arg12[%swap3A_464, %swap3A_465], %swap3A_468 {strides = array<i32>} : memref<16x128xf32, #tpu.memory_space<vmem>>, vector<1x16xf32>,
            %swap3A_469 = arith.constant 1 : i32
            %swap3A_470 = arith.index_cast %swap3A_469 : i32 to index
            %swap3A_471 = arith.constant 80 : index
            %swap3A_472 = tpu.vector_load %arg12[%swap3A_470, %swap3A_471] {strides = array<i32>} : memref<16x128xf32, #tpu.memory_space<vmem>>, vector<1x16xf32>,
            %swap3A_473 = vector.shape_cast %swap3A_472 : vector<1x16xf32> to vector<16xf32>
            %swap3A_474 = vector.shape_cast %broadcast_in_dim3A_11 : vector<16xf32> to vector<1x16xf32>
            tpu.vector_store %arg12[%swap3A_470, %swap3A_471], %swap3A_474 {strides = array<i32>} : memref<16x128xf32, #tpu.memory_space<vmem>>, vector<1x16xf32>,
            %swap3A_475 = arith.constant 1 : i32
            %swap3A_476 = arith.index_cast %swap3A_475 : i32 to index
            %swap3A_477 = arith.constant 96 : index
            %swap3A_478 = tpu.vector_load %arg12[%swap3A_476, %swap3A_477] {strides = array<i32>} : memref<16x128xf32, #tpu.memory_space<vmem>>, vector<1x16xf32>,
            %swap3A_479 = vector.shape_cast %swap3A_478 : vector<1x16xf32> to vector<16xf32>
            %swap3A_480 = vector.shape_cast %broadcast_in_dim3A_11 : vector<16xf32> to vector<1x16xf32>
            tpu.vector_store %arg12[%swap3A_476, %swap3A_477], %swap3A_480 {strides = array<i32>} : memref<16x128xf32, #tpu.memory_space<vmem>>, vector<1x16xf32>,
            %swap3A_481 = arith.constant 1 : i32
            %swap3A_482 = arith.index_cast %swap3A_481 : i32 to index
            %swap3A_483 = arith.constant 112 : index
            %swap3A_484 = tpu.vector_load %arg12[%swap3A_482, %swap3A_483] {strides = array<i32>} : memref<16x128xf32, #tpu.memory_space<vmem>>, vector<1x16xf32>,
            %swap3A_485 = vector.shape_cast %swap3A_484 : vector<1x16xf32> to vector<16xf32>
            %swap3A_486 = vector.shape_cast %broadcast_in_dim3A_11 : vector<16xf32> to vector<1x16xf32>
            tpu.vector_store %arg12[%swap3A_482, %swap3A_483], %swap3A_486 {strides = array<i32>} : memref<16x128xf32, #tpu.memory_space<vmem>>, vector<1x16xf32>,
            %swap3A_487 = arith.constant 2 : i32
            %swap3A_488 = arith.index_cast %swap3A_487 : i32 to index
            %swap3A_489 = arith.constant 0 : index
            %swap3A_490 = tpu.vector_load %arg12[%swap3A_488, %swap3A_489] {strides = array<i32>} : memref<16x128xf32, #tpu.memory_space<vmem>>, vector<1x16xf32>,
            %swap3A_491 = vector.shape_cast %swap3A_490 : vector<1x16xf32> to vector<16xf32>
            %swap3A_492 = vector.shape_cast %broadcast_in_dim3A_11 : vector<16xf32> to vector<1x16xf32>
            tpu.vector_store %arg12[%swap3A_488, %swap3A_489], %swap3A_492 {strides = array<i32>} : memref<16x128xf32, #tpu.memory_space<vmem>>, vector<1x16xf32>,
            %swap3A_493 = arith.constant 2 : i32
            %swap3A_494 = arith.index_cast %swap3A_493 : i32 to index
            %swap3A_495 = arith.constant 16 : index
            %swap3A_496 = tpu.vector_load %arg12[%swap3A_494, %swap3A_495] {strides = array<i32>} : memref<16x128xf32, #tpu.memory_space<vmem>>, vector<1x16xf32>,
            %swap3A_497 = vector.shape_cast %swap3A_496 : vector<1x16xf32> to vector<16xf32>
            %swap3A_498 = vector.shape_cast %broadcast_in_dim3A_11 : vector<16xf32> to vector<1x16xf32>
            tpu.vector_store %arg12[%swap3A_494, %swap3A_495], %swap3A_498 {strides = array<i32>} : memref<16x128xf32, #tpu.memory_space<vmem>>, vector<1x16xf32>,
            %swap3A_499 = arith.constant 2 : i32
            %swap3A_500 = arith.index_cast %swap3A_499 : i32 to index
            %swap3A_501 = arith.constant 32 : index
            %swap3A_502 = tpu.vector_load %arg12[%swap3A_500, %swap3A_501] {strides = array<i32>} : memref<16x128xf32, #tpu.memory_space<vmem>>, vector<1x16xf32>,
            %swap3A_503 = vector.shape_cast %swap3A_502 : vector<1x16xf32> to vector<16xf32>
            %swap3A_504 = vector.shape_cast %broadcast_in_dim3A_11 : vector<16xf32> to vector<1x16xf32>
            tpu.vector_store %arg12[%swap3A_500, %swap3A_501], %swap3A_504 {strides = array<i32>} : memref<16x128xf32, #tpu.memory_space<vmem>>, vector<1x16xf32>,
            %swap3A_505 = arith.constant 2 : i32
            %swap3A_506 = arith.index_cast %swap3A_505 : i32 to index
            %swap3A_507 = arith.constant 48 : index
            %swap3A_508 = tpu.vector_load %arg12[%swap3A_506, %swap3A_507] {strides = array<i32>} : memref<16x128xf32, #tpu.memory_space<vmem>>, vector<1x16xf32>,
            %swap3A_509 = vector.shape_cast %swap3A_508 : vector<1x16xf32> to vector<16xf32>
            %swap3A_510 = vector.shape_cast %broadcast_in_dim3A_11 : vector<16xf32> to vector<1x16xf32>
            tpu.vector_store %arg12[%swap3A_506, %swap3A_507], %swap3A_510 {strides = array<i32>} : memref<16x128xf32, #tpu.memory_space<vmem>>, vector<1x16xf32>,
            %swap3A_511 = arith.constant 2 : i32
            %swap3A_512 = arith.index_cast %swap3A_511 : i32 to index
            %swap3A_513 = arith.constant 64 : index
            %swap3A_514 = tpu.vector_load %arg12[%swap3A_512, %swap3A_513] {strides = array<i32>} : memref<16x128xf32, #tpu.memory_space<vmem>>, vector<1x16xf32>,
            %swap3A_515 = vector.shape_cast %swap3A_514 : vector<1x16xf32> to vector<16xf32>
            %swap3A_516 = vector.shape_cast %broadcast_in_dim3A_11 : vector<16xf32> to vector<1x16xf32>
            tpu.vector_store %arg12[%swap3A_512, %swap3A_513], %swap3A_516 {strides = array<i32>} : memref<16x128xf32, #tpu.memory_space<vmem>>, vector<1x16xf32>,
            %swap3A_517 = arith.constant 2 : i32
            %swap3A_518 = arith.index_cast %swap3A_517 : i32 to index
            %swap3A_519 = arith.constant 80 : index
            %swap3A_520 = tpu.vector_load %arg12[%swap3A_518, %swap3A_519] {strides = array<i32>} : memref<16x128xf32, #tpu.memory_space<vmem>>, vector<1x16xf32>,
            %swap3A_521 = vector.shape_cast %swap3A_520 : vector<1x16xf32> to vector<16xf32>
            %swap3A_522 = vector.shape_cast %broadcast_in_dim3A_11 : vector<16xf32> to vector<1x16xf32>
            tpu.vector_store %arg12[%swap3A_518, %swap3A_519], %swap3A_522 {strides = array<i32>} : memref<16x128xf32, #tpu.memory_space<vmem>>, vector<1x16xf32>,
            %swap3A_523 = arith.constant 2 : i32
            %swap3A_524 = arith.index_cast %swap3A_523 : i32 to index
            %swap3A_525 = arith.constant 96 : index
            %swap3A_526 = tpu.vector_load %arg12[%swap3A_524, %swap3A_525] {strides = array<i32>} : memref<16x128xf32, #tpu.memory_space<vmem>>, vector<1x16xf32>,
            %swap3A_527 = vector.shape_cast %swap3A_526 : vector<1x16xf32> to vector<16xf32>
            %swap3A_528 = vector.shape_cast %broadcast_in_dim3A_11 : vector<16xf32> to vector<1x16xf32>
            tpu.vector_store %arg12[%swap3A_524, %swap3A_525], %swap3A_528 {strides = array<i32>} : memref<16x128xf32, #tpu.memory_space<vmem>>, vector<1x16xf32>,
            %swap3A_529 = arith.constant 2 : i32
            %swap3A_530 = arith.index_cast %swap3A_529 : i32 to index
            %swap3A_531 = arith.constant 112 : index
            %swap3A_532 = tpu.vector_load %arg12[%swap3A_530, %swap3A_531] {strides = array<i32>} : memref<16x128xf32, #tpu.memory_space<vmem>>, vector<1x16xf32>,
            %swap3A_533 = vector.shape_cast %swap3A_532 : vector<1x16xf32> to vector<16xf32>
            %swap3A_534 = vector.shape_cast %broadcast_in_dim3A_11 : vector<16xf32> to vector<1x16xf32>
            tpu.vector_store %arg12[%swap3A_530, %swap3A_531], %swap3A_534 {strides = array<i32>} : memref<16x128xf32, #tpu.memory_space<vmem>>, vector<1x16xf32>,
            %swap3A_535 = arith.constant 3 : i32
            %swap3A_536 = arith.index_cast %swap3A_535 : i32 to index
            %swap3A_537 = arith.constant 0 : index
            %swap3A_538 = tpu.vector_load %arg12[%swap3A_536, %swap3A_537] {strides = array<i32>} : memref<16x128xf32, #tpu.memory_space<vmem>>, vector<1x16xf32>,
            %swap3A_539 = vector.shape_cast %swap3A_538 : vector<1x16xf32> to vector<16xf32>
            %swap3A_540 = vector.shape_cast %broadcast_in_dim3A_11 : vector<16xf32> to vector<1x16xf32>
            tpu.vector_store %arg12[%swap3A_536, %swap3A_537], %swap3A_540 {strides = array<i32>} : memref<16x128xf32, #tpu.memory_space<vmem>>, vector<1x16xf32>,
            %swap3A_541 = arith.constant 3 : i32
            %swap3A_542 = arith.index_cast %swap3A_541 : i32 to index
            %swap3A_543 = arith.constant 16 : index
            %swap3A_544 = tpu.vector_load %arg12[%swap3A_542, %swap3A_543] {strides = array<i32>} : memref<16x128xf32, #tpu.memory_space<vmem>>, vector<1x16xf32>,
            %swap3A_545 = vector.shape_cast %swap3A_544 : vector<1x16xf32> to vector<16xf32>
            %swap3A_546 = vector.shape_cast %broadcast_in_dim3A_11 : vector<16xf32> to vector<1x16xf32>
            tpu.vector_store %arg12[%swap3A_542, %swap3A_543], %swap3A_546 {strides = array<i32>} : memref<16x128xf32, #tpu.memory_space<vmem>>, vector<1x16xf32>,
            %swap3A_547 = arith.constant 3 : i32
            %swap3A_548 = arith.index_cast %swap3A_547 : i32 to index
            %swap3A_549 = arith.constant 32 : index
            %swap3A_550 = tpu.vector_load %arg12[%swap3A_548, %swap3A_549] {strides = array<i32>} : memref<16x128xf32, #tpu.memory_space<vmem>>, vector<1x16xf32>,
            %swap3A_551 = vector.shape_cast %swap3A_550 : vector<1x16xf32> to vector<16xf32>
            %swap3A_552 = vector.shape_cast %broadcast_in_dim3A_11 : vector<16xf32> to vector<1x16xf32>
            tpu.vector_store %arg12[%swap3A_548, %swap3A_549], %swap3A_552 {strides = array<i32>} : memref<16x128xf32, #tpu.memory_space<vmem>>, vector<1x16xf32>,
            %swap3A_553 = arith.constant 3 : i32
            %swap3A_554 = arith.index_cast %swap3A_553 : i32 to index
            %swap3A_555 = arith.constant 48 : index
            %swap3A_556 = tpu.vector_load %arg12[%swap3A_554, %swap3A_555] {strides = array<i32>} : memref<16x128xf32, #tpu.memory_space<vmem>>, vector<1x16xf32>,
            %swap3A_557 = vector.shape_cast %swap3A_556 : vector<1x16xf32> to vector<16xf32>
            %swap3A_558 = vector.shape_cast %broadcast_in_dim3A_11 : vector<16xf32> to vector<1x16xf32>
            tpu.vector_store %arg12[%swap3A_554, %swap3A_555], %swap3A_558 {strides = array<i32>} : memref<16x128xf32, #tpu.memory_space<vmem>>, vector<1x16xf32>,
            %swap3A_559 = arith.constant 3 : i32
            %swap3A_560 = arith.index_cast %swap3A_559 : i32 to index
            %swap3A_561 = arith.constant 64 : index
            %swap3A_562 = tpu.vector_load %arg12[%swap3A_560, %swap3A_561] {strides = array<i32>} : memref<16x128xf32, #tpu.memory_space<vmem>>, vector<1x16xf32>,
            %swap3A_563 = vector.shape_cast %swap3A_562 : vector<1x16xf32> to vector<16xf32>
            %swap3A_564 = vector.shape_cast %broadcast_in_dim3A_11 : vector<16xf32> to vector<1x16xf32>
            tpu.vector_store %arg12[%swap3A_560, %swap3A_561], %swap3A_564 {strides = array<i32>} : memref<16x128xf32, #tpu.memory_space<vmem>>, vector<1x16xf32>,
            %swap3A_565 = arith.constant 3 : i32
            %swap3A_566 = arith.index_cast %swap3A_565 : i32 to index
            %swap3A_567 = arith.constant 80 : index
            %swap3A_568 = tpu.vector_load %arg12[%swap3A_566, %swap3A_567] {strides = array<i32>} : memref<16x128xf32, #tpu.memory_space<vmem>>, vector<1x16xf32>,
            %swap3A_569 = vector.shape_cast %swap3A_568 : vector<1x16xf32> to vector<16xf32>
            %swap3A_570 = vector.shape_cast %broadcast_in_dim3A_11 : vector<16xf32> to vector<1x16xf32>
            tpu.vector_store %arg12[%swap3A_566, %swap3A_567], %swap3A_570 {strides = array<i32>} : memref<16x128xf32, #tpu.memory_space<vmem>>, vector<1x16xf32>,
            %swap3A_571 = arith.constant 3 : i32
            %swap3A_572 = arith.index_cast %swap3A_571 : i32 to index
            %swap3A_573 = arith.constant 96 : index
            %swap3A_574 = tpu.vector_load %arg12[%swap3A_572, %swap3A_573] {strides = array<i32>} : memref<16x128xf32, #tpu.memory_space<vmem>>, vector<1x16xf32>,
            %swap3A_575 = vector.shape_cast %swap3A_574 : vector<1x16xf32> to vector<16xf32>
            %swap3A_576 = vector.shape_cast %broadcast_in_dim3A_11 : vector<16xf32> to vector<1x16xf32>
            tpu.vector_store %arg12[%swap3A_572, %swap3A_573], %swap3A_576 {strides = array<i32>} : memref<16x128xf32, #tpu.memory_space<vmem>>, vector<1x16xf32>,
            %swap3A_577 = arith.constant 3 : i32
            %swap3A_578 = arith.index_cast %swap3A_577 : i32 to index
            %swap3A_579 = arith.constant 112 : index
            %swap3A_580 = tpu.vector_load %arg12[%swap3A_578, %swap3A_579] {strides = array<i32>} : memref<16x128xf32, #tpu.memory_space<vmem>>, vector<1x16xf32>,
            %swap3A_581 = vector.shape_cast %swap3A_580 : vector<1x16xf32> to vector<16xf32>
            %swap3A_582 = vector.shape_cast %broadcast_in_dim3A_11 : vector<16xf32> to vector<1x16xf32>
            tpu.vector_store %arg12[%swap3A_578, %swap3A_579], %swap3A_582 {strides = array<i32>} : memref<16x128xf32, #tpu.memory_space<vmem>>, vector<1x16xf32>,
          } else {
          }
          %scan3A_186 = arith.constant 0 : i32
          %scan3A_187 = arith.constant 20 : i32
          %scan3A_188 = arith.addi %scan3A_186, %scan3A_187 : i32
          %scan3A_189 = arith.constant 1 : i32
          %scan3A_190:32 = scf.for %scan3A_383 = %scan3A_186 to %scan3A_188 step %scan3A_189 iter_args(%scan3A_384 = %broadcast_in_dim3A_11, %scan3A_385 = %broadcast_in_dim3A_11, %scan3A_386 = %broadcast_in_dim3A_11, %scan3A_387 = %broadcast_in_dim3A_11, %scan3A_388 = %broadcast_in_dim3A_11, %scan3A_389 = %broadcast_in_dim3A_11, %scan3A_390 = %broadcast_in_dim3A_11, %scan3A_391 = %broadcast_in_dim3A_11, %scan3A_392 = %broadcast_in_dim3A_11, %scan3A_393 = %broadcast_in_dim3A_11, %scan3A_394 = %broadcast_in_dim3A_11, %scan3A_395 = %broadcast_in_dim3A_11, %scan3A_396 = %broadcast_in_dim3A_11, %scan3A_397 = %broadcast_in_dim3A_11, %scan3A_398 = %broadcast_in_dim3A_11, %scan3A_399 = %broadcast_in_dim3A_11, %scan3A_400 = %broadcast_in_dim3A_11, %scan3A_401 = %broadcast_in_dim3A_11, %scan3A_402 = %broadcast_in_dim3A_11, %scan3A_403 = %broadcast_in_dim3A_11, %scan3A_404 = %broadcast_in_dim3A_11, %scan3A_405 = %broadcast_in_dim3A_11, %scan3A_406 = %broadcast_in_dim3A_11, %scan3A_407 = %broadcast_in_dim3A_11, %scan3A_408 = %broadcast_in_dim3A_11, %scan3A_409 = %broadcast_in_dim3A_11, %scan3A_410 = %broadcast_in_dim3A_11, %scan3A_411 = %broadcast_in_dim3A_11, %scan3A_412 = %broadcast_in_dim3A_11, %scan3A_413 = %broadcast_in_dim3A_11, %scan3A_414 = %broadcast_in_dim3A_11, %scan3A_415 = %broadcast_in_dim3A_11) -> (vector<16xf32>, vector<16xf32>, vector<16xf32>, vector<16xf32>, vector<16xf32>, vector<16xf32>, vector<16xf32>, vector<16xf32>, vector<16xf32>, vector<16xf32>, vector<16xf32>, vector<16xf32>, vector<16xf32>, vector<16xf32>, vector<16xf32>, vector<16xf32>, vector<16xf32>, vector<16xf32>, vector<16xf32>, vector<16xf32>, vector<16xf32>, vector<16xf32>, vector<16xf32>, vector<16xf32>, vector<16xf32>, vector<16xf32>, vector<16xf32>, vector<16xf32>, vector<16xf32>, vector<16xf32>, vector<16xf32>, vector<16xf32>)  : i32 {
            %mul3A_416 = arith.constant 4 : i32
            %mul3A_417 = arith.muli %scan3A_383, %mul3A_416 : i32
            %add3A_418 = arith.constant 0 : i32
            %add3A_419 = arith.addi %mul3A_417, %add3A_418 : i32
            %get3A_420 = arith.index_cast %add3A_419 : i32 to index
            %get3A_421 = arith.constant 0 : index
            %get3A_422 = tpu.vector_load %arg10[%get3A_420, %get3A_421] {strides = array<i32>} : memref<80x128xf32, #tpu.memory_space<vmem>>, vector<1x16xf32>,
            %get3A_423 = vector.shape_cast %get3A_422 : vector<1x16xf32> to vector<16xf32>
            %add3A_424 = arith.addf %scan3A_384, %get3A_423 : vector<16xf32>
            %get3A_425 = arith.index_cast %add3A_419 : i32 to index
            %get3A_426 = arith.constant 16 : index
            %get3A_427 = tpu.vector_load %arg10[%get3A_425, %get3A_426] {strides = array<i32>} : memref<80x128xf32, #tpu.memory_space<vmem>>, vector<1x16xf32>,
            %get3A_428 = vector.shape_cast %get3A_427 : vector<1x16xf32> to vector<16xf32>
            %add3A_429 = arith.addf %scan3A_385, %get3A_428 : vector<16xf32>
            %get3A_430 = arith.index_cast %add3A_419 : i32 to index
            %get3A_431 = arith.constant 32 : index
            %get3A_432 = tpu.vector_load %arg10[%get3A_430, %get3A_431] {strides = array<i32>} : memref<80x128xf32, #tpu.memory_space<vmem>>, vector<1x16xf32>,
            %get3A_433 = vector.shape_cast %get3A_432 : vector<1x16xf32> to vector<16xf32>
            %add3A_434 = arith.addf %scan3A_386, %get3A_433 : vector<16xf32>
            %get3A_435 = arith.index_cast %add3A_419 : i32 to index
            %get3A_436 = arith.constant 48 : index
            %get3A_437 = tpu.vector_load %arg10[%get3A_435, %get3A_436] {strides = array<i32>} : memref<80x128xf32, #tpu.memory_space<vmem>>, vector<1x16xf32>,
            %get3A_438 = vector.shape_cast %get3A_437 : vector<1x16xf32> to vector<16xf32>
            %add3A_439 = arith.addf %scan3A_387, %get3A_438 : vector<16xf32>
            %get3A_440 = arith.index_cast %add3A_419 : i32 to index
            %get3A_441 = arith.constant 64 : index
            %get3A_442 = tpu.vector_load %arg10[%get3A_440, %get3A_441] {strides = array<i32>} : memref<80x128xf32, #tpu.memory_space<vmem>>, vector<1x16xf32>,
            %get3A_443 = vector.shape_cast %get3A_442 : vector<1x16xf32> to vector<16xf32>
            %add3A_444 = arith.addf %scan3A_388, %get3A_443 : vector<16xf32>
            %get3A_445 = arith.index_cast %add3A_419 : i32 to index
            %get3A_446 = arith.constant 80 : index
            %get3A_447 = tpu.vector_load %arg10[%get3A_445, %get3A_446] {strides = array<i32>} : memref<80x128xf32, #tpu.memory_space<vmem>>, vector<1x16xf32>,
            %get3A_448 = vector.shape_cast %get3A_447 : vector<1x16xf32> to vector<16xf32>
            %add3A_449 = arith.addf %scan3A_389, %get3A_448 : vector<16xf32>
            %get3A_450 = arith.index_cast %add3A_419 : i32 to index
            %get3A_451 = arith.constant 96 : index
            %get3A_452 = tpu.vector_load %arg10[%get3A_450, %get3A_451] {strides = array<i32>} : memref<80x128xf32, #tpu.memory_space<vmem>>, vector<1x16xf32>,
            %get3A_453 = vector.shape_cast %get3A_452 : vector<1x16xf32> to vector<16xf32>
            %add3A_454 = arith.addf %scan3A_390, %get3A_453 : vector<16xf32>
            %get3A_455 = arith.index_cast %add3A_419 : i32 to index
            %get3A_456 = arith.constant 112 : index
            %get3A_457 = tpu.vector_load %arg10[%get3A_455, %get3A_456] {strides = array<i32>} : memref<80x128xf32, #tpu.memory_space<vmem>>, vector<1x16xf32>,
            %get3A_458 = vector.shape_cast %get3A_457 : vector<1x16xf32> to vector<16xf32>
            %add3A_459 = arith.addf %scan3A_391, %get3A_458 : vector<16xf32>
            %mul3A_460 = arith.constant 4 : i32
            %mul3A_461 = arith.muli %scan3A_383, %mul3A_460 : i32
            %add3A_462 = arith.constant 1 : i32
            %add3A_463 = arith.addi %mul3A_461, %add3A_462 : i32
            %get3A_464 = arith.index_cast %add3A_463 : i32 to index
            %get3A_465 = arith.constant 0 : index
            %get3A_466 = tpu.vector_load %arg10[%get3A_464, %get3A_465] {strides = array<i32>} : memref<80x128xf32, #tpu.memory_space<vmem>>, vector<1x16xf32>,
            %get3A_467 = vector.shape_cast %get3A_466 : vector<1x16xf32> to vector<16xf32>
            %add3A_468 = arith.addf %scan3A_392, %get3A_467 : vector<16xf32>
            %get3A_469 = arith.index_cast %add3A_463 : i32 to index
            %get3A_470 = arith.constant 16 : index
            %get3A_471 = tpu.vector_load %arg10[%get3A_469, %get3A_470] {strides = array<i32>} : memref<80x128xf32, #tpu.memory_space<vmem>>, vector<1x16xf32>,
            %get3A_472 = vector.shape_cast %get3A_471 : vector<1x16xf32> to vector<16xf32>
            %add3A_473 = arith.addf %scan3A_393, %get3A_472 : vector<16xf32>
            %get3A_474 = arith.index_cast %add3A_463 : i32 to index
            %get3A_475 = arith.constant 32 : index
            %get3A_476 = tpu.vector_load %arg10[%get3A_474, %get3A_475] {strides = array<i32>} : memref<80x128xf32, #tpu.memory_space<vmem>>, vector<1x16xf32>,
            %get3A_477 = vector.shape_cast %get3A_476 : vector<1x16xf32> to vector<16xf32>
            %add3A_478 = arith.addf %scan3A_394, %get3A_477 : vector<16xf32>
            %get3A_479 = arith.index_cast %add3A_463 : i32 to index
            %get3A_480 = arith.constant 48 : index
            %get3A_481 = tpu.vector_load %arg10[%get3A_479, %get3A_480] {strides = array<i32>} : memref<80x128xf32, #tpu.memory_space<vmem>>, vector<1x16xf32>,
            %get3A_482 = vector.shape_cast %get3A_481 : vector<1x16xf32> to vector<16xf32>
            %add3A_483 = arith.addf %scan3A_395, %get3A_482 : vector<16xf32>
            %get3A_484 = arith.index_cast %add3A_463 : i32 to index
            %get3A_485 = arith.constant 64 : index
            %get3A_486 = tpu.vector_load %arg10[%get3A_484, %get3A_485] {strides = array<i32>} : memref<80x128xf32, #tpu.memory_space<vmem>>, vector<1x16xf32>,
            %get3A_487 = vector.shape_cast %get3A_486 : vector<1x16xf32> to vector<16xf32>
            %add3A_488 = arith.addf %scan3A_396, %get3A_487 : vector<16xf32>
            %get3A_489 = arith.index_cast %add3A_463 : i32 to index
            %get3A_490 = arith.constant 80 : index
            %get3A_491 = tpu.vector_load %arg10[%get3A_489, %get3A_490] {strides = array<i32>} : memref<80x128xf32, #tpu.memory_space<vmem>>, vector<1x16xf32>,
            %get3A_492 = vector.shape_cast %get3A_491 : vector<1x16xf32> to vector<16xf32>
            %add3A_493 = arith.addf %scan3A_397, %get3A_492 : vector<16xf32>
            %get3A_494 = arith.index_cast %add3A_463 : i32 to index
            %get3A_495 = arith.constant 96 : index
            %get3A_496 = tpu.vector_load %arg10[%get3A_494, %get3A_495] {strides = array<i32>} : memref<80x128xf32, #tpu.memory_space<vmem>>, vector<1x16xf32>,
            %get3A_497 = vector.shape_cast %get3A_496 : vector<1x16xf32> to vector<16xf32>
            %add3A_498 = arith.addf %scan3A_398, %get3A_497 : vector<16xf32>
            %get3A_499 = arith.index_cast %add3A_463 : i32 to index
            %get3A_500 = arith.constant 112 : index
            %get3A_501 = tpu.vector_load %arg10[%get3A_499, %get3A_500] {strides = array<i32>} : memref<80x128xf32, #tpu.memory_space<vmem>>, vector<1x16xf32>,
            %get3A_502 = vector.shape_cast %get3A_501 : vector<1x16xf32> to vector<16xf32>
            %add3A_503 = arith.addf %scan3A_399, %get3A_502 : vector<16xf32>
            %mul3A_504 = arith.constant 4 : i32
            %mul3A_505 = arith.muli %scan3A_383, %mul3A_504 : i32
            %add3A_506 = arith.constant 2 : i32
            %add3A_507 = arith.addi %mul3A_505, %add3A_506 : i32
            %get3A_508 = arith.index_cast %add3A_507 : i32 to index
            %get3A_509 = arith.constant 0 : index
            %get3A_510 = tpu.vector_load %arg10[%get3A_508, %get3A_509] {strides = array<i32>} : memref<80x128xf32, #tpu.memory_space<vmem>>, vector<1x16xf32>,
            %get3A_511 = vector.shape_cast %get3A_510 : vector<1x16xf32> to vector<16xf32>
            %add3A_512 = arith.addf %scan3A_400, %get3A_511 : vector<16xf32>
            %get3A_513 = arith.index_cast %add3A_507 : i32 to index
            %get3A_514 = arith.constant 16 : index
            %get3A_515 = tpu.vector_load %arg10[%get3A_513, %get3A_514] {strides = array<i32>} : memref<80x128xf32, #tpu.memory_space<vmem>>, vector<1x16xf32>,
            %get3A_516 = vector.shape_cast %get3A_515 : vector<1x16xf32> to vector<16xf32>
            %add3A_517 = arith.addf %scan3A_401, %get3A_516 : vector<16xf32>
            %get3A_518 = arith.index_cast %add3A_507 : i32 to index
            %get3A_519 = arith.constant 32 : index
            %get3A_520 = tpu.vector_load %arg10[%get3A_518, %get3A_519] {strides = array<i32>} : memref<80x128xf32, #tpu.memory_space<vmem>>, vector<1x16xf32>,
            %get3A_521 = vector.shape_cast %get3A_520 : vector<1x16xf32> to vector<16xf32>
            %add3A_522 = arith.addf %scan3A_402, %get3A_521 : vector<16xf32>
            %get3A_523 = arith.index_cast %add3A_507 : i32 to index
            %get3A_524 = arith.constant 48 : index
            %get3A_525 = tpu.vector_load %arg10[%get3A_523, %get3A_524] {strides = array<i32>} : memref<80x128xf32, #tpu.memory_space<vmem>>, vector<1x16xf32>,
            %get3A_526 = vector.shape_cast %get3A_525 : vector<1x16xf32> to vector<16xf32>
            %add3A_527 = arith.addf %scan3A_403, %get3A_526 : vector<16xf32>
            %get3A_528 = arith.index_cast %add3A_507 : i32 to index
            %get3A_529 = arith.constant 64 : index
            %get3A_530 = tpu.vector_load %arg10[%get3A_528, %get3A_529] {strides = array<i32>} : memref<80x128xf32, #tpu.memory_space<vmem>>, vector<1x16xf32>,
            %get3A_531 = vector.shape_cast %get3A_530 : vector<1x16xf32> to vector<16xf32>
            %add3A_532 = arith.addf %scan3A_404, %get3A_531 : vector<16xf32>
            %get3A_533 = arith.index_cast %add3A_507 : i32 to index
            %get3A_534 = arith.constant 80 : index
            %get3A_535 = tpu.vector_load %arg10[%get3A_533, %get3A_534] {strides = array<i32>} : memref<80x128xf32, #tpu.memory_space<vmem>>, vector<1x16xf32>,
            %get3A_536 = vector.shape_cast %get3A_535 : vector<1x16xf32> to vector<16xf32>
            %add3A_537 = arith.addf %scan3A_405, %get3A_536 : vector<16xf32>
            %get3A_538 = arith.index_cast %add3A_507 : i32 to index
            %get3A_539 = arith.constant 96 : index
            %get3A_540 = tpu.vector_load %arg10[%get3A_538, %get3A_539] {strides = array<i32>} : memref<80x128xf32, #tpu.memory_space<vmem>>, vector<1x16xf32>,
            %get3A_541 = vector.shape_cast %get3A_540 : vector<1x16xf32> to vector<16xf32>
            %add3A_542 = arith.addf %scan3A_406, %get3A_541 : vector<16xf32>
            %get3A_543 = arith.index_cast %add3A_507 : i32 to index
            %get3A_544 = arith.constant 112 : index
            %get3A_545 = tpu.vector_load %arg10[%get3A_543, %get3A_544] {strides = array<i32>} : memref<80x128xf32, #tpu.memory_space<vmem>>, vector<1x16xf32>,
            %get3A_546 = vector.shape_cast %get3A_545 : vector<1x16xf32> to vector<16xf32>
            %add3A_547 = arith.addf %scan3A_407, %get3A_546 : vector<16xf32>
            %mul3A_548 = arith.constant 4 : i32
            %mul3A_549 = arith.muli %scan3A_383, %mul3A_548 : i32
            %add3A_550 = arith.constant 3 : i32
            %add3A_551 = arith.addi %mul3A_549, %add3A_550 : i32
            %get3A_552 = arith.index_cast %add3A_551 : i32 to index
            %get3A_553 = arith.constant 0 : index
            %get3A_554 = tpu.vector_load %arg10[%get3A_552, %get3A_553] {strides = array<i32>} : memref<80x128xf32, #tpu.memory_space<vmem>>, vector<1x16xf32>,
            %get3A_555 = vector.shape_cast %get3A_554 : vector<1x16xf32> to vector<16xf32>
            %add3A_556 = arith.addf %scan3A_408, %get3A_555 : vector<16xf32>
            %get3A_557 = arith.index_cast %add3A_551 : i32 to index
            %get3A_558 = arith.constant 16 : index
            %get3A_559 = tpu.vector_load %arg10[%get3A_557, %get3A_558] {strides = array<i32>} : memref<80x128xf32, #tpu.memory_space<vmem>>, vector<1x16xf32>,
            %get3A_560 = vector.shape_cast %get3A_559 : vector<1x16xf32> to vector<16xf32>
            %add3A_561 = arith.addf %scan3A_409, %get3A_560 : vector<16xf32>
            %get3A_562 = arith.index_cast %add3A_551 : i32 to index
            %get3A_563 = arith.constant 32 : index
            %get3A_564 = tpu.vector_load %arg10[%get3A_562, %get3A_563] {strides = array<i32>} : memref<80x128xf32, #tpu.memory_space<vmem>>, vector<1x16xf32>,
            %get3A_565 = vector.shape_cast %get3A_564 : vector<1x16xf32> to vector<16xf32>
            %add3A_566 = arith.addf %scan3A_410, %get3A_565 : vector<16xf32>
            %get3A_567 = arith.index_cast %add3A_551 : i32 to index
            %get3A_568 = arith.constant 48 : index
            %get3A_569 = tpu.vector_load %arg10[%get3A_567, %get3A_568] {strides = array<i32>} : memref<80x128xf32, #tpu.memory_space<vmem>>, vector<1x16xf32>,
            %get3A_570 = vector.shape_cast %get3A_569 : vector<1x16xf32> to vector<16xf32>
            %add3A_571 = arith.addf %scan3A_411, %get3A_570 : vector<16xf32>
            %get3A_572 = arith.index_cast %add3A_551 : i32 to index
            %get3A_573 = arith.constant 64 : index
            %get3A_574 = tpu.vector_load %arg10[%get3A_572, %get3A_573] {strides = array<i32>} : memref<80x128xf32, #tpu.memory_space<vmem>>, vector<1x16xf32>,
            %get3A_575 = vector.shape_cast %get3A_574 : vector<1x16xf32> to vector<16xf32>
            %add3A_576 = arith.addf %scan3A_412, %get3A_575 : vector<16xf32>
            %get3A_577 = arith.index_cast %add3A_551 : i32 to index
            %get3A_578 = arith.constant 80 : index
            %get3A_579 = tpu.vector_load %arg10[%get3A_577, %get3A_578] {strides = array<i32>} : memref<80x128xf32, #tpu.memory_space<vmem>>, vector<1x16xf32>,
            %get3A_580 = vector.shape_cast %get3A_579 : vector<1x16xf32> to vector<16xf32>
            %add3A_581 = arith.addf %scan3A_413, %get3A_580 : vector<16xf32>
            %get3A_582 = arith.index_cast %add3A_551 : i32 to index
            %get3A_583 = arith.constant 96 : index
            %get3A_584 = tpu.vector_load %arg10[%get3A_582, %get3A_583] {strides = array<i32>} : memref<80x128xf32, #tpu.memory_space<vmem>>, vector<1x16xf32>,
            %get3A_585 = vector.shape_cast %get3A_584 : vector<1x16xf32> to vector<16xf32>
            %add3A_586 = arith.addf %scan3A_414, %get3A_585 : vector<16xf32>
            %get3A_587 = arith.index_cast %add3A_551 : i32 to index
            %get3A_588 = arith.constant 112 : index
            %get3A_589 = tpu.vector_load %arg10[%get3A_587, %get3A_588] {strides = array<i32>} : memref<80x128xf32, #tpu.memory_space<vmem>>, vector<1x16xf32>,
            %get3A_590 = vector.shape_cast %get3A_589 : vector<1x16xf32> to vector<16xf32>
            %add3A_591 = arith.addf %scan3A_415, %get3A_590 : vector<16xf32>
            scf.yield %add3A_424, %add3A_429, %add3A_434, %add3A_439, %add3A_444, %add3A_449, %add3A_454, %add3A_459, %add3A_468, %add3A_473, %add3A_478, %add3A_483, %add3A_488, %add3A_493, %add3A_498, %add3A_503, %add3A_512, %add3A_517, %add3A_522, %add3A_527, %add3A_532, %add3A_537, %add3A_542, %add3A_547, %add3A_556, %add3A_561, %add3A_566, %add3A_571, %add3A_576, %add3A_581, %add3A_586, %add3A_591 : vector<16xf32>, vector<16xf32>, vector<16xf32>, vector<16xf32>, vector<16xf32>, vector<16xf32>, vector<16xf32>, vector<16xf32>, vector<16xf32>, vector<16xf32>, vector<16xf32>, vector<16xf32>, vector<16xf32>, vector<16xf32>, vector<16xf32>, vector<16xf32>, vector<16xf32>, vector<16xf32>, vector<16xf32>, vector<16xf32>, vector<16xf32>, vector<16xf32>, vector<16xf32>, vector<16xf32>, vector<16xf32>, vector<16xf32>, vector<16xf32>, vector<16xf32>, vector<16xf32>, vector<16xf32>, vector<16xf32>, vector<16xf32>
          }
          %scan3A_191 = arith.constant 20 : i32
          %swap3A = arith.constant 0 : i32
          %swap3A_192 = arith.index_cast %swap3A : i32 to index
          %swap3A_193 = arith.constant 0 : index
          %swap3A_194 = tpu.vector_load %arg12[%swap3A_192, %swap3A_193] {strides = array<i32>} : memref<16x128xf32, #tpu.memory_space<vmem>>, vector<1x16xf32>,
          %swap3A_195 = vector.shape_cast %swap3A_194 : vector<1x16xf32> to vector<16xf32>
          %swap3A_196 = vector.shape_cast %scan3A_190#0 : vector<16xf32> to vector<1x16xf32>
          tpu.vector_store %arg12[%swap3A_192, %swap3A_193], %swap3A_196 {add = true, strides = array<i32>} : memref<16x128xf32, #tpu.memory_space<vmem>>, vector<1x16xf32>,
          %swap3A_197 = arith.constant 0 : i32
          %swap3A_198 = arith.index_cast %swap3A_197 : i32 to index
          %swap3A_199 = arith.constant 16 : index
          %swap3A_200 = tpu.vector_load %arg12[%swap3A_198, %swap3A_199] {strides = array<i32>} : memref<16x128xf32, #tpu.memory_space<vmem>>, vector<1x16xf32>,
          %swap3A_201 = vector.shape_cast %swap3A_200 : vector<1x16xf32> to vector<16xf32>
          %swap3A_202 = vector.shape_cast %scan3A_190#1 : vector<16xf32> to vector<1x16xf32>
          tpu.vector_store %arg12[%swap3A_198, %swap3A_199], %swap3A_202 {add = true, strides = array<i32>} : memref<16x128xf32, #tpu.memory_space<vmem>>, vector<1x16xf32>,
          %swap3A_203 = arith.constant 0 : i32
          %swap3A_204 = arith.index_cast %swap3A_203 : i32 to index
          %swap3A_205 = arith.constant 32 : index
          %swap3A_206 = tpu.vector_load %arg12[%swap3A_204, %swap3A_205] {strides = array<i32>} : memref<16x128xf32, #tpu.memory_space<vmem>>, vector<1x16xf32>,
          %swap3A_207 = vector.shape_cast %swap3A_206 : vector<1x16xf32> to vector<16xf32>
          %swap3A_208 = vector.shape_cast %scan3A_190#2 : vector<16xf32> to vector<1x16xf32>
          tpu.vector_store %arg12[%swap3A_204, %swap3A_205], %swap3A_208 {add = true, strides = array<i32>} : memref<16x128xf32, #tpu.memory_space<vmem>>, vector<1x16xf32>,
          %swap3A_209 = arith.constant 0 : i32
          %swap3A_210 = arith.index_cast %swap3A_209 : i32 to index
          %swap3A_211 = arith.constant 48 : index
          %swap3A_212 = tpu.vector_load %arg12[%swap3A_210, %swap3A_211] {strides = array<i32>} : memref<16x128xf32, #tpu.memory_space<vmem>>, vector<1x16xf32>,
          %swap3A_213 = vector.shape_cast %swap3A_212 : vector<1x16xf32> to vector<16xf32>
          %swap3A_214 = vector.shape_cast %scan3A_190#3 : vector<16xf32> to vector<1x16xf32>
          tpu.vector_store %arg12[%swap3A_210, %swap3A_211], %swap3A_214 {add = true, strides = array<i32>} : memref<16x128xf32, #tpu.memory_space<vmem>>, vector<1x16xf32>,
          %swap3A_215 = arith.constant 0 : i32
          %swap3A_216 = arith.index_cast %swap3A_215 : i32 to index
          %swap3A_217 = arith.constant 64 : index
          %swap3A_218 = tpu.vector_load %arg12[%swap3A_216, %swap3A_217] {strides = array<i32>} : memref<16x128xf32, #tpu.memory_space<vmem>>, vector<1x16xf32>,
          %swap3A_219 = vector.shape_cast %swap3A_218 : vector<1x16xf32> to vector<16xf32>
          %swap3A_220 = vector.shape_cast %scan3A_190#4 : vector<16xf32> to vector<1x16xf32>
          tpu.vector_store %arg12[%swap3A_216, %swap3A_217], %swap3A_220 {add = true, strides = array<i32>} : memref<16x128xf32, #tpu.memory_space<vmem>>, vector<1x16xf32>,
          %swap3A_221 = arith.constant 0 : i32
          %swap3A_222 = arith.index_cast %swap3A_221 : i32 to index
          %swap3A_223 = arith.constant 80 : index
          %swap3A_224 = tpu.vector_load %arg12[%swap3A_222, %swap3A_223] {strides = array<i32>} : memref<16x128xf32, #tpu.memory_space<vmem>>, vector<1x16xf32>,
          %swap3A_225 = vector.shape_cast %swap3A_224 : vector<1x16xf32> to vector<16xf32>
          %swap3A_226 = vector.shape_cast %scan3A_190#5 : vector<16xf32> to vector<1x16xf32>
          tpu.vector_store %arg12[%swap3A_222, %swap3A_223], %swap3A_226 {add = true, strides = array<i32>} : memref<16x128xf32, #tpu.memory_space<vmem>>, vector<1x16xf32>,
          %swap3A_227 = arith.constant 0 : i32
          %swap3A_228 = arith.index_cast %swap3A_227 : i32 to index
          %swap3A_229 = arith.constant 96 : index
          %swap3A_230 = tpu.vector_load %arg12[%swap3A_228, %swap3A_229] {strides = array<i32>} : memref<16x128xf32, #tpu.memory_space<vmem>>, vector<1x16xf32>,
          %swap3A_231 = vector.shape_cast %swap3A_230 : vector<1x16xf32> to vector<16xf32>
          %swap3A_232 = vector.shape_cast %scan3A_190#6 : vector<16xf32> to vector<1x16xf32>
          tpu.vector_store %arg12[%swap3A_228, %swap3A_229], %swap3A_232 {add = true, strides = array<i32>} : memref<16x128xf32, #tpu.memory_space<vmem>>, vector<1x16xf32>,
          %swap3A_233 = arith.constant 0 : i32
          %swap3A_234 = arith.index_cast %swap3A_233 : i32 to index
          %swap3A_235 = arith.constant 112 : index
          %swap3A_236 = tpu.vector_load %arg12[%swap3A_234, %swap3A_235] {strides = array<i32>} : memref<16x128xf32, #tpu.memory_space<vmem>>, vector<1x16xf32>,
          %swap3A_237 = vector.shape_cast %swap3A_236 : vector<1x16xf32> to vector<16xf32>
          %swap3A_238 = vector.shape_cast %scan3A_190#7 : vector<16xf32> to vector<1x16xf32>
          tpu.vector_store %arg12[%swap3A_234, %swap3A_235], %swap3A_238 {add = true, strides = array<i32>} : memref<16x128xf32, #tpu.memory_space<vmem>>, vector<1x16xf32>,
          %swap3A_239 = arith.constant 1 : i32
          %swap3A_240 = arith.index_cast %swap3A_239 : i32 to index
          %swap3A_241 = arith.constant 0 : index
          %swap3A_242 = tpu.vector_load %arg12[%swap3A_240, %swap3A_241] {strides = array<i32>} : memref<16x128xf32, #tpu.memory_space<vmem>>, vector<1x16xf32>,
          %swap3A_243 = vector.shape_cast %swap3A_242 : vector<1x16xf32> to vector<16xf32>
          %swap3A_244 = vector.shape_cast %scan3A_190#8 : vector<16xf32> to vector<1x16xf32>
          tpu.vector_store %arg12[%swap3A_240, %swap3A_241], %swap3A_244 {add = true, strides = array<i32>} : memref<16x128xf32, #tpu.memory_space<vmem>>, vector<1x16xf32>,
          %swap3A_245 = arith.constant 1 : i32
          %swap3A_246 = arith.index_cast %swap3A_245 : i32 to index
          %swap3A_247 = arith.constant 16 : index
          %swap3A_248 = tpu.vector_load %arg12[%swap3A_246, %swap3A_247] {strides = array<i32>} : memref<16x128xf32, #tpu.memory_space<vmem>>, vector<1x16xf32>,
          %swap3A_249 = vector.shape_cast %swap3A_248 : vector<1x16xf32> to vector<16xf32>
          %swap3A_250 = vector.shape_cast %scan3A_190#9 : vector<16xf32> to vector<1x16xf32>
          tpu.vector_store %arg12[%swap3A_246, %swap3A_247], %swap3A_250 {add = true, strides = array<i32>} : memref<16x128xf32, #tpu.memory_space<vmem>>, vector<1x16xf32>,
          %swap3A_251 = arith.constant 1 : i32
          %swap3A_252 = arith.index_cast %swap3A_251 : i32 to index
          %swap3A_253 = arith.constant 32 : index
          %swap3A_254 = tpu.vector_load %arg12[%swap3A_252, %swap3A_253] {strides = array<i32>} : memref<16x128xf32, #tpu.memory_space<vmem>>, vector<1x16xf32>,
          %swap3A_255 = vector.shape_cast %swap3A_254 : vector<1x16xf32> to vector<16xf32>
          %swap3A_256 = vector.shape_cast %scan3A_190#10 : vector<16xf32> to vector<1x16xf32>
          tpu.vector_store %arg12[%swap3A_252, %swap3A_253], %swap3A_256 {add = true, strides = array<i32>} : memref<16x128xf32, #tpu.memory_space<vmem>>, vector<1x16xf32>,
          %swap3A_257 = arith.constant 1 : i32
          %swap3A_258 = arith.index_cast %swap3A_257 : i32 to index
          %swap3A_259 = arith.constant 48 : index
          %swap3A_260 = tpu.vector_load %arg12[%swap3A_258, %swap3A_259] {strides = array<i32>} : memref<16x128xf32, #tpu.memory_space<vmem>>, vector<1x16xf32>,
          %swap3A_261 = vector.shape_cast %swap3A_260 : vector<1x16xf32> to vector<16xf32>
          %swap3A_262 = vector.shape_cast %scan3A_190#11 : vector<16xf32> to vector<1x16xf32>
          tpu.vector_store %arg12[%swap3A_258, %swap3A_259], %swap3A_262 {add = true, strides = array<i32>} : memref<16x128xf32, #tpu.memory_space<vmem>>, vector<1x16xf32>,
          %swap3A_263 = arith.constant 1 : i32
          %swap3A_264 = arith.index_cast %swap3A_263 : i32 to index
          %swap3A_265 = arith.constant 64 : index
          %swap3A_266 = tpu.vector_load %arg12[%swap3A_264, %swap3A_265] {strides = array<i32>} : memref<16x128xf32, #tpu.memory_space<vmem>>, vector<1x16xf32>,
          %swap3A_267 = vector.shape_cast %swap3A_266 : vector<1x16xf32> to vector<16xf32>
          %swap3A_268 = vector.shape_cast %scan3A_190#12 : vector<16xf32> to vector<1x16xf32>
          tpu.vector_store %arg12[%swap3A_264, %swap3A_265], %swap3A_268 {add = true, strides = array<i32>} : memref<16x128xf32, #tpu.memory_space<vmem>>, vector<1x16xf32>,
          %swap3A_269 = arith.constant 1 : i32
          %swap3A_270 = arith.index_cast %swap3A_269 : i32 to index
          %swap3A_271 = arith.constant 80 : index
          %swap3A_272 = tpu.vector_load %arg12[%swap3A_270, %swap3A_271] {strides = array<i32>} : memref<16x128xf32, #tpu.memory_space<vmem>>, vector<1x16xf32>,
          %swap3A_273 = vector.shape_cast %swap3A_272 : vector<1x16xf32> to vector<16xf32>
          %swap3A_274 = vector.shape_cast %scan3A_190#13 : vector<16xf32> to vector<1x16xf32>
          tpu.vector_store %arg12[%swap3A_270, %swap3A_271], %swap3A_274 {add = true, strides = array<i32>} : memref<16x128xf32, #tpu.memory_space<vmem>>, vector<1x16xf32>,
          %swap3A_275 = arith.constant 1 : i32
          %swap3A_276 = arith.index_cast %swap3A_275 : i32 to index
          %swap3A_277 = arith.constant 96 : index
          %swap3A_278 = tpu.vector_load %arg12[%swap3A_276, %swap3A_277] {strides = array<i32>} : memref<16x128xf32, #tpu.memory_space<vmem>>, vector<1x16xf32>,
          %swap3A_279 = vector.shape_cast %swap3A_278 : vector<1x16xf32> to vector<16xf32>
          %swap3A_280 = vector.shape_cast %scan3A_190#14 : vector<16xf32> to vector<1x16xf32>
          tpu.vector_store %arg12[%swap3A_276, %swap3A_277], %swap3A_280 {add = true, strides = array<i32>} : memref<16x128xf32, #tpu.memory_space<vmem>>, vector<1x16xf32>,
          %swap3A_281 = arith.constant 1 : i32
          %swap3A_282 = arith.index_cast %swap3A_281 : i32 to index
          %swap3A_283 = arith.constant 112 : index
          %swap3A_284 = tpu.vector_load %arg12[%swap3A_282, %swap3A_283] {strides = array<i32>} : memref<16x128xf32, #tpu.memory_space<vmem>>, vector<1x16xf32>,
          %swap3A_285 = vector.shape_cast %swap3A_284 : vector<1x16xf32> to vector<16xf32>
          %swap3A_286 = vector.shape_cast %scan3A_190#15 : vector<16xf32> to vector<1x16xf32>
          tpu.vector_store %arg12[%swap3A_282, %swap3A_283], %swap3A_286 {add = true, strides = array<i32>} : memref<16x128xf32, #tpu.memory_space<vmem>>, vector<1x16xf32>,
          %swap3A_287 = arith.constant 2 : i32
          %swap3A_288 = arith.index_cast %swap3A_287 : i32 to index
          %swap3A_289 = arith.constant 0 : index
          %swap3A_290 = tpu.vector_load %arg12[%swap3A_288, %swap3A_289] {strides = array<i32>} : memref<16x128xf32, #tpu.memory_space<vmem>>, vector<1x16xf32>,
          %swap3A_291 = vector.shape_cast %swap3A_290 : vector<1x16xf32> to vector<16xf32>
          %swap3A_292 = vector.shape_cast %scan3A_190#16 : vector<16xf32> to vector<1x16xf32>
          tpu.vector_store %arg12[%swap3A_288, %swap3A_289], %swap3A_292 {add = true, strides = array<i32>} : memref<16x128xf32, #tpu.memory_space<vmem>>, vector<1x16xf32>,
          %swap3A_293 = arith.constant 2 : i32
          %swap3A_294 = arith.index_cast %swap3A_293 : i32 to index
          %swap3A_295 = arith.constant 16 : index
          %swap3A_296 = tpu.vector_load %arg12[%swap3A_294, %swap3A_295] {strides = array<i32>} : memref<16x128xf32, #tpu.memory_space<vmem>>, vector<1x16xf32>,
          %swap3A_297 = vector.shape_cast %swap3A_296 : vector<1x16xf32> to vector<16xf32>
          %swap3A_298 = vector.shape_cast %scan3A_190#17 : vector<16xf32> to vector<1x16xf32>
          tpu.vector_store %arg12[%swap3A_294, %swap3A_295], %swap3A_298 {add = true, strides = array<i32>} : memref<16x128xf32, #tpu.memory_space<vmem>>, vector<1x16xf32>,
          %swap3A_299 = arith.constant 2 : i32
          %swap3A_300 = arith.index_cast %swap3A_299 : i32 to index
          %swap3A_301 = arith.constant 32 : index
          %swap3A_302 = tpu.vector_load %arg12[%swap3A_300, %swap3A_301] {strides = array<i32>} : memref<16x128xf32, #tpu.memory_space<vmem>>, vector<1x16xf32>,
          %swap3A_303 = vector.shape_cast %swap3A_302 : vector<1x16xf32> to vector<16xf32>
          %swap3A_304 = vector.shape_cast %scan3A_190#18 : vector<16xf32> to vector<1x16xf32>
          tpu.vector_store %arg12[%swap3A_300, %swap3A_301], %swap3A_304 {add = true, strides = array<i32>} : memref<16x128xf32, #tpu.memory_space<vmem>>, vector<1x16xf32>,
          %swap3A_305 = arith.constant 2 : i32
          %swap3A_306 = arith.index_cast %swap3A_305 : i32 to index
          %swap3A_307 = arith.constant 48 : index
          %swap3A_308 = tpu.vector_load %arg12[%swap3A_306, %swap3A_307] {strides = array<i32>} : memref<16x128xf32, #tpu.memory_space<vmem>>, vector<1x16xf32>,
          %swap3A_309 = vector.shape_cast %swap3A_308 : vector<1x16xf32> to vector<16xf32>
          %swap3A_310 = vector.shape_cast %scan3A_190#19 : vector<16xf32> to vector<1x16xf32>
          tpu.vector_store %arg12[%swap3A_306, %swap3A_307], %swap3A_310 {add = true, strides = array<i32>} : memref<16x128xf32, #tpu.memory_space<vmem>>, vector<1x16xf32>,
          %swap3A_311 = arith.constant 2 : i32
          %swap3A_312 = arith.index_cast %swap3A_311 : i32 to index
          %swap3A_313 = arith.constant 64 : index
          %swap3A_314 = tpu.vector_load %arg12[%swap3A_312, %swap3A_313] {strides = array<i32>} : memref<16x128xf32, #tpu.memory_space<vmem>>, vector<1x16xf32>,
          %swap3A_315 = vector.shape_cast %swap3A_314 : vector<1x16xf32> to vector<16xf32>
          %swap3A_316 = vector.shape_cast %scan3A_190#20 : vector<16xf32> to vector<1x16xf32>
          tpu.vector_store %arg12[%swap3A_312, %swap3A_313], %swap3A_316 {add = true, strides = array<i32>} : memref<16x128xf32, #tpu.memory_space<vmem>>, vector<1x16xf32>,
          %swap3A_317 = arith.constant 2 : i32
          %swap3A_318 = arith.index_cast %swap3A_317 : i32 to index
          %swap3A_319 = arith.constant 80 : index
          %swap3A_320 = tpu.vector_load %arg12[%swap3A_318, %swap3A_319] {strides = array<i32>} : memref<16x128xf32, #tpu.memory_space<vmem>>, vector<1x16xf32>,
          %swap3A_321 = vector.shape_cast %swap3A_320 : vector<1x16xf32> to vector<16xf32>
          %swap3A_322 = vector.shape_cast %scan3A_190#21 : vector<16xf32> to vector<1x16xf32>
          tpu.vector_store %arg12[%swap3A_318, %swap3A_319], %swap3A_322 {add = true, strides = array<i32>} : memref<16x128xf32, #tpu.memory_space<vmem>>, vector<1x16xf32>,
          %swap3A_323 = arith.constant 2 : i32
          %swap3A_324 = arith.index_cast %swap3A_323 : i32 to index
          %swap3A_325 = arith.constant 96 : index
          %swap3A_326 = tpu.vector_load %arg12[%swap3A_324, %swap3A_325] {strides = array<i32>} : memref<16x128xf32, #tpu.memory_space<vmem>>, vector<1x16xf32>,
          %swap3A_327 = vector.shape_cast %swap3A_326 : vector<1x16xf32> to vector<16xf32>
          %swap3A_328 = vector.shape_cast %scan3A_190#22 : vector<16xf32> to vector<1x16xf32>
          tpu.vector_store %arg12[%swap3A_324, %swap3A_325], %swap3A_328 {add = true, strides = array<i32>} : memref<16x128xf32, #tpu.memory_space<vmem>>, vector<1x16xf32>,
          %swap3A_329 = arith.constant 2 : i32
          %swap3A_330 = arith.index_cast %swap3A_329 : i32 to index
          %swap3A_331 = arith.constant 112 : index
          %swap3A_332 = tpu.vector_load %arg12[%swap3A_330, %swap3A_331] {strides = array<i32>} : memref<16x128xf32, #tpu.memory_space<vmem>>, vector<1x16xf32>,
          %swap3A_333 = vector.shape_cast %swap3A_332 : vector<1x16xf32> to vector<16xf32>
          %swap3A_334 = vector.shape_cast %scan3A_190#23 : vector<16xf32> to vector<1x16xf32>
          tpu.vector_store %arg12[%swap3A_330, %swap3A_331], %swap3A_334 {add = true, strides = array<i32>} : memref<16x128xf32, #tpu.memory_space<vmem>>, vector<1x16xf32>,
          %swap3A_335 = arith.constant 3 : i32
          %swap3A_336 = arith.index_cast %swap3A_335 : i32 to index
          %swap3A_337 = arith.constant 0 : index
          %swap3A_338 = tpu.vector_load %arg12[%swap3A_336, %swap3A_337] {strides = array<i32>} : memref<16x128xf32, #tpu.memory_space<vmem>>, vector<1x16xf32>,
          %swap3A_339 = vector.shape_cast %swap3A_338 : vector<1x16xf32> to vector<16xf32>
          %swap3A_340 = vector.shape_cast %scan3A_190#24 : vector<16xf32> to vector<1x16xf32>
          tpu.vector_store %arg12[%swap3A_336, %swap3A_337], %swap3A_340 {add = true, strides = array<i32>} : memref<16x128xf32, #tpu.memory_space<vmem>>, vector<1x16xf32>,
          %swap3A_341 = arith.constant 3 : i32
          %swap3A_342 = arith.index_cast %swap3A_341 : i32 to index
          %swap3A_343 = arith.constant 16 : index
          %swap3A_344 = tpu.vector_load %arg12[%swap3A_342, %swap3A_343] {strides = array<i32>} : memref<16x128xf32, #tpu.memory_space<vmem>>, vector<1x16xf32>,
          %swap3A_345 = vector.shape_cast %swap3A_344 : vector<1x16xf32> to vector<16xf32>
          %swap3A_346 = vector.shape_cast %scan3A_190#25 : vector<16xf32> to vector<1x16xf32>
          tpu.vector_store %arg12[%swap3A_342, %swap3A_343], %swap3A_346 {add = true, strides = array<i32>} : memref<16x128xf32, #tpu.memory_space<vmem>>, vector<1x16xf32>,
          %swap3A_347 = arith.constant 3 : i32
          %swap3A_348 = arith.index_cast %swap3A_347 : i32 to index
          %swap3A_349 = arith.constant 32 : index
          %swap3A_350 = tpu.vector_load %arg12[%swap3A_348, %swap3A_349] {strides = array<i32>} : memref<16x128xf32, #tpu.memory_space<vmem>>, vector<1x16xf32>,
          %swap3A_351 = vector.shape_cast %swap3A_350 : vector<1x16xf32> to vector<16xf32>
          %swap3A_352 = vector.shape_cast %scan3A_190#26 : vector<16xf32> to vector<1x16xf32>
          tpu.vector_store %arg12[%swap3A_348, %swap3A_349], %swap3A_352 {add = true, strides = array<i32>} : memref<16x128xf32, #tpu.memory_space<vmem>>, vector<1x16xf32>,
          %swap3A_353 = arith.constant 3 : i32
          %swap3A_354 = arith.index_cast %swap3A_353 : i32 to index
          %swap3A_355 = arith.constant 48 : index
          %swap3A_356 = tpu.vector_load %arg12[%swap3A_354, %swap3A_355] {strides = array<i32>} : memref<16x128xf32, #tpu.memory_space<vmem>>, vector<1x16xf32>,
          %swap3A_357 = vector.shape_cast %swap3A_356 : vector<1x16xf32> to vector<16xf32>
          %swap3A_358 = vector.shape_cast %scan3A_190#27 : vector<16xf32> to vector<1x16xf32>
          tpu.vector_store %arg12[%swap3A_354, %swap3A_355], %swap3A_358 {add = true, strides = array<i32>} : memref<16x128xf32, #tpu.memory_space<vmem>>, vector<1x16xf32>,
          %swap3A_359 = arith.constant 3 : i32
          %swap3A_360 = arith.index_cast %swap3A_359 : i32 to index
          %swap3A_361 = arith.constant 64 : index
          %swap3A_362 = tpu.vector_load %arg12[%swap3A_360, %swap3A_361] {strides = array<i32>} : memref<16x128xf32, #tpu.memory_space<vmem>>, vector<1x16xf32>,
          %swap3A_363 = vector.shape_cast %swap3A_362 : vector<1x16xf32> to vector<16xf32>
          %swap3A_364 = vector.shape_cast %scan3A_190#28 : vector<16xf32> to vector<1x16xf32>
          tpu.vector_store %arg12[%swap3A_360, %swap3A_361], %swap3A_364 {add = true, strides = array<i32>} : memref<16x128xf32, #tpu.memory_space<vmem>>, vector<1x16xf32>,
          %swap3A_365 = arith.constant 3 : i32
          %swap3A_366 = arith.index_cast %swap3A_365 : i32 to index
          %swap3A_367 = arith.constant 80 : index
          %swap3A_368 = tpu.vector_load %arg12[%swap3A_366, %swap3A_367] {strides = array<i32>} : memref<16x128xf32, #tpu.memory_space<vmem>>, vector<1x16xf32>,
          %swap3A_369 = vector.shape_cast %swap3A_368 : vector<1x16xf32> to vector<16xf32>
          %swap3A_370 = vector.shape_cast %scan3A_190#29 : vector<16xf32> to vector<1x16xf32>
          tpu.vector_store %arg12[%swap3A_366, %swap3A_367], %swap3A_370 {add = true, strides = array<i32>} : memref<16x128xf32, #tpu.memory_space<vmem>>, vector<1x16xf32>,
          %swap3A_371 = arith.constant 3 : i32
          %swap3A_372 = arith.index_cast %swap3A_371 : i32 to index
          %swap3A_373 = arith.constant 96 : index
          %swap3A_374 = tpu.vector_load %arg12[%swap3A_372, %swap3A_373] {strides = array<i32>} : memref<16x128xf32, #tpu.memory_space<vmem>>, vector<1x16xf32>,
          %swap3A_375 = vector.shape_cast %swap3A_374 : vector<1x16xf32> to vector<16xf32>
          %swap3A_376 = vector.shape_cast %scan3A_190#30 : vector<16xf32> to vector<1x16xf32>
          tpu.vector_store %arg12[%swap3A_372, %swap3A_373], %swap3A_376 {add = true, strides = array<i32>} : memref<16x128xf32, #tpu.memory_space<vmem>>, vector<1x16xf32>,
          %swap3A_377 = arith.constant 3 : i32
          %swap3A_378 = arith.index_cast %swap3A_377 : i32 to index
          %swap3A_379 = arith.constant 112 : index
          %swap3A_380 = tpu.vector_load %arg12[%swap3A_378, %swap3A_379] {strides = array<i32>} : memref<16x128xf32, #tpu.memory_space<vmem>>, vector<1x16xf32>,
          %swap3A_381 = vector.shape_cast %swap3A_380 : vector<1x16xf32> to vector<16xf32>
          %swap3A_382 = vector.shape_cast %scan3A_190#31 : vector<16xf32> to vector<1x16xf32>
          tpu.vector_store %arg12[%swap3A_378, %swap3A_379], %swap3A_382 {add = true, strides = array<i32>} : memref<16x128xf32, #tpu.memory_space<vmem>>, vector<1x16xf32>,
        } else {
        }
        %not3A = arith.constant true
        %not3A_176 = arith.xori %eq3A_117, %not3A : i1
        %convert_element_type3A_177 = arith.extui %not3A_176 : i1 to i32
        %cond3A_178 = arith.constant 0 : i32
        %cond3A_179 = arith.cmpi ne, %convert_element_type3A_177, %cond3A_178 : i32
        scf.if %cond3A_179 {
          %mul3A_180 = arith.constant 80 : i32
          %mul3A_181 = arith.muli %add3A_95, %mul3A_180 : i32
          %add3A_182 = arith.constant 0 : i32
          %add3A_183 = arith.addi %mul3A_181, %add3A_182 : i32
          %get3A_184 = arith.index_cast %add3A_183 : i32 to index
          %get3A_185 = tpu.vector_load %arg6[%get3A_184] {strides = array<i32>} : memref<1760xi32, #tpu.memory_space<vmem>>, vector<16xi32>,
          %get3A_186 = vector.shape_cast %get3A_185 : vector<16xi32> to vector<16xi32>
          %mul3A_187 = arith.constant 8 : i32
          %mul3A_188 = vector.broadcast %mul3A_187 : i32 to vector<16xi32>
          %mul3A_189 = arith.muli %get3A_186, %mul3A_188 : vector<16xi32>
          %add3A_190 = arith.addi %mul3A_189, %rem3A : vector<16xi32>
          %swap3A = arith.constant 0 : index
          %swap3A_191 = tpu.vector_load %arg7[%swap3A] {strides = array<i32>} : memref<80xi32, #tpu.memory_space<vmem>>, vector<16xi32>,
          %swap3A_192 = vector.shape_cast %swap3A_191 : vector<16xi32> to vector<16xi32>
          %swap3A_193 = vector.shape_cast %add3A_190 : vector<16xi32> to vector<16xi32>
          tpu.vector_store %arg7[%swap3A], %swap3A_193 {strides = array<i32>} : memref<80xi32, #tpu.memory_space<vmem>>, vector<16xi32>,
          %mul3A_194 = arith.constant 80 : i32
          %mul3A_195 = arith.muli %add3A_95, %mul3A_194 : i32
          %add3A_196 = arith.constant 16 : i32
          %add3A_197 = arith.addi %mul3A_195, %add3A_196 : i32
          %get3A_198 = arith.index_cast %add3A_197 : i32 to index
          %get3A_199 = tpu.vector_load %arg6[%get3A_198] {strides = array<i32>} : memref<1760xi32, #tpu.memory_space<vmem>>, vector<16xi32>,
          %get3A_200 = vector.shape_cast %get3A_199 : vector<16xi32> to vector<16xi32>
          %mul3A_201 = arith.constant 8 : i32
          %mul3A_202 = vector.broadcast %mul3A_201 : i32 to vector<16xi32>
          %mul3A_203 = arith.muli %get3A_200, %mul3A_202 : vector<16xi32>
          %add3A_204 = arith.addi %mul3A_203, %rem3A : vector<16xi32>
          %swap3A_205 = arith.constant 16 : index
          %swap3A_206 = tpu.vector_load %arg7[%swap3A_205] {strides = array<i32>} : memref<80xi32, #tpu.memory_space<vmem>>, vector<16xi32>,
          %swap3A_207 = vector.shape_cast %swap3A_206 : vector<16xi32> to vector<16xi32>
          %swap3A_208 = vector.shape_cast %add3A_204 : vector<16xi32> to vector<16xi32>
          tpu.vector_store %arg7[%swap3A_205], %swap3A_208 {strides = array<i32>} : memref<80xi32, #tpu.memory_space<vmem>>, vector<16xi32>,
          %mul3A_209 = arith.constant 80 : i32
          %mul3A_210 = arith.muli %add3A_95, %mul3A_209 : i32
          %add3A_211 = arith.constant 32 : i32
          %add3A_212 = arith.addi %mul3A_210, %add3A_211 : i32
          %get3A_213 = arith.index_cast %add3A_212 : i32 to index
          %get3A_214 = tpu.vector_load %arg6[%get3A_213] {strides = array<i32>} : memref<1760xi32, #tpu.memory_space<vmem>>, vector<16xi32>,
          %get3A_215 = vector.shape_cast %get3A_214 : vector<16xi32> to vector<16xi32>
          %mul3A_216 = arith.constant 8 : i32
          %mul3A_217 = vector.broadcast %mul3A_216 : i32 to vector<16xi32>
          %mul3A_218 = arith.muli %get3A_215, %mul3A_217 : vector<16xi32>
          %add3A_219 = arith.addi %mul3A_218, %rem3A : vector<16xi32>
          %swap3A_220 = arith.constant 32 : index
          %swap3A_221 = tpu.vector_load %arg7[%swap3A_220] {strides = array<i32>} : memref<80xi32, #tpu.memory_space<vmem>>, vector<16xi32>,
          %swap3A_222 = vector.shape_cast %swap3A_221 : vector<16xi32> to vector<16xi32>
          %swap3A_223 = vector.shape_cast %add3A_219 : vector<16xi32> to vector<16xi32>
          tpu.vector_store %arg7[%swap3A_220], %swap3A_223 {strides = array<i32>} : memref<80xi32, #tpu.memory_space<vmem>>, vector<16xi32>,
          %mul3A_224 = arith.constant 80 : i32
          %mul3A_225 = arith.muli %add3A_95, %mul3A_224 : i32
          %add3A_226 = arith.constant 48 : i32
          %add3A_227 = arith.addi %mul3A_225, %add3A_226 : i32
          %get3A_228 = arith.index_cast %add3A_227 : i32 to index
          %get3A_229 = tpu.vector_load %arg6[%get3A_228] {strides = array<i32>} : memref<1760xi32, #tpu.memory_space<vmem>>, vector<16xi32>,
          %get3A_230 = vector.shape_cast %get3A_229 : vector<16xi32> to vector<16xi32>
          %mul3A_231 = arith.constant 8 : i32
          %mul3A_232 = vector.broadcast %mul3A_231 : i32 to vector<16xi32>
          %mul3A_233 = arith.muli %get3A_230, %mul3A_232 : vector<16xi32>
          %add3A_234 = arith.addi %mul3A_233, %rem3A : vector<16xi32>
          %swap3A_235 = arith.constant 48 : index
          %swap3A_236 = tpu.vector_load %arg7[%swap3A_235] {strides = array<i32>} : memref<80xi32, #tpu.memory_space<vmem>>, vector<16xi32>,
          %swap3A_237 = vector.shape_cast %swap3A_236 : vector<16xi32> to vector<16xi32>
          %swap3A_238 = vector.shape_cast %add3A_234 : vector<16xi32> to vector<16xi32>
          tpu.vector_store %arg7[%swap3A_235], %swap3A_238 {strides = array<i32>} : memref<80xi32, #tpu.memory_space<vmem>>, vector<16xi32>,
          %mul3A_239 = arith.constant 80 : i32
          %mul3A_240 = arith.muli %add3A_95, %mul3A_239 : i32
          %add3A_241 = arith.constant 64 : i32
          %add3A_242 = arith.addi %mul3A_240, %add3A_241 : i32
          %get3A_243 = arith.index_cast %add3A_242 : i32 to index
          %get3A_244 = tpu.vector_load %arg6[%get3A_243] {strides = array<i32>} : memref<1760xi32, #tpu.memory_space<vmem>>, vector<16xi32>,
          %get3A_245 = vector.shape_cast %get3A_244 : vector<16xi32> to vector<16xi32>
          %mul3A_246 = arith.constant 8 : i32
          %mul3A_247 = vector.broadcast %mul3A_246 : i32 to vector<16xi32>
          %mul3A_248 = arith.muli %get3A_245, %mul3A_247 : vector<16xi32>
          %add3A_249 = arith.addi %mul3A_248, %rem3A : vector<16xi32>
          %swap3A_250 = arith.constant 64 : index
          %swap3A_251 = tpu.vector_load %arg7[%swap3A_250] {strides = array<i32>} : memref<80xi32, #tpu.memory_space<vmem>>, vector<16xi32>,
          %swap3A_252 = vector.shape_cast %swap3A_251 : vector<16xi32> to vector<16xi32>
          %swap3A_253 = vector.shape_cast %add3A_249 : vector<16xi32> to vector<16xi32>
          tpu.vector_store %arg7[%swap3A_250], %swap3A_253 {strides = array<i32>} : memref<80xi32, #tpu.memory_space<vmem>>, vector<16xi32>,
          "tpu.region"() ({
            %run_scoped3A = tpu.sem_alloc : memref<!tpu.dma_semaphore, #tpu.memory_space<semaphore_mem>>
            %dma_start3A_254 = arith.constant 0 : i32
            %dma_start3A_255 = arith.constant 0 : i32
            %dma_start3A_256 = tpu.memref_slice %arg13[%dma_start3A_254, %dma_start3A_255] : memref<512x128xf32, #tpu.memory_space<vmem_shared>> -> memref<512x128xf32, #tpu.memory_space<vmem_shared>>
            tpu.enqueue_indirect_dma source(%arg10 : memref<80x128xf32, #tpu.memory_space<vmem>>) target(%dma_start3A_256 : memref<512x128xf32, #tpu.memory_space<vmem_shared>>) offsets(%arg7 : memref<80xi32, #tpu.memory_space<vmem>>) semaphore(%run_scoped3A : memref<!tpu.dma_semaphore, #tpu.memory_space<semaphore_mem>>) {add = true}
            %dma_wait3A_257 = arith.constant 0 : i32
            %dma_wait3A_258 = arith.constant 0 : i32
            %dma_wait3A_259 = tpu.memref_slice %arg13[%dma_wait3A_257, %dma_wait3A_258] : memref<512x128xf32, #tpu.memory_space<vmem_shared>> -> memref<512x128xf32, #tpu.memory_space<vmem_shared>>
            tpu.wait_indirect_dma semaphore(%run_scoped3A : memref<!tpu.dma_semaphore, #tpu.memory_space<semaphore_mem>>) src(%arg10 : memref<80x128xf32, #tpu.memory_space<vmem>>) dst(%dma_wait3A_259 : memref<512x128xf32, #tpu.memory_space<vmem_shared>>)
            tpu.yield
          }) : () -> ()
        } else {
        }
      } else {
      }
      %and3A_127 = arith.andi %lt3A_96, %eq3A_117 : i1
      %select_n3A_128 = arith.select %and3A_127, %squeeze3A_114, %select_n3A_91 : i32
      %mul3A_129 = arith.constant 3 : i32
      %mul3A_130 = arith.muli %scan3A_59, %mul3A_129 : i32
      %add3A_131 = arith.constant 2 : i32
      %add3A_132 = arith.addi %mul3A_130, %add3A_131 : i32
      %lt3A_133 = arith.cmpi slt, %add3A_132, %select_n3A : i32
      %min3A_134 = arith.constant 21 : i32
      %min3A_135 = arith.minsi %add3A_132, %min3A_134 : i32
      %mul3A_136 = arith.constant 80 : i32
      %mul3A_137 = arith.muli %min3A_135, %mul3A_136 : i32
      %get3A_138 = arith.index_cast %mul3A_137 : i32 to index
      %get3A_139 = tpu.vector_load %arg6[%get3A_138] {strides = array<i32>} : memref<1760xi32, #tpu.memory_space<vmem>>, vector<16xi32>,
      %get3A_140 = vector.shape_cast %get3A_139 : vector<16xi32> to vector<16xi32>
      %mul3A_141 = arith.constant 80 : i32
      %mul3A_142 = arith.muli %min3A_135, %mul3A_141 : i32
      %add3A_143 = arith.constant 80 : i32
      %add3A_144 = arith.addi %mul3A_142, %add3A_143 : i32
      %sub3A_145 = arith.constant 16 : i32
      %sub3A_146 = arith.subi %add3A_144, %sub3A_145 : i32
      %get3A_147 = arith.index_cast %sub3A_146 : i32 to index
      %get3A_148 = tpu.vector_load %arg6[%get3A_147] {strides = array<i32>} : memref<1760xi32, #tpu.memory_space<vmem>>, vector<16xi32>,
      %get3A_149 = vector.shape_cast %get3A_148 : vector<16xi32> to vector<16xi32>
      %slice3A_150 = vector.extract_strided_slice %get3A_140 {offsets = [0], sizes = [1], strides = [1]} : vector<16xi32> to vector<1xi32>
      %squeeze3A_151 = vector.extract %slice3A_150[0] : i32 from vector<1xi32>
      %slice3A_152 = vector.extract_strided_slice %get3A_149 {offsets = [15], sizes = [1], strides = [1]} : vector<16xi32> to vector<1xi32>
      %squeeze3A_153 = vector.extract %slice3A_152[0] : i32 from vector<1xi32>
      %eq3A_154 = arith.cmpi eq, %squeeze3A_151, %squeeze3A_153 : i32
      %add3A_155 = arith.constant 2 : i32
      %add3A_156 = arith.addi %add3A_132, %add3A_155 : i32
      %lt3A_157 = arith.cmpi slt, %add3A_156, %select_n3A : i32
      %convert_element_type3A_158 = arith.extui %lt3A_157 : i1 to i32
      %cond3A_159 = arith.constant 0 : i32
      %cond3A_160 = arith.cmpi ne, %convert_element_type3A_158, %cond3A_159 : i32
      scf.if %cond3A_160 {
        %add3A_166 = arith.constant 2 : i32
        %add3A_167 = arith.addi %add3A_132, %add3A_166 : i32
        %mul3A_168 = arith.constant 80 : i32
        %mul3A_169 = arith.muli %add3A_167, %mul3A_168 : i32
        %add3A_170 = arith.addi %mul3A_8, %mul3A_169 : i32
        %dma_start3A_171 = arith.constant 0 : i32
        %dma_start3A_172 = tpu.memref_slice %arg3[%add3A_170, %dma_start3A_171] : memref<100000x128xf32, #tpu.memory_space<hbm>> -> memref<80x128xf32, #tpu.memory_space<hbm>>
        %dma_start3A_173 = arith.constant 0 : i32
        %dma_start3A_174 = tpu.memref_slice %arg3[%add3A_170, %dma_start3A_173] : memref<100000x128xf32, #tpu.memory_space<hbm>> -> memref<80x128xf32, #tpu.memory_space<hbm>>
        tpu.enqueue_dma source(%dma_start3A_174 : memref<80x128xf32, #tpu.memory_space<hbm>>) target(%arg10 : memref<80x128xf32, #tpu.memory_space<vmem>>) target_semaphore(%arg16 : memref<!tpu.dma_semaphore, #tpu.memory_space<semaphore_mem>>)
      } else {
      }
      %convert_element_type3A_161 = arith.extui %lt3A_133 : i1 to i32
      %cond3A_162 = arith.constant 0 : i32
      %cond3A_163 = arith.cmpi ne, %convert_element_type3A_161, %cond3A_162 : i32
      scf.if %cond3A_163 {
        %mul3A_166 = arith.constant 80 : i32
        %mul3A_167 = arith.muli %add3A_132, %mul3A_166 : i32
        %add3A_168 = arith.addi %mul3A_8, %mul3A_167 : i32
        %dma_wait3A_169 = arith.constant 0 : i32
        %dma_wait3A_170 = tpu.memref_slice %arg3[%add3A_168, %dma_wait3A_169] : memref<100000x128xf32, #tpu.memory_space<hbm>> -> memref<80x128xf32, #tpu.memory_space<hbm>>
        %dma_wait3A_171 = arith.constant 0 : i32
        %dma_wait3A_172 = tpu.memref_slice %arg3[%add3A_168, %dma_wait3A_171] : memref<100000x128xf32, #tpu.memory_space<hbm>> -> memref<80x128xf32, #tpu.memory_space<hbm>>
        tpu.wait_dma2 semaphore(%arg17 : memref<!tpu.dma_semaphore, #tpu.memory_space<semaphore_mem>>) src(%dma_wait3A_172 : memref<80x128xf32, #tpu.memory_space<hbm>>) dst(%arg11 : memref<80x128xf32, #tpu.memory_space<vmem>>)
        %convert_element_type3A_173 = arith.extui %eq3A_154 : i1 to i32
        %cond3A_174 = arith.constant 0 : i32
        %cond3A_175 = arith.cmpi ne, %convert_element_type3A_173, %cond3A_174 : i32
        scf.if %cond3A_175 {
          %ge3A_180 = arith.constant 0 : i32
          %ge3A_181 = arith.cmpi sge, %select_n3A_128, %ge3A_180 : i32
          %ne3A = arith.cmpi ne, %select_n3A_128, %squeeze3A_151 : i32
          %and3A_182 = arith.andi %ge3A_181, %ne3A : i1
          %convert_element_type3A_183 = arith.extui %and3A_182 : i1 to i32
          %cond3A_184 = arith.constant 0 : i32
          %cond3A_185 = arith.cmpi ne, %convert_element_type3A_183, %cond3A_184 : i32
          scf.if %cond3A_185 {
            %mul3A_383 = arith.constant 8 : i32
            %mul3A_384 = arith.muli %select_n3A_128, %mul3A_383 : i32
            %broadcast_in_dim3A_385 = vector.broadcast %mul3A_384 : i32 to vector<16xi32>
            %add3A_386 = arith.addi %broadcast_in_dim3A_385, %rem3A : vector<16xi32>
            %swap3A_387 = arith.constant 0 : index
            %swap3A_388 = tpu.vector_load %arg8[%swap3A_387] {strides = array<i32>} : memref<16xi32, #tpu.memory_space<vmem>>, vector<16xi32>,
            %swap3A_389 = vector.shape_cast %swap3A_388 : vector<16xi32> to vector<16xi32>
            %swap3A_390 = vector.shape_cast %add3A_386 : vector<16xi32> to vector<16xi32>
            tpu.vector_store %arg8[%swap3A_387], %swap3A_390 {strides = array<i32>} : memref<16xi32, #tpu.memory_space<vmem>>, vector<16xi32>,
            "tpu.region"() ({
              %run_scoped3A = tpu.sem_alloc : memref<!tpu.dma_semaphore, #tpu.memory_space<semaphore_mem>>
              %dma_start3A_583 = arith.constant 0 : i32
              %dma_start3A_584 = arith.constant 0 : i32
              %dma_start3A_585 = tpu.memref_slice %arg13[%dma_start3A_583, %dma_start3A_584] : memref<512x128xf32, #tpu.memory_space<vmem_shared>> -> memref<512x128xf32, #tpu.memory_space<vmem_shared>>
              tpu.enqueue_indirect_dma source(%arg12 : memref<16x128xf32, #tpu.memory_space<vmem>>) target(%dma_start3A_585 : memref<512x128xf32, #tpu.memory_space<vmem_shared>>) offsets(%arg8 : memref<16xi32, #tpu.memory_space<vmem>>) semaphore(%run_scoped3A : memref<!tpu.dma_semaphore, #tpu.memory_space<semaphore_mem>>) {add = true}
              %dma_wait3A_586 = arith.constant 0 : i32
              %dma_wait3A_587 = arith.constant 0 : i32
              %dma_wait3A_588 = tpu.memref_slice %arg13[%dma_wait3A_586, %dma_wait3A_587] : memref<512x128xf32, #tpu.memory_space<vmem_shared>> -> memref<512x128xf32, #tpu.memory_space<vmem_shared>>
              tpu.wait_indirect_dma semaphore(%run_scoped3A : memref<!tpu.dma_semaphore, #tpu.memory_space<semaphore_mem>>) src(%arg12 : memref<16x128xf32, #tpu.memory_space<vmem>>) dst(%dma_wait3A_588 : memref<512x128xf32, #tpu.memory_space<vmem_shared>>)
              tpu.yield
            }) : () -> ()
            %swap3A_391 = arith.constant 0 : i32
            %swap3A_392 = arith.index_cast %swap3A_391 : i32 to index
            %swap3A_393 = arith.constant 0 : index
            %swap3A_394 = tpu.vector_load %arg12[%swap3A_392, %swap3A_393] {strides = array<i32>} : memref<16x128xf32, #tpu.memory_space<vmem>>, vector<1x16xf32>,
            %swap3A_395 = vector.shape_cast %swap3A_394 : vector<1x16xf32> to vector<16xf32>
            %swap3A_396 = vector.shape_cast %broadcast_in_dim3A_11 : vector<16xf32> to vector<1x16xf32>
            tpu.vector_store %arg12[%swap3A_392, %swap3A_393], %swap3A_396 {strides = array<i32>} : memref<16x128xf32, #tpu.memory_space<vmem>>, vector<1x16xf32>,
            %swap3A_397 = arith.constant 0 : i32
            %swap3A_398 = arith.index_cast %swap3A_397 : i32 to index
            %swap3A_399 = arith.constant 16 : index
            %swap3A_400 = tpu.vector_load %arg12[%swap3A_398, %swap3A_399] {strides = array<i32>} : memref<16x128xf32, #tpu.memory_space<vmem>>, vector<1x16xf32>,
            %swap3A_401 = vector.shape_cast %swap3A_400 : vector<1x16xf32> to vector<16xf32>
            %swap3A_402 = vector.shape_cast %broadcast_in_dim3A_11 : vector<16xf32> to vector<1x16xf32>
            tpu.vector_store %arg12[%swap3A_398, %swap3A_399], %swap3A_402 {strides = array<i32>} : memref<16x128xf32, #tpu.memory_space<vmem>>, vector<1x16xf32>,
            %swap3A_403 = arith.constant 0 : i32
            %swap3A_404 = arith.index_cast %swap3A_403 : i32 to index
            %swap3A_405 = arith.constant 32 : index
            %swap3A_406 = tpu.vector_load %arg12[%swap3A_404, %swap3A_405] {strides = array<i32>} : memref<16x128xf32, #tpu.memory_space<vmem>>, vector<1x16xf32>,
            %swap3A_407 = vector.shape_cast %swap3A_406 : vector<1x16xf32> to vector<16xf32>
            %swap3A_408 = vector.shape_cast %broadcast_in_dim3A_11 : vector<16xf32> to vector<1x16xf32>
            tpu.vector_store %arg12[%swap3A_404, %swap3A_405], %swap3A_408 {strides = array<i32>} : memref<16x128xf32, #tpu.memory_space<vmem>>, vector<1x16xf32>,
            %swap3A_409 = arith.constant 0 : i32
            %swap3A_410 = arith.index_cast %swap3A_409 : i32 to index
            %swap3A_411 = arith.constant 48 : index
            %swap3A_412 = tpu.vector_load %arg12[%swap3A_410, %swap3A_411] {strides = array<i32>} : memref<16x128xf32, #tpu.memory_space<vmem>>, vector<1x16xf32>,
            %swap3A_413 = vector.shape_cast %swap3A_412 : vector<1x16xf32> to vector<16xf32>
            %swap3A_414 = vector.shape_cast %broadcast_in_dim3A_11 : vector<16xf32> to vector<1x16xf32>
            tpu.vector_store %arg12[%swap3A_410, %swap3A_411], %swap3A_414 {strides = array<i32>} : memref<16x128xf32, #tpu.memory_space<vmem>>, vector<1x16xf32>,
            %swap3A_415 = arith.constant 0 : i32
            %swap3A_416 = arith.index_cast %swap3A_415 : i32 to index
            %swap3A_417 = arith.constant 64 : index
            %swap3A_418 = tpu.vector_load %arg12[%swap3A_416, %swap3A_417] {strides = array<i32>} : memref<16x128xf32, #tpu.memory_space<vmem>>, vector<1x16xf32>,
            %swap3A_419 = vector.shape_cast %swap3A_418 : vector<1x16xf32> to vector<16xf32>
            %swap3A_420 = vector.shape_cast %broadcast_in_dim3A_11 : vector<16xf32> to vector<1x16xf32>
            tpu.vector_store %arg12[%swap3A_416, %swap3A_417], %swap3A_420 {strides = array<i32>} : memref<16x128xf32, #tpu.memory_space<vmem>>, vector<1x16xf32>,
            %swap3A_421 = arith.constant 0 : i32
            %swap3A_422 = arith.index_cast %swap3A_421 : i32 to index
            %swap3A_423 = arith.constant 80 : index
            %swap3A_424 = tpu.vector_load %arg12[%swap3A_422, %swap3A_423] {strides = array<i32>} : memref<16x128xf32, #tpu.memory_space<vmem>>, vector<1x16xf32>,
            %swap3A_425 = vector.shape_cast %swap3A_424 : vector<1x16xf32> to vector<16xf32>
            %swap3A_426 = vector.shape_cast %broadcast_in_dim3A_11 : vector<16xf32> to vector<1x16xf32>
            tpu.vector_store %arg12[%swap3A_422, %swap3A_423], %swap3A_426 {strides = array<i32>} : memref<16x128xf32, #tpu.memory_space<vmem>>, vector<1x16xf32>,
            %swap3A_427 = arith.constant 0 : i32
            %swap3A_428 = arith.index_cast %swap3A_427 : i32 to index
            %swap3A_429 = arith.constant 96 : index
            %swap3A_430 = tpu.vector_load %arg12[%swap3A_428, %swap3A_429] {strides = array<i32>} : memref<16x128xf32, #tpu.memory_space<vmem>>, vector<1x16xf32>,
            %swap3A_431 = vector.shape_cast %swap3A_430 : vector<1x16xf32> to vector<16xf32>
            %swap3A_432 = vector.shape_cast %broadcast_in_dim3A_11 : vector<16xf32> to vector<1x16xf32>
            tpu.vector_store %arg12[%swap3A_428, %swap3A_429], %swap3A_432 {strides = array<i32>} : memref<16x128xf32, #tpu.memory_space<vmem>>, vector<1x16xf32>,
            %swap3A_433 = arith.constant 0 : i32
            %swap3A_434 = arith.index_cast %swap3A_433 : i32 to index
            %swap3A_435 = arith.constant 112 : index
            %swap3A_436 = tpu.vector_load %arg12[%swap3A_434, %swap3A_435] {strides = array<i32>} : memref<16x128xf32, #tpu.memory_space<vmem>>, vector<1x16xf32>,
            %swap3A_437 = vector.shape_cast %swap3A_436 : vector<1x16xf32> to vector<16xf32>
            %swap3A_438 = vector.shape_cast %broadcast_in_dim3A_11 : vector<16xf32> to vector<1x16xf32>
            tpu.vector_store %arg12[%swap3A_434, %swap3A_435], %swap3A_438 {strides = array<i32>} : memref<16x128xf32, #tpu.memory_space<vmem>>, vector<1x16xf32>,
            %swap3A_439 = arith.constant 1 : i32
            %swap3A_440 = arith.index_cast %swap3A_439 : i32 to index
            %swap3A_441 = arith.constant 0 : index
            %swap3A_442 = tpu.vector_load %arg12[%swap3A_440, %swap3A_441] {strides = array<i32>} : memref<16x128xf32, #tpu.memory_space<vmem>>, vector<1x16xf32>,
            %swap3A_443 = vector.shape_cast %swap3A_442 : vector<1x16xf32> to vector<16xf32>
            %swap3A_444 = vector.shape_cast %broadcast_in_dim3A_11 : vector<16xf32> to vector<1x16xf32>
            tpu.vector_store %arg12[%swap3A_440, %swap3A_441], %swap3A_444 {strides = array<i32>} : memref<16x128xf32, #tpu.memory_space<vmem>>, vector<1x16xf32>,
            %swap3A_445 = arith.constant 1 : i32
            %swap3A_446 = arith.index_cast %swap3A_445 : i32 to index
            %swap3A_447 = arith.constant 16 : index
            %swap3A_448 = tpu.vector_load %arg12[%swap3A_446, %swap3A_447] {strides = array<i32>} : memref<16x128xf32, #tpu.memory_space<vmem>>, vector<1x16xf32>,
            %swap3A_449 = vector.shape_cast %swap3A_448 : vector<1x16xf32> to vector<16xf32>
            %swap3A_450 = vector.shape_cast %broadcast_in_dim3A_11 : vector<16xf32> to vector<1x16xf32>
            tpu.vector_store %arg12[%swap3A_446, %swap3A_447], %swap3A_450 {strides = array<i32>} : memref<16x128xf32, #tpu.memory_space<vmem>>, vector<1x16xf32>,
            %swap3A_451 = arith.constant 1 : i32
            %swap3A_452 = arith.index_cast %swap3A_451 : i32 to index
            %swap3A_453 = arith.constant 32 : index
            %swap3A_454 = tpu.vector_load %arg12[%swap3A_452, %swap3A_453] {strides = array<i32>} : memref<16x128xf32, #tpu.memory_space<vmem>>, vector<1x16xf32>,
            %swap3A_455 = vector.shape_cast %swap3A_454 : vector<1x16xf32> to vector<16xf32>
            %swap3A_456 = vector.shape_cast %broadcast_in_dim3A_11 : vector<16xf32> to vector<1x16xf32>
            tpu.vector_store %arg12[%swap3A_452, %swap3A_453], %swap3A_456 {strides = array<i32>} : memref<16x128xf32, #tpu.memory_space<vmem>>, vector<1x16xf32>,
            %swap3A_457 = arith.constant 1 : i32
            %swap3A_458 = arith.index_cast %swap3A_457 : i32 to index
            %swap3A_459 = arith.constant 48 : index
            %swap3A_460 = tpu.vector_load %arg12[%swap3A_458, %swap3A_459] {strides = array<i32>} : memref<16x128xf32, #tpu.memory_space<vmem>>, vector<1x16xf32>,
            %swap3A_461 = vector.shape_cast %swap3A_460 : vector<1x16xf32> to vector<16xf32>
            %swap3A_462 = vector.shape_cast %broadcast_in_dim3A_11 : vector<16xf32> to vector<1x16xf32>
            tpu.vector_store %arg12[%swap3A_458, %swap3A_459], %swap3A_462 {strides = array<i32>} : memref<16x128xf32, #tpu.memory_space<vmem>>, vector<1x16xf32>,
            %swap3A_463 = arith.constant 1 : i32
            %swap3A_464 = arith.index_cast %swap3A_463 : i32 to index
            %swap3A_465 = arith.constant 64 : index
            %swap3A_466 = tpu.vector_load %arg12[%swap3A_464, %swap3A_465] {strides = array<i32>} : memref<16x128xf32, #tpu.memory_space<vmem>>, vector<1x16xf32>,
            %swap3A_467 = vector.shape_cast %swap3A_466 : vector<1x16xf32> to vector<16xf32>
            %swap3A_468 = vector.shape_cast %broadcast_in_dim3A_11 : vector<16xf32> to vector<1x16xf32>
            tpu.vector_store %arg12[%swap3A_464, %swap3A_465], %swap3A_468 {strides = array<i32>} : memref<16x128xf32, #tpu.memory_space<vmem>>, vector<1x16xf32>,
            %swap3A_469 = arith.constant 1 : i32
            %swap3A_470 = arith.index_cast %swap3A_469 : i32 to index
            %swap3A_471 = arith.constant 80 : index
            %swap3A_472 = tpu.vector_load %arg12[%swap3A_470, %swap3A_471] {strides = array<i32>} : memref<16x128xf32, #tpu.memory_space<vmem>>, vector<1x16xf32>,
            %swap3A_473 = vector.shape_cast %swap3A_472 : vector<1x16xf32> to vector<16xf32>
            %swap3A_474 = vector.shape_cast %broadcast_in_dim3A_11 : vector<16xf32> to vector<1x16xf32>
            tpu.vector_store %arg12[%swap3A_470, %swap3A_471], %swap3A_474 {strides = array<i32>} : memref<16x128xf32, #tpu.memory_space<vmem>>, vector<1x16xf32>,
            %swap3A_475 = arith.constant 1 : i32
            %swap3A_476 = arith.index_cast %swap3A_475 : i32 to index
            %swap3A_477 = arith.constant 96 : index
            %swap3A_478 = tpu.vector_load %arg12[%swap3A_476, %swap3A_477] {strides = array<i32>} : memref<16x128xf32, #tpu.memory_space<vmem>>, vector<1x16xf32>,
            %swap3A_479 = vector.shape_cast %swap3A_478 : vector<1x16xf32> to vector<16xf32>
            %swap3A_480 = vector.shape_cast %broadcast_in_dim3A_11 : vector<16xf32> to vector<1x16xf32>
            tpu.vector_store %arg12[%swap3A_476, %swap3A_477], %swap3A_480 {strides = array<i32>} : memref<16x128xf32, #tpu.memory_space<vmem>>, vector<1x16xf32>,
            %swap3A_481 = arith.constant 1 : i32
            %swap3A_482 = arith.index_cast %swap3A_481 : i32 to index
            %swap3A_483 = arith.constant 112 : index
            %swap3A_484 = tpu.vector_load %arg12[%swap3A_482, %swap3A_483] {strides = array<i32>} : memref<16x128xf32, #tpu.memory_space<vmem>>, vector<1x16xf32>,
            %swap3A_485 = vector.shape_cast %swap3A_484 : vector<1x16xf32> to vector<16xf32>
            %swap3A_486 = vector.shape_cast %broadcast_in_dim3A_11 : vector<16xf32> to vector<1x16xf32>
            tpu.vector_store %arg12[%swap3A_482, %swap3A_483], %swap3A_486 {strides = array<i32>} : memref<16x128xf32, #tpu.memory_space<vmem>>, vector<1x16xf32>,
            %swap3A_487 = arith.constant 2 : i32
            %swap3A_488 = arith.index_cast %swap3A_487 : i32 to index
            %swap3A_489 = arith.constant 0 : index
            %swap3A_490 = tpu.vector_load %arg12[%swap3A_488, %swap3A_489] {strides = array<i32>} : memref<16x128xf32, #tpu.memory_space<vmem>>, vector<1x16xf32>,
            %swap3A_491 = vector.shape_cast %swap3A_490 : vector<1x16xf32> to vector<16xf32>
            %swap3A_492 = vector.shape_cast %broadcast_in_dim3A_11 : vector<16xf32> to vector<1x16xf32>
            tpu.vector_store %arg12[%swap3A_488, %swap3A_489], %swap3A_492 {strides = array<i32>} : memref<16x128xf32, #tpu.memory_space<vmem>>, vector<1x16xf32>,
            %swap3A_493 = arith.constant 2 : i32
            %swap3A_494 = arith.index_cast %swap3A_493 : i32 to index
            %swap3A_495 = arith.constant 16 : index
            %swap3A_496 = tpu.vector_load %arg12[%swap3A_494, %swap3A_495] {strides = array<i32>} : memref<16x128xf32, #tpu.memory_space<vmem>>, vector<1x16xf32>,
            %swap3A_497 = vector.shape_cast %swap3A_496 : vector<1x16xf32> to vector<16xf32>
            %swap3A_498 = vector.shape_cast %broadcast_in_dim3A_11 : vector<16xf32> to vector<1x16xf32>
            tpu.vector_store %arg12[%swap3A_494, %swap3A_495], %swap3A_498 {strides = array<i32>} : memref<16x128xf32, #tpu.memory_space<vmem>>, vector<1x16xf32>,
            %swap3A_499 = arith.constant 2 : i32
            %swap3A_500 = arith.index_cast %swap3A_499 : i32 to index
            %swap3A_501 = arith.constant 32 : index
            %swap3A_502 = tpu.vector_load %arg12[%swap3A_500, %swap3A_501] {strides = array<i32>} : memref<16x128xf32, #tpu.memory_space<vmem>>, vector<1x16xf32>,
            %swap3A_503 = vector.shape_cast %swap3A_502 : vector<1x16xf32> to vector<16xf32>
            %swap3A_504 = vector.shape_cast %broadcast_in_dim3A_11 : vector<16xf32> to vector<1x16xf32>
            tpu.vector_store %arg12[%swap3A_500, %swap3A_501], %swap3A_504 {strides = array<i32>} : memref<16x128xf32, #tpu.memory_space<vmem>>, vector<1x16xf32>,
            %swap3A_505 = arith.constant 2 : i32
            %swap3A_506 = arith.index_cast %swap3A_505 : i32 to index
            %swap3A_507 = arith.constant 48 : index
            %swap3A_508 = tpu.vector_load %arg12[%swap3A_506, %swap3A_507] {strides = array<i32>} : memref<16x128xf32, #tpu.memory_space<vmem>>, vector<1x16xf32>,
            %swap3A_509 = vector.shape_cast %swap3A_508 : vector<1x16xf32> to vector<16xf32>
            %swap3A_510 = vector.shape_cast %broadcast_in_dim3A_11 : vector<16xf32> to vector<1x16xf32>
            tpu.vector_store %arg12[%swap3A_506, %swap3A_507], %swap3A_510 {strides = array<i32>} : memref<16x128xf32, #tpu.memory_space<vmem>>, vector<1x16xf32>,
            %swap3A_511 = arith.constant 2 : i32
            %swap3A_512 = arith.index_cast %swap3A_511 : i32 to index
            %swap3A_513 = arith.constant 64 : index
            %swap3A_514 = tpu.vector_load %arg12[%swap3A_512, %swap3A_513] {strides = array<i32>} : memref<16x128xf32, #tpu.memory_space<vmem>>, vector<1x16xf32>,
            %swap3A_515 = vector.shape_cast %swap3A_514 : vector<1x16xf32> to vector<16xf32>
            %swap3A_516 = vector.shape_cast %broadcast_in_dim3A_11 : vector<16xf32> to vector<1x16xf32>
            tpu.vector_store %arg12[%swap3A_512, %swap3A_513], %swap3A_516 {strides = array<i32>} : memref<16x128xf32, #tpu.memory_space<vmem>>, vector<1x16xf32>,
            %swap3A_517 = arith.constant 2 : i32
            %swap3A_518 = arith.index_cast %swap3A_517 : i32 to index
            %swap3A_519 = arith.constant 80 : index
            %swap3A_520 = tpu.vector_load %arg12[%swap3A_518, %swap3A_519] {strides = array<i32>} : memref<16x128xf32, #tpu.memory_space<vmem>>, vector<1x16xf32>,
            %swap3A_521 = vector.shape_cast %swap3A_520 : vector<1x16xf32> to vector<16xf32>
            %swap3A_522 = vector.shape_cast %broadcast_in_dim3A_11 : vector<16xf32> to vector<1x16xf32>
            tpu.vector_store %arg12[%swap3A_518, %swap3A_519], %swap3A_522 {strides = array<i32>} : memref<16x128xf32, #tpu.memory_space<vmem>>, vector<1x16xf32>,
            %swap3A_523 = arith.constant 2 : i32
            %swap3A_524 = arith.index_cast %swap3A_523 : i32 to index
            %swap3A_525 = arith.constant 96 : index
            %swap3A_526 = tpu.vector_load %arg12[%swap3A_524, %swap3A_525] {strides = array<i32>} : memref<16x128xf32, #tpu.memory_space<vmem>>, vector<1x16xf32>,
            %swap3A_527 = vector.shape_cast %swap3A_526 : vector<1x16xf32> to vector<16xf32>
            %swap3A_528 = vector.shape_cast %broadcast_in_dim3A_11 : vector<16xf32> to vector<1x16xf32>
            tpu.vector_store %arg12[%swap3A_524, %swap3A_525], %swap3A_528 {strides = array<i32>} : memref<16x128xf32, #tpu.memory_space<vmem>>, vector<1x16xf32>,
            %swap3A_529 = arith.constant 2 : i32
            %swap3A_530 = arith.index_cast %swap3A_529 : i32 to index
            %swap3A_531 = arith.constant 112 : index
            %swap3A_532 = tpu.vector_load %arg12[%swap3A_530, %swap3A_531] {strides = array<i32>} : memref<16x128xf32, #tpu.memory_space<vmem>>, vector<1x16xf32>,
            %swap3A_533 = vector.shape_cast %swap3A_532 : vector<1x16xf32> to vector<16xf32>
            %swap3A_534 = vector.shape_cast %broadcast_in_dim3A_11 : vector<16xf32> to vector<1x16xf32>
            tpu.vector_store %arg12[%swap3A_530, %swap3A_531], %swap3A_534 {strides = array<i32>} : memref<16x128xf32, #tpu.memory_space<vmem>>, vector<1x16xf32>,
            %swap3A_535 = arith.constant 3 : i32
            %swap3A_536 = arith.index_cast %swap3A_535 : i32 to index
            %swap3A_537 = arith.constant 0 : index
            %swap3A_538 = tpu.vector_load %arg12[%swap3A_536, %swap3A_537] {strides = array<i32>} : memref<16x128xf32, #tpu.memory_space<vmem>>, vector<1x16xf32>,
            %swap3A_539 = vector.shape_cast %swap3A_538 : vector<1x16xf32> to vector<16xf32>
            %swap3A_540 = vector.shape_cast %broadcast_in_dim3A_11 : vector<16xf32> to vector<1x16xf32>
            tpu.vector_store %arg12[%swap3A_536, %swap3A_537], %swap3A_540 {strides = array<i32>} : memref<16x128xf32, #tpu.memory_space<vmem>>, vector<1x16xf32>,
            %swap3A_541 = arith.constant 3 : i32
            %swap3A_542 = arith.index_cast %swap3A_541 : i32 to index
            %swap3A_543 = arith.constant 16 : index
            %swap3A_544 = tpu.vector_load %arg12[%swap3A_542, %swap3A_543] {strides = array<i32>} : memref<16x128xf32, #tpu.memory_space<vmem>>, vector<1x16xf32>,
            %swap3A_545 = vector.shape_cast %swap3A_544 : vector<1x16xf32> to vector<16xf32>
            %swap3A_546 = vector.shape_cast %broadcast_in_dim3A_11 : vector<16xf32> to vector<1x16xf32>
            tpu.vector_store %arg12[%swap3A_542, %swap3A_543], %swap3A_546 {strides = array<i32>} : memref<16x128xf32, #tpu.memory_space<vmem>>, vector<1x16xf32>,
            %swap3A_547 = arith.constant 3 : i32
            %swap3A_548 = arith.index_cast %swap3A_547 : i32 to index
            %swap3A_549 = arith.constant 32 : index
            %swap3A_550 = tpu.vector_load %arg12[%swap3A_548, %swap3A_549] {strides = array<i32>} : memref<16x128xf32, #tpu.memory_space<vmem>>, vector<1x16xf32>,
            %swap3A_551 = vector.shape_cast %swap3A_550 : vector<1x16xf32> to vector<16xf32>
            %swap3A_552 = vector.shape_cast %broadcast_in_dim3A_11 : vector<16xf32> to vector<1x16xf32>
            tpu.vector_store %arg12[%swap3A_548, %swap3A_549], %swap3A_552 {strides = array<i32>} : memref<16x128xf32, #tpu.memory_space<vmem>>, vector<1x16xf32>,
            %swap3A_553 = arith.constant 3 : i32
            %swap3A_554 = arith.index_cast %swap3A_553 : i32 to index
            %swap3A_555 = arith.constant 48 : index
            %swap3A_556 = tpu.vector_load %arg12[%swap3A_554, %swap3A_555] {strides = array<i32>} : memref<16x128xf32, #tpu.memory_space<vmem>>, vector<1x16xf32>,
            %swap3A_557 = vector.shape_cast %swap3A_556 : vector<1x16xf32> to vector<16xf32>
            %swap3A_558 = vector.shape_cast %broadcast_in_dim3A_11 : vector<16xf32> to vector<1x16xf32>
            tpu.vector_store %arg12[%swap3A_554, %swap3A_555], %swap3A_558 {strides = array<i32>} : memref<16x128xf32, #tpu.memory_space<vmem>>, vector<1x16xf32>,
            %swap3A_559 = arith.constant 3 : i32
            %swap3A_560 = arith.index_cast %swap3A_559 : i32 to index
            %swap3A_561 = arith.constant 64 : index
            %swap3A_562 = tpu.vector_load %arg12[%swap3A_560, %swap3A_561] {strides = array<i32>} : memref<16x128xf32, #tpu.memory_space<vmem>>, vector<1x16xf32>,
            %swap3A_563 = vector.shape_cast %swap3A_562 : vector<1x16xf32> to vector<16xf32>
            %swap3A_564 = vector.shape_cast %broadcast_in_dim3A_11 : vector<16xf32> to vector<1x16xf32>
            tpu.vector_store %arg12[%swap3A_560, %swap3A_561], %swap3A_564 {strides = array<i32>} : memref<16x128xf32, #tpu.memory_space<vmem>>, vector<1x16xf32>,
            %swap3A_565 = arith.constant 3 : i32
            %swap3A_566 = arith.index_cast %swap3A_565 : i32 to index
            %swap3A_567 = arith.constant 80 : index
            %swap3A_568 = tpu.vector_load %arg12[%swap3A_566, %swap3A_567] {strides = array<i32>} : memref<16x128xf32, #tpu.memory_space<vmem>>, vector<1x16xf32>,
            %swap3A_569 = vector.shape_cast %swap3A_568 : vector<1x16xf32> to vector<16xf32>
            %swap3A_570 = vector.shape_cast %broadcast_in_dim3A_11 : vector<16xf32> to vector<1x16xf32>
            tpu.vector_store %arg12[%swap3A_566, %swap3A_567], %swap3A_570 {strides = array<i32>} : memref<16x128xf32, #tpu.memory_space<vmem>>, vector<1x16xf32>,
            %swap3A_571 = arith.constant 3 : i32
            %swap3A_572 = arith.index_cast %swap3A_571 : i32 to index
            %swap3A_573 = arith.constant 96 : index
            %swap3A_574 = tpu.vector_load %arg12[%swap3A_572, %swap3A_573] {strides = array<i32>} : memref<16x128xf32, #tpu.memory_space<vmem>>, vector<1x16xf32>,
            %swap3A_575 = vector.shape_cast %swap3A_574 : vector<1x16xf32> to vector<16xf32>
            %swap3A_576 = vector.shape_cast %broadcast_in_dim3A_11 : vector<16xf32> to vector<1x16xf32>
            tpu.vector_store %arg12[%swap3A_572, %swap3A_573], %swap3A_576 {strides = array<i32>} : memref<16x128xf32, #tpu.memory_space<vmem>>, vector<1x16xf32>,
            %swap3A_577 = arith.constant 3 : i32
            %swap3A_578 = arith.index_cast %swap3A_577 : i32 to index
            %swap3A_579 = arith.constant 112 : index
            %swap3A_580 = tpu.vector_load %arg12[%swap3A_578, %swap3A_579] {strides = array<i32>} : memref<16x128xf32, #tpu.memory_space<vmem>>, vector<1x16xf32>,
            %swap3A_581 = vector.shape_cast %swap3A_580 : vector<1x16xf32> to vector<16xf32>
            %swap3A_582 = vector.shape_cast %broadcast_in_dim3A_11 : vector<16xf32> to vector<1x16xf32>
            tpu.vector_store %arg12[%swap3A_578, %swap3A_579], %swap3A_582 {strides = array<i32>} : memref<16x128xf32, #tpu.memory_space<vmem>>, vector<1x16xf32>,
          } else {
          }
          %scan3A_186 = arith.constant 0 : i32
          %scan3A_187 = arith.constant 20 : i32
          %scan3A_188 = arith.addi %scan3A_186, %scan3A_187 : i32
          %scan3A_189 = arith.constant 1 : i32
          %scan3A_190:32 = scf.for %scan3A_383 = %scan3A_186 to %scan3A_188 step %scan3A_189 iter_args(%scan3A_384 = %broadcast_in_dim3A_11, %scan3A_385 = %broadcast_in_dim3A_11, %scan3A_386 = %broadcast_in_dim3A_11, %scan3A_387 = %broadcast_in_dim3A_11, %scan3A_388 = %broadcast_in_dim3A_11, %scan3A_389 = %broadcast_in_dim3A_11, %scan3A_390 = %broadcast_in_dim3A_11, %scan3A_391 = %broadcast_in_dim3A_11, %scan3A_392 = %broadcast_in_dim3A_11, %scan3A_393 = %broadcast_in_dim3A_11, %scan3A_394 = %broadcast_in_dim3A_11, %scan3A_395 = %broadcast_in_dim3A_11, %scan3A_396 = %broadcast_in_dim3A_11, %scan3A_397 = %broadcast_in_dim3A_11, %scan3A_398 = %broadcast_in_dim3A_11, %scan3A_399 = %broadcast_in_dim3A_11, %scan3A_400 = %broadcast_in_dim3A_11, %scan3A_401 = %broadcast_in_dim3A_11, %scan3A_402 = %broadcast_in_dim3A_11, %scan3A_403 = %broadcast_in_dim3A_11, %scan3A_404 = %broadcast_in_dim3A_11, %scan3A_405 = %broadcast_in_dim3A_11, %scan3A_406 = %broadcast_in_dim3A_11, %scan3A_407 = %broadcast_in_dim3A_11, %scan3A_408 = %broadcast_in_dim3A_11, %scan3A_409 = %broadcast_in_dim3A_11, %scan3A_410 = %broadcast_in_dim3A_11, %scan3A_411 = %broadcast_in_dim3A_11, %scan3A_412 = %broadcast_in_dim3A_11, %scan3A_413 = %broadcast_in_dim3A_11, %scan3A_414 = %broadcast_in_dim3A_11, %scan3A_415 = %broadcast_in_dim3A_11) -> (vector<16xf32>, vector<16xf32>, vector<16xf32>, vector<16xf32>, vector<16xf32>, vector<16xf32>, vector<16xf32>, vector<16xf32>, vector<16xf32>, vector<16xf32>, vector<16xf32>, vector<16xf32>, vector<16xf32>, vector<16xf32>, vector<16xf32>, vector<16xf32>, vector<16xf32>, vector<16xf32>, vector<16xf32>, vector<16xf32>, vector<16xf32>, vector<16xf32>, vector<16xf32>, vector<16xf32>, vector<16xf32>, vector<16xf32>, vector<16xf32>, vector<16xf32>, vector<16xf32>, vector<16xf32>, vector<16xf32>, vector<16xf32>)  : i32 {
            %mul3A_416 = arith.constant 4 : i32
            %mul3A_417 = arith.muli %scan3A_383, %mul3A_416 : i32
            %add3A_418 = arith.constant 0 : i32
            %add3A_419 = arith.addi %mul3A_417, %add3A_418 : i32
            %get3A_420 = arith.index_cast %add3A_419 : i32 to index
            %get3A_421 = arith.constant 0 : index
            %get3A_422 = tpu.vector_load %arg11[%get3A_420, %get3A_421] {strides = array<i32>} : memref<80x128xf32, #tpu.memory_space<vmem>>, vector<1x16xf32>,
            %get3A_423 = vector.shape_cast %get3A_422 : vector<1x16xf32> to vector<16xf32>
            %add3A_424 = arith.addf %scan3A_384, %get3A_423 : vector<16xf32>
            %get3A_425 = arith.index_cast %add3A_419 : i32 to index
            %get3A_426 = arith.constant 16 : index
            %get3A_427 = tpu.vector_load %arg11[%get3A_425, %get3A_426] {strides = array<i32>} : memref<80x128xf32, #tpu.memory_space<vmem>>, vector<1x16xf32>,
            %get3A_428 = vector.shape_cast %get3A_427 : vector<1x16xf32> to vector<16xf32>
            %add3A_429 = arith.addf %scan3A_385, %get3A_428 : vector<16xf32>
            %get3A_430 = arith.index_cast %add3A_419 : i32 to index
            %get3A_431 = arith.constant 32 : index
            %get3A_432 = tpu.vector_load %arg11[%get3A_430, %get3A_431] {strides = array<i32>} : memref<80x128xf32, #tpu.memory_space<vmem>>, vector<1x16xf32>,
            %get3A_433 = vector.shape_cast %get3A_432 : vector<1x16xf32> to vector<16xf32>
            %add3A_434 = arith.addf %scan3A_386, %get3A_433 : vector<16xf32>
            %get3A_435 = arith.index_cast %add3A_419 : i32 to index
            %get3A_436 = arith.constant 48 : index
            %get3A_437 = tpu.vector_load %arg11[%get3A_435, %get3A_436] {strides = array<i32>} : memref<80x128xf32, #tpu.memory_space<vmem>>, vector<1x16xf32>,
            %get3A_438 = vector.shape_cast %get3A_437 : vector<1x16xf32> to vector<16xf32>
            %add3A_439 = arith.addf %scan3A_387, %get3A_438 : vector<16xf32>
            %get3A_440 = arith.index_cast %add3A_419 : i32 to index
            %get3A_441 = arith.constant 64 : index
            %get3A_442 = tpu.vector_load %arg11[%get3A_440, %get3A_441] {strides = array<i32>} : memref<80x128xf32, #tpu.memory_space<vmem>>, vector<1x16xf32>,
            %get3A_443 = vector.shape_cast %get3A_442 : vector<1x16xf32> to vector<16xf32>
            %add3A_444 = arith.addf %scan3A_388, %get3A_443 : vector<16xf32>
            %get3A_445 = arith.index_cast %add3A_419 : i32 to index
            %get3A_446 = arith.constant 80 : index
            %get3A_447 = tpu.vector_load %arg11[%get3A_445, %get3A_446] {strides = array<i32>} : memref<80x128xf32, #tpu.memory_space<vmem>>, vector<1x16xf32>,
            %get3A_448 = vector.shape_cast %get3A_447 : vector<1x16xf32> to vector<16xf32>
            %add3A_449 = arith.addf %scan3A_389, %get3A_448 : vector<16xf32>
            %get3A_450 = arith.index_cast %add3A_419 : i32 to index
            %get3A_451 = arith.constant 96 : index
            %get3A_452 = tpu.vector_load %arg11[%get3A_450, %get3A_451] {strides = array<i32>} : memref<80x128xf32, #tpu.memory_space<vmem>>, vector<1x16xf32>,
            %get3A_453 = vector.shape_cast %get3A_452 : vector<1x16xf32> to vector<16xf32>
            %add3A_454 = arith.addf %scan3A_390, %get3A_453 : vector<16xf32>
            %get3A_455 = arith.index_cast %add3A_419 : i32 to index
            %get3A_456 = arith.constant 112 : index
            %get3A_457 = tpu.vector_load %arg11[%get3A_455, %get3A_456] {strides = array<i32>} : memref<80x128xf32, #tpu.memory_space<vmem>>, vector<1x16xf32>,
            %get3A_458 = vector.shape_cast %get3A_457 : vector<1x16xf32> to vector<16xf32>
            %add3A_459 = arith.addf %scan3A_391, %get3A_458 : vector<16xf32>
            %mul3A_460 = arith.constant 4 : i32
            %mul3A_461 = arith.muli %scan3A_383, %mul3A_460 : i32
            %add3A_462 = arith.constant 1 : i32
            %add3A_463 = arith.addi %mul3A_461, %add3A_462 : i32
            %get3A_464 = arith.index_cast %add3A_463 : i32 to index
            %get3A_465 = arith.constant 0 : index
            %get3A_466 = tpu.vector_load %arg11[%get3A_464, %get3A_465] {strides = array<i32>} : memref<80x128xf32, #tpu.memory_space<vmem>>, vector<1x16xf32>,
            %get3A_467 = vector.shape_cast %get3A_466 : vector<1x16xf32> to vector<16xf32>
            %add3A_468 = arith.addf %scan3A_392, %get3A_467 : vector<16xf32>
            %get3A_469 = arith.index_cast %add3A_463 : i32 to index
            %get3A_470 = arith.constant 16 : index
            %get3A_471 = tpu.vector_load %arg11[%get3A_469, %get3A_470] {strides = array<i32>} : memref<80x128xf32, #tpu.memory_space<vmem>>, vector<1x16xf32>,
            %get3A_472 = vector.shape_cast %get3A_471 : vector<1x16xf32> to vector<16xf32>
            %add3A_473 = arith.addf %scan3A_393, %get3A_472 : vector<16xf32>
            %get3A_474 = arith.index_cast %add3A_463 : i32 to index
            %get3A_475 = arith.constant 32 : index
            %get3A_476 = tpu.vector_load %arg11[%get3A_474, %get3A_475] {strides = array<i32>} : memref<80x128xf32, #tpu.memory_space<vmem>>, vector<1x16xf32>,
            %get3A_477 = vector.shape_cast %get3A_476 : vector<1x16xf32> to vector<16xf32>
            %add3A_478 = arith.addf %scan3A_394, %get3A_477 : vector<16xf32>
            %get3A_479 = arith.index_cast %add3A_463 : i32 to index
            %get3A_480 = arith.constant 48 : index
            %get3A_481 = tpu.vector_load %arg11[%get3A_479, %get3A_480] {strides = array<i32>} : memref<80x128xf32, #tpu.memory_space<vmem>>, vector<1x16xf32>,
            %get3A_482 = vector.shape_cast %get3A_481 : vector<1x16xf32> to vector<16xf32>
            %add3A_483 = arith.addf %scan3A_395, %get3A_482 : vector<16xf32>
            %get3A_484 = arith.index_cast %add3A_463 : i32 to index
            %get3A_485 = arith.constant 64 : index
            %get3A_486 = tpu.vector_load %arg11[%get3A_484, %get3A_485] {strides = array<i32>} : memref<80x128xf32, #tpu.memory_space<vmem>>, vector<1x16xf32>,
            %get3A_487 = vector.shape_cast %get3A_486 : vector<1x16xf32> to vector<16xf32>
            %add3A_488 = arith.addf %scan3A_396, %get3A_487 : vector<16xf32>
            %get3A_489 = arith.index_cast %add3A_463 : i32 to index
            %get3A_490 = arith.constant 80 : index
            %get3A_491 = tpu.vector_load %arg11[%get3A_489, %get3A_490] {strides = array<i32>} : memref<80x128xf32, #tpu.memory_space<vmem>>, vector<1x16xf32>,
            %get3A_492 = vector.shape_cast %get3A_491 : vector<1x16xf32> to vector<16xf32>
            %add3A_493 = arith.addf %scan3A_397, %get3A_492 : vector<16xf32>
            %get3A_494 = arith.index_cast %add3A_463 : i32 to index
            %get3A_495 = arith.constant 96 : index
            %get3A_496 = tpu.vector_load %arg11[%get3A_494, %get3A_495] {strides = array<i32>} : memref<80x128xf32, #tpu.memory_space<vmem>>, vector<1x16xf32>,
            %get3A_497 = vector.shape_cast %get3A_496 : vector<1x16xf32> to vector<16xf32>
            %add3A_498 = arith.addf %scan3A_398, %get3A_497 : vector<16xf32>
            %get3A_499 = arith.index_cast %add3A_463 : i32 to index
            %get3A_500 = arith.constant 112 : index
            %get3A_501 = tpu.vector_load %arg11[%get3A_499, %get3A_500] {strides = array<i32>} : memref<80x128xf32, #tpu.memory_space<vmem>>, vector<1x16xf32>,
            %get3A_502 = vector.shape_cast %get3A_501 : vector<1x16xf32> to vector<16xf32>
            %add3A_503 = arith.addf %scan3A_399, %get3A_502 : vector<16xf32>
            %mul3A_504 = arith.constant 4 : i32
            %mul3A_505 = arith.muli %scan3A_383, %mul3A_504 : i32
            %add3A_506 = arith.constant 2 : i32
            %add3A_507 = arith.addi %mul3A_505, %add3A_506 : i32
            %get3A_508 = arith.index_cast %add3A_507 : i32 to index
            %get3A_509 = arith.constant 0 : index
            %get3A_510 = tpu.vector_load %arg11[%get3A_508, %get3A_509] {strides = array<i32>} : memref<80x128xf32, #tpu.memory_space<vmem>>, vector<1x16xf32>,
            %get3A_511 = vector.shape_cast %get3A_510 : vector<1x16xf32> to vector<16xf32>
            %add3A_512 = arith.addf %scan3A_400, %get3A_511 : vector<16xf32>
            %get3A_513 = arith.index_cast %add3A_507 : i32 to index
            %get3A_514 = arith.constant 16 : index
            %get3A_515 = tpu.vector_load %arg11[%get3A_513, %get3A_514] {strides = array<i32>} : memref<80x128xf32, #tpu.memory_space<vmem>>, vector<1x16xf32>,
            %get3A_516 = vector.shape_cast %get3A_515 : vector<1x16xf32> to vector<16xf32>
            %add3A_517 = arith.addf %scan3A_401, %get3A_516 : vector<16xf32>
            %get3A_518 = arith.index_cast %add3A_507 : i32 to index
            %get3A_519 = arith.constant 32 : index
            %get3A_520 = tpu.vector_load %arg11[%get3A_518, %get3A_519] {strides = array<i32>} : memref<80x128xf32, #tpu.memory_space<vmem>>, vector<1x16xf32>,
            %get3A_521 = vector.shape_cast %get3A_520 : vector<1x16xf32> to vector<16xf32>
            %add3A_522 = arith.addf %scan3A_402, %get3A_521 : vector<16xf32>
            %get3A_523 = arith.index_cast %add3A_507 : i32 to index
            %get3A_524 = arith.constant 48 : index
            %get3A_525 = tpu.vector_load %arg11[%get3A_523, %get3A_524] {strides = array<i32>} : memref<80x128xf32, #tpu.memory_space<vmem>>, vector<1x16xf32>,
            %get3A_526 = vector.shape_cast %get3A_525 : vector<1x16xf32> to vector<16xf32>
            %add3A_527 = arith.addf %scan3A_403, %get3A_526 : vector<16xf32>
            %get3A_528 = arith.index_cast %add3A_507 : i32 to index
            %get3A_529 = arith.constant 64 : index
            %get3A_530 = tpu.vector_load %arg11[%get3A_528, %get3A_529] {strides = array<i32>} : memref<80x128xf32, #tpu.memory_space<vmem>>, vector<1x16xf32>,
            %get3A_531 = vector.shape_cast %get3A_530 : vector<1x16xf32> to vector<16xf32>
            %add3A_532 = arith.addf %scan3A_404, %get3A_531 : vector<16xf32>
            %get3A_533 = arith.index_cast %add3A_507 : i32 to index
            %get3A_534 = arith.constant 80 : index
            %get3A_535 = tpu.vector_load %arg11[%get3A_533, %get3A_534] {strides = array<i32>} : memref<80x128xf32, #tpu.memory_space<vmem>>, vector<1x16xf32>,
            %get3A_536 = vector.shape_cast %get3A_535 : vector<1x16xf32> to vector<16xf32>
            %add3A_537 = arith.addf %scan3A_405, %get3A_536 : vector<16xf32>
            %get3A_538 = arith.index_cast %add3A_507 : i32 to index
            %get3A_539 = arith.constant 96 : index
            %get3A_540 = tpu.vector_load %arg11[%get3A_538, %get3A_539] {strides = array<i32>} : memref<80x128xf32, #tpu.memory_space<vmem>>, vector<1x16xf32>,
            %get3A_541 = vector.shape_cast %get3A_540 : vector<1x16xf32> to vector<16xf32>
            %add3A_542 = arith.addf %scan3A_406, %get3A_541 : vector<16xf32>
            %get3A_543 = arith.index_cast %add3A_507 : i32 to index
            %get3A_544 = arith.constant 112 : index
            %get3A_545 = tpu.vector_load %arg11[%get3A_543, %get3A_544] {strides = array<i32>} : memref<80x128xf32, #tpu.memory_space<vmem>>, vector<1x16xf32>,
            %get3A_546 = vector.shape_cast %get3A_545 : vector<1x16xf32> to vector<16xf32>
            %add3A_547 = arith.addf %scan3A_407, %get3A_546 : vector<16xf32>
            %mul3A_548 = arith.constant 4 : i32
            %mul3A_549 = arith.muli %scan3A_383, %mul3A_548 : i32
            %add3A_550 = arith.constant 3 : i32
            %add3A_551 = arith.addi %mul3A_549, %add3A_550 : i32
            %get3A_552 = arith.index_cast %add3A_551 : i32 to index
            %get3A_553 = arith.constant 0 : index
            %get3A_554 = tpu.vector_load %arg11[%get3A_552, %get3A_553] {strides = array<i32>} : memref<80x128xf32, #tpu.memory_space<vmem>>, vector<1x16xf32>,
            %get3A_555 = vector.shape_cast %get3A_554 : vector<1x16xf32> to vector<16xf32>
            %add3A_556 = arith.addf %scan3A_408, %get3A_555 : vector<16xf32>
            %get3A_557 = arith.index_cast %add3A_551 : i32 to index
            %get3A_558 = arith.constant 16 : index
            %get3A_559 = tpu.vector_load %arg11[%get3A_557, %get3A_558] {strides = array<i32>} : memref<80x128xf32, #tpu.memory_space<vmem>>, vector<1x16xf32>,
            %get3A_560 = vector.shape_cast %get3A_559 : vector<1x16xf32> to vector<16xf32>
            %add3A_561 = arith.addf %scan3A_409, %get3A_560 : vector<16xf32>
            %get3A_562 = arith.index_cast %add3A_551 : i32 to index
            %get3A_563 = arith.constant 32 : index
            %get3A_564 = tpu.vector_load %arg11[%get3A_562, %get3A_563] {strides = array<i32>} : memref<80x128xf32, #tpu.memory_space<vmem>>, vector<1x16xf32>,
            %get3A_565 = vector.shape_cast %get3A_564 : vector<1x16xf32> to vector<16xf32>
            %add3A_566 = arith.addf %scan3A_410, %get3A_565 : vector<16xf32>
            %get3A_567 = arith.index_cast %add3A_551 : i32 to index
            %get3A_568 = arith.constant 48 : index
            %get3A_569 = tpu.vector_load %arg11[%get3A_567, %get3A_568] {strides = array<i32>} : memref<80x128xf32, #tpu.memory_space<vmem>>, vector<1x16xf32>,
            %get3A_570 = vector.shape_cast %get3A_569 : vector<1x16xf32> to vector<16xf32>
            %add3A_571 = arith.addf %scan3A_411, %get3A_570 : vector<16xf32>
            %get3A_572 = arith.index_cast %add3A_551 : i32 to index
            %get3A_573 = arith.constant 64 : index
            %get3A_574 = tpu.vector_load %arg11[%get3A_572, %get3A_573] {strides = array<i32>} : memref<80x128xf32, #tpu.memory_space<vmem>>, vector<1x16xf32>,
            %get3A_575 = vector.shape_cast %get3A_574 : vector<1x16xf32> to vector<16xf32>
            %add3A_576 = arith.addf %scan3A_412, %get3A_575 : vector<16xf32>
            %get3A_577 = arith.index_cast %add3A_551 : i32 to index
            %get3A_578 = arith.constant 80 : index
            %get3A_579 = tpu.vector_load %arg11[%get3A_577, %get3A_578] {strides = array<i32>} : memref<80x128xf32, #tpu.memory_space<vmem>>, vector<1x16xf32>,
            %get3A_580 = vector.shape_cast %get3A_579 : vector<1x16xf32> to vector<16xf32>
            %add3A_581 = arith.addf %scan3A_413, %get3A_580 : vector<16xf32>
            %get3A_582 = arith.index_cast %add3A_551 : i32 to index
            %get3A_583 = arith.constant 96 : index
            %get3A_584 = tpu.vector_load %arg11[%get3A_582, %get3A_583] {strides = array<i32>} : memref<80x128xf32, #tpu.memory_space<vmem>>, vector<1x16xf32>,
            %get3A_585 = vector.shape_cast %get3A_584 : vector<1x16xf32> to vector<16xf32>
            %add3A_586 = arith.addf %scan3A_414, %get3A_585 : vector<16xf32>
            %get3A_587 = arith.index_cast %add3A_551 : i32 to index
            %get3A_588 = arith.constant 112 : index
            %get3A_589 = tpu.vector_load %arg11[%get3A_587, %get3A_588] {strides = array<i32>} : memref<80x128xf32, #tpu.memory_space<vmem>>, vector<1x16xf32>,
            %get3A_590 = vector.shape_cast %get3A_589 : vector<1x16xf32> to vector<16xf32>
            %add3A_591 = arith.addf %scan3A_415, %get3A_590 : vector<16xf32>
            scf.yield %add3A_424, %add3A_429, %add3A_434, %add3A_439, %add3A_444, %add3A_449, %add3A_454, %add3A_459, %add3A_468, %add3A_473, %add3A_478, %add3A_483, %add3A_488, %add3A_493, %add3A_498, %add3A_503, %add3A_512, %add3A_517, %add3A_522, %add3A_527, %add3A_532, %add3A_537, %add3A_542, %add3A_547, %add3A_556, %add3A_561, %add3A_566, %add3A_571, %add3A_576, %add3A_581, %add3A_586, %add3A_591 : vector<16xf32>, vector<16xf32>, vector<16xf32>, vector<16xf32>, vector<16xf32>, vector<16xf32>, vector<16xf32>, vector<16xf32>, vector<16xf32>, vector<16xf32>, vector<16xf32>, vector<16xf32>, vector<16xf32>, vector<16xf32>, vector<16xf32>, vector<16xf32>, vector<16xf32>, vector<16xf32>, vector<16xf32>, vector<16xf32>, vector<16xf32>, vector<16xf32>, vector<16xf32>, vector<16xf32>, vector<16xf32>, vector<16xf32>, vector<16xf32>, vector<16xf32>, vector<16xf32>, vector<16xf32>, vector<16xf32>, vector<16xf32>
          }
          %scan3A_191 = arith.constant 20 : i32
          %swap3A = arith.constant 0 : i32
          %swap3A_192 = arith.index_cast %swap3A : i32 to index
          %swap3A_193 = arith.constant 0 : index
          %swap3A_194 = tpu.vector_load %arg12[%swap3A_192, %swap3A_193] {strides = array<i32>} : memref<16x128xf32, #tpu.memory_space<vmem>>, vector<1x16xf32>,
          %swap3A_195 = vector.shape_cast %swap3A_194 : vector<1x16xf32> to vector<16xf32>
          %swap3A_196 = vector.shape_cast %scan3A_190#0 : vector<16xf32> to vector<1x16xf32>
          tpu.vector_store %arg12[%swap3A_192, %swap3A_193], %swap3A_196 {add = true, strides = array<i32>} : memref<16x128xf32, #tpu.memory_space<vmem>>, vector<1x16xf32>,
          %swap3A_197 = arith.constant 0 : i32
          %swap3A_198 = arith.index_cast %swap3A_197 : i32 to index
          %swap3A_199 = arith.constant 16 : index
          %swap3A_200 = tpu.vector_load %arg12[%swap3A_198, %swap3A_199] {strides = array<i32>} : memref<16x128xf32, #tpu.memory_space<vmem>>, vector<1x16xf32>,
          %swap3A_201 = vector.shape_cast %swap3A_200 : vector<1x16xf32> to vector<16xf32>
          %swap3A_202 = vector.shape_cast %scan3A_190#1 : vector<16xf32> to vector<1x16xf32>
          tpu.vector_store %arg12[%swap3A_198, %swap3A_199], %swap3A_202 {add = true, strides = array<i32>} : memref<16x128xf32, #tpu.memory_space<vmem>>, vector<1x16xf32>,
          %swap3A_203 = arith.constant 0 : i32
          %swap3A_204 = arith.index_cast %swap3A_203 : i32 to index
          %swap3A_205 = arith.constant 32 : index
          %swap3A_206 = tpu.vector_load %arg12[%swap3A_204, %swap3A_205] {strides = array<i32>} : memref<16x128xf32, #tpu.memory_space<vmem>>, vector<1x16xf32>,
          %swap3A_207 = vector.shape_cast %swap3A_206 : vector<1x16xf32> to vector<16xf32>
          %swap3A_208 = vector.shape_cast %scan3A_190#2 : vector<16xf32> to vector<1x16xf32>
          tpu.vector_store %arg12[%swap3A_204, %swap3A_205], %swap3A_208 {add = true, strides = array<i32>} : memref<16x128xf32, #tpu.memory_space<vmem>>, vector<1x16xf32>,
          %swap3A_209 = arith.constant 0 : i32
          %swap3A_210 = arith.index_cast %swap3A_209 : i32 to index
          %swap3A_211 = arith.constant 48 : index
          %swap3A_212 = tpu.vector_load %arg12[%swap3A_210, %swap3A_211] {strides = array<i32>} : memref<16x128xf32, #tpu.memory_space<vmem>>, vector<1x16xf32>,
          %swap3A_213 = vector.shape_cast %swap3A_212 : vector<1x16xf32> to vector<16xf32>
          %swap3A_214 = vector.shape_cast %scan3A_190#3 : vector<16xf32> to vector<1x16xf32>
          tpu.vector_store %arg12[%swap3A_210, %swap3A_211], %swap3A_214 {add = true, strides = array<i32>} : memref<16x128xf32, #tpu.memory_space<vmem>>, vector<1x16xf32>,
          %swap3A_215 = arith.constant 0 : i32
          %swap3A_216 = arith.index_cast %swap3A_215 : i32 to index
          %swap3A_217 = arith.constant 64 : index
          %swap3A_218 = tpu.vector_load %arg12[%swap3A_216, %swap3A_217] {strides = array<i32>} : memref<16x128xf32, #tpu.memory_space<vmem>>, vector<1x16xf32>,
          %swap3A_219 = vector.shape_cast %swap3A_218 : vector<1x16xf32> to vector<16xf32>
          %swap3A_220 = vector.shape_cast %scan3A_190#4 : vector<16xf32> to vector<1x16xf32>
          tpu.vector_store %arg12[%swap3A_216, %swap3A_217], %swap3A_220 {add = true, strides = array<i32>} : memref<16x128xf32, #tpu.memory_space<vmem>>, vector<1x16xf32>,
          %swap3A_221 = arith.constant 0 : i32
          %swap3A_222 = arith.index_cast %swap3A_221 : i32 to index
          %swap3A_223 = arith.constant 80 : index
          %swap3A_224 = tpu.vector_load %arg12[%swap3A_222, %swap3A_223] {strides = array<i32>} : memref<16x128xf32, #tpu.memory_space<vmem>>, vector<1x16xf32>,
          %swap3A_225 = vector.shape_cast %swap3A_224 : vector<1x16xf32> to vector<16xf32>
          %swap3A_226 = vector.shape_cast %scan3A_190#5 : vector<16xf32> to vector<1x16xf32>
          tpu.vector_store %arg12[%swap3A_222, %swap3A_223], %swap3A_226 {add = true, strides = array<i32>} : memref<16x128xf32, #tpu.memory_space<vmem>>, vector<1x16xf32>,
          %swap3A_227 = arith.constant 0 : i32
          %swap3A_228 = arith.index_cast %swap3A_227 : i32 to index
          %swap3A_229 = arith.constant 96 : index
          %swap3A_230 = tpu.vector_load %arg12[%swap3A_228, %swap3A_229] {strides = array<i32>} : memref<16x128xf32, #tpu.memory_space<vmem>>, vector<1x16xf32>,
          %swap3A_231 = vector.shape_cast %swap3A_230 : vector<1x16xf32> to vector<16xf32>
          %swap3A_232 = vector.shape_cast %scan3A_190#6 : vector<16xf32> to vector<1x16xf32>
          tpu.vector_store %arg12[%swap3A_228, %swap3A_229], %swap3A_232 {add = true, strides = array<i32>} : memref<16x128xf32, #tpu.memory_space<vmem>>, vector<1x16xf32>,
          %swap3A_233 = arith.constant 0 : i32
          %swap3A_234 = arith.index_cast %swap3A_233 : i32 to index
          %swap3A_235 = arith.constant 112 : index
          %swap3A_236 = tpu.vector_load %arg12[%swap3A_234, %swap3A_235] {strides = array<i32>} : memref<16x128xf32, #tpu.memory_space<vmem>>, vector<1x16xf32>,
          %swap3A_237 = vector.shape_cast %swap3A_236 : vector<1x16xf32> to vector<16xf32>
          %swap3A_238 = vector.shape_cast %scan3A_190#7 : vector<16xf32> to vector<1x16xf32>
          tpu.vector_store %arg12[%swap3A_234, %swap3A_235], %swap3A_238 {add = true, strides = array<i32>} : memref<16x128xf32, #tpu.memory_space<vmem>>, vector<1x16xf32>,
          %swap3A_239 = arith.constant 1 : i32
          %swap3A_240 = arith.index_cast %swap3A_239 : i32 to index
          %swap3A_241 = arith.constant 0 : index
          %swap3A_242 = tpu.vector_load %arg12[%swap3A_240, %swap3A_241] {strides = array<i32>} : memref<16x128xf32, #tpu.memory_space<vmem>>, vector<1x16xf32>,
          %swap3A_243 = vector.shape_cast %swap3A_242 : vector<1x16xf32> to vector<16xf32>
          %swap3A_244 = vector.shape_cast %scan3A_190#8 : vector<16xf32> to vector<1x16xf32>
          tpu.vector_store %arg12[%swap3A_240, %swap3A_241], %swap3A_244 {add = true, strides = array<i32>} : memref<16x128xf32, #tpu.memory_space<vmem>>, vector<1x16xf32>,
          %swap3A_245 = arith.constant 1 : i32
          %swap3A_246 = arith.index_cast %swap3A_245 : i32 to index
          %swap3A_247 = arith.constant 16 : index
          %swap3A_248 = tpu.vector_load %arg12[%swap3A_246, %swap3A_247] {strides = array<i32>} : memref<16x128xf32, #tpu.memory_space<vmem>>, vector<1x16xf32>,
          %swap3A_249 = vector.shape_cast %swap3A_248 : vector<1x16xf32> to vector<16xf32>
          %swap3A_250 = vector.shape_cast %scan3A_190#9 : vector<16xf32> to vector<1x16xf32>
          tpu.vector_store %arg12[%swap3A_246, %swap3A_247], %swap3A_250 {add = true, strides = array<i32>} : memref<16x128xf32, #tpu.memory_space<vmem>>, vector<1x16xf32>,
          %swap3A_251 = arith.constant 1 : i32
          %swap3A_252 = arith.index_cast %swap3A_251 : i32 to index
          %swap3A_253 = arith.constant 32 : index
          %swap3A_254 = tpu.vector_load %arg12[%swap3A_252, %swap3A_253] {strides = array<i32>} : memref<16x128xf32, #tpu.memory_space<vmem>>, vector<1x16xf32>,
          %swap3A_255 = vector.shape_cast %swap3A_254 : vector<1x16xf32> to vector<16xf32>
          %swap3A_256 = vector.shape_cast %scan3A_190#10 : vector<16xf32> to vector<1x16xf32>
          tpu.vector_store %arg12[%swap3A_252, %swap3A_253], %swap3A_256 {add = true, strides = array<i32>} : memref<16x128xf32, #tpu.memory_space<vmem>>, vector<1x16xf32>,
          %swap3A_257 = arith.constant 1 : i32
          %swap3A_258 = arith.index_cast %swap3A_257 : i32 to index
          %swap3A_259 = arith.constant 48 : index
          %swap3A_260 = tpu.vector_load %arg12[%swap3A_258, %swap3A_259] {strides = array<i32>} : memref<16x128xf32, #tpu.memory_space<vmem>>, vector<1x16xf32>,
          %swap3A_261 = vector.shape_cast %swap3A_260 : vector<1x16xf32> to vector<16xf32>
          %swap3A_262 = vector.shape_cast %scan3A_190#11 : vector<16xf32> to vector<1x16xf32>
          tpu.vector_store %arg12[%swap3A_258, %swap3A_259], %swap3A_262 {add = true, strides = array<i32>} : memref<16x128xf32, #tpu.memory_space<vmem>>, vector<1x16xf32>,
          %swap3A_263 = arith.constant 1 : i32
          %swap3A_264 = arith.index_cast %swap3A_263 : i32 to index
          %swap3A_265 = arith.constant 64 : index
          %swap3A_266 = tpu.vector_load %arg12[%swap3A_264, %swap3A_265] {strides = array<i32>} : memref<16x128xf32, #tpu.memory_space<vmem>>, vector<1x16xf32>,
          %swap3A_267 = vector.shape_cast %swap3A_266 : vector<1x16xf32> to vector<16xf32>
          %swap3A_268 = vector.shape_cast %scan3A_190#12 : vector<16xf32> to vector<1x16xf32>
          tpu.vector_store %arg12[%swap3A_264, %swap3A_265], %swap3A_268 {add = true, strides = array<i32>} : memref<16x128xf32, #tpu.memory_space<vmem>>, vector<1x16xf32>,
          %swap3A_269 = arith.constant 1 : i32
          %swap3A_270 = arith.index_cast %swap3A_269 : i32 to index
          %swap3A_271 = arith.constant 80 : index
          %swap3A_272 = tpu.vector_load %arg12[%swap3A_270, %swap3A_271] {strides = array<i32>} : memref<16x128xf32, #tpu.memory_space<vmem>>, vector<1x16xf32>,
          %swap3A_273 = vector.shape_cast %swap3A_272 : vector<1x16xf32> to vector<16xf32>
          %swap3A_274 = vector.shape_cast %scan3A_190#13 : vector<16xf32> to vector<1x16xf32>
          tpu.vector_store %arg12[%swap3A_270, %swap3A_271], %swap3A_274 {add = true, strides = array<i32>} : memref<16x128xf32, #tpu.memory_space<vmem>>, vector<1x16xf32>,
          %swap3A_275 = arith.constant 1 : i32
          %swap3A_276 = arith.index_cast %swap3A_275 : i32 to index
          %swap3A_277 = arith.constant 96 : index
          %swap3A_278 = tpu.vector_load %arg12[%swap3A_276, %swap3A_277] {strides = array<i32>} : memref<16x128xf32, #tpu.memory_space<vmem>>, vector<1x16xf32>,
          %swap3A_279 = vector.shape_cast %swap3A_278 : vector<1x16xf32> to vector<16xf32>
          %swap3A_280 = vector.shape_cast %scan3A_190#14 : vector<16xf32> to vector<1x16xf32>
          tpu.vector_store %arg12[%swap3A_276, %swap3A_277], %swap3A_280 {add = true, strides = array<i32>} : memref<16x128xf32, #tpu.memory_space<vmem>>, vector<1x16xf32>,
          %swap3A_281 = arith.constant 1 : i32
          %swap3A_282 = arith.index_cast %swap3A_281 : i32 to index
          %swap3A_283 = arith.constant 112 : index
          %swap3A_284 = tpu.vector_load %arg12[%swap3A_282, %swap3A_283] {strides = array<i32>} : memref<16x128xf32, #tpu.memory_space<vmem>>, vector<1x16xf32>,
          %swap3A_285 = vector.shape_cast %swap3A_284 : vector<1x16xf32> to vector<16xf32>
          %swap3A_286 = vector.shape_cast %scan3A_190#15 : vector<16xf32> to vector<1x16xf32>
          tpu.vector_store %arg12[%swap3A_282, %swap3A_283], %swap3A_286 {add = true, strides = array<i32>} : memref<16x128xf32, #tpu.memory_space<vmem>>, vector<1x16xf32>,
          %swap3A_287 = arith.constant 2 : i32
          %swap3A_288 = arith.index_cast %swap3A_287 : i32 to index
          %swap3A_289 = arith.constant 0 : index
          %swap3A_290 = tpu.vector_load %arg12[%swap3A_288, %swap3A_289] {strides = array<i32>} : memref<16x128xf32, #tpu.memory_space<vmem>>, vector<1x16xf32>,
          %swap3A_291 = vector.shape_cast %swap3A_290 : vector<1x16xf32> to vector<16xf32>
          %swap3A_292 = vector.shape_cast %scan3A_190#16 : vector<16xf32> to vector<1x16xf32>
          tpu.vector_store %arg12[%swap3A_288, %swap3A_289], %swap3A_292 {add = true, strides = array<i32>} : memref<16x128xf32, #tpu.memory_space<vmem>>, vector<1x16xf32>,
          %swap3A_293 = arith.constant 2 : i32
          %swap3A_294 = arith.index_cast %swap3A_293 : i32 to index
          %swap3A_295 = arith.constant 16 : index
          %swap3A_296 = tpu.vector_load %arg12[%swap3A_294, %swap3A_295] {strides = array<i32>} : memref<16x128xf32, #tpu.memory_space<vmem>>, vector<1x16xf32>,
          %swap3A_297 = vector.shape_cast %swap3A_296 : vector<1x16xf32> to vector<16xf32>
          %swap3A_298 = vector.shape_cast %scan3A_190#17 : vector<16xf32> to vector<1x16xf32>
          tpu.vector_store %arg12[%swap3A_294, %swap3A_295], %swap3A_298 {add = true, strides = array<i32>} : memref<16x128xf32, #tpu.memory_space<vmem>>, vector<1x16xf32>,
          %swap3A_299 = arith.constant 2 : i32
          %swap3A_300 = arith.index_cast %swap3A_299 : i32 to index
          %swap3A_301 = arith.constant 32 : index
          %swap3A_302 = tpu.vector_load %arg12[%swap3A_300, %swap3A_301] {strides = array<i32>} : memref<16x128xf32, #tpu.memory_space<vmem>>, vector<1x16xf32>,
          %swap3A_303 = vector.shape_cast %swap3A_302 : vector<1x16xf32> to vector<16xf32>
          %swap3A_304 = vector.shape_cast %scan3A_190#18 : vector<16xf32> to vector<1x16xf32>
          tpu.vector_store %arg12[%swap3A_300, %swap3A_301], %swap3A_304 {add = true, strides = array<i32>} : memref<16x128xf32, #tpu.memory_space<vmem>>, vector<1x16xf32>,
          %swap3A_305 = arith.constant 2 : i32
          %swap3A_306 = arith.index_cast %swap3A_305 : i32 to index
          %swap3A_307 = arith.constant 48 : index
          %swap3A_308 = tpu.vector_load %arg12[%swap3A_306, %swap3A_307] {strides = array<i32>} : memref<16x128xf32, #tpu.memory_space<vmem>>, vector<1x16xf32>,
          %swap3A_309 = vector.shape_cast %swap3A_308 : vector<1x16xf32> to vector<16xf32>
          %swap3A_310 = vector.shape_cast %scan3A_190#19 : vector<16xf32> to vector<1x16xf32>
          tpu.vector_store %arg12[%swap3A_306, %swap3A_307], %swap3A_310 {add = true, strides = array<i32>} : memref<16x128xf32, #tpu.memory_space<vmem>>, vector<1x16xf32>,
          %swap3A_311 = arith.constant 2 : i32
          %swap3A_312 = arith.index_cast %swap3A_311 : i32 to index
          %swap3A_313 = arith.constant 64 : index
          %swap3A_314 = tpu.vector_load %arg12[%swap3A_312, %swap3A_313] {strides = array<i32>} : memref<16x128xf32, #tpu.memory_space<vmem>>, vector<1x16xf32>,
          %swap3A_315 = vector.shape_cast %swap3A_314 : vector<1x16xf32> to vector<16xf32>
          %swap3A_316 = vector.shape_cast %scan3A_190#20 : vector<16xf32> to vector<1x16xf32>
          tpu.vector_store %arg12[%swap3A_312, %swap3A_313], %swap3A_316 {add = true, strides = array<i32>} : memref<16x128xf32, #tpu.memory_space<vmem>>, vector<1x16xf32>,
          %swap3A_317 = arith.constant 2 : i32
          %swap3A_318 = arith.index_cast %swap3A_317 : i32 to index
          %swap3A_319 = arith.constant 80 : index
          %swap3A_320 = tpu.vector_load %arg12[%swap3A_318, %swap3A_319] {strides = array<i32>} : memref<16x128xf32, #tpu.memory_space<vmem>>, vector<1x16xf32>,
          %swap3A_321 = vector.shape_cast %swap3A_320 : vector<1x16xf32> to vector<16xf32>
          %swap3A_322 = vector.shape_cast %scan3A_190#21 : vector<16xf32> to vector<1x16xf32>
          tpu.vector_store %arg12[%swap3A_318, %swap3A_319], %swap3A_322 {add = true, strides = array<i32>} : memref<16x128xf32, #tpu.memory_space<vmem>>, vector<1x16xf32>,
          %swap3A_323 = arith.constant 2 : i32
          %swap3A_324 = arith.index_cast %swap3A_323 : i32 to index
          %swap3A_325 = arith.constant 96 : index
          %swap3A_326 = tpu.vector_load %arg12[%swap3A_324, %swap3A_325] {strides = array<i32>} : memref<16x128xf32, #tpu.memory_space<vmem>>, vector<1x16xf32>,
          %swap3A_327 = vector.shape_cast %swap3A_326 : vector<1x16xf32> to vector<16xf32>
          %swap3A_328 = vector.shape_cast %scan3A_190#22 : vector<16xf32> to vector<1x16xf32>
          tpu.vector_store %arg12[%swap3A_324, %swap3A_325], %swap3A_328 {add = true, strides = array<i32>} : memref<16x128xf32, #tpu.memory_space<vmem>>, vector<1x16xf32>,
          %swap3A_329 = arith.constant 2 : i32
          %swap3A_330 = arith.index_cast %swap3A_329 : i32 to index
          %swap3A_331 = arith.constant 112 : index
          %swap3A_332 = tpu.vector_load %arg12[%swap3A_330, %swap3A_331] {strides = array<i32>} : memref<16x128xf32, #tpu.memory_space<vmem>>, vector<1x16xf32>,
          %swap3A_333 = vector.shape_cast %swap3A_332 : vector<1x16xf32> to vector<16xf32>
          %swap3A_334 = vector.shape_cast %scan3A_190#23 : vector<16xf32> to vector<1x16xf32>
          tpu.vector_store %arg12[%swap3A_330, %swap3A_331], %swap3A_334 {add = true, strides = array<i32>} : memref<16x128xf32, #tpu.memory_space<vmem>>, vector<1x16xf32>,
          %swap3A_335 = arith.constant 3 : i32
          %swap3A_336 = arith.index_cast %swap3A_335 : i32 to index
          %swap3A_337 = arith.constant 0 : index
          %swap3A_338 = tpu.vector_load %arg12[%swap3A_336, %swap3A_337] {strides = array<i32>} : memref<16x128xf32, #tpu.memory_space<vmem>>, vector<1x16xf32>,
          %swap3A_339 = vector.shape_cast %swap3A_338 : vector<1x16xf32> to vector<16xf32>
          %swap3A_340 = vector.shape_cast %scan3A_190#24 : vector<16xf32> to vector<1x16xf32>
          tpu.vector_store %arg12[%swap3A_336, %swap3A_337], %swap3A_340 {add = true, strides = array<i32>} : memref<16x128xf32, #tpu.memory_space<vmem>>, vector<1x16xf32>,
          %swap3A_341 = arith.constant 3 : i32
          %swap3A_342 = arith.index_cast %swap3A_341 : i32 to index
          %swap3A_343 = arith.constant 16 : index
          %swap3A_344 = tpu.vector_load %arg12[%swap3A_342, %swap3A_343] {strides = array<i32>} : memref<16x128xf32, #tpu.memory_space<vmem>>, vector<1x16xf32>,
          %swap3A_345 = vector.shape_cast %swap3A_344 : vector<1x16xf32> to vector<16xf32>
          %swap3A_346 = vector.shape_cast %scan3A_190#25 : vector<16xf32> to vector<1x16xf32>
          tpu.vector_store %arg12[%swap3A_342, %swap3A_343], %swap3A_346 {add = true, strides = array<i32>} : memref<16x128xf32, #tpu.memory_space<vmem>>, vector<1x16xf32>,
          %swap3A_347 = arith.constant 3 : i32
          %swap3A_348 = arith.index_cast %swap3A_347 : i32 to index
          %swap3A_349 = arith.constant 32 : index
          %swap3A_350 = tpu.vector_load %arg12[%swap3A_348, %swap3A_349] {strides = array<i32>} : memref<16x128xf32, #tpu.memory_space<vmem>>, vector<1x16xf32>,
          %swap3A_351 = vector.shape_cast %swap3A_350 : vector<1x16xf32> to vector<16xf32>
          %swap3A_352 = vector.shape_cast %scan3A_190#26 : vector<16xf32> to vector<1x16xf32>
          tpu.vector_store %arg12[%swap3A_348, %swap3A_349], %swap3A_352 {add = true, strides = array<i32>} : memref<16x128xf32, #tpu.memory_space<vmem>>, vector<1x16xf32>,
          %swap3A_353 = arith.constant 3 : i32
          %swap3A_354 = arith.index_cast %swap3A_353 : i32 to index
          %swap3A_355 = arith.constant 48 : index
          %swap3A_356 = tpu.vector_load %arg12[%swap3A_354, %swap3A_355] {strides = array<i32>} : memref<16x128xf32, #tpu.memory_space<vmem>>, vector<1x16xf32>,
          %swap3A_357 = vector.shape_cast %swap3A_356 : vector<1x16xf32> to vector<16xf32>
          %swap3A_358 = vector.shape_cast %scan3A_190#27 : vector<16xf32> to vector<1x16xf32>
          tpu.vector_store %arg12[%swap3A_354, %swap3A_355], %swap3A_358 {add = true, strides = array<i32>} : memref<16x128xf32, #tpu.memory_space<vmem>>, vector<1x16xf32>,
          %swap3A_359 = arith.constant 3 : i32
          %swap3A_360 = arith.index_cast %swap3A_359 : i32 to index
          %swap3A_361 = arith.constant 64 : index
          %swap3A_362 = tpu.vector_load %arg12[%swap3A_360, %swap3A_361] {strides = array<i32>} : memref<16x128xf32, #tpu.memory_space<vmem>>, vector<1x16xf32>,
          %swap3A_363 = vector.shape_cast %swap3A_362 : vector<1x16xf32> to vector<16xf32>
          %swap3A_364 = vector.shape_cast %scan3A_190#28 : vector<16xf32> to vector<1x16xf32>
          tpu.vector_store %arg12[%swap3A_360, %swap3A_361], %swap3A_364 {add = true, strides = array<i32>} : memref<16x128xf32, #tpu.memory_space<vmem>>, vector<1x16xf32>,
          %swap3A_365 = arith.constant 3 : i32
          %swap3A_366 = arith.index_cast %swap3A_365 : i32 to index
          %swap3A_367 = arith.constant 80 : index
          %swap3A_368 = tpu.vector_load %arg12[%swap3A_366, %swap3A_367] {strides = array<i32>} : memref<16x128xf32, #tpu.memory_space<vmem>>, vector<1x16xf32>,
          %swap3A_369 = vector.shape_cast %swap3A_368 : vector<1x16xf32> to vector<16xf32>
          %swap3A_370 = vector.shape_cast %scan3A_190#29 : vector<16xf32> to vector<1x16xf32>
          tpu.vector_store %arg12[%swap3A_366, %swap3A_367], %swap3A_370 {add = true, strides = array<i32>} : memref<16x128xf32, #tpu.memory_space<vmem>>, vector<1x16xf32>,
          %swap3A_371 = arith.constant 3 : i32
          %swap3A_372 = arith.index_cast %swap3A_371 : i32 to index
          %swap3A_373 = arith.constant 96 : index
          %swap3A_374 = tpu.vector_load %arg12[%swap3A_372, %swap3A_373] {strides = array<i32>} : memref<16x128xf32, #tpu.memory_space<vmem>>, vector<1x16xf32>,
          %swap3A_375 = vector.shape_cast %swap3A_374 : vector<1x16xf32> to vector<16xf32>
          %swap3A_376 = vector.shape_cast %scan3A_190#30 : vector<16xf32> to vector<1x16xf32>
          tpu.vector_store %arg12[%swap3A_372, %swap3A_373], %swap3A_376 {add = true, strides = array<i32>} : memref<16x128xf32, #tpu.memory_space<vmem>>, vector<1x16xf32>,
          %swap3A_377 = arith.constant 3 : i32
          %swap3A_378 = arith.index_cast %swap3A_377 : i32 to index
          %swap3A_379 = arith.constant 112 : index
          %swap3A_380 = tpu.vector_load %arg12[%swap3A_378, %swap3A_379] {strides = array<i32>} : memref<16x128xf32, #tpu.memory_space<vmem>>, vector<1x16xf32>,
          %swap3A_381 = vector.shape_cast %swap3A_380 : vector<1x16xf32> to vector<16xf32>
          %swap3A_382 = vector.shape_cast %scan3A_190#31 : vector<16xf32> to vector<1x16xf32>
          tpu.vector_store %arg12[%swap3A_378, %swap3A_379], %swap3A_382 {add = true, strides = array<i32>} : memref<16x128xf32, #tpu.memory_space<vmem>>, vector<1x16xf32>,
        } else {
        }
        %not3A = arith.constant true
        %not3A_176 = arith.xori %eq3A_154, %not3A : i1
        %convert_element_type3A_177 = arith.extui %not3A_176 : i1 to i32
        %cond3A_178 = arith.constant 0 : i32
        %cond3A_179 = arith.cmpi ne, %convert_element_type3A_177, %cond3A_178 : i32
        scf.if %cond3A_179 {
          %mul3A_180 = arith.constant 80 : i32
          %mul3A_181 = arith.muli %add3A_132, %mul3A_180 : i32
          %add3A_182 = arith.constant 0 : i32
          %add3A_183 = arith.addi %mul3A_181, %add3A_182 : i32
          %get3A_184 = arith.index_cast %add3A_183 : i32 to index
          %get3A_185 = tpu.vector_load %arg6[%get3A_184] {strides = array<i32>} : memref<1760xi32, #tpu.memory_space<vmem>>, vector<16xi32>,
          %get3A_186 = vector.shape_cast %get3A_185 : vector<16xi32> to vector<16xi32>
          %mul3A_187 = arith.constant 8 : i32
          %mul3A_188 = vector.broadcast %mul3A_187 : i32 to vector<16xi32>
          %mul3A_189 = arith.muli %get3A_186, %mul3A_188 : vector<16xi32>
          %add3A_190 = arith.addi %mul3A_189, %rem3A : vector<16xi32>
          %swap3A = arith.constant 0 : index
          %swap3A_191 = tpu.vector_load %arg7[%swap3A] {strides = array<i32>} : memref<80xi32, #tpu.memory_space<vmem>>, vector<16xi32>,
          %swap3A_192 = vector.shape_cast %swap3A_191 : vector<16xi32> to vector<16xi32>
          %swap3A_193 = vector.shape_cast %add3A_190 : vector<16xi32> to vector<16xi32>
          tpu.vector_store %arg7[%swap3A], %swap3A_193 {strides = array<i32>} : memref<80xi32, #tpu.memory_space<vmem>>, vector<16xi32>,
          %mul3A_194 = arith.constant 80 : i32
          %mul3A_195 = arith.muli %add3A_132, %mul3A_194 : i32
          %add3A_196 = arith.constant 16 : i32
          %add3A_197 = arith.addi %mul3A_195, %add3A_196 : i32
          %get3A_198 = arith.index_cast %add3A_197 : i32 to index
          %get3A_199 = tpu.vector_load %arg6[%get3A_198] {strides = array<i32>} : memref<1760xi32, #tpu.memory_space<vmem>>, vector<16xi32>,
          %get3A_200 = vector.shape_cast %get3A_199 : vector<16xi32> to vector<16xi32>
          %mul3A_201 = arith.constant 8 : i32
          %mul3A_202 = vector.broadcast %mul3A_201 : i32 to vector<16xi32>
          %mul3A_203 = arith.muli %get3A_200, %mul3A_202 : vector<16xi32>
          %add3A_204 = arith.addi %mul3A_203, %rem3A : vector<16xi32>
          %swap3A_205 = arith.constant 16 : index
          %swap3A_206 = tpu.vector_load %arg7[%swap3A_205] {strides = array<i32>} : memref<80xi32, #tpu.memory_space<vmem>>, vector<16xi32>,
          %swap3A_207 = vector.shape_cast %swap3A_206 : vector<16xi32> to vector<16xi32>
          %swap3A_208 = vector.shape_cast %add3A_204 : vector<16xi32> to vector<16xi32>
          tpu.vector_store %arg7[%swap3A_205], %swap3A_208 {strides = array<i32>} : memref<80xi32, #tpu.memory_space<vmem>>, vector<16xi32>,
          %mul3A_209 = arith.constant 80 : i32
          %mul3A_210 = arith.muli %add3A_132, %mul3A_209 : i32
          %add3A_211 = arith.constant 32 : i32
          %add3A_212 = arith.addi %mul3A_210, %add3A_211 : i32
          %get3A_213 = arith.index_cast %add3A_212 : i32 to index
          %get3A_214 = tpu.vector_load %arg6[%get3A_213] {strides = array<i32>} : memref<1760xi32, #tpu.memory_space<vmem>>, vector<16xi32>,
          %get3A_215 = vector.shape_cast %get3A_214 : vector<16xi32> to vector<16xi32>
          %mul3A_216 = arith.constant 8 : i32
          %mul3A_217 = vector.broadcast %mul3A_216 : i32 to vector<16xi32>
          %mul3A_218 = arith.muli %get3A_215, %mul3A_217 : vector<16xi32>
          %add3A_219 = arith.addi %mul3A_218, %rem3A : vector<16xi32>
          %swap3A_220 = arith.constant 32 : index
          %swap3A_221 = tpu.vector_load %arg7[%swap3A_220] {strides = array<i32>} : memref<80xi32, #tpu.memory_space<vmem>>, vector<16xi32>,
          %swap3A_222 = vector.shape_cast %swap3A_221 : vector<16xi32> to vector<16xi32>
          %swap3A_223 = vector.shape_cast %add3A_219 : vector<16xi32> to vector<16xi32>
          tpu.vector_store %arg7[%swap3A_220], %swap3A_223 {strides = array<i32>} : memref<80xi32, #tpu.memory_space<vmem>>, vector<16xi32>,
          %mul3A_224 = arith.constant 80 : i32
          %mul3A_225 = arith.muli %add3A_132, %mul3A_224 : i32
          %add3A_226 = arith.constant 48 : i32
          %add3A_227 = arith.addi %mul3A_225, %add3A_226 : i32
          %get3A_228 = arith.index_cast %add3A_227 : i32 to index
          %get3A_229 = tpu.vector_load %arg6[%get3A_228] {strides = array<i32>} : memref<1760xi32, #tpu.memory_space<vmem>>, vector<16xi32>,
          %get3A_230 = vector.shape_cast %get3A_229 : vector<16xi32> to vector<16xi32>
          %mul3A_231 = arith.constant 8 : i32
          %mul3A_232 = vector.broadcast %mul3A_231 : i32 to vector<16xi32>
          %mul3A_233 = arith.muli %get3A_230, %mul3A_232 : vector<16xi32>
          %add3A_234 = arith.addi %mul3A_233, %rem3A : vector<16xi32>
          %swap3A_235 = arith.constant 48 : index
          %swap3A_236 = tpu.vector_load %arg7[%swap3A_235] {strides = array<i32>} : memref<80xi32, #tpu.memory_space<vmem>>, vector<16xi32>,
          %swap3A_237 = vector.shape_cast %swap3A_236 : vector<16xi32> to vector<16xi32>
          %swap3A_238 = vector.shape_cast %add3A_234 : vector<16xi32> to vector<16xi32>
          tpu.vector_store %arg7[%swap3A_235], %swap3A_238 {strides = array<i32>} : memref<80xi32, #tpu.memory_space<vmem>>, vector<16xi32>,
          %mul3A_239 = arith.constant 80 : i32
          %mul3A_240 = arith.muli %add3A_132, %mul3A_239 : i32
          %add3A_241 = arith.constant 64 : i32
          %add3A_242 = arith.addi %mul3A_240, %add3A_241 : i32
          %get3A_243 = arith.index_cast %add3A_242 : i32 to index
          %get3A_244 = tpu.vector_load %arg6[%get3A_243] {strides = array<i32>} : memref<1760xi32, #tpu.memory_space<vmem>>, vector<16xi32>,
          %get3A_245 = vector.shape_cast %get3A_244 : vector<16xi32> to vector<16xi32>
          %mul3A_246 = arith.constant 8 : i32
          %mul3A_247 = vector.broadcast %mul3A_246 : i32 to vector<16xi32>
          %mul3A_248 = arith.muli %get3A_245, %mul3A_247 : vector<16xi32>
          %add3A_249 = arith.addi %mul3A_248, %rem3A : vector<16xi32>
          %swap3A_250 = arith.constant 64 : index
          %swap3A_251 = tpu.vector_load %arg7[%swap3A_250] {strides = array<i32>} : memref<80xi32, #tpu.memory_space<vmem>>, vector<16xi32>,
          %swap3A_252 = vector.shape_cast %swap3A_251 : vector<16xi32> to vector<16xi32>
          %swap3A_253 = vector.shape_cast %add3A_249 : vector<16xi32> to vector<16xi32>
          tpu.vector_store %arg7[%swap3A_250], %swap3A_253 {strides = array<i32>} : memref<80xi32, #tpu.memory_space<vmem>>, vector<16xi32>,
          "tpu.region"() ({
            %run_scoped3A = tpu.sem_alloc : memref<!tpu.dma_semaphore, #tpu.memory_space<semaphore_mem>>
            %dma_start3A_254 = arith.constant 0 : i32
            %dma_start3A_255 = arith.constant 0 : i32
            %dma_start3A_256 = tpu.memref_slice %arg13[%dma_start3A_254, %dma_start3A_255] : memref<512x128xf32, #tpu.memory_space<vmem_shared>> -> memref<512x128xf32, #tpu.memory_space<vmem_shared>>
            tpu.enqueue_indirect_dma source(%arg11 : memref<80x128xf32, #tpu.memory_space<vmem>>) target(%dma_start3A_256 : memref<512x128xf32, #tpu.memory_space<vmem_shared>>) offsets(%arg7 : memref<80xi32, #tpu.memory_space<vmem>>) semaphore(%run_scoped3A : memref<!tpu.dma_semaphore, #tpu.memory_space<semaphore_mem>>) {add = true}
            %dma_wait3A_257 = arith.constant 0 : i32
            %dma_wait3A_258 = arith.constant 0 : i32
            %dma_wait3A_259 = tpu.memref_slice %arg13[%dma_wait3A_257, %dma_wait3A_258] : memref<512x128xf32, #tpu.memory_space<vmem_shared>> -> memref<512x128xf32, #tpu.memory_space<vmem_shared>>
            tpu.wait_indirect_dma semaphore(%run_scoped3A : memref<!tpu.dma_semaphore, #tpu.memory_space<semaphore_mem>>) src(%arg11 : memref<80x128xf32, #tpu.memory_space<vmem>>) dst(%dma_wait3A_259 : memref<512x128xf32, #tpu.memory_space<vmem_shared>>)
            tpu.yield
          }) : () -> ()
        } else {
        }
      } else {
      }
      %and3A_164 = arith.andi %lt3A_133, %eq3A_154 : i1
      %select_n3A_165 = arith.select %and3A_164, %squeeze3A_151, %select_n3A_128 : i32
      scf.yield %select_n3A_165 : i32
    }
    %scan3A_46 = arith.constant 8 : i32
    %ge3A = arith.constant 0 : i32
    %ge3A_47 = arith.cmpi sge, %scan3A_45, %ge3A : i32
    %convert_element_type3A_48 = arith.extui %ge3A_47 : i1 to i32
    %cond3A_49 = arith.constant 0 : i32
    %cond3A_50 = arith.cmpi ne, %convert_element_type3A_48, %cond3A_49 : i32
    scf.if %cond3A_50 {
      %mul3A_59 = arith.constant 8 : i32
      %mul3A_60 = arith.muli %scan3A_45, %mul3A_59 : i32
      %broadcast_in_dim3A_61 = vector.broadcast %mul3A_60 : i32 to vector<16xi32>
      %add3A_62 = arith.addi %broadcast_in_dim3A_61, %rem3A : vector<16xi32>
      %swap3A = arith.constant 0 : index
      %swap3A_63 = tpu.vector_load %arg8[%swap3A] {strides = array<i32>} : memref<16xi32, #tpu.memory_space<vmem>>, vector<16xi32>,
      %swap3A_64 = vector.shape_cast %swap3A_63 : vector<16xi32> to vector<16xi32>
      %swap3A_65 = vector.shape_cast %add3A_62 : vector<16xi32> to vector<16xi32>
      tpu.vector_store %arg8[%swap3A], %swap3A_65 {strides = array<i32>} : memref<16xi32, #tpu.memory_space<vmem>>, vector<16xi32>,
      "tpu.region"() ({
        %run_scoped3A = tpu.sem_alloc : memref<!tpu.dma_semaphore, #tpu.memory_space<semaphore_mem>>
        %dma_start3A_258 = arith.constant 0 : i32
        %dma_start3A_259 = arith.constant 0 : i32
        %dma_start3A_260 = tpu.memref_slice %arg13[%dma_start3A_258, %dma_start3A_259] : memref<512x128xf32, #tpu.memory_space<vmem_shared>> -> memref<512x128xf32, #tpu.memory_space<vmem_shared>>
        tpu.enqueue_indirect_dma source(%arg12 : memref<16x128xf32, #tpu.memory_space<vmem>>) target(%dma_start3A_260 : memref<512x128xf32, #tpu.memory_space<vmem_shared>>) offsets(%arg8 : memref<16xi32, #tpu.memory_space<vmem>>) semaphore(%run_scoped3A : memref<!tpu.dma_semaphore, #tpu.memory_space<semaphore_mem>>) {add = true}
        %dma_wait3A_261 = arith.constant 0 : i32
        %dma_wait3A_262 = arith.constant 0 : i32
        %dma_wait3A_263 = tpu.memref_slice %arg13[%dma_wait3A_261, %dma_wait3A_262] : memref<512x128xf32, #tpu.memory_space<vmem_shared>> -> memref<512x128xf32, #tpu.memory_space<vmem_shared>>
        tpu.wait_indirect_dma semaphore(%run_scoped3A : memref<!tpu.dma_semaphore, #tpu.memory_space<semaphore_mem>>) src(%arg12 : memref<16x128xf32, #tpu.memory_space<vmem>>) dst(%dma_wait3A_263 : memref<512x128xf32, #tpu.memory_space<vmem_shared>>)
        tpu.yield
      }) : () -> ()
      %swap3A_66 = arith.constant 0 : i32
      %swap3A_67 = arith.index_cast %swap3A_66 : i32 to index
      %swap3A_68 = arith.constant 0 : index
      %swap3A_69 = tpu.vector_load %arg12[%swap3A_67, %swap3A_68] {strides = array<i32>} : memref<16x128xf32, #tpu.memory_space<vmem>>, vector<1x16xf32>,
      %swap3A_70 = vector.shape_cast %swap3A_69 : vector<1x16xf32> to vector<16xf32>
      %swap3A_71 = vector.shape_cast %broadcast_in_dim3A_11 : vector<16xf32> to vector<1x16xf32>
      tpu.vector_store %arg12[%swap3A_67, %swap3A_68], %swap3A_71 {strides = array<i32>} : memref<16x128xf32, #tpu.memory_space<vmem>>, vector<1x16xf32>,
      %swap3A_72 = arith.constant 0 : i32
      %swap3A_73 = arith.index_cast %swap3A_72 : i32 to index
      %swap3A_74 = arith.constant 16 : index
      %swap3A_75 = tpu.vector_load %arg12[%swap3A_73, %swap3A_74] {strides = array<i32>} : memref<16x128xf32, #tpu.memory_space<vmem>>, vector<1x16xf32>,
      %swap3A_76 = vector.shape_cast %swap3A_75 : vector<1x16xf32> to vector<16xf32>
      %swap3A_77 = vector.shape_cast %broadcast_in_dim3A_11 : vector<16xf32> to vector<1x16xf32>
      tpu.vector_store %arg12[%swap3A_73, %swap3A_74], %swap3A_77 {strides = array<i32>} : memref<16x128xf32, #tpu.memory_space<vmem>>, vector<1x16xf32>,
      %swap3A_78 = arith.constant 0 : i32
      %swap3A_79 = arith.index_cast %swap3A_78 : i32 to index
      %swap3A_80 = arith.constant 32 : index
      %swap3A_81 = tpu.vector_load %arg12[%swap3A_79, %swap3A_80] {strides = array<i32>} : memref<16x128xf32, #tpu.memory_space<vmem>>, vector<1x16xf32>,
      %swap3A_82 = vector.shape_cast %swap3A_81 : vector<1x16xf32> to vector<16xf32>
      %swap3A_83 = vector.shape_cast %broadcast_in_dim3A_11 : vector<16xf32> to vector<1x16xf32>
      tpu.vector_store %arg12[%swap3A_79, %swap3A_80], %swap3A_83 {strides = array<i32>} : memref<16x128xf32, #tpu.memory_space<vmem>>, vector<1x16xf32>,
      %swap3A_84 = arith.constant 0 : i32
      %swap3A_85 = arith.index_cast %swap3A_84 : i32 to index
      %swap3A_86 = arith.constant 48 : index
      %swap3A_87 = tpu.vector_load %arg12[%swap3A_85, %swap3A_86] {strides = array<i32>} : memref<16x128xf32, #tpu.memory_space<vmem>>, vector<1x16xf32>,
      %swap3A_88 = vector.shape_cast %swap3A_87 : vector<1x16xf32> to vector<16xf32>
      %swap3A_89 = vector.shape_cast %broadcast_in_dim3A_11 : vector<16xf32> to vector<1x16xf32>
      tpu.vector_store %arg12[%swap3A_85, %swap3A_86], %swap3A_89 {strides = array<i32>} : memref<16x128xf32, #tpu.memory_space<vmem>>, vector<1x16xf32>,
      %swap3A_90 = arith.constant 0 : i32
      %swap3A_91 = arith.index_cast %swap3A_90 : i32 to index
      %swap3A_92 = arith.constant 64 : index
      %swap3A_93 = tpu.vector_load %arg12[%swap3A_91, %swap3A_92] {strides = array<i32>} : memref<16x128xf32, #tpu.memory_space<vmem>>, vector<1x16xf32>,
      %swap3A_94 = vector.shape_cast %swap3A_93 : vector<1x16xf32> to vector<16xf32>
      %swap3A_95 = vector.shape_cast %broadcast_in_dim3A_11 : vector<16xf32> to vector<1x16xf32>
      tpu.vector_store %arg12[%swap3A_91, %swap3A_92], %swap3A_95 {strides = array<i32>} : memref<16x128xf32, #tpu.memory_space<vmem>>, vector<1x16xf32>,
      %swap3A_96 = arith.constant 0 : i32
      %swap3A_97 = arith.index_cast %swap3A_96 : i32 to index
      %swap3A_98 = arith.constant 80 : index
      %swap3A_99 = tpu.vector_load %arg12[%swap3A_97, %swap3A_98] {strides = array<i32>} : memref<16x128xf32, #tpu.memory_space<vmem>>, vector<1x16xf32>,
      %swap3A_100 = vector.shape_cast %swap3A_99 : vector<1x16xf32> to vector<16xf32>
      %swap3A_101 = vector.shape_cast %broadcast_in_dim3A_11 : vector<16xf32> to vector<1x16xf32>
      tpu.vector_store %arg12[%swap3A_97, %swap3A_98], %swap3A_101 {strides = array<i32>} : memref<16x128xf32, #tpu.memory_space<vmem>>, vector<1x16xf32>,
      %swap3A_102 = arith.constant 0 : i32
      %swap3A_103 = arith.index_cast %swap3A_102 : i32 to index
      %swap3A_104 = arith.constant 96 : index
      %swap3A_105 = tpu.vector_load %arg12[%swap3A_103, %swap3A_104] {strides = array<i32>} : memref<16x128xf32, #tpu.memory_space<vmem>>, vector<1x16xf32>,
      %swap3A_106 = vector.shape_cast %swap3A_105 : vector<1x16xf32> to vector<16xf32>
      %swap3A_107 = vector.shape_cast %broadcast_in_dim3A_11 : vector<16xf32> to vector<1x16xf32>
      tpu.vector_store %arg12[%swap3A_103, %swap3A_104], %swap3A_107 {strides = array<i32>} : memref<16x128xf32, #tpu.memory_space<vmem>>, vector<1x16xf32>,
      %swap3A_108 = arith.constant 0 : i32
      %swap3A_109 = arith.index_cast %swap3A_108 : i32 to index
      %swap3A_110 = arith.constant 112 : index
      %swap3A_111 = tpu.vector_load %arg12[%swap3A_109, %swap3A_110] {strides = array<i32>} : memref<16x128xf32, #tpu.memory_space<vmem>>, vector<1x16xf32>,
      %swap3A_112 = vector.shape_cast %swap3A_111 : vector<1x16xf32> to vector<16xf32>
      %swap3A_113 = vector.shape_cast %broadcast_in_dim3A_11 : vector<16xf32> to vector<1x16xf32>
      tpu.vector_store %arg12[%swap3A_109, %swap3A_110], %swap3A_113 {strides = array<i32>} : memref<16x128xf32, #tpu.memory_space<vmem>>, vector<1x16xf32>,
      %swap3A_114 = arith.constant 1 : i32
      %swap3A_115 = arith.index_cast %swap3A_114 : i32 to index
      %swap3A_116 = arith.constant 0 : index
      %swap3A_117 = tpu.vector_load %arg12[%swap3A_115, %swap3A_116] {strides = array<i32>} : memref<16x128xf32, #tpu.memory_space<vmem>>, vector<1x16xf32>,
      %swap3A_118 = vector.shape_cast %swap3A_117 : vector<1x16xf32> to vector<16xf32>
      %swap3A_119 = vector.shape_cast %broadcast_in_dim3A_11 : vector<16xf32> to vector<1x16xf32>
      tpu.vector_store %arg12[%swap3A_115, %swap3A_116], %swap3A_119 {strides = array<i32>} : memref<16x128xf32, #tpu.memory_space<vmem>>, vector<1x16xf32>,
      %swap3A_120 = arith.constant 1 : i32
      %swap3A_121 = arith.index_cast %swap3A_120 : i32 to index
      %swap3A_122 = arith.constant 16 : index
      %swap3A_123 = tpu.vector_load %arg12[%swap3A_121, %swap3A_122] {strides = array<i32>} : memref<16x128xf32, #tpu.memory_space<vmem>>, vector<1x16xf32>,
      %swap3A_124 = vector.shape_cast %swap3A_123 : vector<1x16xf32> to vector<16xf32>
      %swap3A_125 = vector.shape_cast %broadcast_in_dim3A_11 : vector<16xf32> to vector<1x16xf32>
      tpu.vector_store %arg12[%swap3A_121, %swap3A_122], %swap3A_125 {strides = array<i32>} : memref<16x128xf32, #tpu.memory_space<vmem>>, vector<1x16xf32>,
      %swap3A_126 = arith.constant 1 : i32
      %swap3A_127 = arith.index_cast %swap3A_126 : i32 to index
      %swap3A_128 = arith.constant 32 : index
      %swap3A_129 = tpu.vector_load %arg12[%swap3A_127, %swap3A_128] {strides = array<i32>} : memref<16x128xf32, #tpu.memory_space<vmem>>, vector<1x16xf32>,
      %swap3A_130 = vector.shape_cast %swap3A_129 : vector<1x16xf32> to vector<16xf32>
      %swap3A_131 = vector.shape_cast %broadcast_in_dim3A_11 : vector<16xf32> to vector<1x16xf32>
      tpu.vector_store %arg12[%swap3A_127, %swap3A_128], %swap3A_131 {strides = array<i32>} : memref<16x128xf32, #tpu.memory_space<vmem>>, vector<1x16xf32>,
      %swap3A_132 = arith.constant 1 : i32
      %swap3A_133 = arith.index_cast %swap3A_132 : i32 to index
      %swap3A_134 = arith.constant 48 : index
      %swap3A_135 = tpu.vector_load %arg12[%swap3A_133, %swap3A_134] {strides = array<i32>} : memref<16x128xf32, #tpu.memory_space<vmem>>, vector<1x16xf32>,
      %swap3A_136 = vector.shape_cast %swap3A_135 : vector<1x16xf32> to vector<16xf32>
      %swap3A_137 = vector.shape_cast %broadcast_in_dim3A_11 : vector<16xf32> to vector<1x16xf32>
      tpu.vector_store %arg12[%swap3A_133, %swap3A_134], %swap3A_137 {strides = array<i32>} : memref<16x128xf32, #tpu.memory_space<vmem>>, vector<1x16xf32>,
      %swap3A_138 = arith.constant 1 : i32
      %swap3A_139 = arith.index_cast %swap3A_138 : i32 to index
      %swap3A_140 = arith.constant 64 : index
      %swap3A_141 = tpu.vector_load %arg12[%swap3A_139, %swap3A_140] {strides = array<i32>} : memref<16x128xf32, #tpu.memory_space<vmem>>, vector<1x16xf32>,
      %swap3A_142 = vector.shape_cast %swap3A_141 : vector<1x16xf32> to vector<16xf32>
      %swap3A_143 = vector.shape_cast %broadcast_in_dim3A_11 : vector<16xf32> to vector<1x16xf32>
      tpu.vector_store %arg12[%swap3A_139, %swap3A_140], %swap3A_143 {strides = array<i32>} : memref<16x128xf32, #tpu.memory_space<vmem>>, vector<1x16xf32>,
      %swap3A_144 = arith.constant 1 : i32
      %swap3A_145 = arith.index_cast %swap3A_144 : i32 to index
      %swap3A_146 = arith.constant 80 : index
      %swap3A_147 = tpu.vector_load %arg12[%swap3A_145, %swap3A_146] {strides = array<i32>} : memref<16x128xf32, #tpu.memory_space<vmem>>, vector<1x16xf32>,
      %swap3A_148 = vector.shape_cast %swap3A_147 : vector<1x16xf32> to vector<16xf32>
      %swap3A_149 = vector.shape_cast %broadcast_in_dim3A_11 : vector<16xf32> to vector<1x16xf32>
      tpu.vector_store %arg12[%swap3A_145, %swap3A_146], %swap3A_149 {strides = array<i32>} : memref<16x128xf32, #tpu.memory_space<vmem>>, vector<1x16xf32>,
      %swap3A_150 = arith.constant 1 : i32
      %swap3A_151 = arith.index_cast %swap3A_150 : i32 to index
      %swap3A_152 = arith.constant 96 : index
      %swap3A_153 = tpu.vector_load %arg12[%swap3A_151, %swap3A_152] {strides = array<i32>} : memref<16x128xf32, #tpu.memory_space<vmem>>, vector<1x16xf32>,
      %swap3A_154 = vector.shape_cast %swap3A_153 : vector<1x16xf32> to vector<16xf32>
      %swap3A_155 = vector.shape_cast %broadcast_in_dim3A_11 : vector<16xf32> to vector<1x16xf32>
      tpu.vector_store %arg12[%swap3A_151, %swap3A_152], %swap3A_155 {strides = array<i32>} : memref<16x128xf32, #tpu.memory_space<vmem>>, vector<1x16xf32>,
      %swap3A_156 = arith.constant 1 : i32
      %swap3A_157 = arith.index_cast %swap3A_156 : i32 to index
      %swap3A_158 = arith.constant 112 : index
      %swap3A_159 = tpu.vector_load %arg12[%swap3A_157, %swap3A_158] {strides = array<i32>} : memref<16x128xf32, #tpu.memory_space<vmem>>, vector<1x16xf32>,
      %swap3A_160 = vector.shape_cast %swap3A_159 : vector<1x16xf32> to vector<16xf32>
      %swap3A_161 = vector.shape_cast %broadcast_in_dim3A_11 : vector<16xf32> to vector<1x16xf32>
      tpu.vector_store %arg12[%swap3A_157, %swap3A_158], %swap3A_161 {strides = array<i32>} : memref<16x128xf32, #tpu.memory_space<vmem>>, vector<1x16xf32>,
      %swap3A_162 = arith.constant 2 : i32
      %swap3A_163 = arith.index_cast %swap3A_162 : i32 to index
      %swap3A_164 = arith.constant 0 : index
      %swap3A_165 = tpu.vector_load %arg12[%swap3A_163, %swap3A_164] {strides = array<i32>} : memref<16x128xf32, #tpu.memory_space<vmem>>, vector<1x16xf32>,
      %swap3A_166 = vector.shape_cast %swap3A_165 : vector<1x16xf32> to vector<16xf32>
      %swap3A_167 = vector.shape_cast %broadcast_in_dim3A_11 : vector<16xf32> to vector<1x16xf32>
      tpu.vector_store %arg12[%swap3A_163, %swap3A_164], %swap3A_167 {strides = array<i32>} : memref<16x128xf32, #tpu.memory_space<vmem>>, vector<1x16xf32>,
      %swap3A_168 = arith.constant 2 : i32
      %swap3A_169 = arith.index_cast %swap3A_168 : i32 to index
      %swap3A_170 = arith.constant 16 : index
      %swap3A_171 = tpu.vector_load %arg12[%swap3A_169, %swap3A_170] {strides = array<i32>} : memref<16x128xf32, #tpu.memory_space<vmem>>, vector<1x16xf32>,
      %swap3A_172 = vector.shape_cast %swap3A_171 : vector<1x16xf32> to vector<16xf32>
      %swap3A_173 = vector.shape_cast %broadcast_in_dim3A_11 : vector<16xf32> to vector<1x16xf32>
      tpu.vector_store %arg12[%swap3A_169, %swap3A_170], %swap3A_173 {strides = array<i32>} : memref<16x128xf32, #tpu.memory_space<vmem>>, vector<1x16xf32>,
      %swap3A_174 = arith.constant 2 : i32
      %swap3A_175 = arith.index_cast %swap3A_174 : i32 to index
      %swap3A_176 = arith.constant 32 : index
      %swap3A_177 = tpu.vector_load %arg12[%swap3A_175, %swap3A_176] {strides = array<i32>} : memref<16x128xf32, #tpu.memory_space<vmem>>, vector<1x16xf32>,
      %swap3A_178 = vector.shape_cast %swap3A_177 : vector<1x16xf32> to vector<16xf32>
      %swap3A_179 = vector.shape_cast %broadcast_in_dim3A_11 : vector<16xf32> to vector<1x16xf32>
      tpu.vector_store %arg12[%swap3A_175, %swap3A_176], %swap3A_179 {strides = array<i32>} : memref<16x128xf32, #tpu.memory_space<vmem>>, vector<1x16xf32>,
      %swap3A_180 = arith.constant 2 : i32
      %swap3A_181 = arith.index_cast %swap3A_180 : i32 to index
      %swap3A_182 = arith.constant 48 : index
      %swap3A_183 = tpu.vector_load %arg12[%swap3A_181, %swap3A_182] {strides = array<i32>} : memref<16x128xf32, #tpu.memory_space<vmem>>, vector<1x16xf32>,
      %swap3A_184 = vector.shape_cast %swap3A_183 : vector<1x16xf32> to vector<16xf32>
      %swap3A_185 = vector.shape_cast %broadcast_in_dim3A_11 : vector<16xf32> to vector<1x16xf32>
      tpu.vector_store %arg12[%swap3A_181, %swap3A_182], %swap3A_185 {strides = array<i32>} : memref<16x128xf32, #tpu.memory_space<vmem>>, vector<1x16xf32>,
      %swap3A_186 = arith.constant 2 : i32
      %swap3A_187 = arith.index_cast %swap3A_186 : i32 to index
      %swap3A_188 = arith.constant 64 : index
      %swap3A_189 = tpu.vector_load %arg12[%swap3A_187, %swap3A_188] {strides = array<i32>} : memref<16x128xf32, #tpu.memory_space<vmem>>, vector<1x16xf32>,
      %swap3A_190 = vector.shape_cast %swap3A_189 : vector<1x16xf32> to vector<16xf32>
      %swap3A_191 = vector.shape_cast %broadcast_in_dim3A_11 : vector<16xf32> to vector<1x16xf32>
      tpu.vector_store %arg12[%swap3A_187, %swap3A_188], %swap3A_191 {strides = array<i32>} : memref<16x128xf32, #tpu.memory_space<vmem>>, vector<1x16xf32>,
      %swap3A_192 = arith.constant 2 : i32
      %swap3A_193 = arith.index_cast %swap3A_192 : i32 to index
      %swap3A_194 = arith.constant 80 : index
      %swap3A_195 = tpu.vector_load %arg12[%swap3A_193, %swap3A_194] {strides = array<i32>} : memref<16x128xf32, #tpu.memory_space<vmem>>, vector<1x16xf32>,
      %swap3A_196 = vector.shape_cast %swap3A_195 : vector<1x16xf32> to vector<16xf32>
      %swap3A_197 = vector.shape_cast %broadcast_in_dim3A_11 : vector<16xf32> to vector<1x16xf32>
      tpu.vector_store %arg12[%swap3A_193, %swap3A_194], %swap3A_197 {strides = array<i32>} : memref<16x128xf32, #tpu.memory_space<vmem>>, vector<1x16xf32>,
      %swap3A_198 = arith.constant 2 : i32
      %swap3A_199 = arith.index_cast %swap3A_198 : i32 to index
      %swap3A_200 = arith.constant 96 : index
      %swap3A_201 = tpu.vector_load %arg12[%swap3A_199, %swap3A_200] {strides = array<i32>} : memref<16x128xf32, #tpu.memory_space<vmem>>, vector<1x16xf32>,
      %swap3A_202 = vector.shape_cast %swap3A_201 : vector<1x16xf32> to vector<16xf32>
      %swap3A_203 = vector.shape_cast %broadcast_in_dim3A_11 : vector<16xf32> to vector<1x16xf32>
      tpu.vector_store %arg12[%swap3A_199, %swap3A_200], %swap3A_203 {strides = array<i32>} : memref<16x128xf32, #tpu.memory_space<vmem>>, vector<1x16xf32>,
      %swap3A_204 = arith.constant 2 : i32
      %swap3A_205 = arith.index_cast %swap3A_204 : i32 to index
      %swap3A_206 = arith.constant 112 : index
      %swap3A_207 = tpu.vector_load %arg12[%swap3A_205, %swap3A_206] {strides = array<i32>} : memref<16x128xf32, #tpu.memory_space<vmem>>, vector<1x16xf32>,
      %swap3A_208 = vector.shape_cast %swap3A_207 : vector<1x16xf32> to vector<16xf32>
      %swap3A_209 = vector.shape_cast %broadcast_in_dim3A_11 : vector<16xf32> to vector<1x16xf32>
      tpu.vector_store %arg12[%swap3A_205, %swap3A_206], %swap3A_209 {strides = array<i32>} : memref<16x128xf32, #tpu.memory_space<vmem>>, vector<1x16xf32>,
      %swap3A_210 = arith.constant 3 : i32
      %swap3A_211 = arith.index_cast %swap3A_210 : i32 to index
      %swap3A_212 = arith.constant 0 : index
      %swap3A_213 = tpu.vector_load %arg12[%swap3A_211, %swap3A_212] {strides = array<i32>} : memref<16x128xf32, #tpu.memory_space<vmem>>, vector<1x16xf32>,
      %swap3A_214 = vector.shape_cast %swap3A_213 : vector<1x16xf32> to vector<16xf32>
      %swap3A_215 = vector.shape_cast %broadcast_in_dim3A_11 : vector<16xf32> to vector<1x16xf32>
      tpu.vector_store %arg12[%swap3A_211, %swap3A_212], %swap3A_215 {strides = array<i32>} : memref<16x128xf32, #tpu.memory_space<vmem>>, vector<1x16xf32>,
      %swap3A_216 = arith.constant 3 : i32
      %swap3A_217 = arith.index_cast %swap3A_216 : i32 to index
      %swap3A_218 = arith.constant 16 : index
      %swap3A_219 = tpu.vector_load %arg12[%swap3A_217, %swap3A_218] {strides = array<i32>} : memref<16x128xf32, #tpu.memory_space<vmem>>, vector<1x16xf32>,
      %swap3A_220 = vector.shape_cast %swap3A_219 : vector<1x16xf32> to vector<16xf32>
      %swap3A_221 = vector.shape_cast %broadcast_in_dim3A_11 : vector<16xf32> to vector<1x16xf32>
      tpu.vector_store %arg12[%swap3A_217, %swap3A_218], %swap3A_221 {strides = array<i32>} : memref<16x128xf32, #tpu.memory_space<vmem>>, vector<1x16xf32>,
      %swap3A_222 = arith.constant 3 : i32
      %swap3A_223 = arith.index_cast %swap3A_222 : i32 to index
      %swap3A_224 = arith.constant 32 : index
      %swap3A_225 = tpu.vector_load %arg12[%swap3A_223, %swap3A_224] {strides = array<i32>} : memref<16x128xf32, #tpu.memory_space<vmem>>, vector<1x16xf32>,
      %swap3A_226 = vector.shape_cast %swap3A_225 : vector<1x16xf32> to vector<16xf32>
      %swap3A_227 = vector.shape_cast %broadcast_in_dim3A_11 : vector<16xf32> to vector<1x16xf32>
      tpu.vector_store %arg12[%swap3A_223, %swap3A_224], %swap3A_227 {strides = array<i32>} : memref<16x128xf32, #tpu.memory_space<vmem>>, vector<1x16xf32>,
      %swap3A_228 = arith.constant 3 : i32
      %swap3A_229 = arith.index_cast %swap3A_228 : i32 to index
      %swap3A_230 = arith.constant 48 : index
      %swap3A_231 = tpu.vector_load %arg12[%swap3A_229, %swap3A_230] {strides = array<i32>} : memref<16x128xf32, #tpu.memory_space<vmem>>, vector<1x16xf32>,
      %swap3A_232 = vector.shape_cast %swap3A_231 : vector<1x16xf32> to vector<16xf32>
      %swap3A_233 = vector.shape_cast %broadcast_in_dim3A_11 : vector<16xf32> to vector<1x16xf32>
      tpu.vector_store %arg12[%swap3A_229, %swap3A_230], %swap3A_233 {strides = array<i32>} : memref<16x128xf32, #tpu.memory_space<vmem>>, vector<1x16xf32>,
      %swap3A_234 = arith.constant 3 : i32
      %swap3A_235 = arith.index_cast %swap3A_234 : i32 to index
      %swap3A_236 = arith.constant 64 : index
      %swap3A_237 = tpu.vector_load %arg12[%swap3A_235, %swap3A_236] {strides = array<i32>} : memref<16x128xf32, #tpu.memory_space<vmem>>, vector<1x16xf32>,
      %swap3A_238 = vector.shape_cast %swap3A_237 : vector<1x16xf32> to vector<16xf32>
      %swap3A_239 = vector.shape_cast %broadcast_in_dim3A_11 : vector<16xf32> to vector<1x16xf32>
      tpu.vector_store %arg12[%swap3A_235, %swap3A_236], %swap3A_239 {strides = array<i32>} : memref<16x128xf32, #tpu.memory_space<vmem>>, vector<1x16xf32>,
      %swap3A_240 = arith.constant 3 : i32
      %swap3A_241 = arith.index_cast %swap3A_240 : i32 to index
      %swap3A_242 = arith.constant 80 : index
      %swap3A_243 = tpu.vector_load %arg12[%swap3A_241, %swap3A_242] {strides = array<i32>} : memref<16x128xf32, #tpu.memory_space<vmem>>, vector<1x16xf32>,
      %swap3A_244 = vector.shape_cast %swap3A_243 : vector<1x16xf32> to vector<16xf32>
      %swap3A_245 = vector.shape_cast %broadcast_in_dim3A_11 : vector<16xf32> to vector<1x16xf32>
      tpu.vector_store %arg12[%swap3A_241, %swap3A_242], %swap3A_245 {strides = array<i32>} : memref<16x128xf32, #tpu.memory_space<vmem>>, vector<1x16xf32>,
      %swap3A_246 = arith.constant 3 : i32
      %swap3A_247 = arith.index_cast %swap3A_246 : i32 to index
      %swap3A_248 = arith.constant 96 : index
      %swap3A_249 = tpu.vector_load %arg12[%swap3A_247, %swap3A_248] {strides = array<i32>} : memref<16x128xf32, #tpu.memory_space<vmem>>, vector<1x16xf32>,
      %swap3A_250 = vector.shape_cast %swap3A_249 : vector<1x16xf32> to vector<16xf32>
      %swap3A_251 = vector.shape_cast %broadcast_in_dim3A_11 : vector<16xf32> to vector<1x16xf32>
      tpu.vector_store %arg12[%swap3A_247, %swap3A_248], %swap3A_251 {strides = array<i32>} : memref<16x128xf32, #tpu.memory_space<vmem>>, vector<1x16xf32>,
      %swap3A_252 = arith.constant 3 : i32
      %swap3A_253 = arith.index_cast %swap3A_252 : i32 to index
      %swap3A_254 = arith.constant 112 : index
      %swap3A_255 = tpu.vector_load %arg12[%swap3A_253, %swap3A_254] {strides = array<i32>} : memref<16x128xf32, #tpu.memory_space<vmem>>, vector<1x16xf32>,
      %swap3A_256 = vector.shape_cast %swap3A_255 : vector<1x16xf32> to vector<16xf32>
      %swap3A_257 = vector.shape_cast %broadcast_in_dim3A_11 : vector<16xf32> to vector<1x16xf32>
      tpu.vector_store %arg12[%swap3A_253, %swap3A_254], %swap3A_257 {strides = array<i32>} : memref<16x128xf32, #tpu.memory_space<vmem>>, vector<1x16xf32>,
    } else {
    }
    %barrier3A_51 = arith.constant 0 : index
    tpu.barrier barrier_id(%barrier3A_51)
    %mul3A_52 = arith.constant 32 : i32
    %mul3A_53 = arith.muli %arg1, %mul3A_52 : i32
    %mul3A_54 = arith.constant 512 : i32
    %mul3A_55 = arith.muli %arg0, %mul3A_54 : i32
    %mul3A_56 = arith.constant 32 : i32
    %mul3A_57 = arith.muli %arg1, %mul3A_56 : i32
    %add3A_58 = arith.addi %mul3A_55, %mul3A_57 : i32
    "tpu.region"() ({
      %run_scoped3A = tpu.sem_alloc : memref<!tpu.dma_semaphore, #tpu.memory_space<semaphore_mem>>
      %dma_start3A_59 = arith.constant 0 : i32
      %dma_start3A_60 = tpu.memref_slice %arg5[%add3A_58, %dma_start3A_59] : memref<1024x128xf32, #tpu.memory_space<hbm>> -> memref<32x128xf32, #tpu.memory_space<hbm>>
      %dma_start3A_61 = arith.constant 0 : i32
      %dma_start3A_62 = tpu.memref_slice %arg13[%mul3A_53, %dma_start3A_61] : memref<512x128xf32, #tpu.memory_space<vmem_shared>> -> memref<32x128xf32, #tpu.memory_space<vmem_shared>>
      tpu.enqueue_dma source(%dma_start3A_62 : memref<32x128xf32, #tpu.memory_space<vmem_shared>>) target(%dma_start3A_60 : memref<32x128xf32, #tpu.memory_space<hbm>>) target_semaphore(%run_scoped3A : memref<!tpu.dma_semaphore, #tpu.memory_space<semaphore_mem>>)
      %dma_wait3A_63 = arith.constant 0 : i32
      %dma_wait3A_64 = tpu.memref_slice %arg5[%add3A_58, %dma_wait3A_63] : memref<1024x128xf32, #tpu.memory_space<hbm>> -> memref<32x128xf32, #tpu.memory_space<hbm>>
      %dma_wait3A_65 = arith.constant 0 : i32
      %dma_wait3A_66 = tpu.memref_slice %arg13[%mul3A_53, %dma_wait3A_65] : memref<512x128xf32, #tpu.memory_space<vmem_shared>> -> memref<32x128xf32, #tpu.memory_space<vmem_shared>>
      tpu.wait_dma2 semaphore(%run_scoped3A : memref<!tpu.dma_semaphore, #tpu.memory_space<semaphore_mem>>) src(%dma_wait3A_66 : memref<32x128xf32, #tpu.memory_space<vmem_shared>>) dst(%dma_wait3A_64 : memref<32x128xf32, #tpu.memory_space<hbm>>)
      tpu.yield
    }) : () -> ()
    return
  }
}

module attributes {stable_mosaic.version = 14 : i64} {
  func.func @mm(%arg0: memref<2x64x8x128xf32, #tpu.memory_space<vmem>>, %arg1: memref<64x128xf32, #tpu.memory_space<vmem>>, %arg2: memref<128x128xf32, #tpu.memory_space<vmem>>, %arg3: memref<1x128xf32, #tpu.memory_space<vmem>>, %arg4: memref<64x128xf32, #tpu.memory_space<vmem>>) attributes {dimension_semantics = [], scalar_prefetch = 0 : i64, scratch_operands = 0 : i64, tpu.core_type = #tpu.core_type<tc>} {
    %get3A = arith.constant 0 : index
    %get3A_0 = arith.constant 0 : index
    %get3A_1 = arith.constant 0 : index
    %get3A_2 = arith.constant 0 : index
    %get3A_3 = vector.load %arg0[%get3A, %get3A_0, %get3A_1, %get3A_2] : memref<2x64x8x128xf32, #tpu.memory_space<vmem>>, vector<2x64x8x128xf32>
    %reduce_sum3A = arith.constant dense<0.000000e+00> : vector<64x128xf32>
    %reduce_sum3A_4 = vector.multi_reduction <add>, %get3A_3, %reduce_sum3A [0, 2] : vector<2x64x8x128xf32> to vector<64x128xf32>
    %get3A_5 = arith.constant 0 : index
    %get3A_6 = arith.constant 0 : index
    %get3A_7 = vector.load %arg1[%get3A_5, %get3A_6] : memref<64x128xf32, #tpu.memory_space<vmem>>, vector<64x128xf32>
    %add3A = arith.addf %reduce_sum3A_4, %get3A_7 : vector<64x128xf32>
    %get3A_8 = arith.constant 0 : index
    %get3A_9 = arith.constant 0 : index
    %get3A_10 = vector.load %arg2[%get3A_8, %get3A_9] : memref<128x128xf32, #tpu.memory_space<vmem>>, vector<128x128xf32>
    %dot_general3A = arith.constant dense<0.000000e+00> : vector<64x128xf32>
    %dot_general3A_11 = tpu.matmul %add3A, %get3A_10, %dot_general3A {dimension_numbers = #tpu.dot_dimension_numbers<[1], [1], [0], [0], [0, 0, 1, 0], [], []>, transpose_lhs_hint = false} : vector<64x128xf32>, vector<128x128xf32>, vector<64x128xf32> -> vector<64x128xf32>
    %get3A_12 = arith.constant 0 : index
    %get3A_13 = arith.constant 0 : index
    %get3A_14 = vector.load %arg3[%get3A_12, %get3A_13] : memref<1x128xf32, #tpu.memory_space<vmem>>, vector<1x128xf32>
    %add3A_15 = vector.broadcast %get3A_14 : vector<1x128xf32> to vector<64x128xf32>
    %add3A_16 = arith.addf %dot_general3A_11, %add3A_15 : vector<64x128xf32>
    %swap3A = arith.constant 0 : index
    %swap3A_17 = arith.constant 0 : index
    %swap3A_18 = vector.load %arg4[%swap3A, %swap3A_17] : memref<64x128xf32, #tpu.memory_space<vmem>>, vector<64x128xf32>
    tpu.vector_store %arg4[%swap3A, %swap3A_17], %add3A_16 {strides = array<i32>} : memref<64x128xf32, #tpu.memory_space<vmem>>, vector<64x128xf32>,
    return
  }
}

module attributes {stable_mosaic.version = 14 : i64} {
  func.func @body(%arg0: i32, %arg1: memref<1x1x2000xi32, #tpu.memory_space<vmem>>, %arg2: memref<2000x128xf32, #tpu.memory_space<vmem>>, %arg3: memref<64x128xf32, #tpu.memory_space<vmem>>) attributes {dimension_semantics = [#tpu.dimension_semantics<arbitrary>], iteration_bounds = array<i64: 23>, scalar_prefetch = 0 : i64, scratch_operands = 0 : i64, tpu.core_type = #tpu.core_type<tc>, window_params = [{transform_indices = @transform_0, window_bounds = array<i64: 1, 1, 2000>}, {transform_indices = @transform_1, window_bounds = array<i64: 2000, 128>}, {pipeline_mode = #tpu.pipeline_mode<synchronous>, transform_indices = @transform_2, window_bounds = array<i64: 64, 128>}]} {
    %get3A = arith.constant 0 : index
    %get3A_0 = arith.constant 0 : index
    %get3A_1 = arith.constant 0 : index
    %get3A_2 = vector.load %arg1[%get3A, %get3A_0, %get3A_1] : memref<1x1x2000xi32, #tpu.memory_space<vmem>>, vector<1x1x2000xi32>
    %get3A_3 = vector.shape_cast %get3A_2 : vector<1x1x2000xi32> to vector<2000xi32>
    %iota3A = tpu.iota {dimensions = array<i32: 0>} : vector<64x2000xi32>
    %broadcast_in_dim3A = vector.shape_cast %get3A_3 : vector<2000xi32> to vector<1x2000xi32>
    %eq3A = vector.broadcast %broadcast_in_dim3A : vector<1x2000xi32> to vector<64x2000xi32>
    %eq3A_4 = arith.cmpi eq, %iota3A, %eq3A : vector<64x2000xi32>
    %convert_element_type3A = arith.extui %eq3A_4 : vector<64x2000xi1> to vector<64x2000xi32>
    %convert_element_type3A_5 = arith.sitofp %convert_element_type3A : vector<64x2000xi32> to vector<64x2000xf32>
    %get3A_6 = arith.constant 0 : index
    %get3A_7 = arith.constant 0 : index
    %get3A_8 = vector.load %arg2[%get3A_6, %get3A_7] : memref<2000x128xf32, #tpu.memory_space<vmem>>, vector<2000x128xf32>
    %dot_general3A = arith.constant dense<0.000000e+00> : vector<64x128xf32>
    %dot_general3A_9 = tpu.matmul %convert_element_type3A_5, %get3A_8, %dot_general3A {dimension_numbers = #tpu.dot_dimension_numbers<[1], [0], [0], [1], [0, 0, 1, 1], [], []>, transpose_lhs_hint = false} : vector<64x2000xf32>, vector<2000x128xf32>, vector<64x128xf32> -> vector<64x128xf32>
    %eq3A_10 = arith.constant 0 : i32
    %eq3A_11 = arith.cmpi eq, %arg0, %eq3A_10 : i32
    %convert_element_type3A_12 = arith.extui %eq3A_11 : i1 to i32
    %cond3A = arith.constant 0 : i32
    %cond3A_13 = arith.cmpi ne, %convert_element_type3A_12, %cond3A : i32
    scf.if %cond3A_13 {
      %swap3A = arith.constant 0 : index
      %swap3A_18 = arith.constant 0 : index
      %swap3A_19 = vector.load %arg3[%swap3A, %swap3A_18] : memref<64x128xf32, #tpu.memory_space<vmem>>, vector<64x128xf32>
      tpu.vector_store %arg3[%swap3A, %swap3A_18], %dot_general3A_9 {strides = array<i32>} : memref<64x128xf32, #tpu.memory_space<vmem>>, vector<64x128xf32>,
    } else {
    }
    %gt3A = arith.constant 0 : i32
    %gt3A_14 = arith.cmpi sgt, %arg0, %gt3A : i32
    %convert_element_type3A_15 = arith.extui %gt3A_14 : i1 to i32
    %cond3A_16 = arith.constant 0 : i32
    %cond3A_17 = arith.cmpi ne, %convert_element_type3A_15, %cond3A_16 : i32
    scf.if %cond3A_17 {
      %get3A_18 = arith.constant 0 : index
      %get3A_19 = arith.constant 0 : index
      %get3A_20 = vector.load %arg3[%get3A_18, %get3A_19] : memref<64x128xf32, #tpu.memory_space<vmem>>, vector<64x128xf32>
      %add3A = arith.addf %get3A_20, %dot_general3A_9 : vector<64x128xf32>
      %swap3A = arith.constant 0 : index
      %swap3A_21 = arith.constant 0 : index
      %swap3A_22 = vector.load %arg3[%swap3A, %swap3A_21] : memref<64x128xf32, #tpu.memory_space<vmem>>, vector<64x128xf32>
      tpu.vector_store %arg3[%swap3A, %swap3A_21], %add3A {strides = array<i32>} : memref<64x128xf32, #tpu.memory_space<vmem>>, vector<64x128xf32>,
    } else {
    }
    return
  }
  func.func @transform_0(%arg0: i32) -> (i32, i32, i32) {
    %add3A = arith.constant 27 : i32
    %add3A_0 = arith.addi %arg0, %add3A : i32
    %c0_i32 = arith.constant 0 : i32
    %c0_i32_1 = arith.constant 0 : i32
    %c0_i32_2 = arith.constant 0 : i32
    return %add3A_0, %c0_i32, %c0_i32_1 : i32, i32, i32
  }
  func.func @transform_1(%arg0: i32) -> (i32, i32) {
    %add3A = arith.constant 27 : i32
    %add3A_0 = arith.addi %arg0, %add3A : i32
    %c0_i32 = arith.constant 0 : i32
    %c0_i32_1 = arith.constant 0 : i32
    return %add3A_0, %c0_i32 : i32, i32
  }
  func.func @transform_2(%arg0: i32) -> (i32, i32) {
    %c0_i32 = arith.constant 0 : i32
    %c0_i32_0 = arith.constant 0 : i32
    %c0_i32_1 = arith.constant 0 : i32
    return %c0_i32, %c0_i32_0 : i32, i32
  }
}

</mosaic_0001>

<sc_bundles>
// kernel: kernel.5.cloned.1.call-start
scs
__scs_entry_jumppad:
0x0: {  	(pc) =	sbr.rel $0x88, $3  }
0x1: {  	(tag) =	ssettag $0x0;
	lr =	simm.s32 $0x1  }
0x2: {  	[smem:$0x3F9D] =	sst lr;
	_ =	strace $0xD0000000  }
0x3: {  	_ = 	snop  }
0x4: {  	_ = 	snop  }
0x5: {  	_ = 	snop  }
0x6: {  	_ = 	snop  }
0x7: {  	_ = 	snop  }
__scs_overlays_trampoline_lowered:
0x8: {  	[smem:$0x3FAC] =	sst s0  }
0x9: {  	[smem:$0x3FAD] =	sst s1  }
0xa: {  	[smem:$0x3FAE] =	sst s2  }
0xb: {  	[smem:$0x3FAF] =	sst s3  }
0xc: {  	[smem:$0x3FB0] =	sst s4  }
0xd: {  	[smem:$0x3FB1] =	sst s5  }
0xe: {  	[smem:$0x3FB2] =	sst s6  }
0xf: {  	[smem:$0x3FB3] =	sst s7  }
0x10: {  	[smem:$0x3FB4] =	sst s8  }
0x11: {  	[smem:$0x3FB5] =	sst s9;
	s0 =	simm.s32 @!p0 $0x0  }
0x12: {  	s1 =	sld [smem:$0x3F9B];
	s0 =	simm.s32 @p0 $0x1  }
0x13: {  	[smem:$0x3FB6] =	sst s0;
	s0 =	simm.s32 @!p1 $0x0  }
0x14: {  	s2 =	sld [smem:$0x3F9A];
	s0 =	simm.s32 @p1 $0x1  }
0x15: {  	[smem:$0x3FB7] =	sst s0;
	s0 =	simm.s32 @!p2 $0x0  }
0x16: {  	s3 =	sld [smem:$0x3FDB];
	s0 =	simm.s32 @p2 $0x1  }
0x17: {  	s4 =	simm.s32 $0x1BF5;
	[smem:$0x3FB9] =	sst s0  }
0x18: {  	s0 =	sld [smem:$0x3F9C];
	_ =	swait.ge [sflag:s4], $0x0  }
0x19: {  	s7 =	sld [smem:$0x3F9D]  }
0x1a: {  	s8 =	sadd.s32 $0xFFFFE003, lr  }
0x1b: {  	s9 =	sadd.s32 $0xFFFFFEF7, lr;
	s5 =	simm.s32 $0xFFFFFFFF;
	p2 =	slt.u32 s8, $0xFFFFF086  }
0x1c: {  	p1 =	slt.u32 s9, $0xF7A;
	s5 =	simm.s32 @!p2 $0x0  }
0x1d: {  	s5 =	simm.s32 @p1 $0x1;
	p0 =	seq.s32 s7, s2  }
0x1e: {  	s7 =	smul.u32 @!p0 $0xF7A, s2;
	p2 =	seq.s32 @!p0 s5, $0x0  }
0x1f: {  	s9 =	smul.u32 $0xF7A, s1;
	s8 =	simm.s32 @!p0 $0x1BF5;
	p2 =	por !p2, p0  }
0x20: {  	[sflag:s8] =	ssyncset.s32 @!p0 $0xFFFFF086;
	s6 =	sadd.s32 @!p0 s3, s7;
	s7 =	simm.s32 @!p0 $0x108  }
0x21: {  	s3 =	sadd.s32 s3, s9;
	s6 =	sadd.s32 @!p0 $0x88, s6;
	s7 =	simm.s32 @p2 $0x1082  }
0x22: {  	[simem:s7], [sflag:s8] =	dma.local @!p0 [hbm:s6], $0xF7A  }
0x23: {  	s9 =	sor.u32 $0xD0000000, s2;
	s6 =	simm.s32 $0x108;
	_ =	swait.ge @!p0 [sflag:s8], $0x0  }
0x24: {  	s3 =	sadd.s32 $0x88, s3;
	s6 =	simm.s32 @!p1 $0x1082;
	[sflag:s4] =	ssyncset.s32 $0xFFFFF086  }
0x25: {  	[simem:s6], [sflag:s4] =	dma.local [hbm:s3], $0xF7A  }
0x26: {  	[smem:$0x3F9D] =	sst s1;
	(tag) =	ssettag s2;
	_ =	strace s9  }
0x27: {  	s1 =	sld [smem:$0x3FAD]  }
0x28: {  	s2 =	sld [smem:$0x3FAE]  }
0x29: {  	s4 =	sld [smem:$0x3FB0]  }
0x2a: {  	p0 =	seq.s32 s5, $0x0;
	s5 =	sld [smem:$0x3FB1]  }
0x2b: {  	s6 =	sld [smem:$0x3FB2]  }
0x2c: {  	s7 =	sld [smem:$0x3FB3]  }
0x2d: {  	s3 =	simm.s32 $0x108;
	s8 =	sld [smem:$0x3FB4]  }
0x2e: {  	s3 =	simm.s32 @!p0 $0x1082;
	s9 =	sld [smem:$0x3FB5]  }
0x2f: {  	lr =	sadd.s32 s0, s3;
	s0 =	sld [smem:$0x3FAC]  }
0x30: {  	s3 =	sld [smem:$0x3FAF]  }
0x31: {  	[smem:$0x3FB8] =	sst s10  }
0x32: {  	s10 =	sld [smem:$0x3FB6];
	_ =	sdelay $0x3  }
0x33: {  	p0 =	seq.s32 s10, $0x1;
	s10 =	sld [smem:$0x3FB8];
	_ =	sdelay $0x3  }
0x34: {  	[smem:$0x3FB8] =	sst s10  }
0x35: {  	s10 =	sld [smem:$0x3FB7];
	_ =	sdelay $0x3  }
0x36: {  	p1 =	seq.s32 s10, $0x1;
	s10 =	sld [smem:$0x3FB8];
	_ =	sdelay $0x3  }
0x37: {  	[smem:$0x3FB8] =	sst s10  }
0x38: {  	s10 =	sld [smem:$0x3FB9]  }
0x39: {  	_ = 	snop;
	(pc) =	sbr.ind lr, $3  }
0x3a: {  	_ = 	snop  }
0x3b: {  	_ = 	snop  }
0x3c: {  	p2 =	seq.s32 s10, $0x1;
	s10 =	sld [smem:$0x3FB8]  }
0x3d: {  	_ =	shalt  }
0x3e: {  	_ =	shalt  }
0x3f: {  	_ =	shalt  }
0x40: {  	_ =	shalt  }
0x41: {  	_ =	shalt  }
0x42: {  	_ =	shalt  }
0x43: {  	_ =	shalt  }
0x44: {  	_ =	shalt  }
0x45: {  	_ =	shalt  }
0x46: {  	_ =	shalt  }
0x47: {  	_ =	shalt  }
0x48: {  	_ =	shalt  }
0x49: {  	_ =	shalt  }
0x4a: {  	_ =	shalt  }
0x4b: {  	_ =	shalt  }
0x4c: {  	_ =	shalt  }
0x4d: {  	_ =	shalt  }
0x4e: {  	_ =	shalt  }
0x4f: {  	_ =	shalt  }
0x50: {  	_ =	shalt  }
0x51: {  	_ =	shalt  }
0x52: {  	_ =	shalt  }
0x53: {  	_ =	shalt  }
0x54: {  	_ =	shalt  }
0x55: {  	_ =	shalt  }
0x56: {  	_ =	shalt  }
0x57: {  	_ =	shalt  }
0x58: {  	_ =	shalt  }
0x59: {  	_ =	shalt  }
0x5a: {  	_ =	shalt  }
0x5b: {  	_ =	shalt  }
0x5c: {  	_ =	shalt  }
0x5d: {  	_ =	shalt  }
0x5e: {  	_ =	shalt  }
0x5f: {  	_ =	shalt  }
0x60: {  	_ =	shalt  }
0x61: {  	_ =	shalt  }
0x62: {  	_ =	shalt  }
0x63: {  	_ =	shalt  }
0x64: {  	_ =	shalt  }
0x65: {  	_ =	shalt  }
0x66: {  	_ =	shalt  }
0x67: {  	_ =	shalt  }
0x68: {  	_ =	shalt  }
0x69: {  	_ =	shalt  }
0x6a: {  	_ =	shalt  }
0x6b: {  	_ =	shalt  }
0x6c: {  	_ =	shalt  }
0x6d: {  	_ =	shalt  }
0x6e: {  	_ =	shalt  }
0x6f: {  	_ =	shalt  }
0x70: {  	_ =	shalt  }
0x71: {  	_ =	shalt  }
0x72: {  	_ =	shalt  }
0x73: {  	_ =	shalt  }
0x74: {  	_ =	shalt  }
0x75: {  	_ =	shalt  }
0x76: {  	_ =	shalt  }
0x77: {  	_ =	shalt  }
0x78: {  	_ =	shalt  }
0x79: {  	_ =	shalt  }
0x7a: {  	_ =	shalt  }
0x7b: {  	_ =	shalt  }
0x7c: {  	_ =	shalt  }
0x7d: {  	_ =	shalt  }
0x7e: {  	_ =	shalt  }
0x7f: {  	_ =	shalt  }
0x80: {  	_ =	shalt  }
0x81: {  	_ =	shalt  }
0x82: {  	_ =	shalt  }
0x83: {  	_ =	shalt  }
0x84: {  	_ =	shalt  }
0x85: {  	_ =	shalt  }
0x86: {  	_ =	shalt  }
0x87: {  	_ =	shalt  }
.Lfunc_end0:
.L_simem_size_0:
called_computation_lowered:
.L_overlay_start_0:
0x88: {  	s2 =	sld [smem:$0x3FD9]  }
0x89: {  	s3 =	sld [smem:$0x3FFE];
	_ =	sdelay $0x1  }
0x8a: {  	s1 =	srdreg.scid  }
0x8b: {  	s0 =	sand.u32 $0x1, s1  }
0x8c: {  	s17 =	sshll.u32 s0, $0xA;
	s2 =	sadd.s32 s3, s2  }
0x8d: {  	s2 =	sadd.s32 s2, s17  }
0x8e: {  	[smem:$0x3FC4] =	sst s2  }
0x8f: {  	_ = 	snop  }
0x90: {  	s2 =	sld [smem:$0x3FC9]  }
0x91: {  	s18 =	sld [smem:$0x3FC8];
	(tm) =	ssettm $0x1  }
0x92: {  	s4 =	sld [smem:$0x3FFB];
	_ =	sdelay $0x3  }
0x93: {  	_ =	strace s4  }
0x94: {  	s4 =	sld [smem:$0x3FFC];
	_ =	sdelay $0x3  }
0x95: {  	_ =	strace s4  }
0x96: {  	s4 =	sld [smem:$0x3FFD];
	_ =	sdelay $0x3  }
0x97: {  	_ =	strace s4  }
0x98: {  	_ =	strace $0x8FFFFFFF  }
0x99: {  	s19 =	sld [smem:$0x3FDB];
	_ =	sdelay $0x1  }
0x9a: {  	s5 =	simm.s32 $_scs_section_size  }
0x9b: {  	s6 =	simm.s32 $_size__tile_overlayer_lowered;
	s7 =	simm.s32 $_tile_overlayer_lowered  }
0x9c: {  	s22 =	simm.s32 $0x1BFF;
	s21 =	sshll.u32 s7, $0x1;
	s4 =	sadd.s32 s5, s19  }
0x9d: {  	s8 =	simm.s32 $0x0;
	s20 =	sshll.u32 s6, $0x1;
	s6 =	sadd.s32 s21, s4  }
0x9e: {  	[timem:s8], [sflag:s22] =	dma.local [hbm:s6], s20  }
0x9f: {  	_ =	swait.ge [sflag:s22], s20  }
0xa0: {  	s5 =	ssub.s32 $0x0, s20;
	[sflag:s22] =	ssyncset.done $0x0  }
0xa1: {  	[sflag:s22] =	ssyncadd.s32 s5;
	_ =	sdelay $0x1  }
0xa2: {  	s23 =	simm.s32 $0x1B8B  }
0xa3: {  	_ =	swait.ge [sflag:s23], $0x1  }
0xa4: {  	[sflag:s23] =	ssyncset.done $0x0  }
0xa5: {  	s25 =	simm.s32 $0x1B8E;
	s24 =	sld [smem:$0x3FFE];
	[sflag:s23] =	ssyncadd.s32 $0xFFFFFFFF  }
0xa6: {  	s26 =	simm.s32 $execute0_lowered;
	[smem:$0x3FD2] =	sst s25  }
0xa7: {  	s6 =	sshll.u32 s26, $0x1;
	_ =	strace $0x80000046;
	[dreg:$0x1] =	wrdreg $0xFFFFFFFF  }
0xa8: {  	s28 =	simm.s32 $_size_execute0_lowered;
	s4 =	sadd.s32 s4, s6;
	[dreg:$0x0] =	wrdreg $0x0  }
0xa9: {  	s6 =	sshll.u32 s28, $0x1;
	[dreg:$0x2] =	wrdreg s4  }
0xaa: {  	[dreg:$0x3] =	wrdreg s6  }
0xab: {  	[dreg:$0x4] =	wrdreg $0xC0  }
0xac: {  	_ =	task [dreg:s8], $0x5FFFF  }
0xad: {  	[dreg:$0x1] =	wrdreg $0xFFFFFFFF  }
0xae: {  	[dreg:$0x0] =	wrdreg $0x60  }
0xaf: {  	[dreg:$0x2] =	wrdreg s2  }
0xb0: {  	[dreg:$0x3] =	wrdreg s18  }
0xb1: {  	[dreg:$0x4] =	wrdreg s24  }
0xb2: {  	[dreg:$0x5] =	wrdreg $0x88000  }
0xb3: {  	[dreg:$0x6] =	wrdreg $0x9  }
0xb4: {  	_ =	task.clear_ibuf [dreg:s8], $0x7FFFF;
	_ =	strace $0x90000046  }
0xb5: {  	s29 =	simm.s32 $0x9;
	_ =	strace $0x80000048  }
0xb6: {  	_ =	swait.ge [sflag:s29], $0x1  }
0xb7: {  	[sflag:s29] =	ssyncadd.s32 $0xFFFFFFFF  }
0xb8: {  	_ =	strace $0x90000048  }
0xb9: {  	_ =	sfence  }
0xba: {  	s30 =	sld [smem:$0x0];
	_ =	sdelay $0x2  }
0xbb: {  	s31 =	sshll.u32 s1, $0xD;
	s1 =	sshrl.u32 s1, $0x2  }
0xbc: {  	s3 =	sand.u32 $0x4000, s31;
	s1 =	sadd.s32 s1, s30  }
0xbd: {  	s0 =	sor.u32 s3, s0;
	s1 =	sshll.u32 s1, $0x11  }
0xbe: {  	s0 =	sor.u32 s1, s0  }
0xbf: {  	s0 =	sadd.s32 $0x8F2B, s0  }
0xc0: {  	[sflag:s0] =	ssyncadd.remote.s32 $0x1  }
0xc1: {  	_ =	sfence.sel $0xFFFF  }
0xc2: {  	[dreg:$0x0] =	wrdreg $0xFFFFFFFF;
	(pc) =	sbr.abs _section_cstart, $3  }
0xc3: {  	[dreg:$0x1] =	wrdreg $0xFFFFFFFF  }
0xc4: {  	_ =	task.clear_ibuf [dreg:s8], $0x2FFFF;
	_ =	strace $0x9FFFFFFF  }
0xc5: {  	(tm) =	ssettm $0x7FFFFFFF  }
tec
execute0_lowered:
.L_overlay_start_1:
0x0: {  	(tag) =	ssettag $0x1  }
0x1: {  	s0 =	rddreg [dreg:$0x0]  }
0x2: {  	s1 =	rddreg [dreg:$0x1];
	s11 =	stileid.u32  }
0x3: {  	s2 =	srdreg.scid;
	s4 =	rddreg [dreg:$0x2]  }
0x4: {  	s3 =	rddreg [dreg:$0x3];
	s7 =	simm.s32 $0x0;
	s28 =	simm.s32 $0x81D0  }
0x5: {  	s29 =	simm.s32 $0x81E0;
	s30 =	simm.s32 $0x81F0;
	s31 =	simm.s32 $0x50  }
0x6: {  	s2 =	sand.u32 $0x1, s2;
	s5 =	sshll.u32 s11, $0x1;
	[smem:$0x7FF] =	sst s7  }
0x7: {  	s9 =	sshll.u32 s11, $0x9;
	s12 =	sadd.s32 $0xC00, s4;
	s7 =	simm.s32 $0x16  }
0x8: {  	s18 =	sshll.u32 s11, $0xC;
	s19 =	sshll.u32 s11, $0x6;
	s6 =	sor.u32 s2, s5  }
0x9: {  	_ =	strace $0x80000047;
	s8 =	ssub.s32 $0x2, s2;
	s4 =	sadd.s32 s9, s4  }
0xa: {  	[dreg:$0x5] =	wrdreg s12;
	s9 =	sadd.s32 s12, s9;
	s12 =	sor.u32 $0x1C05, s19  }
0xb: {  	s2 =	sshll.u32 s2, $0xD;
	s5 =	smul.u32 $0x15, s6;
	s16 =	smin.u32 s6, $0x3  }
0xc: {  	s17 =	sshrl.u32 s8, $0x1;
	p0 =	slt.u32 s6, $0x3;
	[dreg:$0x7] =	wrdreg s9  }
0xd: {  	s2 =	sadd.s32 s2, s4;
	[dreg:$0x8] =	wrdreg s12;
	s8 =	ssub.s32 s8, s17  }
0xe: {  	s7 =	simm.s32 @!p0 $0x15;
	s2 =	sadd.s32 $0x2C00, s2;
	s5 =	sadd.s32 s16, s5  }
0xf: {  	p0 =	sgt.u32 s6, $0x2;
	s17 =	simm.s32 $0x5;
	s10 =	smul.u32 $0x50, s5  }
0x10: {  	[dreg:$0xc] =	wrdreg s2;
	s26 =	smax.u32 s8, $0x1;
	s20 =	smul.u32 $0x2800, s5  }
0x11: {  	s16 =	simm.s32 $0x8160;
	s2 =	simm.s32 $0x700;
	s21 =	smul.u32 $0x500, s5  }
0x12: {  	s8 =	simm.s32 $0x0;
	[dreg:$0xd] =	wrdreg s26;
	s26 =	simm.s32 $0x81C0  }
0x13: {  	s10 =	sshrl.u32 s10, $0x3;
	s23 =	sshrl.u32 s20, $0x3;
	s9 =	sadd.s32 s1, s21  }
0x14: {  	s20 =	simm.s32 $0x8170;
	s21 =	simm.s32 $0x8180;
	s13 =	sadd.s32 s0, s10  }
0x15: {  	s0 =	sadd.s32 s18, s3;
	[dreg:$0xa] =	wrdreg s9;
	s24 =	sadd.s32 s1, s23  }
.Ltmp0:
0x16: {  	s18 =	simm.s32 $0x8000;
	s23 =	simm.s32 $0x8190;
	(pc) =	sbr.rel .LBB2_1-.Ltmp0, $4  }
0x17: {  	s9 =	simm.s32 $0x4;
	[dreg:$0x6] =	wrdreg s13;
	s22 =	sadd.s32 $0xD2, s13  }
0x18: {  	v0 =	vlaneseq.u32;
	s25 =	sadd.s32 $0x500, s24;
	s6 =	sshrl.u32 s0, $0x3;
	[dreg:$0x9] =	wrdreg s22  }
0x19: {  	v0 =	vand.u32 $0x7, v0;
	s24 =	simm.s32 $0x81A0;
	s0 =	simm.s32 $0x3;
	[dreg:$0xb] =	wrdreg s25  }
0x1a: {  	[tilespmem:$0x1FFF0] =	vst v0;
	s22 =	simm.s32 $0x2;
	s25 =	simm.s32 $0x81B0;
	[dreg:$0xe] =	wrdreg s6  }
.LBB2_21:
0x1b: {  	p1 =	slt.s32 s11, $0x0  }
0x1c: {  	v0 =	vlaneseq.u32 @!p1  }
0x1d: {  	s4 =	sshll.u32 @!p1 s11, $0x3;
	v0 =	vand.u32 @!p1 $0x7, v0  }
0x1e: {  	v0 =	vor.u32 @!p1 s4, v0  }
0x1f: {  	s6 =	simm.s32 @!p1 $0x780;
	s8 =	simm.s32 @!p1 $0x8000;
	s4 =	simm.s32 @!p1 $0x10;
	[tilespmem:$0x780] =	vst @!p1 v0  }
0x20: {  	[spmem:s3] =	stream.indirect.scatter.add.f32 @!p1 [tilespmem:s8], [sflag:$0x5], $0x80, s6, s4, $0xb8;
	[tilespmem:$0x9800] =	vst v63  }
0x21: {  	s4 =	simm.s32 @!p1 $0x5  }
0x22: {  	_ =	swait.ge @!p1 [sflag:s4], $0x800  }
0x23: {  	[sflag:s4] =	ssyncset.done @!p1 $0x0  }
0x24: {  	v0 =	vimm.f32 @!p1 $0.0e+00;
	[sflag:s4] =	ssyncadd.s32 @!p1 $0xFFFFF800  }
0x25: {  	[tilespmem:$0x8000] =	vst @!p1 v0  }
0x26: {  	[tilespmem:$0x8010] =	vst @!p1 v0  }
0x27: {  	[tilespmem:$0x8020] =	vst @!p1 v0  }
0x28: {  	[tilespmem:$0x8030] =	vst @!p1 v0  }
0x29: {  	[tilespmem:$0x8040] =	vst @!p1 v0  }
0x2a: {  	[tilespmem:$0x8050] =	vst @!p1 v0  }
0x2b: {  	[tilespmem:$0x8060] =	vst @!p1 v0  }
0x2c: {  	[tilespmem:$0x8070] =	vst @!p1 v0  }
0x2d: {  	[tilespmem:$0x8080] =	vst @!p1 v0  }
0x2e: {  	[tilespmem:$0x8090] =	vst @!p1 v0  }
0x2f: {  	[tilespmem:$0x80A0] =	vst @!p1 v0  }
0x30: {  	[tilespmem:$0x80B0] =	vst @!p1 v0  }
0x31: {  	[tilespmem:$0x80C0] =	vst @!p1 v0  }
0x32: {  	[tilespmem:$0x80D0] =	vst @!p1 v0  }
0x33: {  	[tilespmem:$0x80E0] =	vst @!p1 v0  }
0x34: {  	[tilespmem:$0x80F0] =	vst @!p1 v0  }
0x35: {  	[tilespmem:$0x8100] =	vst @!p1 v0  }
0x36: {  	[tilespmem:$0x8110] =	vst @!p1 v0  }
0x37: {  	[tilespmem:$0x8120] =	vst @!p1 v0  }
0x38: {  	[tilespmem:$0x8130] =	vst @!p1 v0  }
0x39: {  	[tilespmem:$0x8140] =	vst @!p1 v0  }
0x3a: {  	[tilespmem:$0x8150] =	vst @!p1 v0  }
0x3b: {  	[tilespmem:$0x8160] =	vst @!p1 v0  }
0x3c: {  	[tilespmem:$0x8170] =	vst @!p1 v0  }
0x3d: {  	[tilespmem:$0x8180] =	vst @!p1 v0  }
0x3e: {  	[tilespmem:$0x8190] =	vst @!p1 v0  }
0x3f: {  	[tilespmem:$0x81A0] =	vst @!p1 v0  }
0x40: {  	[tilespmem:$0x81B0] =	vst @!p1 v0  }
0x41: {  	[tilespmem:$0x81C0] =	vst @!p1 v0  }
0x42: {  	[tilespmem:$0x81D0] =	vst @!p1 v0  }
0x43: {  	[tilespmem:$0x81E0] =	vst @!p1 v0  }
0x44: {  	[tilespmem:$0x81F0] =	vst @!p1 v0  }
0x45: {  	[bflag:$0x0] =	sbarrier.arrive $0xFFFF  }
0x46: {  	s12 =	rddreg [dreg:$0x8]  }
0x47: {  	s14 =	rddreg [dreg:$0xc]  }
0x48: {  	s6 =	rddreg [dreg:$0xe]  }
0x49: {  	[hbm:s14], [sflag:s12] =	dma.local [spmem:s6], $0x200  }
0x4a: {  	_ =	swait.ge [sflag:s17], $0x200  }
0x4b: {  	s15 =	rddreg [dreg:$0xf]  }
0x4c: {  	s19 =	rddreg [dreg:$0xd];
	s8 =	sadd.s32 $0x1, s15  }
0x4d: {  	p1 =	sne.s32 s8, s19  }
.Ltmp1:
0x4e: {  	_ = 	snop;
	(pc) =	sbr.rel @!p1 .LBB2_22-.Ltmp1, $3  }
0x4f: {  	_ =	sdelay $0x1  }
0x50: {  	[sflag:s17] =	ssyncset.done $0x0  }
0x51: {  	[sflag:s17] =	ssyncadd.s32 $0xFFFFFE00  }
.LBB2_1:
0x52: {  	[dreg:$0xf] =	wrdreg s8  }
0x53: {  	s4 =	rddreg [dreg:$0x6]  }
0x54: {  	s8 =	simm.s32 $0x0;
	s10 =	rddreg [dreg:$0x7]  }
0x55: {  	[tilespmem:s8], [sflag:$0x1] =	stream.linear.gather [hbm4b:s4+s8], $0x690, $0x38;
	[tilespmem:$0x9800] =	vst v63  }
0x56: {  	[spmem:s6], [sflag:s12] =	dma.local [hbm:s10], $0x200  }
0x57: {  	_ =	swait.ge [sflag:s17], $0x200  }
0x58: {  	[sflag:s17] =	ssyncset.done $0x0  }
0x59: {  	s11 =	rddreg [dreg:$0x5];
	[sflag:s17] =	ssyncadd.s32 $0xFFFFFE00  }
0x5a: {  	[tilespmem:s18], [sflag:$0x5] =	stream.linear.gather [hbm4b:s11+s8], $0x800, $0x38;
	[tilespmem:$0x9800] =	vst v63  }
0x5b: {  	_ =	swait.ge [sflag:s17], $0x800  }
0x5c: {  	s4 =	simm.s32 @!p0 $0x0;
	[sflag:s17] =	ssyncset.done $0x0  }
0x5d: {  	s6 =	simm.s32 @!p0 $0x690;
	s10 =	rddreg [dreg:$0x9];
	[sflag:s17] =	ssyncadd.s32 $0xFFFFF800  }
0x5e: {  	[tilespmem:s6], [sflag:$0x5] =	stream.linear.gather @!p0 [hbm4b:s10+s4], $0x50, $0x38;
	[tilespmem:$0x9800] =	vst v63  }
0x5f: {  	s4 =	simm.s32 @!p0 $0x5  }
0x60: {  	_ =	swait.ge @!p0 [sflag:s4], $0x50  }
0x61: {  	[sflag:s4] =	ssyncset.done @!p0 $0x0  }
0x62: {  	s12 =	simm.s32 $0x1;
	[sflag:s4] =	ssyncadd.s32 @!p0 $0xFFFFFFB0  }
0x63: {  	_ =	swait.ge [sflag:s12], $0x690  }
0x64: {  	[sflag:s12] =	ssyncset.done $0x0  }
0x65: {  	[sflag:s12] =	ssyncadd.s32 $0xFFFFF970  }
.Ltmp2:
0x66: {  	[bflag:$0x0] =	sbarrier.arrive $0xFFFF;
	(pc) =	sbr.rel .LBB2_2-.Ltmp2, $4  }
0x67: {  	s14 =	simm.s32 $0x800;
	s19 =	simm.s32 $0x3000;
	s13 =	rddreg [dreg:$0xa]  }
0x68: {  	[tilespmem:s14], [sflag:$0x2] =	stream.linear.gather [hbm4b:s13+s8], $0x2800, $0x38;
	[tilespmem:$0x9800] =	vst v63  }
0x69: {  	s11 =	simm.s32 $0xFFFFFFFF;
	s12 =	simm.s32 $0x0;
	s15 =	rddreg [dreg:$0xb]  }
0x6a: {  	[tilespmem:s19], [sflag:$0x3] =	stream.linear.gather [hbm4b:s15+s8], $0x2800, $0x38;
	[tilespmem:$0x9800] =	vst v63  }
.LBB2_19:
0x6b: {  	s4 =	smul.u32 $0x140, s13;
	_ =	sdelay $0x1  }
0x6c: {  	s4 =	sshra.s32 s4, $0x2  }
0x6d: {  	v0 =	vld [tilespmem:s4+$0x0]  }
0x6e: {  	v1 =	vld [tilespmem:$0x1FFF0];
	_ =	sdelay $0x3  }
0x6f: {  	v0 =	vshll.u32 v0, $0x3  }
0x70: {  	v0 =	vor.u32 v1, v0  }
0x71: {  	[tilespmem:$0x700] =	vst v0  }
0x72: {  	v0 =	vld [tilespmem:s4+$0x10];
	_ =	sdelay $0x4  }
0x73: {  	v0 =	vshll.u32 v0, $0x3  }
0x74: {  	v0 =	vor.u32 v1, v0  }
0x75: {  	[tilespmem:$0x710] =	vst v0  }
0x76: {  	v0 =	vld [tilespmem:s4+$0x20];
	_ =	sdelay $0x4  }
0x77: {  	v0 =	vshll.u32 v0, $0x3  }
0x78: {  	v0 =	vor.u32 v1, v0  }
0x79: {  	[tilespmem:$0x720] =	vst v0  }
0x7a: {  	v0 =	vld [tilespmem:s4+$0x30];
	_ =	sdelay $0x4  }
0x7b: {  	v0 =	vshll.u32 v0, $0x3  }
0x7c: {  	v0 =	vor.u32 v1, v0  }
0x7d: {  	[tilespmem:$0x730] =	vst v0  }
0x7e: {  	v0 =	vld [tilespmem:s4+$0x40];
	_ =	sdelay $0x4  }
0x7f: {  	v0 =	vshll.u32 v0, $0x3  }
0x80: {  	v0 =	vor.u32 v1, v0  }
0x81: {  	s19 =	simm.s32 $0x5800;
	[tilespmem:$0x740] =	vst v0  }
0x82: {  	[spmem:s3] =	stream.indirect.scatter.add.f32 [tilespmem:s19], [sflag:$0x5], $0x80, s2, s31, $0xb8;
	[tilespmem:$0x9800] =	vst v63  }
0x83: {  	_ =	swait.ge [sflag:s17], $0x2800  }
0x84: {  	[sflag:s17] =	ssyncset.done $0x0  }
0x85: {  	[sflag:s17] =	ssyncadd.s32 $0xFFFFD800  }
.LBB2_20:
0x86: {  	p1 =	seq.s32 s8, s6;
	s4 =	smov.u32 s11;
	s12 =	sadd.s32 $0x1, s12  }
0x87: {  	s4 =	smov.u32 @p1 s8;
	p1 =	sne.s32 s12, $0x8  }
.Ltmp3:
0x88: {  	_ = 	snop;
	(pc) =	sbr.rel @!p1 .LBB2_21-.Ltmp3, $3  }
0x89: {  	_ =	sdelay $0x1  }
0x8a: {  	p2 =	slt.u32 s13, s7  }
0x8b: {  	s11 =	smov.u32 @p2 s4  }
.LBB2_2:
0x8c: {  	s4 =	smul.u32 $0x3C0, s12;
	_ =	sdelay $0x1  }
0x8d: {  	s4 =	sshra.s32 s4, $0x2  }
0x8e: {  	v1 =	vld [tilespmem:s4+$0x0]  }
0x8f: {  	v2 =	vld [tilespmem:s4+$0x40];
	_ =	sdelay $0x3  }
0x90: {  	(v2sf) =	vpush v1, $0x0  }
0x91: {  	(v2sf) =	vpush v2, $0xF;
	_ =	sdelay $0x4  }
0x92: {  	s14 =	smul.u32 $0x3, s12;
	_ =	sdelay $0x1  }
0x93: {  	s13 =	sadd.s32 $0x2, s14  }
0x94: {  	p1 =	sge.u32 s13, s7  }
0x95: {  	s6 =	sadd.s32 @!p1 s5, s13  }
0x96: {  	p2 =	sge.u32 s14, s7;
	s6 =	smul.u32 @!p1 $0x500, s6  }
.Ltmp4:
0x97: {  	_ = 	snop;
	(pc) =	sbr.rel @p2 .LBB2_8-.Ltmp4, $4  }
0x98: {  	s8 =	simm.s32 @!p1 $0x0;
	s10 =	simm.s32 @!p1 $0x5800;
	s6 =	sadd.s32 @!p1 s1, s6  }
0x99: {  	[tilespmem:s10], [sflag:$0x4] =	stream.linear.gather @!p1 [hbm4b:s6+s8], $0x2800, $0x38;
	[tilespmem:$0x9800] =	vst v63  }
0x9a: {  	s8 =	spop (v2sf)  }
0x9b: {  	s19 =	spop (v2sf)  }
0x9c: {  	p2 =	sne.s32 s8, s19  }
.Ltmp5:
0x9d: {  	_ = 	snop;
	(pc) =	sbr.rel @p2 .LBB2_7-.Ltmp5, $4  }
0x9e: {  	_ = 	snop  }
0x9f: {  	_ =	swait.ge [sflag:s22], $0x2800  }
0xa0: {  	[sflag:s22] =	ssyncset.done $0x0  }
0xa1: {  	[sflag:s22] =	ssyncadd.s32 $0xFFFFD800  }
0xa2: {  	p2 =	slt.s32 s11, $0x0  }
0xa3: {  	p3 =	seq.s32 @!p2 s11, s8  }
0xa4: {  	p2 =	por p3, p2  }
0xa5: {  	v1 =	vlaneseq.u32 @!p2  }
0xa6: {  	s4 =	sshll.u32 @!p2 s11, $0x3;
	v1 =	vand.u32 @!p2 $0x7, v1  }
0xa7: {  	v1 =	vor.u32 @!p2 s4, v1  }
0xa8: {  	s6 =	simm.s32 @!p2 $0x780;
	s10 =	simm.s32 @!p2 $0x8000;
	s4 =	simm.s32 @!p2 $0x10;
	[tilespmem:$0x780] =	vst @!p2 v1  }
0xa9: {  	[spmem:s3] =	stream.indirect.scatter.add.f32 @!p2 [tilespmem:s10], [sflag:$0x5], $0x80, s6, s4, $0xb8;
	[tilespmem:$0x9800] =	vst v63  }
0xaa: {  	s4 =	simm.s32 @!p2 $0x5  }
0xab: {  	_ =	swait.ge @!p2 [sflag:s4], $0x800  }
0xac: {  	[sflag:s4] =	ssyncset.done @!p2 $0x0  }
0xad: {  	v1 =	vimm.f32 @!p2 $0.0e+00;
	[sflag:s4] =	ssyncadd.s32 @!p2 $0xFFFFF800  }
0xae: {  	[tilespmem:$0x8000] =	vst @!p2 v1  }
0xaf: {  	[tilespmem:$0x8010] =	vst @!p2 v1  }
0xb0: {  	[tilespmem:$0x8020] =	vst @!p2 v1  }
0xb1: {  	[tilespmem:$0x8030] =	vst @!p2 v1  }
0xb2: {  	[tilespmem:$0x8040] =	vst @!p2 v1  }
0xb3: {  	[tilespmem:$0x8050] =	vst @!p2 v1  }
0xb4: {  	[tilespmem:$0x8060] =	vst @!p2 v1  }
0xb5: {  	[tilespmem:$0x8070] =	vst @!p2 v1  }
0xb6: {  	[tilespmem:$0x8080] =	vst @!p2 v1  }
0xb7: {  	[tilespmem:$0x8090] =	vst @!p2 v1  }
0xb8: {  	[tilespmem:$0x80A0] =	vst @!p2 v1  }
0xb9: {  	[tilespmem:$0x80B0] =	vst @!p2 v1  }
0xba: {  	[tilespmem:$0x80C0] =	vst @!p2 v1  }
0xbb: {  	[tilespmem:$0x80D0] =	vst @!p2 v1  }
0xbc: {  	[tilespmem:$0x80E0] =	vst @!p2 v1  }
0xbd: {  	[tilespmem:$0x80F0] =	vst @!p2 v1  }
0xbe: {  	[tilespmem:$0x8100] =	vst @!p2 v1  }
0xbf: {  	[tilespmem:$0x8110] =	vst @!p2 v1  }
0xc0: {  	[tilespmem:$0x8120] =	vst @!p2 v1  }
0xc1: {  	[tilespmem:$0x8130] =	vst @!p2 v1  }
0xc2: {  	[tilespmem:$0x8140] =	vst @!p2 v1  }
0xc3: {  	[tilespmem:$0x8150] =	vst @!p2 v1  }
0xc4: {  	[tilespmem:$0x8160] =	vst @!p2 v1  }
0xc5: {  	[tilespmem:$0x8170] =	vst @!p2 v1  }
0xc6: {  	[tilespmem:$0x8180] =	vst @!p2 v1  }
0xc7: {  	[tilespmem:$0x8190] =	vst @!p2 v1  }
0xc8: {  	[tilespmem:$0x81A0] =	vst @!p2 v1  }
0xc9: {  	[tilespmem:$0x81B0] =	vst @!p2 v1  }
0xca: {  	[tilespmem:$0x81C0] =	vst @!p2 v1  }
0xcb: {  	[tilespmem:$0x81D0] =	vst @!p2 v1  }
0xcc: {  	[tilespmem:$0x81E0] =	vst @!p2 v1  }
0xcd: {  	s10 =	simm.s32 $0x0;
	[tilespmem:$0x81F0] =	vst @!p2 v1  }
0xce: {  	v1 =	vld [tilespmem:s10+$0x9F0]  }
0xcf: {  	v3 =	vld [tilespmem:s10+$0x800]  }
0xd0: {  	v4 =	vld [tilespmem:s10+$0x810]  }
0xd1: {  	v5 =	vld [tilespmem:s10+$0x820]  }
0xd2: {  	v6 =	vld [tilespmem:s10+$0x830]  }
0xd3: {  	v7 =	vld [tilespmem:s10+$0x840]  }
0xd4: {  	v8 =	vld [tilespmem:s10+$0x850]  }
0xd5: {  	v9 =	vld [tilespmem:s10+$0x860]  }
0xd6: {  	v10 =	vld [tilespmem:s10+$0x870]  }
0xd7: {  	v11 =	vld [tilespmem:s10+$0x880]  }
0xd8: {  	v12 =	vld [tilespmem:s10+$0x890]  }
0xd9: {  	v13 =	vld [tilespmem:s10+$0x8A0]  }
0xda: {  	v14 =	vld [tilespmem:s10+$0x8B0]  }
0xdb: {  	v15 =	vld [tilespmem:s10+$0x8C0]  }
0xdc: {  	v16 =	vld [tilespmem:s10+$0x8D0]  }
0xdd: {  	v17 =	vld [tilespmem:s10+$0x8E0]  }
0xde: {  	v33 =	vld [tilespmem:s10+$0x8F0]  }
0xdf: {  	v2 =	vimm.f32 $0.0e+00;
	v34 =	vld [tilespmem:s10+$0x900]  }
0xe0: {  	v35 =	vld [tilespmem:s10+$0x910];
	v1 =	vadd.f32 v1, v2  }
0xe1: {  	v37 =	vld [tilespmem:s10+$0x990];
	v32 =	vadd.f32 v3, v2;
	v30 =	vadd.f32 v4, v2  }
0xe2: {  	v3 =	vld [tilespmem:s10+$0x920];
	v31 =	vadd.f32 v5, v2;
	v28 =	vadd.f32 v6, v2  }
0xe3: {  	v4 =	vld [tilespmem:s10+$0x930];
	v29 =	vadd.f32 v7, v2;
	v26 =	vadd.f32 v8, v2  }
0xe4: {  	v5 =	vld [tilespmem:s10+$0x940];
	v27 =	vadd.f32 v9, v2;
	v24 =	vadd.f32 v10, v2  }
0xe5: {  	v6 =	vld [tilespmem:s10+$0x950];
	v25 =	vadd.f32 v11, v2;
	v22 =	vadd.f32 v12, v2  }
0xe6: {  	v7 =	vld [tilespmem:s10+$0x960];
	v23 =	vadd.f32 v13, v2;
	v20 =	vadd.f32 v14, v2  }
0xe7: {  	v8 =	vld [tilespmem:s10+$0x970];
	v21 =	vadd.f32 v15, v2;
	v18 =	vadd.f32 v16, v2  }
0xe8: {  	v9 =	vld [tilespmem:s10+$0x980];
	v19 =	vadd.f32 v17, v2;
	v16 =	vadd.f32 v33, v2  }
0xe9: {  	v17 =	vadd.f32 v34, v2;
	v15 =	vadd.f32 v35, v2  }
0xea: {  	v34 =	vld [tilespmem:s10+$0x9A0];
	v14 =	vadd.f32 v3, v2;
	v12 =	vadd.f32 v4, v2  }
0xeb: {  	v35 =	vld [tilespmem:s10+$0x9B0];
	v13 =	vadd.f32 v5, v2;
	v10 =	vadd.f32 v6, v2  }
0xec: {  	v36 =	vld [tilespmem:s10+$0x9C0];
	v11 =	vadd.f32 v7, v2;
	v8 =	vadd.f32 v8, v2  }
0xed: {  	v33 =	vld [tilespmem:s10+$0x9D0];
	v6 =	vadd.f32 v9, v2;
	v4 =	vadd.f32 v37, v2;
	v7 =	vimm.f32 $0.0e+00  }
0xee: {  	s15 =	simm.s32 $0x1000;
	s6 =	simm.s32 $0x200;
	v37 =	vld [tilespmem:s10+$0x9E0];
	v9 =	vimm.f32 $0.0e+00;
	v5 =	vimm.f32 $0.0e+00;
	v3 =	vimm.f32 $0.0e+00  }
.LBB2_5:
0xef: {  	p2 =	sne.s32 s15, $0x9800;
	v38 =	vld [tilespmem:s6+$0x9F0];
	v2 =	vadd.f32 v34, v2  }
0xf0: {  	v34 =	vld [tilespmem:s6+$0x800];
	v7 =	vadd.f32 v35, v7  }
0xf1: {  	v35 =	vld [tilespmem:s6+$0x810];
	v9 =	vadd.f32 v36, v9  }
0xf2: {  	v36 =	vld [tilespmem:s6+$0x820];
	v5 =	vadd.f32 v33, v5  }
0xf3: {  	v33 =	vld [tilespmem:s6+$0x830];
	v3 =	vadd.f32 v37, v3  }
0xf4: {  	v37 =	vld [tilespmem:s6+$0x840];
	v1 =	vadd.f32 v38, v1  }
0xf5: {  	v32 =	vadd.f32 v34, v32;
	v34 =	vld [tilespmem:s6+$0x850]  }
0xf6: {  	v30 =	vadd.f32 v35, v30;
	v35 =	vld [tilespmem:s6+$0x860]  }
0xf7: {  	v31 =	vadd.f32 v36, v31;
	v36 =	vld [tilespmem:s6+$0x870]  }
0xf8: {  	v28 =	vadd.f32 v33, v28;
	v33 =	vld [tilespmem:s6+$0x880]  }
0xf9: {  	v29 =	vadd.f32 v37, v29;
	v37 =	vld [tilespmem:s6+$0x890]  }
0xfa: {  	v26 =	vadd.f32 v34, v26;
	v34 =	vld [tilespmem:s6+$0x8A0]  }
0xfb: {  	v27 =	vadd.f32 v35, v27;
	v35 =	vld [tilespmem:s6+$0x8B0]  }
0xfc: {  	v24 =	vadd.f32 v36, v24;
	v36 =	vld [tilespmem:s6+$0x8C0]  }
0xfd: {  	v25 =	vadd.f32 v33, v25;
	v33 =	vld [tilespmem:s6+$0x8D0]  }
0xfe: {  	v22 =	vadd.f32 v37, v22;
	v37 =	vld [tilespmem:s6+$0x8E0]  }
0xff: {  	v23 =	vadd.f32 v34, v23;
	v34 =	vld [tilespmem:s6+$0x8F0]  }
0x100: {  	v20 =	vadd.f32 v35, v20;
	v35 =	vld [tilespmem:s6+$0x900]  }
0x101: {  	v21 =	vadd.f32 v36, v21;
	v36 =	vld [tilespmem:s6+$0x910]  }
0x102: {  	v18 =	vadd.f32 v33, v18;
	v33 =	vld [tilespmem:s6+$0x920]  }
0x103: {  	v19 =	vadd.f32 v37, v19;
	v37 =	vld [tilespmem:s6+$0x930]  }
0x104: {  	v16 =	vadd.f32 v34, v16;
	v34 =	vld [tilespmem:s6+$0x940]  }
0x105: {  	v17 =	vadd.f32 v35, v17;
	v35 =	vld [tilespmem:s6+$0x950]  }
0x106: {  	v15 =	vadd.f32 v36, v15;
	v36 =	vld [tilespmem:s6+$0x960]  }
0x107: {  	v14 =	vadd.f32 v33, v14;
	v33 =	vld [tilespmem:s6+$0x970]  }
0x108: {  	v12 =	vadd.f32 v37, v12;
	v37 =	vld [tilespmem:s6+$0x980]  }
0x109: {  	v13 =	vadd.f32 v34, v13;
	v38 =	vld [tilespmem:s6+$0x990]  }
.Ltmp6:
0x10a: {  	v10 =	vadd.f32 v35, v10;
	v34 =	vld [tilespmem:s6+$0x9A0];
	(pc) =	sbr.rel @p2 .LBB2_5-.Ltmp6, $4  }
0x10b: {  	v11 =	vadd.f32 v36, v11;
	v35 =	vld [tilespmem:s6+$0x9B0]  }
0x10c: {  	v8 =	vadd.f32 v33, v8;
	v36 =	vld [tilespmem:s6+$0x9C0]  }
0x10d: {  	v6 =	vadd.f32 v37, v6;
	v33 =	vld [tilespmem:s6+$0x9D0]  }
0x10e: {  	v4 =	vadd.f32 v38, v4;
	v37 =	vld [tilespmem:s6+$0x9E0];
	s6 =	sshra.s32 s15, $0x2;
	s15 =	sadd.s32 $0x800, s15  }
0x10f: {  	v0 =	vld [tilespmem:s6+$0x9F0]  }
0x110: {  	v39 =	vld [tilespmem:s6+$0x800]  }
0x111: {  	v40 =	vld [tilespmem:s6+$0x810]  }
0x112: {  	v41 =	vld [tilespmem:s6+$0x820]  }
0x113: {  	v42 =	vld [tilespmem:s6+$0x830]  }
0x114: {  	v43 =	vld [tilespmem:s6+$0x840]  }
0x115: {  	v44 =	vld [tilespmem:s6+$0x850]  }
0x116: {  	v45 =	vld [tilespmem:s6+$0x860]  }
0x117: {  	v46 =	vld [tilespmem:s6+$0x870]  }
0x118: {  	v47 =	vld [tilespmem:s6+$0x880]  }
0x119: {  	v48 =	vld [tilespmem:s6+$0x890]  }
0x11a: {  	v49 =	vld [tilespmem:s6+$0x8A0]  }
0x11b: {  	v50 =	vld [tilespmem:s6+$0x8B0]  }
0x11c: {  	v51 =	vld [tilespmem:s6+$0x8C0]  }
0x11d: {  	v52 =	vld [tilespmem:s6+$0x8D0]  }
0x11e: {  	v53 =	vld [tilespmem:s6+$0x8E0]  }
0x11f: {  	v54 =	vld [tilespmem:s6+$0x8F0]  }
0x120: {  	v55 =	vld [tilespmem:s6+$0x900]  }
0x121: {  	v56 =	vld [tilespmem:s6+$0x910]  }
0x122: {  	v38 =	vld [tilespmem:s6+$0x9A0]  }
0x123: {  	v57 =	vld [tilespmem:s6+$0x920]  }
0x124: {  	v58 =	vld [tilespmem:s6+$0x930]  }
0x125: {  	v59 =	vld [tilespmem:s6+$0x940]  }
0x126: {  	v60 =	vld [tilespmem:s6+$0x950]  }
0x127: {  	[tilespmem:$0x1FFB0] =	vst v38;
	v38 =	vld [tilespmem:s6+$0x9B0]  }
0x128: {  	v61 =	vld [tilespmem:s6+$0x960]  }
0x129: {  	v62 =	vld [tilespmem:s6+$0x970]  }
0x12a: {  	v63 =	vld [tilespmem:s6+$0x980]  }
0x12b: {  	[tilespmem:$0x1FFE0] =	vst v0;
	v0 =	vld [tilespmem:s6+$0x990]  }
0x12c: {  	[tilespmem:$0x1FFC0] =	vst v38;
	v38 =	vld [tilespmem:s6+$0x9C0]  }
0x12d: {  	v32 =	vadd.f32 v39, v32;
	v39 =	vld [tilespmem:s6+$0x9D0]  }
0x12e: {  	v12 =	vadd.f32 v58, v12;
	v58 =	vld [tilespmem:$0x1FFB0]  }
0x12f: {  	v6 =	vadd.f32 v63, v6;
	v63 =	vld [tilespmem:$0x1FFE0]  }
0x130: {  	v13 =	vadd.f32 v59, v13;
	v59 =	vld [tilespmem:$0x1FFC0]  }
0x131: {  	v30 =	vadd.f32 v40, v30;
	[tilespmem:$0x1FFD0] =	vst v38;
	v38 =	vld [tilespmem:s6+$0x9E0]  }
0x132: {  	s4 =	simm.s32 $0x8010;
	[tilespmem:s18+$0x0] =	vst.add.f32.msk $0xffff, v32  }
0x133: {  	v31 =	vadd.f32 v41, v31;
	[tilespmem:s4+$0x0] =	vst.add.f32.msk $0xffff, v30  }
0x134: {  	s10 =	simm.s32 $0x8020;
	v28 =	vadd.f32 v42, v28;
	v11 =	vadd.f32 v61, v11;
	v61 =	vld [tilespmem:$0x1FFD0]  }
0x135: {  	s15 =	simm.s32 $0x8030;
	v29 =	vadd.f32 v43, v29;
	[tilespmem:s10+$0x0] =	vst.add.f32.msk $0xffff, v31  }
0x136: {  	v26 =	vadd.f32 v44, v26;
	s6 =	simm.s32 $0x8040;
	[tilespmem:s15+$0x0] =	vst.add.f32.msk $0xffff, v28  }
0x137: {  	v27 =	vadd.f32 v45, v27;
	s10 =	simm.s32 $0x8050;
	[tilespmem:s6+$0x0] =	vst.add.f32.msk $0xffff, v29  }
0x138: {  	v24 =	vadd.f32 v46, v24;
	s15 =	simm.s32 $0x8060;
	[tilespmem:s10+$0x0] =	vst.add.f32.msk $0xffff, v26  }
0x139: {  	v25 =	vadd.f32 v47, v25;
	s6 =	simm.s32 $0x8070;
	[tilespmem:s15+$0x0] =	vst.add.f32.msk $0xffff, v27  }
0x13a: {  	v22 =	vadd.f32 v48, v22;
	s10 =	simm.s32 $0x8080;
	[tilespmem:s6+$0x0] =	vst.add.f32.msk $0xffff, v24  }
0x13b: {  	v23 =	vadd.f32 v49, v23;
	s15 =	simm.s32 $0x8090;
	[tilespmem:s10+$0x0] =	vst.add.f32.msk $0xffff, v25  }
0x13c: {  	v20 =	vadd.f32 v50, v20;
	s6 =	simm.s32 $0x80A0;
	[tilespmem:s15+$0x0] =	vst.add.f32.msk $0xffff, v22  }
0x13d: {  	v21 =	vadd.f32 v51, v21;
	s10 =	simm.s32 $0x80B0;
	[tilespmem:s6+$0x0] =	vst.add.f32.msk $0xffff, v23  }
0x13e: {  	v18 =	vadd.f32 v52, v18;
	s15 =	simm.s32 $0x80C0;
	[tilespmem:s10+$0x0] =	vst.add.f32.msk $0xffff, v20  }
0x13f: {  	v19 =	vadd.f32 v53, v19;
	s6 =	simm.s32 $0x80D0;
	[tilespmem:s15+$0x0] =	vst.add.f32.msk $0xffff, v21  }
0x140: {  	v16 =	vadd.f32 v54, v16;
	s10 =	simm.s32 $0x80E0;
	[tilespmem:s6+$0x0] =	vst.add.f32.msk $0xffff, v18  }
0x141: {  	v17 =	vadd.f32 v55, v17;
	s15 =	simm.s32 $0x80F0;
	[tilespmem:s10+$0x0] =	vst.add.f32.msk $0xffff, v19  }
0x142: {  	v15 =	vadd.f32 v56, v15;
	s6 =	simm.s32 $0x8100;
	[tilespmem:s15+$0x0] =	vst.add.f32.msk $0xffff, v16  }
0x143: {  	v14 =	vadd.f32 v57, v14;
	s10 =	simm.s32 $0x8110;
	[tilespmem:s6+$0x0] =	vst.add.f32.msk $0xffff, v17  }
0x144: {  	s15 =	simm.s32 $0x8120;
	[tilespmem:s10+$0x0] =	vst.add.f32.msk $0xffff, v15  }
0x145: {  	s6 =	simm.s32 $0x8130;
	[tilespmem:s15+$0x0] =	vst.add.f32.msk $0xffff, v14  }
0x146: {  	v10 =	vadd.f32 v60, v10;
	s10 =	simm.s32 $0x8140;
	[tilespmem:s6+$0x0] =	vst.add.f32.msk $0xffff, v12  }
0x147: {  	s15 =	simm.s32 $0x8150;
	[tilespmem:s10+$0x0] =	vst.add.f32.msk $0xffff, v13  }
0x148: {  	v8 =	vadd.f32 v62, v8;
	[tilespmem:s15+$0x0] =	vst.add.f32.msk $0xffff, v10  }
0x149: {  	v2 =	vadd.f32 v34, v2;
	[tilespmem:s16+$0x0] =	vst.add.f32.msk $0xffff, v11  }
0x14a: {  	v7 =	vadd.f32 v35, v7;
	v0 =	vadd.f32 v0, v4;
	[tilespmem:s20+$0x0] =	vst.add.f32.msk $0xffff, v8  }
0x14b: {  	v57 =	vadd.f32 v36, v9;
	v2 =	vadd.f32 v58, v2;
	[tilespmem:s21+$0x0] =	vst.add.f32.msk $0xffff, v6  }
0x14c: {  	v5 =	vadd.f32 v33, v5;
	v6 =	vadd.f32 v59, v7;
	[tilespmem:s23+$0x0] =	vst.add.f32.msk $0xffff, v0  }
0x14d: {  	v60 =	vadd.f32 v37, v3;
	v3 =	vadd.f32 v61, v57;
	[tilespmem:s24+$0x0] =	vst.add.f32.msk $0xffff, v2  }
.Ltmp7:
0x14e: {  	v62 =	vadd.f32 v39, v5;
	[tilespmem:s25+$0x0] =	vst.add.f32.msk $0xffff, v6;
	(pc) =	sbr.rel .LBB2_8-.Ltmp7, $4  }
0x14f: {  	v0 =	vadd.f32 v38, v60;
	[tilespmem:s26+$0x0] =	vst.add.f32.msk $0xffff, v3  }
0x150: {  	v1 =	vadd.f32 v63, v1;
	[tilespmem:s28+$0x0] =	vst.add.f32.msk $0xffff, v62  }
0x151: {  	[tilespmem:s29+$0x0] =	vst.add.f32.msk $0xffff, v0  }
0x152: {  	[tilespmem:s30+$0x0] =	vst.add.f32.msk $0xffff, v1  }
.LBB2_7:
0x153: {  	v0 =	vld [tilespmem:s4+$0x0]  }
0x154: {  	v1 =	vld [tilespmem:$0x1FFF0];
	_ =	sdelay $0x3  }
0x155: {  	v0 =	vshll.u32 v0, $0x3  }
0x156: {  	v0 =	vor.u32 v1, v0  }
0x157: {  	[tilespmem:$0x700] =	vst v0  }
0x158: {  	v0 =	vld [tilespmem:s4+$0x10];
	_ =	sdelay $0x4  }
0x159: {  	v0 =	vshll.u32 v0, $0x3  }
0x15a: {  	v0 =	vor.u32 v1, v0  }
0x15b: {  	[tilespmem:$0x710] =	vst v0  }
0x15c: {  	v0 =	vld [tilespmem:s4+$0x20];
	_ =	sdelay $0x4  }
0x15d: {  	v0 =	vshll.u32 v0, $0x3  }
0x15e: {  	v0 =	vor.u32 v1, v0  }
0x15f: {  	[tilespmem:$0x720] =	vst v0  }
0x160: {  	v0 =	vld [tilespmem:s4+$0x30];
	_ =	sdelay $0x4  }
0x161: {  	v0 =	vshll.u32 v0, $0x3  }
0x162: {  	v0 =	vor.u32 v1, v0  }
0x163: {  	[tilespmem:$0x730] =	vst v0  }
0x164: {  	v0 =	vld [tilespmem:s4+$0x40];
	_ =	sdelay $0x4  }
0x165: {  	v0 =	vshll.u32 v0, $0x3  }
0x166: {  	v0 =	vor.u32 v1, v0  }
0x167: {  	s15 =	simm.s32 $0x800;
	[tilespmem:$0x740] =	vst v0  }
0x168: {  	[spmem:s3] =	stream.indirect.scatter.add.f32 [tilespmem:s15], [sflag:$0x5], $0x80, s2, s31, $0xb8;
	[tilespmem:$0x9800] =	vst v63  }
0x169: {  	_ =	swait.ge [sflag:s17], $0x2800  }
0x16a: {  	[sflag:s17] =	ssyncset.done $0x0  }
0x16b: {  	[sflag:s17] =	ssyncadd.s32 $0xFFFFD800  }
.LBB2_8:
0x16c: {  	s15 =	sadd.s32 $0x1, s14  }
0x16d: {  	s4 =	smin.u32 s15, $0x15  }
0x16e: {  	s4 =	smul.u32 $0x140, s4;
	_ =	sdelay $0x1  }
0x16f: {  	s4 =	sshrl.u32 s4, $0x2  }
0x170: {  	v0 =	vld [tilespmem:s4+$0x0]  }
0x171: {  	v1 =	vld [tilespmem:s4+$0x40];
	_ =	sdelay $0x3  }
0x172: {  	(v2sf) =	vpush v0, $0x0  }
0x173: {  	(v2sf) =	vpush v1, $0xF;
	_ =	sdelay $0x1  }
0x174: {  	s4 =	sadd.s32 $0x3, s14  }
0x175: {  	p2 =	sge.u32 s4, s7  }
0x176: {  	s4 =	sadd.s32 @!p2 s5, s4  }
0x177: {  	s4 =	smul.u32 @!p2 $0x500, s4  }
0x178: {  	p3 =	seq.s32 s8, s19  }
0x179: {  	s10 =	simm.s32 @!p2 $0x0;
	s19 =	simm.s32 @!p2 $0x800;
	s4 =	sadd.s32 @!p2 s1, s4  }
0x17a: {  	[tilespmem:s19], [sflag:$0x2] =	stream.linear.gather @!p2 [hbm4b:s4+s10], $0x2800, $0x38;
	[tilespmem:$0x9800] =	vst v63  }
0x17b: {  	s4 =	smov.u32 s11  }
0x17c: {  	s4 =	smov.u32 @p3 s8;
	p3 =	sge.u32 s15, s7  }
.Ltmp8:
0x17d: {  	_ = 	snop;
	(pc) =	sbr.rel @p3 .LBB2_14-.Ltmp8, $3  }
0x17e: {  	_ =	sdelay $0x1  }
0x17f: {  	p2 =	slt.u32 s14, s7;
	s6 =	spop (v2sf)  }
0x180: {  	s11 =	smov.u32 @p2 s4;
	s8 =	spop (v2sf)  }
0x181: {  	p2 =	sne.s32 s6, s8  }
.Ltmp9:
0x182: {  	_ = 	snop;
	(pc) =	sbr.rel @p2 .LBB2_13-.Ltmp9, $4  }
0x183: {  	_ = 	snop  }
0x184: {  	_ =	swait.ge [sflag:s0], $0x2800  }
0x185: {  	[sflag:s0] =	ssyncset.done $0x0  }
0x186: {  	[sflag:s0] =	ssyncadd.s32 $0xFFFFD800  }
0x187: {  	p2 =	slt.s32 s11, $0x0  }
0x188: {  	p3 =	seq.s32 @!p2 s11, s6  }
0x189: {  	p2 =	por p3, p2  }
0x18a: {  	v0 =	vlaneseq.u32 @!p2  }
0x18b: {  	s4 =	sshll.u32 @!p2 s11, $0x3;
	v0 =	vand.u32 @!p2 $0x7, v0  }
0x18c: {  	v0 =	vor.u32 @!p2 s4, v0  }
0x18d: {  	s10 =	simm.s32 @!p2 $0x780;
	s19 =	simm.s32 @!p2 $0x8000;
	s4 =	simm.s32 @!p2 $0x10;
	[tilespmem:$0x780] =	vst @!p2 v0  }
0x18e: {  	[spmem:s3] =	stream.indirect.scatter.add.f32 @!p2 [tilespmem:s19], [sflag:$0x5], $0x80, s10, s4, $0xb8;
	[tilespmem:$0x9800] =	vst v63  }
0x18f: {  	s4 =	simm.s32 @!p2 $0x5  }
0x190: {  	_ =	swait.ge @!p2 [sflag:s4], $0x800  }
0x191: {  	[sflag:s4] =	ssyncset.done @!p2 $0x0  }
0x192: {  	v0 =	vimm.f32 @!p2 $0.0e+00;
	[sflag:s4] =	ssyncadd.s32 @!p2 $0xFFFFF800  }
0x193: {  	[tilespmem:$0x8000] =	vst @!p2 v0  }
0x194: {  	[tilespmem:$0x8010] =	vst @!p2 v0  }
0x195: {  	[tilespmem:$0x8020] =	vst @!p2 v0  }
0x196: {  	[tilespmem:$0x8030] =	vst @!p2 v0  }
0x197: {  	[tilespmem:$0x8040] =	vst @!p2 v0  }
0x198: {  	[tilespmem:$0x8050] =	vst @!p2 v0  }
0x199: {  	[tilespmem:$0x8060] =	vst @!p2 v0  }
0x19a: {  	[tilespmem:$0x8070] =	vst @!p2 v0  }
0x19b: {  	[tilespmem:$0x8080] =	vst @!p2 v0  }
0x19c: {  	[tilespmem:$0x8090] =	vst @!p2 v0  }
0x19d: {  	[tilespmem:$0x80A0] =	vst @!p2 v0  }
0x19e: {  	[tilespmem:$0x80B0] =	vst @!p2 v0  }
0x19f: {  	[tilespmem:$0x80C0] =	vst @!p2 v0  }
0x1a0: {  	[tilespmem:$0x80D0] =	vst @!p2 v0  }
0x1a1: {  	[tilespmem:$0x80E0] =	vst @!p2 v0  }
0x1a2: {  	[tilespmem:$0x80F0] =	vst @!p2 v0  }
0x1a3: {  	[tilespmem:$0x8100] =	vst @!p2 v0  }
0x1a4: {  	[tilespmem:$0x8110] =	vst @!p2 v0  }
0x1a5: {  	[tilespmem:$0x8120] =	vst @!p2 v0  }
0x1a6: {  	[tilespmem:$0x8130] =	vst @!p2 v0  }
0x1a7: {  	[tilespmem:$0x8140] =	vst @!p2 v0  }
0x1a8: {  	[tilespmem:$0x8150] =	vst @!p2 v0  }
0x1a9: {  	[tilespmem:$0x8160] =	vst @!p2 v0  }
0x1aa: {  	[tilespmem:$0x8170] =	vst @!p2 v0  }
0x1ab: {  	[tilespmem:$0x8180] =	vst @!p2 v0  }
0x1ac: {  	[tilespmem:$0x8190] =	vst @!p2 v0  }
0x1ad: {  	[tilespmem:$0x81A0] =	vst @!p2 v0  }
0x1ae: {  	[tilespmem:$0x81B0] =	vst @!p2 v0  }
0x1af: {  	[tilespmem:$0x81C0] =	vst @!p2 v0  }
0x1b0: {  	[tilespmem:$0x81D0] =	vst @!p2 v0  }
0x1b1: {  	[tilespmem:$0x81E0] =	vst @!p2 v0  }
0x1b2: {  	s10 =	simm.s32 $0x0;
	[tilespmem:$0x81F0] =	vst @!p2 v0  }
0x1b3: {  	v0 =	vld [tilespmem:s10+$0x31F0]  }
0x1b4: {  	v3 =	vld [tilespmem:s10+$0x3000]  }
0x1b5: {  	v4 =	vld [tilespmem:s10+$0x3010]  }
0x1b6: {  	v5 =	vld [tilespmem:s10+$0x3020]  }
0x1b7: {  	v6 =	vld [tilespmem:s10+$0x3030]  }
0x1b8: {  	v7 =	vld [tilespmem:s10+$0x3040]  }
0x1b9: {  	v8 =	vld [tilespmem:s10+$0x3050]  }
0x1ba: {  	v9 =	vld [tilespmem:s10+$0x3060]  }
0x1bb: {  	v10 =	vld [tilespmem:s10+$0x3070]  }
0x1bc: {  	v11 =	vld [tilespmem:s10+$0x3080]  }
0x1bd: {  	v12 =	vld [tilespmem:s10+$0x3090]  }
0x1be: {  	v13 =	vld [tilespmem:s10+$0x30A0]  }
0x1bf: {  	v14 =	vld [tilespmem:s10+$0x30B0]  }
0x1c0: {  	v15 =	vld [tilespmem:s10+$0x30C0]  }
0x1c1: {  	v16 =	vld [tilespmem:s10+$0x30D0]  }
0x1c2: {  	v17 =	vld [tilespmem:s10+$0x30E0]  }
0x1c3: {  	v33 =	vld [tilespmem:s10+$0x30F0]  }
0x1c4: {  	v2 =	vimm.f32 $0.0e+00;
	v34 =	vld [tilespmem:s10+$0x3100]  }
0x1c5: {  	v37 =	vld [tilespmem:s10+$0x3190];
	v1 =	vadd.f32 v0, v2  }
0x1c6: {  	v0 =	vld [tilespmem:s10+$0x3110];
	v32 =	vadd.f32 v3, v2;
	v30 =	vadd.f32 v4, v2  }
0x1c7: {  	v3 =	vld [tilespmem:s10+$0x3120];
	v31 =	vadd.f32 v5, v2;
	v28 =	vadd.f32 v6, v2  }
0x1c8: {  	v4 =	vld [tilespmem:s10+$0x3130];
	v29 =	vadd.f32 v7, v2;
	v26 =	vadd.f32 v8, v2  }
0x1c9: {  	v5 =	vld [tilespmem:s10+$0x3140];
	v27 =	vadd.f32 v9, v2;
	v24 =	vadd.f32 v10, v2  }
0x1ca: {  	v6 =	vld [tilespmem:s10+$0x3150];
	v25 =	vadd.f32 v11, v2;
	v22 =	vadd.f32 v12, v2  }
0x1cb: {  	v7 =	vld [tilespmem:s10+$0x3160];
	v23 =	vadd.f32 v13, v2;
	v20 =	vadd.f32 v14, v2  }
0x1cc: {  	v8 =	vld [tilespmem:s10+$0x3170];
	v21 =	vadd.f32 v15, v2;
	v18 =	vadd.f32 v16, v2  }
0x1cd: {  	v9 =	vld [tilespmem:s10+$0x3180];
	v19 =	vadd.f32 v17, v2;
	v16 =	vadd.f32 v33, v2  }
0x1ce: {  	v17 =	vadd.f32 v34, v2;
	v15 =	vadd.f32 v0, v2  }
0x1cf: {  	v34 =	vld [tilespmem:s10+$0x31A0];
	v14 =	vadd.f32 v3, v2;
	v12 =	vadd.f32 v4, v2  }
0x1d0: {  	v35 =	vld [tilespmem:s10+$0x31B0];
	v13 =	vadd.f32 v5, v2;
	v10 =	vadd.f32 v6, v2  }
0x1d1: {  	v36 =	vld [tilespmem:s10+$0x31C0];
	v11 =	vadd.f32 v7, v2;
	v8 =	vadd.f32 v8, v2  }
0x1d2: {  	v33 =	vld [tilespmem:s10+$0x31D0];
	v6 =	vadd.f32 v9, v2;
	v4 =	vadd.f32 v37, v2;
	v7 =	vimm.f32 $0.0e+00  }
0x1d3: {  	s19 =	simm.s32 $0x200;
	s4 =	simm.s32 $0x1000;
	v37 =	vld [tilespmem:s10+$0x31E0];
	v9 =	vimm.f32 $0.0e+00;
	v5 =	vimm.f32 $0.0e+00;
	v3 =	vimm.f32 $0.0e+00  }
.LBB2_11:
0x1d4: {  	p2 =	sne.s32 s4, $0x9800;
	v0 =	vld [tilespmem:s19+$0x31F0];
	v2 =	vadd.f32 v34, v2  }
0x1d5: {  	v34 =	vld [tilespmem:s19+$0x3000];
	v7 =	vadd.f32 v35, v7  }
0x1d6: {  	v35 =	vld [tilespmem:s19+$0x3010];
	v9 =	vadd.f32 v36, v9  }
0x1d7: {  	v36 =	vld [tilespmem:s19+$0x3020];
	v5 =	vadd.f32 v33, v5  }
0x1d8: {  	v33 =	vld [tilespmem:s19+$0x3030];
	v3 =	vadd.f32 v37, v3  }
0x1d9: {  	v37 =	vld [tilespmem:s19+$0x3040];
	v1 =	vadd.f32 v0, v1  }
0x1da: {  	v32 =	vadd.f32 v34, v32;
	v0 =	vld [tilespmem:s19+$0x3050]  }
0x1db: {  	v30 =	vadd.f32 v35, v30;
	v34 =	vld [tilespmem:s19+$0x3060]  }
0x1dc: {  	v31 =	vadd.f32 v36, v31;
	v35 =	vld [tilespmem:s19+$0x3070]  }
0x1dd: {  	v28 =	vadd.f32 v33, v28;
	v33 =	vld [tilespmem:s19+$0x3080]  }
0x1de: {  	v29 =	vadd.f32 v37, v29;
	v36 =	vld [tilespmem:s19+$0x3090]  }
0x1df: {  	v26 =	vadd.f32 v0, v26;
	v0 =	vld [tilespmem:s19+$0x30A0]  }
0x1e0: {  	v27 =	vadd.f32 v34, v27;
	v34 =	vld [tilespmem:s19+$0x30B0]  }
0x1e1: {  	v24 =	vadd.f32 v35, v24;
	v35 =	vld [tilespmem:s19+$0x30C0]  }
0x1e2: {  	v25 =	vadd.f32 v33, v25;
	v33 =	vld [tilespmem:s19+$0x30D0]  }
0x1e3: {  	v22 =	vadd.f32 v36, v22;
	v36 =	vld [tilespmem:s19+$0x30E0]  }
0x1e4: {  	v23 =	vadd.f32 v0, v23;
	v0 =	vld [tilespmem:s19+$0x30F0]  }
0x1e5: {  	v20 =	vadd.f32 v34, v20;
	v34 =	vld [tilespmem:s19+$0x3100]  }
0x1e6: {  	v21 =	vadd.f32 v35, v21;
	v35 =	vld [tilespmem:s19+$0x3110]  }
0x1e7: {  	v18 =	vadd.f32 v33, v18;
	v33 =	vld [tilespmem:s19+$0x3120]  }
0x1e8: {  	v19 =	vadd.f32 v36, v19;
	v36 =	vld [tilespmem:s19+$0x3130]  }
0x1e9: {  	v16 =	vadd.f32 v0, v16;
	v0 =	vld [tilespmem:s19+$0x3140]  }
0x1ea: {  	v17 =	vadd.f32 v34, v17;
	v34 =	vld [tilespmem:s19+$0x3150]  }
0x1eb: {  	v15 =	vadd.f32 v35, v15;
	v35 =	vld [tilespmem:s19+$0x3160]  }
0x1ec: {  	v14 =	vadd.f32 v33, v14;
	v33 =	vld [tilespmem:s19+$0x3170]  }
0x1ed: {  	v12 =	vadd.f32 v36, v12;
	v37 =	vld [tilespmem:s19+$0x3180]  }
0x1ee: {  	v13 =	vadd.f32 v0, v13;
	v0 =	vld [tilespmem:s19+$0x3190]  }
.Ltmp10:
0x1ef: {  	v10 =	vadd.f32 v34, v10;
	v34 =	vld [tilespmem:s19+$0x31A0];
	(pc) =	sbr.rel @p2 .LBB2_11-.Ltmp10, $4  }
0x1f0: {  	v11 =	vadd.f32 v35, v11;
	v35 =	vld [tilespmem:s19+$0x31B0]  }
0x1f1: {  	v8 =	vadd.f32 v33, v8;
	v36 =	vld [tilespmem:s19+$0x31C0]  }
0x1f2: {  	v6 =	vadd.f32 v37, v6;
	v33 =	vld [tilespmem:s19+$0x31D0]  }
0x1f3: {  	v4 =	vadd.f32 v0, v4;
	v37 =	vld [tilespmem:s19+$0x31E0];
	s19 =	sshra.s32 s4, $0x2;
	s4 =	sadd.s32 $0x800, s4  }
0x1f4: {  	v0 =	vld [tilespmem:s19+$0x31F0]  }
0x1f5: {  	v38 =	vld [tilespmem:s19+$0x3000]  }
0x1f6: {  	v39 =	vld [tilespmem:s19+$0x3010]  }
0x1f7: {  	v40 =	vld [tilespmem:s19+$0x3020]  }
0x1f8: {  	v41 =	vld [tilespmem:s19+$0x3030]  }
0x1f9: {  	v42 =	vld [tilespmem:s19+$0x3040]  }
0x1fa: {  	v43 =	vld [tilespmem:s19+$0x3050]  }
0x1fb: {  	v44 =	vld [tilespmem:s19+$0x3060]  }
0x1fc: {  	v45 =	vld [tilespmem:s19+$0x3070]  }
0x1fd: {  	v46 =	vld [tilespmem:s19+$0x3080]  }
0x1fe: {  	v47 =	vld [tilespmem:s19+$0x3090]  }
0x1ff: {  	v48 =	vld [tilespmem:s19+$0x30A0]  }
0x200: {  	v49 =	vld [tilespmem:s19+$0x30B0]  }
0x201: {  	v50 =	vld [tilespmem:s19+$0x30C0]  }
0x202: {  	v51 =	vld [tilespmem:s19+$0x30D0]  }
0x203: {  	v52 =	vld [tilespmem:s19+$0x30E0]  }
0x204: {  	v53 =	vld [tilespmem:s19+$0x30F0]  }
0x205: {  	v54 =	vld [tilespmem:s19+$0x3100]  }
0x206: {  	v55 =	vld [tilespmem:s19+$0x3110]  }
0x207: {  	v56 =	vld [tilespmem:s19+$0x3120]  }
0x208: {  	v57 =	vld [tilespmem:s19+$0x3130]  }
0x209: {  	v58 =	vld [tilespmem:s19+$0x3140]  }
0x20a: {  	v59 =	vld [tilespmem:s19+$0x3150]  }
0x20b: {  	[tilespmem:$0x1FFA0] =	vst v0;
	v0 =	vld [tilespmem:s19+$0x31A0]  }
0x20c: {  	v60 =	vld [tilespmem:s19+$0x3160]  }
0x20d: {  	v61 =	vld [tilespmem:s19+$0x3170]  }
0x20e: {  	v63 =	vld [tilespmem:s19+$0x3190]  }
0x20f: {  	v62 =	vld [tilespmem:s19+$0x3180]  }
0x210: {  	[tilespmem:$0x1FF70] =	vst v0;
	v0 =	vld [tilespmem:s19+$0x31B0]  }
0x211: {  	v32 =	vadd.f32 v38, v32;
	v38 =	vld [tilespmem:s19+$0x31D0]  }
0x212: {  	v30 =	vadd.f32 v39, v30;
	v39 =	vld [tilespmem:s19+$0x31E0]  }
0x213: {  	v4 =	vadd.f32 v63, v4;
	v63 =	vld [tilespmem:$0x1FFA0]  }
0x214: {  	v12 =	vadd.f32 v57, v12;
	v57 =	vld [tilespmem:$0x1FF70]  }
0x215: {  	[tilespmem:$0x1FF80] =	vst v0;
	v0 =	vld [tilespmem:s19+$0x31C0]  }
0x216: {  	s4 =	simm.s32 $0x8010;
	v31 =	vadd.f32 v40, v31;
	[tilespmem:s18+$0x0] =	vst.add.f32.msk $0xffff, v32  }
0x217: {  	s10 =	simm.s32 $0x8020;
	v28 =	vadd.f32 v41, v28;
	[tilespmem:s4+$0x0] =	vst.add.f32.msk $0xffff, v30  }
0x218: {  	v29 =	vadd.f32 v42, v29;
	s19 =	simm.s32 $0x8030;
	[tilespmem:s10+$0x0] =	vst.add.f32.msk $0xffff, v31  }
0x219: {  	s10 =	simm.s32 $0x8040;
	[tilespmem:s19+$0x0] =	vst.add.f32.msk $0xffff, v28  }
0x21a: {  	v26 =	vadd.f32 v43, v26;
	[tilespmem:s10+$0x0] =	vst.add.f32.msk $0xffff, v29  }
0x21b: {  	v27 =	vadd.f32 v44, v27;
	v10 =	vadd.f32 v59, v10;
	v59 =	vld [tilespmem:$0x1FF80];
	s19 =	simm.s32 $0x8050;
	[tilespmem:$0x1FF90] =	vst v0  }
0x21c: {  	s10 =	simm.s32 $0x8060;
	[tilespmem:s19+$0x0] =	vst.add.f32.msk $0xffff, v26  }
0x21d: {  	v24 =	vadd.f32 v45, v24;
	[tilespmem:s10+$0x0] =	vst.add.f32.msk $0xffff, v27  }
0x21e: {  	v25 =	vadd.f32 v46, v25;
	v11 =	vadd.f32 v60, v11;
	s19 =	simm.s32 $0x8070;
	v60 =	vld [tilespmem:$0x1FF90]  }
0x21f: {  	v22 =	vadd.f32 v47, v22;
	s10 =	simm.s32 $0x8080;
	[tilespmem:s19+$0x0] =	vst.add.f32.msk $0xffff, v24  }
0x220: {  	v23 =	vadd.f32 v48, v23;
	s19 =	simm.s32 $0x8090;
	[tilespmem:s10+$0x0] =	vst.add.f32.msk $0xffff, v25  }
0x221: {  	v20 =	vadd.f32 v49, v20;
	s10 =	simm.s32 $0x80A0;
	[tilespmem:s19+$0x0] =	vst.add.f32.msk $0xffff, v22  }
0x222: {  	v21 =	vadd.f32 v50, v21;
	s19 =	simm.s32 $0x80B0;
	[tilespmem:s10+$0x0] =	vst.add.f32.msk $0xffff, v23  }
0x223: {  	v18 =	vadd.f32 v51, v18;
	s10 =	simm.s32 $0x80C0;
	[tilespmem:s19+$0x0] =	vst.add.f32.msk $0xffff, v20  }
0x224: {  	v19 =	vadd.f32 v52, v19;
	s19 =	simm.s32 $0x80D0;
	[tilespmem:s10+$0x0] =	vst.add.f32.msk $0xffff, v21  }
0x225: {  	v16 =	vadd.f32 v53, v16;
	s10 =	simm.s32 $0x80E0;
	[tilespmem:s19+$0x0] =	vst.add.f32.msk $0xffff, v18  }
0x226: {  	v17 =	vadd.f32 v54, v17;
	s19 =	simm.s32 $0x80F0;
	[tilespmem:s10+$0x0] =	vst.add.f32.msk $0xffff, v19  }
0x227: {  	v15 =	vadd.f32 v55, v15;
	s10 =	simm.s32 $0x8100;
	[tilespmem:s19+$0x0] =	vst.add.f32.msk $0xffff, v16  }
0x228: {  	v14 =	vadd.f32 v56, v14;
	s19 =	simm.s32 $0x8110;
	[tilespmem:s10+$0x0] =	vst.add.f32.msk $0xffff, v17  }
0x229: {  	s10 =	simm.s32 $0x8120;
	[tilespmem:s19+$0x0] =	vst.add.f32.msk $0xffff, v15  }
0x22a: {  	v13 =	vadd.f32 v58, v13;
	s19 =	simm.s32 $0x8130;
	[tilespmem:s10+$0x0] =	vst.add.f32.msk $0xffff, v14  }
0x22b: {  	s10 =	simm.s32 $0x8140;
	[tilespmem:s19+$0x0] =	vst.add.f32.msk $0xffff, v12  }
0x22c: {  	s19 =	simm.s32 $0x8150;
	[tilespmem:s10+$0x0] =	vst.add.f32.msk $0xffff, v13  }
0x22d: {  	v8 =	vadd.f32 v61, v8;
	[tilespmem:s19+$0x0] =	vst.add.f32.msk $0xffff, v10  }
0x22e: {  	v2 =	vadd.f32 v34, v2;
	v6 =	vadd.f32 v62, v6;
	[tilespmem:s16+$0x0] =	vst.add.f32.msk $0xffff, v11  }
0x22f: {  	v7 =	vadd.f32 v35, v7;
	[tilespmem:s20+$0x0] =	vst.add.f32.msk $0xffff, v8  }
0x230: {  	v56 =	vadd.f32 v36, v9;
	v0 =	vadd.f32 v57, v2;
	[tilespmem:s21+$0x0] =	vst.add.f32.msk $0xffff, v6  }
0x231: {  	v58 =	vadd.f32 v33, v5;
	v5 =	vadd.f32 v59, v7;
	[tilespmem:s23+$0x0] =	vst.add.f32.msk $0xffff, v4  }
0x232: {  	v3 =	vadd.f32 v37, v3;
	v4 =	vadd.f32 v60, v56;
	[tilespmem:s24+$0x0] =	vst.add.f32.msk $0xffff, v0  }
.Ltmp11:
0x233: {  	v61 =	vadd.f32 v38, v58;
	[tilespmem:s25+$0x0] =	vst.add.f32.msk $0xffff, v5;
	(pc) =	sbr.rel .LBB2_14-.Ltmp11, $4  }
0x234: {  	v62 =	vadd.f32 v39, v3;
	[tilespmem:s26+$0x0] =	vst.add.f32.msk $0xffff, v4  }
0x235: {  	v1 =	vadd.f32 v63, v1;
	[tilespmem:s28+$0x0] =	vst.add.f32.msk $0xffff, v61  }
0x236: {  	[tilespmem:s29+$0x0] =	vst.add.f32.msk $0xffff, v62  }
0x237: {  	[tilespmem:s30+$0x0] =	vst.add.f32.msk $0xffff, v1  }
.LBB2_13:
0x238: {  	s4 =	smul.u32 $0x140, s15;
	_ =	sdelay $0x1  }
0x239: {  	s4 =	sshra.s32 s4, $0x2  }
0x23a: {  	v0 =	vld [tilespmem:s4+$0x0]  }
0x23b: {  	v1 =	vld [tilespmem:$0x1FFF0];
	_ =	sdelay $0x3  }
0x23c: {  	v0 =	vshll.u32 v0, $0x3  }
0x23d: {  	v0 =	vor.u32 v1, v0  }
0x23e: {  	[tilespmem:$0x700] =	vst v0  }
0x23f: {  	v0 =	vld [tilespmem:s4+$0x10];
	_ =	sdelay $0x4  }
0x240: {  	v0 =	vshll.u32 v0, $0x3  }
0x241: {  	v0 =	vor.u32 v1, v0  }
0x242: {  	[tilespmem:$0x710] =	vst v0  }
0x243: {  	v0 =	vld [tilespmem:s4+$0x20];
	_ =	sdelay $0x4  }
0x244: {  	v0 =	vshll.u32 v0, $0x3  }
0x245: {  	v0 =	vor.u32 v1, v0  }
0x246: {  	[tilespmem:$0x720] =	vst v0  }
0x247: {  	v0 =	vld [tilespmem:s4+$0x30];
	_ =	sdelay $0x4  }
0x248: {  	v0 =	vshll.u32 v0, $0x3  }
0x249: {  	v0 =	vor.u32 v1, v0  }
0x24a: {  	[tilespmem:$0x730] =	vst v0  }
0x24b: {  	v0 =	vld [tilespmem:s4+$0x40];
	_ =	sdelay $0x4  }
0x24c: {  	v0 =	vshll.u32 v0, $0x3  }
0x24d: {  	v0 =	vor.u32 v1, v0  }
0x24e: {  	s19 =	simm.s32 $0x3000;
	[tilespmem:$0x740] =	vst v0  }
0x24f: {  	[spmem:s3] =	stream.indirect.scatter.add.f32 [tilespmem:s19], [sflag:$0x5], $0x80, s2, s31, $0xb8;
	[tilespmem:$0x9800] =	vst v63  }
0x250: {  	_ =	swait.ge [sflag:s17], $0x2800  }
0x251: {  	[sflag:s17] =	ssyncset.done $0x0  }
0x252: {  	[sflag:s17] =	ssyncadd.s32 $0xFFFFD800  }
.LBB2_14:
0x253: {  	s4 =	smin.u32 s13, $0x15  }
0x254: {  	s4 =	smul.u32 $0x140, s4;
	_ =	sdelay $0x1  }
0x255: {  	s4 =	sshrl.u32 s4, $0x2  }
0x256: {  	v0 =	vld [tilespmem:s4+$0x0]  }
0x257: {  	v1 =	vld [tilespmem:s4+$0x40];
	_ =	sdelay $0x3  }
0x258: {  	(v2sf) =	vpush v0, $0x0  }
0x259: {  	(v2sf) =	vpush v1, $0xF;
	_ =	sdelay $0x5  }
0x25a: {  	s4 =	sadd.s32 $0x4, s14  }
0x25b: {  	p2 =	sge.u32 s4, s7  }
0x25c: {  	s4 =	sadd.s32 @!p2 s5, s4  }
0x25d: {  	s4 =	smul.u32 @!p2 $0x500, s4  }
0x25e: {  	p3 =	seq.s32 s6, s8;
	s8 =	simm.s32 @!p2 $0x0  }
.Ltmp12:
0x25f: {  	s10 =	simm.s32 @!p2 $0x3000;
	s4 =	sadd.s32 @!p2 s1, s4;
	(pc) =	sbr.rel @p1 .LBB2_20-.Ltmp12, $4  }
0x260: {  	[tilespmem:s10], [sflag:$0x3] =	stream.linear.gather @!p2 [hbm4b:s4+s8], $0x2800, $0x38;
	[tilespmem:$0x9800] =	vst v63  }
0x261: {  	s4 =	smov.u32 s11  }
0x262: {  	p2 =	slt.u32 s15, s7;
	s4 =	smov.u32 @p3 s6;
	s8 =	spop (v2sf)  }
0x263: {  	s11 =	smov.u32 @p2 s4;
	s6 =	spop (v2sf)  }
0x264: {  	p1 =	sne.s32 s8, s6  }
.Ltmp13:
0x265: {  	_ = 	snop;
	(pc) =	sbr.rel @p1 .LBB2_19-.Ltmp13, $4  }
0x266: {  	_ = 	snop  }
0x267: {  	_ =	swait.ge [sflag:s9], $0x2800  }
0x268: {  	[sflag:s9] =	ssyncset.done $0x0  }
0x269: {  	[sflag:s9] =	ssyncadd.s32 $0xFFFFD800  }
0x26a: {  	p1 =	slt.s32 s11, $0x0  }
0x26b: {  	p2 =	seq.s32 @!p1 s11, s8  }
0x26c: {  	p1 =	por p2, p1  }
0x26d: {  	v0 =	vlaneseq.u32 @!p1  }
0x26e: {  	s4 =	sshll.u32 @!p1 s11, $0x3;
	v0 =	vand.u32 @!p1 $0x7, v0  }
0x26f: {  	v0 =	vor.u32 @!p1 s4, v0  }
0x270: {  	s10 =	simm.s32 @!p1 $0x780;
	s14 =	simm.s32 @!p1 $0x8000;
	s4 =	simm.s32 @!p1 $0x10;
	[tilespmem:$0x780] =	vst @!p1 v0  }
0x271: {  	[spmem:s3] =	stream.indirect.scatter.add.f32 @!p1 [tilespmem:s14], [sflag:$0x5], $0x80, s10, s4, $0xb8;
	[tilespmem:$0x9800] =	vst v63  }
0x272: {  	s4 =	simm.s32 @!p1 $0x5  }
0x273: {  	_ =	swait.ge @!p1 [sflag:s4], $0x800  }
0x274: {  	[sflag:s4] =	ssyncset.done @!p1 $0x0  }
0x275: {  	v0 =	vimm.f32 @!p1 $0.0e+00;
	[sflag:s4] =	ssyncadd.s32 @!p1 $0xFFFFF800  }
0x276: {  	[tilespmem:$0x8000] =	vst @!p1 v0  }
0x277: {  	[tilespmem:$0x8010] =	vst @!p1 v0  }
0x278: {  	[tilespmem:$0x8020] =	vst @!p1 v0  }
0x279: {  	[tilespmem:$0x8030] =	vst @!p1 v0  }
0x27a: {  	[tilespmem:$0x8040] =	vst @!p1 v0  }
0x27b: {  	[tilespmem:$0x8050] =	vst @!p1 v0  }
0x27c: {  	[tilespmem:$0x8060] =	vst @!p1 v0  }
0x27d: {  	[tilespmem:$0x8070] =	vst @!p1 v0  }
0x27e: {  	[tilespmem:$0x8080] =	vst @!p1 v0  }
0x27f: {  	[tilespmem:$0x8090] =	vst @!p1 v0  }
0x280: {  	[tilespmem:$0x80A0] =	vst @!p1 v0  }
0x281: {  	[tilespmem:$0x80B0] =	vst @!p1 v0  }
0x282: {  	[tilespmem:$0x80C0] =	vst @!p1 v0  }
0x283: {  	[tilespmem:$0x80D0] =	vst @!p1 v0  }
0x284: {  	[tilespmem:$0x80E0] =	vst @!p1 v0  }
0x285: {  	[tilespmem:$0x80F0] =	vst @!p1 v0  }
0x286: {  	[tilespmem:$0x8100] =	vst @!p1 v0  }
0x287: {  	[tilespmem:$0x8110] =	vst @!p1 v0  }
0x288: {  	[tilespmem:$0x8120] =	vst @!p1 v0  }
0x289: {  	[tilespmem:$0x8130] =	vst @!p1 v0  }
0x28a: {  	[tilespmem:$0x8140] =	vst @!p1 v0  }
0x28b: {  	[tilespmem:$0x8150] =	vst @!p1 v0  }
0x28c: {  	[tilespmem:$0x8160] =	vst @!p1 v0  }
0x28d: {  	[tilespmem:$0x8170] =	vst @!p1 v0  }
0x28e: {  	[tilespmem:$0x8180] =	vst @!p1 v0  }
0x28f: {  	[tilespmem:$0x8190] =	vst @!p1 v0  }
0x290: {  	[tilespmem:$0x81A0] =	vst @!p1 v0  }
0x291: {  	[tilespmem:$0x81B0] =	vst @!p1 v0  }
0x292: {  	[tilespmem:$0x81C0] =	vst @!p1 v0  }
0x293: {  	[tilespmem:$0x81D0] =	vst @!p1 v0  }
0x294: {  	[tilespmem:$0x81E0] =	vst @!p1 v0  }
0x295: {  	s19 =	simm.s32 $0x0;
	[tilespmem:$0x81F0] =	vst @!p1 v0  }
0x296: {  	v0 =	vld [tilespmem:s19+$0x59F0]  }
0x297: {  	v3 =	vld [tilespmem:s19+$0x5800]  }
0x298: {  	v4 =	vld [tilespmem:s19+$0x5810]  }
0x299: {  	v5 =	vld [tilespmem:s19+$0x5820]  }
0x29a: {  	v6 =	vld [tilespmem:s19+$0x5830]  }
0x29b: {  	v7 =	vld [tilespmem:s19+$0x5840]  }
0x29c: {  	v8 =	vld [tilespmem:s19+$0x5850]  }
0x29d: {  	v9 =	vld [tilespmem:s19+$0x5860]  }
0x29e: {  	v10 =	vld [tilespmem:s19+$0x5870]  }
0x29f: {  	v11 =	vld [tilespmem:s19+$0x5880]  }
0x2a0: {  	v12 =	vld [tilespmem:s19+$0x5890]  }
0x2a1: {  	v13 =	vld [tilespmem:s19+$0x58A0]  }
0x2a2: {  	v14 =	vld [tilespmem:s19+$0x58B0]  }
0x2a3: {  	v15 =	vld [tilespmem:s19+$0x58C0]  }
0x2a4: {  	v16 =	vld [tilespmem:s19+$0x58D0]  }
0x2a5: {  	v17 =	vld [tilespmem:s19+$0x58E0]  }
0x2a6: {  	v33 =	vld [tilespmem:s19+$0x58F0]  }
0x2a7: {  	v2 =	vimm.f32 $0.0e+00;
	v34 =	vld [tilespmem:s19+$0x5900]  }
0x2a8: {  	v37 =	vld [tilespmem:s19+$0x5990];
	v1 =	vadd.f32 v0, v2  }
0x2a9: {  	v0 =	vld [tilespmem:s19+$0x5910];
	v32 =	vadd.f32 v3, v2;
	v30 =	vadd.f32 v4, v2  }
0x2aa: {  	v3 =	vld [tilespmem:s19+$0x5920];
	v31 =	vadd.f32 v5, v2;
	v28 =	vadd.f32 v6, v2  }
0x2ab: {  	v4 =	vld [tilespmem:s19+$0x5930];
	v29 =	vadd.f32 v7, v2;
	v26 =	vadd.f32 v8, v2  }
0x2ac: {  	v5 =	vld [tilespmem:s19+$0x5940];
	v27 =	vadd.f32 v9, v2;
	v24 =	vadd.f32 v10, v2  }
0x2ad: {  	v6 =	vld [tilespmem:s19+$0x5950];
	v25 =	vadd.f32 v11, v2;
	v22 =	vadd.f32 v12, v2  }
0x2ae: {  	v7 =	vld [tilespmem:s19+$0x5960];
	v23 =	vadd.f32 v13, v2;
	v20 =	vadd.f32 v14, v2  }
0x2af: {  	v8 =	vld [tilespmem:s19+$0x5970];
	v21 =	vadd.f32 v15, v2;
	v18 =	vadd.f32 v16, v2  }
0x2b0: {  	v9 =	vld [tilespmem:s19+$0x5980];
	v19 =	vadd.f32 v17, v2;
	v16 =	vadd.f32 v33, v2  }
0x2b1: {  	v17 =	vadd.f32 v34, v2;
	v15 =	vadd.f32 v0, v2  }
0x2b2: {  	v34 =	vld [tilespmem:s19+$0x59A0];
	v14 =	vadd.f32 v3, v2;
	v12 =	vadd.f32 v4, v2  }
0x2b3: {  	v35 =	vld [tilespmem:s19+$0x59B0];
	v13 =	vadd.f32 v5, v2;
	v10 =	vadd.f32 v6, v2  }
0x2b4: {  	v36 =	vld [tilespmem:s19+$0x59C0];
	v11 =	vadd.f32 v7, v2;
	v8 =	vadd.f32 v8, v2  }
0x2b5: {  	v33 =	vld [tilespmem:s19+$0x59D0];
	v6 =	vadd.f32 v9, v2;
	v4 =	vadd.f32 v37, v2;
	v7 =	vimm.f32 $0.0e+00  }
0x2b6: {  	s14 =	simm.s32 $0x200;
	s4 =	simm.s32 $0x1000;
	v37 =	vld [tilespmem:s19+$0x59E0];
	v9 =	vimm.f32 $0.0e+00;
	v5 =	vimm.f32 $0.0e+00;
	v3 =	vimm.f32 $0.0e+00  }
.LBB2_17:
0x2b7: {  	p1 =	sne.s32 s4, $0x9800;
	v0 =	vld [tilespmem:s14+$0x59F0];
	v2 =	vadd.f32 v34, v2  }
0x2b8: {  	v34 =	vld [tilespmem:s14+$0x5800];
	v7 =	vadd.f32 v35, v7  }
0x2b9: {  	v35 =	vld [tilespmem:s14+$0x5810];
	v9 =	vadd.f32 v36, v9  }
0x2ba: {  	v36 =	vld [tilespmem:s14+$0x5820];
	v5 =	vadd.f32 v33, v5  }
0x2bb: {  	v33 =	vld [tilespmem:s14+$0x5830];
	v3 =	vadd.f32 v37, v3  }
0x2bc: {  	v37 =	vld [tilespmem:s14+$0x5840];
	v1 =	vadd.f32 v0, v1  }
0x2bd: {  	v32 =	vadd.f32 v34, v32;
	v0 =	vld [tilespmem:s14+$0x5850]  }
0x2be: {  	v30 =	vadd.f32 v35, v30;
	v34 =	vld [tilespmem:s14+$0x5860]  }
0x2bf: {  	v31 =	vadd.f32 v36, v31;
	v35 =	vld [tilespmem:s14+$0x5870]  }
0x2c0: {  	v28 =	vadd.f32 v33, v28;
	v33 =	vld [tilespmem:s14+$0x5880]  }
0x2c1: {  	v29 =	vadd.f32 v37, v29;
	v36 =	vld [tilespmem:s14+$0x5890]  }
0x2c2: {  	v26 =	vadd.f32 v0, v26;
	v0 =	vld [tilespmem:s14+$0x58A0]  }
0x2c3: {  	v27 =	vadd.f32 v34, v27;
	v34 =	vld [tilespmem:s14+$0x58B0]  }
0x2c4: {  	v24 =	vadd.f32 v35, v24;
	v35 =	vld [tilespmem:s14+$0x58C0]  }
0x2c5: {  	v25 =	vadd.f32 v33, v25;
	v33 =	vld [tilespmem:s14+$0x58D0]  }
0x2c6: {  	v22 =	vadd.f32 v36, v22;
	v36 =	vld [tilespmem:s14+$0x58E0]  }
0x2c7: {  	v23 =	vadd.f32 v0, v23;
	v0 =	vld [tilespmem:s14+$0x58F0]  }
0x2c8: {  	v20 =	vadd.f32 v34, v20;
	v34 =	vld [tilespmem:s14+$0x5900]  }
0x2c9: {  	v21 =	vadd.f32 v35, v21;
	v35 =	vld [tilespmem:s14+$0x5910]  }
0x2ca: {  	v18 =	vadd.f32 v33, v18;
	v33 =	vld [tilespmem:s14+$0x5920]  }
0x2cb: {  	v19 =	vadd.f32 v36, v19;
	v36 =	vld [tilespmem:s14+$0x5930]  }
0x2cc: {  	v16 =	vadd.f32 v0, v16;
	v0 =	vld [tilespmem:s14+$0x5940]  }
0x2cd: {  	v17 =	vadd.f32 v34, v17;
	v34 =	vld [tilespmem:s14+$0x5950]  }
0x2ce: {  	v15 =	vadd.f32 v35, v15;
	v35 =	vld [tilespmem:s14+$0x5960]  }
0x2cf: {  	v14 =	vadd.f32 v33, v14;
	v33 =	vld [tilespmem:s14+$0x5970]  }
0x2d0: {  	v12 =	vadd.f32 v36, v12;
	v37 =	vld [tilespmem:s14+$0x5980]  }
0x2d1: {  	v13 =	vadd.f32 v0, v13;
	v0 =	vld [tilespmem:s14+$0x5990]  }
.Ltmp14:
0x2d2: {  	v10 =	vadd.f32 v34, v10;
	v34 =	vld [tilespmem:s14+$0x59A0];
	(pc) =	sbr.rel @p1 .LBB2_17-.Ltmp14, $4  }
0x2d3: {  	v11 =	vadd.f32 v35, v11;
	v35 =	vld [tilespmem:s14+$0x59B0]  }
0x2d4: {  	v8 =	vadd.f32 v33, v8;
	v36 =	vld [tilespmem:s14+$0x59C0]  }
0x2d5: {  	v6 =	vadd.f32 v37, v6;
	v33 =	vld [tilespmem:s14+$0x59D0]  }
0x2d6: {  	v4 =	vadd.f32 v0, v4;
	v37 =	vld [tilespmem:s14+$0x59E0];
	s14 =	sshra.s32 s4, $0x2;
	s4 =	sadd.s32 $0x800, s4  }
0x2d7: {  	v0 =	vld [tilespmem:s14+$0x59F0]  }
0x2d8: {  	v38 =	vld [tilespmem:s14+$0x5800]  }
0x2d9: {  	v39 =	vld [tilespmem:s14+$0x5810]  }
0x2da: {  	v40 =	vld [tilespmem:s14+$0x5820]  }
0x2db: {  	v41 =	vld [tilespmem:s14+$0x5830]  }
0x2dc: {  	v42 =	vld [tilespmem:s14+$0x5840]  }
0x2dd: {  	v43 =	vld [tilespmem:s14+$0x5850]  }
0x2de: {  	v44 =	vld [tilespmem:s14+$0x5860]  }
0x2df: {  	v45 =	vld [tilespmem:s14+$0x5870]  }
0x2e0: {  	v46 =	vld [tilespmem:s14+$0x5880]  }
0x2e1: {  	v47 =	vld [tilespmem:s14+$0x5890]  }
0x2e2: {  	v48 =	vld [tilespmem:s14+$0x58A0]  }
0x2e3: {  	v49 =	vld [tilespmem:s14+$0x58B0]  }
0x2e4: {  	v50 =	vld [tilespmem:s14+$0x58C0]  }
0x2e5: {  	v51 =	vld [tilespmem:s14+$0x58D0]  }
0x2e6: {  	v52 =	vld [tilespmem:s14+$0x58E0]  }
0x2e7: {  	v53 =	vld [tilespmem:s14+$0x58F0]  }
0x2e8: {  	v54 =	vld [tilespmem:s14+$0x5900]  }
0x2e9: {  	v55 =	vld [tilespmem:s14+$0x5910]  }
0x2ea: {  	v56 =	vld [tilespmem:s14+$0x5920]  }
0x2eb: {  	v57 =	vld [tilespmem:s14+$0x5930]  }
0x2ec: {  	v58 =	vld [tilespmem:s14+$0x5940]  }
0x2ed: {  	v59 =	vld [tilespmem:s14+$0x5950]  }
0x2ee: {  	[tilespmem:$0x1FF60] =	vst v0;
	v0 =	vld [tilespmem:s14+$0x59A0]  }
0x2ef: {  	v60 =	vld [tilespmem:s14+$0x5960]  }
0x2f0: {  	v61 =	vld [tilespmem:s14+$0x5970]  }
0x2f1: {  	v63 =	vld [tilespmem:s14+$0x5990]  }
0x2f2: {  	v62 =	vld [tilespmem:s14+$0x5980]  }
0x2f3: {  	[tilespmem:$0x1FF30] =	vst v0;
	v0 =	vld [tilespmem:s14+$0x59B0]  }
0x2f4: {  	v32 =	vadd.f32 v38, v32;
	v38 =	vld [tilespmem:s14+$0x59D0]  }
0x2f5: {  	v30 =	vadd.f32 v39, v30;
	v39 =	vld [tilespmem:s14+$0x59E0]  }
0x2f6: {  	v4 =	vadd.f32 v63, v4;
	v63 =	vld [tilespmem:$0x1FF60]  }
0x2f7: {  	v12 =	vadd.f32 v57, v12;
	v57 =	vld [tilespmem:$0x1FF30]  }
0x2f8: {  	[tilespmem:$0x1FF40] =	vst v0;
	v0 =	vld [tilespmem:s14+$0x59C0]  }
0x2f9: {  	s4 =	simm.s32 $0x8010;
	v31 =	vadd.f32 v40, v31;
	[tilespmem:s18+$0x0] =	vst.add.f32.msk $0xffff, v32  }
0x2fa: {  	s10 =	simm.s32 $0x8020;
	v28 =	vadd.f32 v41, v28;
	[tilespmem:s4+$0x0] =	vst.add.f32.msk $0xffff, v30  }
0x2fb: {  	v29 =	vadd.f32 v42, v29;
	s14 =	simm.s32 $0x8030;
	[tilespmem:s10+$0x0] =	vst.add.f32.msk $0xffff, v31  }
0x2fc: {  	s15 =	simm.s32 $0x8040;
	[tilespmem:s14+$0x0] =	vst.add.f32.msk $0xffff, v28  }
0x2fd: {  	v26 =	vadd.f32 v43, v26;
	[tilespmem:s15+$0x0] =	vst.add.f32.msk $0xffff, v29  }
0x2fe: {  	s19 =	simm.s32 $0x8050;
	v27 =	vadd.f32 v44, v27;
	v10 =	vadd.f32 v59, v10;
	v59 =	vld [tilespmem:$0x1FF40];
	[tilespmem:$0x1FF50] =	vst v0  }
0x2ff: {  	s10 =	simm.s32 $0x8060;
	[tilespmem:s19+$0x0] =	vst.add.f32.msk $0xffff, v26  }
0x300: {  	v24 =	vadd.f32 v45, v24;
	[tilespmem:s10+$0x0] =	vst.add.f32.msk $0xffff, v27  }
0x301: {  	v25 =	vadd.f32 v46, v25;
	v11 =	vadd.f32 v60, v11;
	s14 =	simm.s32 $0x8070;
	v60 =	vld [tilespmem:$0x1FF50]  }
0x302: {  	v22 =	vadd.f32 v47, v22;
	s15 =	simm.s32 $0x8080;
	[tilespmem:s14+$0x0] =	vst.add.f32.msk $0xffff, v24  }
0x303: {  	v23 =	vadd.f32 v48, v23;
	s19 =	simm.s32 $0x8090;
	[tilespmem:s15+$0x0] =	vst.add.f32.msk $0xffff, v25  }
0x304: {  	v20 =	vadd.f32 v49, v20;
	s10 =	simm.s32 $0x80A0;
	[tilespmem:s19+$0x0] =	vst.add.f32.msk $0xffff, v22  }
0x305: {  	v21 =	vadd.f32 v50, v21;
	s14 =	simm.s32 $0x80B0;
	[tilespmem:s10+$0x0] =	vst.add.f32.msk $0xffff, v23  }
0x306: {  	v18 =	vadd.f32 v51, v18;
	s15 =	simm.s32 $0x80C0;
	[tilespmem:s14+$0x0] =	vst.add.f32.msk $0xffff, v20  }
0x307: {  	v19 =	vadd.f32 v52, v19;
	s19 =	simm.s32 $0x80D0;
	[tilespmem:s15+$0x0] =	vst.add.f32.msk $0xffff, v21  }
0x308: {  	v16 =	vadd.f32 v53, v16;
	s10 =	simm.s32 $0x80E0;
	[tilespmem:s19+$0x0] =	vst.add.f32.msk $0xffff, v18  }
0x309: {  	v17 =	vadd.f32 v54, v17;
	s14 =	simm.s32 $0x80F0;
	[tilespmem:s10+$0x0] =	vst.add.f32.msk $0xffff, v19  }
0x30a: {  	v15 =	vadd.f32 v55, v15;
	s15 =	simm.s32 $0x8100;
	[tilespmem:s14+$0x0] =	vst.add.f32.msk $0xffff, v16  }
0x30b: {  	v14 =	vadd.f32 v56, v14;
	s19 =	simm.s32 $0x8110;
	[tilespmem:s15+$0x0] =	vst.add.f32.msk $0xffff, v17  }
0x30c: {  	s10 =	simm.s32 $0x8120;
	[tilespmem:s19+$0x0] =	vst.add.f32.msk $0xffff, v15  }
0x30d: {  	v13 =	vadd.f32 v58, v13;
	s14 =	simm.s32 $0x8130;
	[tilespmem:s10+$0x0] =	vst.add.f32.msk $0xffff, v14  }
0x30e: {  	s15 =	simm.s32 $0x8140;
	[tilespmem:s14+$0x0] =	vst.add.f32.msk $0xffff, v12  }
0x30f: {  	s19 =	simm.s32 $0x8150;
	[tilespmem:s15+$0x0] =	vst.add.f32.msk $0xffff, v13  }
0x310: {  	v8 =	vadd.f32 v61, v8;
	[tilespmem:s19+$0x0] =	vst.add.f32.msk $0xffff, v10  }
0x311: {  	v2 =	vadd.f32 v34, v2;
	v6 =	vadd.f32 v62, v6;
	[tilespmem:s16+$0x0] =	vst.add.f32.msk $0xffff, v11  }
0x312: {  	v7 =	vadd.f32 v35, v7;
	[tilespmem:s20+$0x0] =	vst.add.f32.msk $0xffff, v8  }
0x313: {  	v56 =	vadd.f32 v36, v9;
	v0 =	vadd.f32 v57, v2;
	[tilespmem:s21+$0x0] =	vst.add.f32.msk $0xffff, v6  }
0x314: {  	v58 =	vadd.f32 v33, v5;
	v5 =	vadd.f32 v59, v7;
	[tilespmem:s23+$0x0] =	vst.add.f32.msk $0xffff, v4  }
0x315: {  	v3 =	vadd.f32 v37, v3;
	v4 =	vadd.f32 v60, v56;
	[tilespmem:s24+$0x0] =	vst.add.f32.msk $0xffff, v0  }
.Ltmp15:
0x316: {  	v61 =	vadd.f32 v38, v58;
	[tilespmem:s25+$0x0] =	vst.add.f32.msk $0xffff, v5;
	(pc) =	sbr.rel .LBB2_20-.Ltmp15, $4  }
0x317: {  	v62 =	vadd.f32 v39, v3;
	[tilespmem:s26+$0x0] =	vst.add.f32.msk $0xffff, v4  }
0x318: {  	v1 =	vadd.f32 v63, v1;
	[tilespmem:s28+$0x0] =	vst.add.f32.msk $0xffff, v61  }
0x319: {  	[tilespmem:s29+$0x0] =	vst.add.f32.msk $0xffff, v62  }
0x31a: {  	[tilespmem:s30+$0x0] =	vst.add.f32.msk $0xffff, v1  }
.LBB2_22:
0x31b: {  	_ =	sfence.sel $0x180000  }
0x31c: {  	[bflag:$0x0] =	sbarrier.arrive $0xFFFF  }
0x31d: {  	_ =	strace $0x90000047  }
0x31e: {  	s0 =	stileid.u32;
	[bflag:$0x2] =	sbarrier.arrive $0xFFFF  }
0x31f: {  	p0 =	sne.s32 s0, $0x0;
	s0 =	rddreg [dreg:$0x4]  }
0x320: {  	s0 =	sadd.s32 @!p0 $0x100000, s0  }
0x321: {  	[sflag:s0] =	ssyncadd.tile.s32 @!p0 $0x1;
	_ =	shalt  }
.Lfunc_end2:
_tile_overlayer_lowered:
.L_overlay_start_2:
0x322: {  	(tag) =	ssettag $0x2  }
0x323: {  	s0 =	rddreg [dreg:$0x0];
	s2 =	stileid.u32  }
0x324: {  	s1 =	rddreg [dreg:$0x1];
	p0 =	sne.s32 s2, $0x0  }
0x325: {  	s3 =	rddreg [dreg:$0x2];
	[bflag:$0x3] =	sbarrier.arrive $0xFFFF;
	s2 =	simm.s32 @!p0 $0x1C05  }
0x326: {  	[timem:s3], [sflag:s2] =	dma.local @!p0 [hbm:s0], s1  }
0x327: {  	s0 =	simm.s32 @!p0 $0x5  }
0x328: {  	_ =	swait.ge @!p0 [sflag:s0], s1  }
0x329: {  	s1 =	ssub.s32 @!p0 $0x0, s1;
	[sflag:s0] =	ssyncset.done @!p0 $0x0  }
0x32a: {  	[sflag:s0] =	ssyncadd.s32 @!p0 s1  }
0x32b: {  	[bflag:$0x3] =	sbarrier.arrive $0xFFFF  }
0x32c: {  	_ =	shalt  }

</sc_bundles>
